<compile_context>
chip_gen: v7x
topology: tpu7x:2x2x1
jax: 0.10.2.dev20260603
libtpu: 0.0.44.dev20260713+nightly
codegen_flags: <defaults>
</compile_context>

<pallas_src>
import jax
import jax.numpy as jnp
import numpy as np
from jax import lax
from jax.experimental import pallas as pl
from jax.experimental.pallas import tpu as pltpu
from jax.experimental.pallas import tpu_sc as plsc

R = 128
C = 32768
L = 16
NV = C // L
S = 8
NVS = NV // S
NBINS = 256
NC, NS = 2, 16
NW = NC * NS
ROWS_PER_W = R // NW

_MIN32 = np.int32(-2147483648)


def _encode(b):
    flip = (b >> 31) | _MIN32
    return b ^ flip


def _decode(k):
    flip = (~k >> 31) | _MIN32
    return k ^ flip


def _radix_pass(src, dst, hists, tot, sh, *, encode, decode, direct):
    lane = lax.iota(jnp.int32, L)
    ones = jnp.ones((L,), jnp.int32)
    zeros = jnp.zeros((L,), jnp.int32)

    def keys_at(j):
        k = plsc.bitcast(src[pl.ds(j * L, L)], jnp.int32)
        if encode:
            k = _encode(k)
        return k

    def digit_idx(k):
        d = lax.shift_right_logical(k, sh) & (NBINS - 1)
        return (d << 4) | lane

    @plsc.parallel_loop(0, NBINS, step=1)
    def _zero(t):
        for s in range(S):
            hists[s][pl.ds(t * L, L)] = zeros

    @plsc.parallel_loop(0, NVS, step=1)
    def _hist(t):
        for s in range(S):
            idx = digit_idx(keys_at(s * NVS + t))
            plsc.addupdate_scatter(hists[s], [idx], ones)

    @plsc.parallel_loop(0, NBINS, step=1)
    def _scan_local(t):
        vs = [hists[s][pl.ds(t * L, L)] for s in range(S)]
        tcross = vs[0] + vs[1]
        for s in range(2, S):
            tcross = tcross + vs[s]
        cinc = plsc.cumsum(tcross)
        acc = cinc - tcross
        for s in range(S):
            hists[s][pl.ds(t * L, L)] = acc
            acc = acc + vs[s]
        plsc.store_scatter(tot, [t + zeros], cinc[15] + zeros,
                           mask=lane == 0)

    def scan_tot(u, carry):
        v = tot[pl.ds(u * L, L)]
        c = plsc.cumsum(v)
        tot[pl.ds(u * L, L)] = c - v + carry
        return carry + c[15]

    lax.fori_loop(0, NBINS // L, scan_tot, jnp.int32(0))

    @plsc.parallel_loop(0, NBINS, step=1)
    def _scan_fix(t):
        g = plsc.load_gather(tot, [t + zeros])
        for s in range(S):
            hists[s][pl.ds(t * L, L)] = hists[s][pl.ds(t * L, L)] + g

    def load_stage(t):
        ks = tuple(keys_at(s * NVS + t) for s in range(S))
        idxs = tuple(digit_idx(k) for k in ks)
        return ks, idxs

    def perm_body(t, carry):
        ks, idxs = carry
        nxt = load_stage(jnp.minimum(t + 1, NVS - 1))
        rs = [plsc.load_gather(hists[s], [idxs[s]]) for s in range(S)]
        for s in range(S):
            plsc.addupdate_scatter(hists[s], [idxs[s]], ones)
        for s in range(S):
            k = ks[s]
            r = rs[s]
            if decode:
                k = _decode(k)
            if direct:
                p = r
            else:
                p = (((r & (NV - 1)) << 4)
                     | lax.shift_right_logical(r, NV.bit_length() - 1))
            plsc.store_scatter(dst, [p], plsc.bitcast(k, jnp.float32))
        return nxt

    lax.fori_loop(0, NVS, perm_body, load_stage(0))


def _sort_body(x_hbm, out_hbm, buf_a, buf_b, *tables):
    wid = lax.axis_index("s") * NC + lax.axis_index("c")
    hists = list(tables[:S])
    tot = tables[S]

    def row_body(t, c):
        row = wid * ROWS_PER_W + t
        pltpu.sync_copy(x_hbm.at[row], buf_a)
        _radix_pass(buf_a, buf_b, hists, tot, 0, encode=True, decode=False,
                    direct=False)
        _radix_pass(buf_b, buf_a, hists, tot, 8, encode=False, decode=False,
                    direct=False)
        _radix_pass(buf_a, buf_b, hists, tot, 16, encode=False, decode=False,
                    direct=False)
        _radix_pass(buf_b, buf_a, hists, tot, 24, encode=False, decode=True,
                    direct=True)
        pltpu.sync_copy(buf_a, out_hbm.at[row])
        return c

    lax.fori_loop(0, ROWS_PER_W, row_body, 0)


@jax.jit
def _sort(x):
    mesh = plsc.VectorSubcoreMesh(core_axis_name="c", subcore_axis_name="s",
                                  num_cores=NC, num_subcores=NS)
    return pl.kernel(
        _sort_body,
        out_type=jax.ShapeDtypeStruct((R, C), jnp.float32),
        mesh=mesh,
        compiler_params=pltpu.CompilerParams(needs_layout_passes=False),
        scratch_types=(
            [pltpu.VMEM((C,), jnp.float32),
             pltpu.VMEM((C,), jnp.float32)]
            + [pltpu.VMEM((NBINS * L,), jnp.int32) for _ in range(S)]
            + [pltpu.VMEM((NBINS,), jnp.int32)]
        ),
    )(x)


def kernel(inputs):
    return _sort(inputs)

# --- scband reference (transcript-rebuilt; emitter-appended) ---
"""Pipeline reference for scband-sort-37417755083041 (READ-ONLY COPY).

The authoritative reference and input builder live on the scoring server;
editing this copy changes nothing except your own understanding.
"""

import jax, jax.numpy as jnp
import numpy as np

def setup_inputs(seed: int = 0) -> dict:
    key = jax.random.key(seed)
    inputs = jax.random.normal(key, (128, 32768), dtype=jnp.float32)
    return {"inputs": inputs}

def reference(inputs):
    # Sort layer with axis=-1, descending=False
    return jnp.sort(inputs, axis=-1)

if __name__ == "__main__":
    import jax
    _d = setup_inputs()
    print(jax.jit(kernel)(*tuple(_d.values())))

</pallas_src>

<mosaic_0001>
#map = affine_map<(d0, d1) -> (0, 0)>
module attributes {stable_mosaic.version = 14 : i64} {
  func.func @_sort_body(%arg0: i32, %arg1: i32, %arg2: memref<128x32768xf32, #tpu.memory_space<hbm>>, %arg3: memref<128x32768xf32, #tpu.memory_space<hbm>>, %arg4: memref<32768xf32, #tpu.memory_space<vmem>>, %arg5: memref<32768xf32, #tpu.memory_space<vmem>>, %arg6: memref<4096xi32, #tpu.memory_space<vmem>>, %arg7: memref<4096xi32, #tpu.memory_space<vmem>>, %arg8: memref<4096xi32, #tpu.memory_space<vmem>>, %arg9: memref<4096xi32, #tpu.memory_space<vmem>>, %arg10: memref<4096xi32, #tpu.memory_space<vmem>>, %arg11: memref<4096xi32, #tpu.memory_space<vmem>>, %arg12: memref<4096xi32, #tpu.memory_space<vmem>>, %arg13: memref<4096xi32, #tpu.memory_space<vmem>>, %arg14: memref<256xi32, #tpu.memory_space<vmem>>) attributes {dimension_semantics = [#tpu.dimension_semantics<core_parallel>, #tpu.dimension_semantics<subcore_parallel>], iteration_bounds = array<i64: 2, 16>, scalar_prefetch = 0 : i64, scratch_operands = 11 : i64, tpu.core_type = #tpu.core_type<sc_vector_subcore>, window_params = [{transform_indices = #map}, {transform_indices = #map}]} {
    %mul3A = arith.constant 2 : i32
    %mul3A_0 = arith.muli %arg1, %mul3A : i32
    %add3A = arith.addi %mul3A_0, %arg0 : i32
    %scan3A = arith.constant 0 : i32
    %scan3A_1 = arith.constant 0 : i32
    %scan3A_2 = arith.constant 4 : i32
    %scan3A_3 = arith.addi %scan3A_1, %scan3A_2 : i32
    %scan3A_4 = arith.constant 1 : i32
    scf.for %scan3A_6 = %scan3A_1 to %scan3A_3 step %scan3A_4  : i32 {
      %mul3A_7 = arith.constant 4 : i32
      %mul3A_8 = arith.muli %add3A, %mul3A_7 : i32
      %add3A_9 = arith.addi %mul3A_8, %scan3A_6 : i32
      "tpu.region"() ({
        %run_scoped3A = tpu.sem_alloc : memref<!tpu.dma_semaphore, #tpu.memory_space<semaphore_mem>>
        %dma_start3A = arith.constant 0 : i32
        %dma_start3A_591 = tpu.memref_slice %arg2[%add3A_9, %dma_start3A] : memref<128x32768xf32, #tpu.memory_space<hbm>> -> memref<1x32768xf32, #tpu.memory_space<hbm>>
        %dma_start3A_592 = tpu.memref_squeeze %dma_start3A_591 : memref<1x32768xf32, #tpu.memory_space<hbm>> -> memref<32768xf32, #tpu.memory_space<hbm>>
        %dma_start3A_593 = arith.constant 0 : i32
        %dma_start3A_594 = tpu.memref_slice %arg2[%add3A_9, %dma_start3A_593] : memref<128x32768xf32, #tpu.memory_space<hbm>> -> memref<1x32768xf32, #tpu.memory_space<hbm>>
        %dma_start3A_595 = tpu.memref_squeeze %dma_start3A_594 : memref<1x32768xf32, #tpu.memory_space<hbm>> -> memref<32768xf32, #tpu.memory_space<hbm>>
        tpu.enqueue_dma source(%dma_start3A_595 : memref<32768xf32, #tpu.memory_space<hbm>>) target(%arg4 : memref<32768xf32, #tpu.memory_space<vmem>>) target_semaphore(%run_scoped3A : memref<!tpu.dma_semaphore, #tpu.memory_space<semaphore_mem>>)
        %dma_wait3A = arith.constant 0 : i32
        %dma_wait3A_596 = tpu.memref_slice %arg2[%add3A_9, %dma_wait3A] : memref<128x32768xf32, #tpu.memory_space<hbm>> -> memref<1x32768xf32, #tpu.memory_space<hbm>>
        %dma_wait3A_597 = tpu.memref_squeeze %dma_wait3A_596 : memref<1x32768xf32, #tpu.memory_space<hbm>> -> memref<32768xf32, #tpu.memory_space<hbm>>
        %dma_wait3A_598 = arith.constant 0 : i32
        %dma_wait3A_599 = tpu.memref_slice %arg2[%add3A_9, %dma_wait3A_598] : memref<128x32768xf32, #tpu.memory_space<hbm>> -> memref<1x32768xf32, #tpu.memory_space<hbm>>
        %dma_wait3A_600 = tpu.memref_squeeze %dma_wait3A_599 : memref<1x32768xf32, #tpu.memory_space<hbm>> -> memref<32768xf32, #tpu.memory_space<hbm>>
        tpu.wait_dma2 semaphore(%run_scoped3A : memref<!tpu.dma_semaphore, #tpu.memory_space<semaphore_mem>>) src(%dma_wait3A_600 : memref<32768xf32, #tpu.memory_space<hbm>>) dst(%arg4 : memref<32768xf32, #tpu.memory_space<vmem>>)
        tpu.yield
      }) : () -> ()
      %iota3A = tpu.iota {dimensions = array<i32: 0>} : vector<16xi32>
      %broadcast_in_dim3A = arith.constant 1 : i32
      %broadcast_in_dim3A_10 = vector.broadcast %broadcast_in_dim3A : i32 to vector<16xi32>
      %broadcast_in_dim3A_11 = arith.constant 0 : i32
      %broadcast_in_dim3A_12 = vector.broadcast %broadcast_in_dim3A_11 : i32 to vector<16xi32>
      %parallel_loop3A = arith.constant 0 : i32
      %parallel_loop3A_13 = arith.constant 256 : i32
      %parallel_loop3A_14 = arith.constant 1 : i32
      scf.for %parallel_loop3A_591 = %parallel_loop3A to %parallel_loop3A_13 step %parallel_loop3A_14  : i32 {
        %parallel_loop3A_592 = arith.constant 16 : i32
        %parallel_loop3A_593 = arith.muli %parallel_loop3A_591, %parallel_loop3A_592 : i32
        %parallel_loop3A_594 = arith.index_cast %parallel_loop3A_593 : i32 to index
        %parallel_loop3A_595 = tpu.vector_load %arg6[%parallel_loop3A_594] {strides = array<i32>} : memref<4096xi32, #tpu.memory_space<vmem>>, vector<16xi32>,
        tpu.vector_store %arg6[%parallel_loop3A_594], %broadcast_in_dim3A_12 {strides = array<i32>} : memref<4096xi32, #tpu.memory_space<vmem>>, vector<16xi32>,
        %parallel_loop3A_596 = arith.constant 16 : i32
        %parallel_loop3A_597 = arith.muli %parallel_loop3A_591, %parallel_loop3A_596 : i32
        %parallel_loop3A_598 = arith.index_cast %parallel_loop3A_597 : i32 to index
        %parallel_loop3A_599 = tpu.vector_load %arg7[%parallel_loop3A_598] {strides = array<i32>} : memref<4096xi32, #tpu.memory_space<vmem>>, vector<16xi32>,
        tpu.vector_store %arg7[%parallel_loop3A_598], %broadcast_in_dim3A_12 {strides = array<i32>} : memref<4096xi32, #tpu.memory_space<vmem>>, vector<16xi32>,
        %parallel_loop3A_600 = arith.constant 16 : i32
        %parallel_loop3A_601 = arith.muli %parallel_loop3A_591, %parallel_loop3A_600 : i32
        %parallel_loop3A_602 = arith.index_cast %parallel_loop3A_601 : i32 to index
        %parallel_loop3A_603 = tpu.vector_load %arg8[%parallel_loop3A_602] {strides = array<i32>} : memref<4096xi32, #tpu.memory_space<vmem>>, vector<16xi32>,
        tpu.vector_store %arg8[%parallel_loop3A_602], %broadcast_in_dim3A_12 {strides = array<i32>} : memref<4096xi32, #tpu.memory_space<vmem>>, vector<16xi32>,
        %parallel_loop3A_604 = arith.constant 16 : i32
        %parallel_loop3A_605 = arith.muli %parallel_loop3A_591, %parallel_loop3A_604 : i32
        %parallel_loop3A_606 = arith.index_cast %parallel_loop3A_605 : i32 to index
        %parallel_loop3A_607 = tpu.vector_load %arg9[%parallel_loop3A_606] {strides = array<i32>} : memref<4096xi32, #tpu.memory_space<vmem>>, vector<16xi32>,
        tpu.vector_store %arg9[%parallel_loop3A_606], %broadcast_in_dim3A_12 {strides = array<i32>} : memref<4096xi32, #tpu.memory_space<vmem>>, vector<16xi32>,
        %parallel_loop3A_608 = arith.constant 16 : i32
        %parallel_loop3A_609 = arith.muli %parallel_loop3A_591, %parallel_loop3A_608 : i32
        %parallel_loop3A_610 = arith.index_cast %parallel_loop3A_609 : i32 to index
        %parallel_loop3A_611 = tpu.vector_load %arg10[%parallel_loop3A_610] {strides = array<i32>} : memref<4096xi32, #tpu.memory_space<vmem>>, vector<16xi32>,
        tpu.vector_store %arg10[%parallel_loop3A_610], %broadcast_in_dim3A_12 {strides = array<i32>} : memref<4096xi32, #tpu.memory_space<vmem>>, vector<16xi32>,
        %parallel_loop3A_612 = arith.constant 16 : i32
        %parallel_loop3A_613 = arith.muli %parallel_loop3A_591, %parallel_loop3A_612 : i32
        %parallel_loop3A_614 = arith.index_cast %parallel_loop3A_613 : i32 to index
        %parallel_loop3A_615 = tpu.vector_load %arg11[%parallel_loop3A_614] {strides = array<i32>} : memref<4096xi32, #tpu.memory_space<vmem>>, vector<16xi32>,
        tpu.vector_store %arg11[%parallel_loop3A_614], %broadcast_in_dim3A_12 {strides = array<i32>} : memref<4096xi32, #tpu.memory_space<vmem>>, vector<16xi32>,
        %parallel_loop3A_616 = arith.constant 16 : i32
        %parallel_loop3A_617 = arith.muli %parallel_loop3A_591, %parallel_loop3A_616 : i32
        %parallel_loop3A_618 = arith.index_cast %parallel_loop3A_617 : i32 to index
        %parallel_loop3A_619 = tpu.vector_load %arg12[%parallel_loop3A_618] {strides = array<i32>} : memref<4096xi32, #tpu.memory_space<vmem>>, vector<16xi32>,
        tpu.vector_store %arg12[%parallel_loop3A_618], %broadcast_in_dim3A_12 {strides = array<i32>} : memref<4096xi32, #tpu.memory_space<vmem>>, vector<16xi32>,
        %parallel_loop3A_620 = arith.constant 16 : i32
        %parallel_loop3A_621 = arith.muli %parallel_loop3A_591, %parallel_loop3A_620 : i32
        %parallel_loop3A_622 = arith.index_cast %parallel_loop3A_621 : i32 to index
        %parallel_loop3A_623 = tpu.vector_load %arg13[%parallel_loop3A_622] {strides = array<i32>} : memref<4096xi32, #tpu.memory_space<vmem>>, vector<16xi32>,
        tpu.vector_store %arg13[%parallel_loop3A_622], %broadcast_in_dim3A_12 {strides = array<i32>} : memref<4096xi32, #tpu.memory_space<vmem>>, vector<16xi32>,
      } {sc.loop_unroll_factor = 1 : i64, sc.parallel_access}
      %parallel_loop3A_15 = arith.constant 0 : i32
      %parallel_loop3A_16 = arith.constant 256 : i32
      %parallel_loop3A_17 = arith.constant 1 : i32
      scf.for %parallel_loop3A_591 = %parallel_loop3A_15 to %parallel_loop3A_16 step %parallel_loop3A_17  : i32 {
        %parallel_loop3A_592 = arith.constant 0 : i32
        %parallel_loop3A_593 = arith.addi %parallel_loop3A_592, %parallel_loop3A_591 : i32
        %parallel_loop3A_594 = arith.constant 16 : i32
        %parallel_loop3A_595 = arith.muli %parallel_loop3A_593, %parallel_loop3A_594 : i32
        %parallel_loop3A_596 = arith.index_cast %parallel_loop3A_595 : i32 to index
        %parallel_loop3A_597 = tpu.vector_load %arg4[%parallel_loop3A_596] {strides = array<i32>} : memref<32768xf32, #tpu.memory_space<vmem>>, vector<16xf32>,
        %parallel_loop3A_598 = vector.bitcast %parallel_loop3A_597 : vector<16xf32> to vector<16xi32>
        %parallel_loop3A_599 = arith.constant 31 : i32
        %parallel_loop3A_600 = vector.broadcast %parallel_loop3A_599 : i32 to vector<16xi32>
        %parallel_loop3A_601 = arith.shrsi %parallel_loop3A_598, %parallel_loop3A_600 : vector<16xi32>
        %parallel_loop3A_602 = arith.constant -2147483648 : i32
        %parallel_loop3A_603 = vector.broadcast %parallel_loop3A_602 : i32 to vector<16xi32>
        %parallel_loop3A_604 = arith.ori %parallel_loop3A_601, %parallel_loop3A_603 : vector<16xi32>
        %parallel_loop3A_605 = arith.xori %parallel_loop3A_598, %parallel_loop3A_604 : vector<16xi32>
        %parallel_loop3A_606 = arith.constant 0 : i32
        %parallel_loop3A_607 = vector.broadcast %parallel_loop3A_606 : i32 to vector<16xi32>
        %parallel_loop3A_608 = arith.shrui %parallel_loop3A_605, %parallel_loop3A_607 : vector<16xi32>
        %parallel_loop3A_609 = arith.constant 255 : i32
        %parallel_loop3A_610 = vector.broadcast %parallel_loop3A_609 : i32 to vector<16xi32>
        %parallel_loop3A_611 = arith.andi %parallel_loop3A_608, %parallel_loop3A_610 : vector<16xi32>
        %parallel_loop3A_612 = arith.constant 4 : i32
        %parallel_loop3A_613 = vector.broadcast %parallel_loop3A_612 : i32 to vector<16xi32>
        %parallel_loop3A_614 = arith.shli %parallel_loop3A_611, %parallel_loop3A_613 : vector<16xi32>
        %parallel_loop3A_615 = arith.ori %parallel_loop3A_614, %iota3A : vector<16xi32>
        tpu.vector_store_idx %arg6[%parallel_loop3A_615], %broadcast_in_dim3A_10 {add = true} : memref<4096xi32, #tpu.memory_space<vmem>>[vector<16xi32>], vector<16xi32>,
        %parallel_loop3A_616 = arith.constant 256 : i32
        %parallel_loop3A_617 = arith.addi %parallel_loop3A_616, %parallel_loop3A_591 : i32
        %parallel_loop3A_618 = arith.constant 16 : i32
        %parallel_loop3A_619 = arith.muli %parallel_loop3A_617, %parallel_loop3A_618 : i32
        %parallel_loop3A_620 = arith.index_cast %parallel_loop3A_619 : i32 to index
        %parallel_loop3A_621 = tpu.vector_load %arg4[%parallel_loop3A_620] {strides = array<i32>} : memref<32768xf32, #tpu.memory_space<vmem>>, vector<16xf32>,
        %parallel_loop3A_622 = vector.bitcast %parallel_loop3A_621 : vector<16xf32> to vector<16xi32>
        %parallel_loop3A_623 = arith.constant 31 : i32
        %parallel_loop3A_624 = vector.broadcast %parallel_loop3A_623 : i32 to vector<16xi32>
        %parallel_loop3A_625 = arith.shrsi %parallel_loop3A_622, %parallel_loop3A_624 : vector<16xi32>
        %parallel_loop3A_626 = arith.constant -2147483648 : i32
        %parallel_loop3A_627 = vector.broadcast %parallel_loop3A_626 : i32 to vector<16xi32>
        %parallel_loop3A_628 = arith.ori %parallel_loop3A_625, %parallel_loop3A_627 : vector<16xi32>
        %parallel_loop3A_629 = arith.xori %parallel_loop3A_622, %parallel_loop3A_628 : vector<16xi32>
        %parallel_loop3A_630 = arith.constant 0 : i32
        %parallel_loop3A_631 = vector.broadcast %parallel_loop3A_630 : i32 to vector<16xi32>
        %parallel_loop3A_632 = arith.shrui %parallel_loop3A_629, %parallel_loop3A_631 : vector<16xi32>
        %parallel_loop3A_633 = arith.constant 255 : i32
        %parallel_loop3A_634 = vector.broadcast %parallel_loop3A_633 : i32 to vector<16xi32>
        %parallel_loop3A_635 = arith.andi %parallel_loop3A_632, %parallel_loop3A_634 : vector<16xi32>
        %parallel_loop3A_636 = arith.constant 4 : i32
        %parallel_loop3A_637 = vector.broadcast %parallel_loop3A_636 : i32 to vector<16xi32>
        %parallel_loop3A_638 = arith.shli %parallel_loop3A_635, %parallel_loop3A_637 : vector<16xi32>
        %parallel_loop3A_639 = arith.ori %parallel_loop3A_638, %iota3A : vector<16xi32>
        tpu.vector_store_idx %arg7[%parallel_loop3A_639], %broadcast_in_dim3A_10 {add = true} : memref<4096xi32, #tpu.memory_space<vmem>>[vector<16xi32>], vector<16xi32>,
        %parallel_loop3A_640 = arith.constant 512 : i32
        %parallel_loop3A_641 = arith.addi %parallel_loop3A_640, %parallel_loop3A_591 : i32
        %parallel_loop3A_642 = arith.constant 16 : i32
        %parallel_loop3A_643 = arith.muli %parallel_loop3A_641, %parallel_loop3A_642 : i32
        %parallel_loop3A_644 = arith.index_cast %parallel_loop3A_643 : i32 to index
        %parallel_loop3A_645 = tpu.vector_load %arg4[%parallel_loop3A_644] {strides = array<i32>} : memref<32768xf32, #tpu.memory_space<vmem>>, vector<16xf32>,
        %parallel_loop3A_646 = vector.bitcast %parallel_loop3A_645 : vector<16xf32> to vector<16xi32>
        %parallel_loop3A_647 = arith.constant 31 : i32
        %parallel_loop3A_648 = vector.broadcast %parallel_loop3A_647 : i32 to vector<16xi32>
        %parallel_loop3A_649 = arith.shrsi %parallel_loop3A_646, %parallel_loop3A_648 : vector<16xi32>
        %parallel_loop3A_650 = arith.constant -2147483648 : i32
        %parallel_loop3A_651 = vector.broadcast %parallel_loop3A_650 : i32 to vector<16xi32>
        %parallel_loop3A_652 = arith.ori %parallel_loop3A_649, %parallel_loop3A_651 : vector<16xi32>
        %parallel_loop3A_653 = arith.xori %parallel_loop3A_646, %parallel_loop3A_652 : vector<16xi32>
        %parallel_loop3A_654 = arith.constant 0 : i32
        %parallel_loop3A_655 = vector.broadcast %parallel_loop3A_654 : i32 to vector<16xi32>
        %parallel_loop3A_656 = arith.shrui %parallel_loop3A_653, %parallel_loop3A_655 : vector<16xi32>
        %parallel_loop3A_657 = arith.constant 255 : i32
        %parallel_loop3A_658 = vector.broadcast %parallel_loop3A_657 : i32 to vector<16xi32>
        %parallel_loop3A_659 = arith.andi %parallel_loop3A_656, %parallel_loop3A_658 : vector<16xi32>
        %parallel_loop3A_660 = arith.constant 4 : i32
        %parallel_loop3A_661 = vector.broadcast %parallel_loop3A_660 : i32 to vector<16xi32>
        %parallel_loop3A_662 = arith.shli %parallel_loop3A_659, %parallel_loop3A_661 : vector<16xi32>
        %parallel_loop3A_663 = arith.ori %parallel_loop3A_662, %iota3A : vector<16xi32>
        tpu.vector_store_idx %arg8[%parallel_loop3A_663], %broadcast_in_dim3A_10 {add = true} : memref<4096xi32, #tpu.memory_space<vmem>>[vector<16xi32>], vector<16xi32>,
        %parallel_loop3A_664 = arith.constant 768 : i32
        %parallel_loop3A_665 = arith.addi %parallel_loop3A_664, %parallel_loop3A_591 : i32
        %parallel_loop3A_666 = arith.constant 16 : i32
        %parallel_loop3A_667 = arith.muli %parallel_loop3A_665, %parallel_loop3A_666 : i32
        %parallel_loop3A_668 = arith.index_cast %parallel_loop3A_667 : i32 to index
        %parallel_loop3A_669 = tpu.vector_load %arg4[%parallel_loop3A_668] {strides = array<i32>} : memref<32768xf32, #tpu.memory_space<vmem>>, vector<16xf32>,
        %parallel_loop3A_670 = vector.bitcast %parallel_loop3A_669 : vector<16xf32> to vector<16xi32>
        %parallel_loop3A_671 = arith.constant 31 : i32
        %parallel_loop3A_672 = vector.broadcast %parallel_loop3A_671 : i32 to vector<16xi32>
        %parallel_loop3A_673 = arith.shrsi %parallel_loop3A_670, %parallel_loop3A_672 : vector<16xi32>
        %parallel_loop3A_674 = arith.constant -2147483648 : i32
        %parallel_loop3A_675 = vector.broadcast %parallel_loop3A_674 : i32 to vector<16xi32>
        %parallel_loop3A_676 = arith.ori %parallel_loop3A_673, %parallel_loop3A_675 : vector<16xi32>
        %parallel_loop3A_677 = arith.xori %parallel_loop3A_670, %parallel_loop3A_676 : vector<16xi32>
        %parallel_loop3A_678 = arith.constant 0 : i32
        %parallel_loop3A_679 = vector.broadcast %parallel_loop3A_678 : i32 to vector<16xi32>
        %parallel_loop3A_680 = arith.shrui %parallel_loop3A_677, %parallel_loop3A_679 : vector<16xi32>
        %parallel_loop3A_681 = arith.constant 255 : i32
        %parallel_loop3A_682 = vector.broadcast %parallel_loop3A_681 : i32 to vector<16xi32>
        %parallel_loop3A_683 = arith.andi %parallel_loop3A_680, %parallel_loop3A_682 : vector<16xi32>
        %parallel_loop3A_684 = arith.constant 4 : i32
        %parallel_loop3A_685 = vector.broadcast %parallel_loop3A_684 : i32 to vector<16xi32>
        %parallel_loop3A_686 = arith.shli %parallel_loop3A_683, %parallel_loop3A_685 : vector<16xi32>
        %parallel_loop3A_687 = arith.ori %parallel_loop3A_686, %iota3A : vector<16xi32>
        tpu.vector_store_idx %arg9[%parallel_loop3A_687], %broadcast_in_dim3A_10 {add = true} : memref<4096xi32, #tpu.memory_space<vmem>>[vector<16xi32>], vector<16xi32>,
        %parallel_loop3A_688 = arith.constant 1024 : i32
        %parallel_loop3A_689 = arith.addi %parallel_loop3A_688, %parallel_loop3A_591 : i32
        %parallel_loop3A_690 = arith.constant 16 : i32
        %parallel_loop3A_691 = arith.muli %parallel_loop3A_689, %parallel_loop3A_690 : i32
        %parallel_loop3A_692 = arith.index_cast %parallel_loop3A_691 : i32 to index
        %parallel_loop3A_693 = tpu.vector_load %arg4[%parallel_loop3A_692] {strides = array<i32>} : memref<32768xf32, #tpu.memory_space<vmem>>, vector<16xf32>,
        %parallel_loop3A_694 = vector.bitcast %parallel_loop3A_693 : vector<16xf32> to vector<16xi32>
        %parallel_loop3A_695 = arith.constant 31 : i32
        %parallel_loop3A_696 = vector.broadcast %parallel_loop3A_695 : i32 to vector<16xi32>
        %parallel_loop3A_697 = arith.shrsi %parallel_loop3A_694, %parallel_loop3A_696 : vector<16xi32>
        %parallel_loop3A_698 = arith.constant -2147483648 : i32
        %parallel_loop3A_699 = vector.broadcast %parallel_loop3A_698 : i32 to vector<16xi32>
        %parallel_loop3A_700 = arith.ori %parallel_loop3A_697, %parallel_loop3A_699 : vector<16xi32>
        %parallel_loop3A_701 = arith.xori %parallel_loop3A_694, %parallel_loop3A_700 : vector<16xi32>
        %parallel_loop3A_702 = arith.constant 0 : i32
        %parallel_loop3A_703 = vector.broadcast %parallel_loop3A_702 : i32 to vector<16xi32>
        %parallel_loop3A_704 = arith.shrui %parallel_loop3A_701, %parallel_loop3A_703 : vector<16xi32>
        %parallel_loop3A_705 = arith.constant 255 : i32
        %parallel_loop3A_706 = vector.broadcast %parallel_loop3A_705 : i32 to vector<16xi32>
        %parallel_loop3A_707 = arith.andi %parallel_loop3A_704, %parallel_loop3A_706 : vector<16xi32>
        %parallel_loop3A_708 = arith.constant 4 : i32
        %parallel_loop3A_709 = vector.broadcast %parallel_loop3A_708 : i32 to vector<16xi32>
        %parallel_loop3A_710 = arith.shli %parallel_loop3A_707, %parallel_loop3A_709 : vector<16xi32>
        %parallel_loop3A_711 = arith.ori %parallel_loop3A_710, %iota3A : vector<16xi32>
        tpu.vector_store_idx %arg10[%parallel_loop3A_711], %broadcast_in_dim3A_10 {add = true} : memref<4096xi32, #tpu.memory_space<vmem>>[vector<16xi32>], vector<16xi32>,
        %parallel_loop3A_712 = arith.constant 1280 : i32
        %parallel_loop3A_713 = arith.addi %parallel_loop3A_712, %parallel_loop3A_591 : i32
        %parallel_loop3A_714 = arith.constant 16 : i32
        %parallel_loop3A_715 = arith.muli %parallel_loop3A_713, %parallel_loop3A_714 : i32
        %parallel_loop3A_716 = arith.index_cast %parallel_loop3A_715 : i32 to index
        %parallel_loop3A_717 = tpu.vector_load %arg4[%parallel_loop3A_716] {strides = array<i32>} : memref<32768xf32, #tpu.memory_space<vmem>>, vector<16xf32>,
        %parallel_loop3A_718 = vector.bitcast %parallel_loop3A_717 : vector<16xf32> to vector<16xi32>
        %parallel_loop3A_719 = arith.constant 31 : i32
        %parallel_loop3A_720 = vector.broadcast %parallel_loop3A_719 : i32 to vector<16xi32>
        %parallel_loop3A_721 = arith.shrsi %parallel_loop3A_718, %parallel_loop3A_720 : vector<16xi32>
        %parallel_loop3A_722 = arith.constant -2147483648 : i32
        %parallel_loop3A_723 = vector.broadcast %parallel_loop3A_722 : i32 to vector<16xi32>
        %parallel_loop3A_724 = arith.ori %parallel_loop3A_721, %parallel_loop3A_723 : vector<16xi32>
        %parallel_loop3A_725 = arith.xori %parallel_loop3A_718, %parallel_loop3A_724 : vector<16xi32>
        %parallel_loop3A_726 = arith.constant 0 : i32
        %parallel_loop3A_727 = vector.broadcast %parallel_loop3A_726 : i32 to vector<16xi32>
        %parallel_loop3A_728 = arith.shrui %parallel_loop3A_725, %parallel_loop3A_727 : vector<16xi32>
        %parallel_loop3A_729 = arith.constant 255 : i32
        %parallel_loop3A_730 = vector.broadcast %parallel_loop3A_729 : i32 to vector<16xi32>
        %parallel_loop3A_731 = arith.andi %parallel_loop3A_728, %parallel_loop3A_730 : vector<16xi32>
        %parallel_loop3A_732 = arith.constant 4 : i32
        %parallel_loop3A_733 = vector.broadcast %parallel_loop3A_732 : i32 to vector<16xi32>
        %parallel_loop3A_734 = arith.shli %parallel_loop3A_731, %parallel_loop3A_733 : vector<16xi32>
        %parallel_loop3A_735 = arith.ori %parallel_loop3A_734, %iota3A : vector<16xi32>
        tpu.vector_store_idx %arg11[%parallel_loop3A_735], %broadcast_in_dim3A_10 {add = true} : memref<4096xi32, #tpu.memory_space<vmem>>[vector<16xi32>], vector<16xi32>,
        %parallel_loop3A_736 = arith.constant 1536 : i32
        %parallel_loop3A_737 = arith.addi %parallel_loop3A_736, %parallel_loop3A_591 : i32
        %parallel_loop3A_738 = arith.constant 16 : i32
        %parallel_loop3A_739 = arith.muli %parallel_loop3A_737, %parallel_loop3A_738 : i32
        %parallel_loop3A_740 = arith.index_cast %parallel_loop3A_739 : i32 to index
        %parallel_loop3A_741 = tpu.vector_load %arg4[%parallel_loop3A_740] {strides = array<i32>} : memref<32768xf32, #tpu.memory_space<vmem>>, vector<16xf32>,
        %parallel_loop3A_742 = vector.bitcast %parallel_loop3A_741 : vector<16xf32> to vector<16xi32>
        %parallel_loop3A_743 = arith.constant 31 : i32
        %parallel_loop3A_744 = vector.broadcast %parallel_loop3A_743 : i32 to vector<16xi32>
        %parallel_loop3A_745 = arith.shrsi %parallel_loop3A_742, %parallel_loop3A_744 : vector<16xi32>
        %parallel_loop3A_746 = arith.constant -2147483648 : i32
        %parallel_loop3A_747 = vector.broadcast %parallel_loop3A_746 : i32 to vector<16xi32>
        %parallel_loop3A_748 = arith.ori %parallel_loop3A_745, %parallel_loop3A_747 : vector<16xi32>
        %parallel_loop3A_749 = arith.xori %parallel_loop3A_742, %parallel_loop3A_748 : vector<16xi32>
        %parallel_loop3A_750 = arith.constant 0 : i32
        %parallel_loop3A_751 = vector.broadcast %parallel_loop3A_750 : i32 to vector<16xi32>
        %parallel_loop3A_752 = arith.shrui %parallel_loop3A_749, %parallel_loop3A_751 : vector<16xi32>
        %parallel_loop3A_753 = arith.constant 255 : i32
        %parallel_loop3A_754 = vector.broadcast %parallel_loop3A_753 : i32 to vector<16xi32>
        %parallel_loop3A_755 = arith.andi %parallel_loop3A_752, %parallel_loop3A_754 : vector<16xi32>
        %parallel_loop3A_756 = arith.constant 4 : i32
        %parallel_loop3A_757 = vector.broadcast %parallel_loop3A_756 : i32 to vector<16xi32>
        %parallel_loop3A_758 = arith.shli %parallel_loop3A_755, %parallel_loop3A_757 : vector<16xi32>
        %parallel_loop3A_759 = arith.ori %parallel_loop3A_758, %iota3A : vector<16xi32>
        tpu.vector_store_idx %arg12[%parallel_loop3A_759], %broadcast_in_dim3A_10 {add = true} : memref<4096xi32, #tpu.memory_space<vmem>>[vector<16xi32>], vector<16xi32>,
        %parallel_loop3A_760 = arith.constant 1792 : i32
        %parallel_loop3A_761 = arith.addi %parallel_loop3A_760, %parallel_loop3A_591 : i32
        %parallel_loop3A_762 = arith.constant 16 : i32
        %parallel_loop3A_763 = arith.muli %parallel_loop3A_761, %parallel_loop3A_762 : i32
        %parallel_loop3A_764 = arith.index_cast %parallel_loop3A_763 : i32 to index
        %parallel_loop3A_765 = tpu.vector_load %arg4[%parallel_loop3A_764] {strides = array<i32>} : memref<32768xf32, #tpu.memory_space<vmem>>, vector<16xf32>,
        %parallel_loop3A_766 = vector.bitcast %parallel_loop3A_765 : vector<16xf32> to vector<16xi32>
        %parallel_loop3A_767 = arith.constant 31 : i32
        %parallel_loop3A_768 = vector.broadcast %parallel_loop3A_767 : i32 to vector<16xi32>
        %parallel_loop3A_769 = arith.shrsi %parallel_loop3A_766, %parallel_loop3A_768 : vector<16xi32>
        %parallel_loop3A_770 = arith.constant -2147483648 : i32
        %parallel_loop3A_771 = vector.broadcast %parallel_loop3A_770 : i32 to vector<16xi32>
        %parallel_loop3A_772 = arith.ori %parallel_loop3A_769, %parallel_loop3A_771 : vector<16xi32>
        %parallel_loop3A_773 = arith.xori %parallel_loop3A_766, %parallel_loop3A_772 : vector<16xi32>
        %parallel_loop3A_774 = arith.constant 0 : i32
        %parallel_loop3A_775 = vector.broadcast %parallel_loop3A_774 : i32 to vector<16xi32>
        %parallel_loop3A_776 = arith.shrui %parallel_loop3A_773, %parallel_loop3A_775 : vector<16xi32>
        %parallel_loop3A_777 = arith.constant 255 : i32
        %parallel_loop3A_778 = vector.broadcast %parallel_loop3A_777 : i32 to vector<16xi32>
        %parallel_loop3A_779 = arith.andi %parallel_loop3A_776, %parallel_loop3A_778 : vector<16xi32>
        %parallel_loop3A_780 = arith.constant 4 : i32
        %parallel_loop3A_781 = vector.broadcast %parallel_loop3A_780 : i32 to vector<16xi32>
        %parallel_loop3A_782 = arith.shli %parallel_loop3A_779, %parallel_loop3A_781 : vector<16xi32>
        %parallel_loop3A_783 = arith.ori %parallel_loop3A_782, %iota3A : vector<16xi32>
        tpu.vector_store_idx %arg13[%parallel_loop3A_783], %broadcast_in_dim3A_10 {add = true} : memref<4096xi32, #tpu.memory_space<vmem>>[vector<16xi32>], vector<16xi32>,
      } {sc.loop_unroll_factor = 1 : i64, sc.parallel_access}
      %parallel_loop3A_18 = arith.constant 0 : i32
      %parallel_loop3A_19 = arith.constant 256 : i32
      %parallel_loop3A_20 = arith.constant 1 : i32
      scf.for %parallel_loop3A_591 = %parallel_loop3A_18 to %parallel_loop3A_19 step %parallel_loop3A_20  : i32 {
        %parallel_loop3A_592 = arith.constant 16 : i32
        %parallel_loop3A_593 = arith.muli %parallel_loop3A_591, %parallel_loop3A_592 : i32
        %parallel_loop3A_594 = arith.index_cast %parallel_loop3A_593 : i32 to index
        %parallel_loop3A_595 = tpu.vector_load %arg6[%parallel_loop3A_594] {strides = array<i32>} : memref<4096xi32, #tpu.memory_space<vmem>>, vector<16xi32>,
        %parallel_loop3A_596 = arith.constant 16 : i32
        %parallel_loop3A_597 = arith.muli %parallel_loop3A_591, %parallel_loop3A_596 : i32
        %parallel_loop3A_598 = arith.index_cast %parallel_loop3A_597 : i32 to index
        %parallel_loop3A_599 = tpu.vector_load %arg7[%parallel_loop3A_598] {strides = array<i32>} : memref<4096xi32, #tpu.memory_space<vmem>>, vector<16xi32>,
        %parallel_loop3A_600 = arith.constant 16 : i32
        %parallel_loop3A_601 = arith.muli %parallel_loop3A_591, %parallel_loop3A_600 : i32
        %parallel_loop3A_602 = arith.index_cast %parallel_loop3A_601 : i32 to index
        %parallel_loop3A_603 = tpu.vector_load %arg8[%parallel_loop3A_602] {strides = array<i32>} : memref<4096xi32, #tpu.memory_space<vmem>>, vector<16xi32>,
        %parallel_loop3A_604 = arith.constant 16 : i32
        %parallel_loop3A_605 = arith.muli %parallel_loop3A_591, %parallel_loop3A_604 : i32
        %parallel_loop3A_606 = arith.index_cast %parallel_loop3A_605 : i32 to index
        %parallel_loop3A_607 = tpu.vector_load %arg9[%parallel_loop3A_606] {strides = array<i32>} : memref<4096xi32, #tpu.memory_space<vmem>>, vector<16xi32>,
        %parallel_loop3A_608 = arith.constant 16 : i32
        %parallel_loop3A_609 = arith.muli %parallel_loop3A_591, %parallel_loop3A_608 : i32
        %parallel_loop3A_610 = arith.index_cast %parallel_loop3A_609 : i32 to index
        %parallel_loop3A_611 = tpu.vector_load %arg10[%parallel_loop3A_610] {strides = array<i32>} : memref<4096xi32, #tpu.memory_space<vmem>>, vector<16xi32>,
        %parallel_loop3A_612 = arith.constant 16 : i32
        %parallel_loop3A_613 = arith.muli %parallel_loop3A_591, %parallel_loop3A_612 : i32
        %parallel_loop3A_614 = arith.index_cast %parallel_loop3A_613 : i32 to index
        %parallel_loop3A_615 = tpu.vector_load %arg11[%parallel_loop3A_614] {strides = array<i32>} : memref<4096xi32, #tpu.memory_space<vmem>>, vector<16xi32>,
        %parallel_loop3A_616 = arith.constant 16 : i32
        %parallel_loop3A_617 = arith.muli %parallel_loop3A_591, %parallel_loop3A_616 : i32
        %parallel_loop3A_618 = arith.index_cast %parallel_loop3A_617 : i32 to index
        %parallel_loop3A_619 = tpu.vector_load %arg12[%parallel_loop3A_618] {strides = array<i32>} : memref<4096xi32, #tpu.memory_space<vmem>>, vector<16xi32>,
        %parallel_loop3A_620 = arith.constant 16 : i32
        %parallel_loop3A_621 = arith.muli %parallel_loop3A_591, %parallel_loop3A_620 : i32
        %parallel_loop3A_622 = arith.index_cast %parallel_loop3A_621 : i32 to index
        %parallel_loop3A_623 = tpu.vector_load %arg13[%parallel_loop3A_622] {strides = array<i32>} : memref<4096xi32, #tpu.memory_space<vmem>>, vector<16xi32>,
        %parallel_loop3A_624 = arith.addi %parallel_loop3A_595, %parallel_loop3A_599 : vector<16xi32>
        %parallel_loop3A_625 = arith.addi %parallel_loop3A_624, %parallel_loop3A_603 : vector<16xi32>
        %parallel_loop3A_626 = arith.addi %parallel_loop3A_625, %parallel_loop3A_607 : vector<16xi32>
        %parallel_loop3A_627 = arith.addi %parallel_loop3A_626, %parallel_loop3A_611 : vector<16xi32>
        %parallel_loop3A_628 = arith.addi %parallel_loop3A_627, %parallel_loop3A_615 : vector<16xi32>
        %parallel_loop3A_629 = arith.addi %parallel_loop3A_628, %parallel_loop3A_619 : vector<16xi32>
        %parallel_loop3A_630 = arith.addi %parallel_loop3A_629, %parallel_loop3A_623 : vector<16xi32>
        %parallel_loop3A_631 = arith.constant true
        %parallel_loop3A_632 = vector.broadcast %parallel_loop3A_631 : i1 to vector<16xi1>
        %parallel_loop3A_633 = tpu.scan <sum>, %parallel_loop3A_630 masked %parallel_loop3A_632 : vector<16xi32>, vector<16xi1> -> vector<16xi32>
        %parallel_loop3A_634 = arith.subi %parallel_loop3A_633, %parallel_loop3A_630 : vector<16xi32>
        %parallel_loop3A_635 = arith.constant 16 : i32
        %parallel_loop3A_636 = arith.muli %parallel_loop3A_591, %parallel_loop3A_635 : i32
        %parallel_loop3A_637 = arith.index_cast %parallel_loop3A_636 : i32 to index
        %parallel_loop3A_638 = tpu.vector_load %arg6[%parallel_loop3A_637] {strides = array<i32>} : memref<4096xi32, #tpu.memory_space<vmem>>, vector<16xi32>,
        tpu.vector_store %arg6[%parallel_loop3A_637], %parallel_loop3A_634 {strides = array<i32>} : memref<4096xi32, #tpu.memory_space<vmem>>, vector<16xi32>,
        %parallel_loop3A_639 = arith.addi %parallel_loop3A_634, %parallel_loop3A_595 : vector<16xi32>
        %parallel_loop3A_640 = arith.constant 16 : i32
        %parallel_loop3A_641 = arith.muli %parallel_loop3A_591, %parallel_loop3A_640 : i32
        %parallel_loop3A_642 = arith.index_cast %parallel_loop3A_641 : i32 to index
        %parallel_loop3A_643 = tpu.vector_load %arg7[%parallel_loop3A_642] {strides = array<i32>} : memref<4096xi32, #tpu.memory_space<vmem>>, vector<16xi32>,
        tpu.vector_store %arg7[%parallel_loop3A_642], %parallel_loop3A_639 {strides = array<i32>} : memref<4096xi32, #tpu.memory_space<vmem>>, vector<16xi32>,
        %parallel_loop3A_644 = arith.addi %parallel_loop3A_639, %parallel_loop3A_599 : vector<16xi32>
        %parallel_loop3A_645 = arith.constant 16 : i32
        %parallel_loop3A_646 = arith.muli %parallel_loop3A_591, %parallel_loop3A_645 : i32
        %parallel_loop3A_647 = arith.index_cast %parallel_loop3A_646 : i32 to index
        %parallel_loop3A_648 = tpu.vector_load %arg8[%parallel_loop3A_647] {strides = array<i32>} : memref<4096xi32, #tpu.memory_space<vmem>>, vector<16xi32>,
        tpu.vector_store %arg8[%parallel_loop3A_647], %parallel_loop3A_644 {strides = array<i32>} : memref<4096xi32, #tpu.memory_space<vmem>>, vector<16xi32>,
        %parallel_loop3A_649 = arith.addi %parallel_loop3A_644, %parallel_loop3A_603 : vector<16xi32>
        %parallel_loop3A_650 = arith.constant 16 : i32
        %parallel_loop3A_651 = arith.muli %parallel_loop3A_591, %parallel_loop3A_650 : i32
        %parallel_loop3A_652 = arith.index_cast %parallel_loop3A_651 : i32 to index
        %parallel_loop3A_653 = tpu.vector_load %arg9[%parallel_loop3A_652] {strides = array<i32>} : memref<4096xi32, #tpu.memory_space<vmem>>, vector<16xi32>,
        tpu.vector_store %arg9[%parallel_loop3A_652], %parallel_loop3A_649 {strides = array<i32>} : memref<4096xi32, #tpu.memory_space<vmem>>, vector<16xi32>,
        %parallel_loop3A_654 = arith.addi %parallel_loop3A_649, %parallel_loop3A_607 : vector<16xi32>
        %parallel_loop3A_655 = arith.constant 16 : i32
        %parallel_loop3A_656 = arith.muli %parallel_loop3A_591, %parallel_loop3A_655 : i32
        %parallel_loop3A_657 = arith.index_cast %parallel_loop3A_656 : i32 to index
        %parallel_loop3A_658 = tpu.vector_load %arg10[%parallel_loop3A_657] {strides = array<i32>} : memref<4096xi32, #tpu.memory_space<vmem>>, vector<16xi32>,
        tpu.vector_store %arg10[%parallel_loop3A_657], %parallel_loop3A_654 {strides = array<i32>} : memref<4096xi32, #tpu.memory_space<vmem>>, vector<16xi32>,
        %parallel_loop3A_659 = arith.addi %parallel_loop3A_654, %parallel_loop3A_611 : vector<16xi32>
        %parallel_loop3A_660 = arith.constant 16 : i32
        %parallel_loop3A_661 = arith.muli %parallel_loop3A_591, %parallel_loop3A_660 : i32
        %parallel_loop3A_662 = arith.index_cast %parallel_loop3A_661 : i32 to index
        %parallel_loop3A_663 = tpu.vector_load %arg11[%parallel_loop3A_662] {strides = array<i32>} : memref<4096xi32, #tpu.memory_space<vmem>>, vector<16xi32>,
        tpu.vector_store %arg11[%parallel_loop3A_662], %parallel_loop3A_659 {strides = array<i32>} : memref<4096xi32, #tpu.memory_space<vmem>>, vector<16xi32>,
        %parallel_loop3A_664 = arith.addi %parallel_loop3A_659, %parallel_loop3A_615 : vector<16xi32>
        %parallel_loop3A_665 = arith.constant 16 : i32
        %parallel_loop3A_666 = arith.muli %parallel_loop3A_591, %parallel_loop3A_665 : i32
        %parallel_loop3A_667 = arith.index_cast %parallel_loop3A_666 : i32 to index
        %parallel_loop3A_668 = tpu.vector_load %arg12[%parallel_loop3A_667] {strides = array<i32>} : memref<4096xi32, #tpu.memory_space<vmem>>, vector<16xi32>,
        tpu.vector_store %arg12[%parallel_loop3A_667], %parallel_loop3A_664 {strides = array<i32>} : memref<4096xi32, #tpu.memory_space<vmem>>, vector<16xi32>,
        %parallel_loop3A_669 = arith.addi %parallel_loop3A_664, %parallel_loop3A_619 : vector<16xi32>
        %parallel_loop3A_670 = arith.constant 16 : i32
        %parallel_loop3A_671 = arith.muli %parallel_loop3A_591, %parallel_loop3A_670 : i32
        %parallel_loop3A_672 = arith.index_cast %parallel_loop3A_671 : i32 to index
        %parallel_loop3A_673 = tpu.vector_load %arg13[%parallel_loop3A_672] {strides = array<i32>} : memref<4096xi32, #tpu.memory_space<vmem>>, vector<16xi32>,
        tpu.vector_store %arg13[%parallel_loop3A_672], %parallel_loop3A_669 {strides = array<i32>} : memref<4096xi32, #tpu.memory_space<vmem>>, vector<16xi32>,
        %parallel_loop3A_674 = arith.addi %parallel_loop3A_669, %parallel_loop3A_623 : vector<16xi32>
        %parallel_loop3A_675 = vector.broadcast %parallel_loop3A_591 : i32 to vector<16xi32>
        %parallel_loop3A_676 = arith.addi %parallel_loop3A_675, %broadcast_in_dim3A_12 : vector<16xi32>
        %parallel_loop3A_677 = vector.extract_strided_slice %parallel_loop3A_633 {offsets = [15], sizes = [1], strides = [1]} : vector<16xi32> to vector<1xi32>
        %parallel_loop3A_678 = vector.extract %parallel_loop3A_677[0] : i32 from vector<1xi32>
        %parallel_loop3A_679 = vector.broadcast %parallel_loop3A_678 : i32 to vector<16xi32>
        %parallel_loop3A_680 = arith.addi %parallel_loop3A_679, %broadcast_in_dim3A_12 : vector<16xi32>
        %parallel_loop3A_681 = arith.constant 0 : i32
        %parallel_loop3A_682 = vector.broadcast %parallel_loop3A_681 : i32 to vector<16xi32>
        %parallel_loop3A_683 = arith.cmpi eq, %iota3A, %parallel_loop3A_682 : vector<16xi32>
        tpu.vector_store_idx %arg14[%parallel_loop3A_676], %parallel_loop3A_680 masked %parallel_loop3A_683 : memref<256xi32, #tpu.memory_space<vmem>>[vector<16xi32>], vector<16xi32>, vector<16xi1>
      } {sc.loop_unroll_factor = 1 : i64, sc.parallel_access}
      %scan3A_21 = arith.constant 0 : i32
      %scan3A_22 = arith.constant 0 : i32
      %scan3A_23 = arith.constant 16 : i32
      %scan3A_24 = arith.addi %scan3A_22, %scan3A_23 : i32
      %scan3A_25 = arith.constant 1 : i32
      %scan3A_26 = scf.for %scan3A_591 = %scan3A_22 to %scan3A_24 step %scan3A_25 iter_args(%scan3A_592 = %scan3A_21) -> (i32)  : i32 {
        %mul3A_593 = arith.constant 16 : i32
        %mul3A_594 = arith.muli %scan3A_591, %mul3A_593 : i32
        %get3A_595 = arith.index_cast %mul3A_594 : i32 to index
        %get3A_596 = tpu.vector_load %arg14[%get3A_595] {strides = array<i32>} : memref<256xi32, #tpu.memory_space<vmem>>, vector<16xi32>,
        %broadcast_in_dim3A_597 = arith.constant true
        %broadcast_in_dim3A_598 = vector.broadcast %broadcast_in_dim3A_597 : i1 to vector<16xi1>
        %masked_cumsum3A = tpu.scan <sum>, %get3A_596 masked %broadcast_in_dim3A_598 : vector<16xi32>, vector<16xi1> -> vector<16xi32>
        %sub3A = arith.subi %masked_cumsum3A, %get3A_596 : vector<16xi32>
        %add3A_599 = vector.broadcast %scan3A_592 : i32 to vector<16xi32>
        %add3A_600 = arith.addi %sub3A, %add3A_599 : vector<16xi32>
        %mul3A_601 = arith.constant 16 : i32
        %mul3A_602 = arith.muli %scan3A_591, %mul3A_601 : i32
        %swap3A = arith.index_cast %mul3A_602 : i32 to index
        %swap3A_603 = tpu.vector_load %arg14[%swap3A] {strides = array<i32>} : memref<256xi32, #tpu.memory_space<vmem>>, vector<16xi32>,
        tpu.vector_store %arg14[%swap3A], %add3A_600 {strides = array<i32>} : memref<256xi32, #tpu.memory_space<vmem>>, vector<16xi32>,
        %slice3A = vector.extract_strided_slice %masked_cumsum3A {offsets = [15], sizes = [1], strides = [1]} : vector<16xi32> to vector<1xi32>
        %squeeze3A = vector.extract %slice3A[0] : i32 from vector<1xi32>
        %add3A_604 = arith.addi %scan3A_592, %squeeze3A : i32
        scf.yield %add3A_604 : i32
      }
      %scan3A_27 = arith.constant 16 : i32
      %parallel_loop3A_28 = arith.constant 0 : i32
      %parallel_loop3A_29 = arith.constant 256 : i32
      %parallel_loop3A_30 = arith.constant 1 : i32
      scf.for %parallel_loop3A_591 = %parallel_loop3A_28 to %parallel_loop3A_29 step %parallel_loop3A_30  : i32 {
        %parallel_loop3A_592 = vector.broadcast %parallel_loop3A_591 : i32 to vector<16xi32>
        %parallel_loop3A_593 = arith.addi %parallel_loop3A_592, %broadcast_in_dim3A_12 : vector<16xi32>
        %parallel_loop3A_594 = tpu.vector_load_idx %arg14[%parallel_loop3A_593] : memref<256xi32, #tpu.memory_space<vmem>>[vector<16xi32>], vector<16xi32>,
        %parallel_loop3A_595 = arith.constant 16 : i32
        %parallel_loop3A_596 = arith.muli %parallel_loop3A_591, %parallel_loop3A_595 : i32
        %parallel_loop3A_597 = arith.index_cast %parallel_loop3A_596 : i32 to index
        %parallel_loop3A_598 = tpu.vector_load %arg6[%parallel_loop3A_597] {strides = array<i32>} : memref<4096xi32, #tpu.memory_space<vmem>>, vector<16xi32>,
        %parallel_loop3A_599 = arith.addi %parallel_loop3A_598, %parallel_loop3A_594 : vector<16xi32>
        %parallel_loop3A_600 = arith.constant 16 : i32
        %parallel_loop3A_601 = arith.muli %parallel_loop3A_591, %parallel_loop3A_600 : i32
        %parallel_loop3A_602 = arith.index_cast %parallel_loop3A_601 : i32 to index
        %parallel_loop3A_603 = tpu.vector_load %arg6[%parallel_loop3A_602] {strides = array<i32>} : memref<4096xi32, #tpu.memory_space<vmem>>, vector<16xi32>,
        tpu.vector_store %arg6[%parallel_loop3A_602], %parallel_loop3A_599 {strides = array<i32>} : memref<4096xi32, #tpu.memory_space<vmem>>, vector<16xi32>,
        %parallel_loop3A_604 = arith.constant 16 : i32
        %parallel_loop3A_605 = arith.muli %parallel_loop3A_591, %parallel_loop3A_604 : i32
        %parallel_loop3A_606 = arith.index_cast %parallel_loop3A_605 : i32 to index
        %parallel_loop3A_607 = tpu.vector_load %arg7[%parallel_loop3A_606] {strides = array<i32>} : memref<4096xi32, #tpu.memory_space<vmem>>, vector<16xi32>,
        %parallel_loop3A_608 = arith.addi %parallel_loop3A_607, %parallel_loop3A_594 : vector<16xi32>
        %parallel_loop3A_609 = arith.constant 16 : i32
        %parallel_loop3A_610 = arith.muli %parallel_loop3A_591, %parallel_loop3A_609 : i32
        %parallel_loop3A_611 = arith.index_cast %parallel_loop3A_610 : i32 to index
        %parallel_loop3A_612 = tpu.vector_load %arg7[%parallel_loop3A_611] {strides = array<i32>} : memref<4096xi32, #tpu.memory_space<vmem>>, vector<16xi32>,
        tpu.vector_store %arg7[%parallel_loop3A_611], %parallel_loop3A_608 {strides = array<i32>} : memref<4096xi32, #tpu.memory_space<vmem>>, vector<16xi32>,
        %parallel_loop3A_613 = arith.constant 16 : i32
        %parallel_loop3A_614 = arith.muli %parallel_loop3A_591, %parallel_loop3A_613 : i32
        %parallel_loop3A_615 = arith.index_cast %parallel_loop3A_614 : i32 to index
        %parallel_loop3A_616 = tpu.vector_load %arg8[%parallel_loop3A_615] {strides = array<i32>} : memref<4096xi32, #tpu.memory_space<vmem>>, vector<16xi32>,
        %parallel_loop3A_617 = arith.addi %parallel_loop3A_616, %parallel_loop3A_594 : vector<16xi32>
        %parallel_loop3A_618 = arith.constant 16 : i32
        %parallel_loop3A_619 = arith.muli %parallel_loop3A_591, %parallel_loop3A_618 : i32
        %parallel_loop3A_620 = arith.index_cast %parallel_loop3A_619 : i32 to index
        %parallel_loop3A_621 = tpu.vector_load %arg8[%parallel_loop3A_620] {strides = array<i32>} : memref<4096xi32, #tpu.memory_space<vmem>>, vector<16xi32>,
        tpu.vector_store %arg8[%parallel_loop3A_620], %parallel_loop3A_617 {strides = array<i32>} : memref<4096xi32, #tpu.memory_space<vmem>>, vector<16xi32>,
        %parallel_loop3A_622 = arith.constant 16 : i32
        %parallel_loop3A_623 = arith.muli %parallel_loop3A_591, %parallel_loop3A_622 : i32
        %parallel_loop3A_624 = arith.index_cast %parallel_loop3A_623 : i32 to index
        %parallel_loop3A_625 = tpu.vector_load %arg9[%parallel_loop3A_624] {strides = array<i32>} : memref<4096xi32, #tpu.memory_space<vmem>>, vector<16xi32>,
        %parallel_loop3A_626 = arith.addi %parallel_loop3A_625, %parallel_loop3A_594 : vector<16xi32>
        %parallel_loop3A_627 = arith.constant 16 : i32
        %parallel_loop3A_628 = arith.muli %parallel_loop3A_591, %parallel_loop3A_627 : i32
        %parallel_loop3A_629 = arith.index_cast %parallel_loop3A_628 : i32 to index
        %parallel_loop3A_630 = tpu.vector_load %arg9[%parallel_loop3A_629] {strides = array<i32>} : memref<4096xi32, #tpu.memory_space<vmem>>, vector<16xi32>,
        tpu.vector_store %arg9[%parallel_loop3A_629], %parallel_loop3A_626 {strides = array<i32>} : memref<4096xi32, #tpu.memory_space<vmem>>, vector<16xi32>,
        %parallel_loop3A_631 = arith.constant 16 : i32
        %parallel_loop3A_632 = arith.muli %parallel_loop3A_591, %parallel_loop3A_631 : i32
        %parallel_loop3A_633 = arith.index_cast %parallel_loop3A_632 : i32 to index
        %parallel_loop3A_634 = tpu.vector_load %arg10[%parallel_loop3A_633] {strides = array<i32>} : memref<4096xi32, #tpu.memory_space<vmem>>, vector<16xi32>,
        %parallel_loop3A_635 = arith.addi %parallel_loop3A_634, %parallel_loop3A_594 : vector<16xi32>
        %parallel_loop3A_636 = arith.constant 16 : i32
        %parallel_loop3A_637 = arith.muli %parallel_loop3A_591, %parallel_loop3A_636 : i32
        %parallel_loop3A_638 = arith.index_cast %parallel_loop3A_637 : i32 to index
        %parallel_loop3A_639 = tpu.vector_load %arg10[%parallel_loop3A_638] {strides = array<i32>} : memref<4096xi32, #tpu.memory_space<vmem>>, vector<16xi32>,
        tpu.vector_store %arg10[%parallel_loop3A_638], %parallel_loop3A_635 {strides = array<i32>} : memref<4096xi32, #tpu.memory_space<vmem>>, vector<16xi32>,
        %parallel_loop3A_640 = arith.constant 16 : i32
        %parallel_loop3A_641 = arith.muli %parallel_loop3A_591, %parallel_loop3A_640 : i32
        %parallel_loop3A_642 = arith.index_cast %parallel_loop3A_641 : i32 to index
        %parallel_loop3A_643 = tpu.vector_load %arg11[%parallel_loop3A_642] {strides = array<i32>} : memref<4096xi32, #tpu.memory_space<vmem>>, vector<16xi32>,
        %parallel_loop3A_644 = arith.addi %parallel_loop3A_643, %parallel_loop3A_594 : vector<16xi32>
        %parallel_loop3A_645 = arith.constant 16 : i32
        %parallel_loop3A_646 = arith.muli %parallel_loop3A_591, %parallel_loop3A_645 : i32
        %parallel_loop3A_647 = arith.index_cast %parallel_loop3A_646 : i32 to index
        %parallel_loop3A_648 = tpu.vector_load %arg11[%parallel_loop3A_647] {strides = array<i32>} : memref<4096xi32, #tpu.memory_space<vmem>>, vector<16xi32>,
        tpu.vector_store %arg11[%parallel_loop3A_647], %parallel_loop3A_644 {strides = array<i32>} : memref<4096xi32, #tpu.memory_space<vmem>>, vector<16xi32>,
        %parallel_loop3A_649 = arith.constant 16 : i32
        %parallel_loop3A_650 = arith.muli %parallel_loop3A_591, %parallel_loop3A_649 : i32
        %parallel_loop3A_651 = arith.index_cast %parallel_loop3A_650 : i32 to index
        %parallel_loop3A_652 = tpu.vector_load %arg12[%parallel_loop3A_651] {strides = array<i32>} : memref<4096xi32, #tpu.memory_space<vmem>>, vector<16xi32>,
        %parallel_loop3A_653 = arith.addi %parallel_loop3A_652, %parallel_loop3A_594 : vector<16xi32>
        %parallel_loop3A_654 = arith.constant 16 : i32
        %parallel_loop3A_655 = arith.muli %parallel_loop3A_591, %parallel_loop3A_654 : i32
        %parallel_loop3A_656 = arith.index_cast %parallel_loop3A_655 : i32 to index
        %parallel_loop3A_657 = tpu.vector_load %arg12[%parallel_loop3A_656] {strides = array<i32>} : memref<4096xi32, #tpu.memory_space<vmem>>, vector<16xi32>,
        tpu.vector_store %arg12[%parallel_loop3A_656], %parallel_loop3A_653 {strides = array<i32>} : memref<4096xi32, #tpu.memory_space<vmem>>, vector<16xi32>,
        %parallel_loop3A_658 = arith.constant 16 : i32
        %parallel_loop3A_659 = arith.muli %parallel_loop3A_591, %parallel_loop3A_658 : i32
        %parallel_loop3A_660 = arith.index_cast %parallel_loop3A_659 : i32 to index
        %parallel_loop3A_661 = tpu.vector_load %arg13[%parallel_loop3A_660] {strides = array<i32>} : memref<4096xi32, #tpu.memory_space<vmem>>, vector<16xi32>,
        %parallel_loop3A_662 = arith.addi %parallel_loop3A_661, %parallel_loop3A_594 : vector<16xi32>
        %parallel_loop3A_663 = arith.constant 16 : i32
        %parallel_loop3A_664 = arith.muli %parallel_loop3A_591, %parallel_loop3A_663 : i32
        %parallel_loop3A_665 = arith.index_cast %parallel_loop3A_664 : i32 to index
        %parallel_loop3A_666 = tpu.vector_load %arg13[%parallel_loop3A_665] {strides = array<i32>} : memref<4096xi32, #tpu.memory_space<vmem>>, vector<16xi32>,
        tpu.vector_store %arg13[%parallel_loop3A_665], %parallel_loop3A_662 {strides = array<i32>} : memref<4096xi32, #tpu.memory_space<vmem>>, vector<16xi32>,
      } {sc.loop_unroll_factor = 1 : i64, sc.parallel_access}
      %get3A = arith.constant 0 : index
      %get3A_31 = tpu.vector_load %arg4[%get3A] {strides = array<i32>} : memref<32768xf32, #tpu.memory_space<vmem>>, vector<16xf32>,
      %bitcast3A = vector.bitcast %get3A_31 : vector<16xf32> to vector<16xi32>
      %shift_right_arithmetic3A = arith.constant 31 : i32
      %shift_right_arithmetic3A_32 = vector.broadcast %shift_right_arithmetic3A : i32 to vector<16xi32>
      %shift_right_arithmetic3A_33 = arith.shrsi %bitcast3A, %shift_right_arithmetic3A_32 : vector<16xi32>
      %or3A = arith.constant -2147483648 : i32
      %or3A_34 = vector.broadcast %or3A : i32 to vector<16xi32>
      %or3A_35 = arith.ori %shift_right_arithmetic3A_33, %or3A_34 : vector<16xi32>
      %xor3A = arith.xori %bitcast3A, %or3A_35 : vector<16xi32>
      %get3A_36 = arith.constant 4096 : index
      %get3A_37 = tpu.vector_load %arg4[%get3A_36] {strides = array<i32>} : memref<32768xf32, #tpu.memory_space<vmem>>, vector<16xf32>,
      %bitcast3A_38 = vector.bitcast %get3A_37 : vector<16xf32> to vector<16xi32>
      %shift_right_arithmetic3A_39 = arith.constant 31 : i32
      %shift_right_arithmetic3A_40 = vector.broadcast %shift_right_arithmetic3A_39 : i32 to vector<16xi32>
      %shift_right_arithmetic3A_41 = arith.shrsi %bitcast3A_38, %shift_right_arithmetic3A_40 : vector<16xi32>
      %or3A_42 = arith.constant -2147483648 : i32
      %or3A_43 = vector.broadcast %or3A_42 : i32 to vector<16xi32>
      %or3A_44 = arith.ori %shift_right_arithmetic3A_41, %or3A_43 : vector<16xi32>
      %xor3A_45 = arith.xori %bitcast3A_38, %or3A_44 : vector<16xi32>
      %get3A_46 = arith.constant 8192 : index
      %get3A_47 = tpu.vector_load %arg4[%get3A_46] {strides = array<i32>} : memref<32768xf32, #tpu.memory_space<vmem>>, vector<16xf32>,
      %bitcast3A_48 = vector.bitcast %get3A_47 : vector<16xf32> to vector<16xi32>
      %shift_right_arithmetic3A_49 = arith.constant 31 : i32
      %shift_right_arithmetic3A_50 = vector.broadcast %shift_right_arithmetic3A_49 : i32 to vector<16xi32>
      %shift_right_arithmetic3A_51 = arith.shrsi %bitcast3A_48, %shift_right_arithmetic3A_50 : vector<16xi32>
      %or3A_52 = arith.constant -2147483648 : i32
      %or3A_53 = vector.broadcast %or3A_52 : i32 to vector<16xi32>
      %or3A_54 = arith.ori %shift_right_arithmetic3A_51, %or3A_53 : vector<16xi32>
      %xor3A_55 = arith.xori %bitcast3A_48, %or3A_54 : vector<16xi32>
      %get3A_56 = arith.constant 12288 : index
      %get3A_57 = tpu.vector_load %arg4[%get3A_56] {strides = array<i32>} : memref<32768xf32, #tpu.memory_space<vmem>>, vector<16xf32>,
      %bitcast3A_58 = vector.bitcast %get3A_57 : vector<16xf32> to vector<16xi32>
      %shift_right_arithmetic3A_59 = arith.constant 31 : i32
      %shift_right_arithmetic3A_60 = vector.broadcast %shift_right_arithmetic3A_59 : i32 to vector<16xi32>
      %shift_right_arithmetic3A_61 = arith.shrsi %bitcast3A_58, %shift_right_arithmetic3A_60 : vector<16xi32>
      %or3A_62 = arith.constant -2147483648 : i32
      %or3A_63 = vector.broadcast %or3A_62 : i32 to vector<16xi32>
      %or3A_64 = arith.ori %shift_right_arithmetic3A_61, %or3A_63 : vector<16xi32>
      %xor3A_65 = arith.xori %bitcast3A_58, %or3A_64 : vector<16xi32>
      %get3A_66 = arith.constant 16384 : index
      %get3A_67 = tpu.vector_load %arg4[%get3A_66] {strides = array<i32>} : memref<32768xf32, #tpu.memory_space<vmem>>, vector<16xf32>,
      %bitcast3A_68 = vector.bitcast %get3A_67 : vector<16xf32> to vector<16xi32>
      %shift_right_arithmetic3A_69 = arith.constant 31 : i32
      %shift_right_arithmetic3A_70 = vector.broadcast %shift_right_arithmetic3A_69 : i32 to vector<16xi32>
      %shift_right_arithmetic3A_71 = arith.shrsi %bitcast3A_68, %shift_right_arithmetic3A_70 : vector<16xi32>
      %or3A_72 = arith.constant -2147483648 : i32
      %or3A_73 = vector.broadcast %or3A_72 : i32 to vector<16xi32>
      %or3A_74 = arith.ori %shift_right_arithmetic3A_71, %or3A_73 : vector<16xi32>
      %xor3A_75 = arith.xori %bitcast3A_68, %or3A_74 : vector<16xi32>
      %get3A_76 = arith.constant 20480 : index
      %get3A_77 = tpu.vector_load %arg4[%get3A_76] {strides = array<i32>} : memref<32768xf32, #tpu.memory_space<vmem>>, vector<16xf32>,
      %bitcast3A_78 = vector.bitcast %get3A_77 : vector<16xf32> to vector<16xi32>
      %shift_right_arithmetic3A_79 = arith.constant 31 : i32
      %shift_right_arithmetic3A_80 = vector.broadcast %shift_right_arithmetic3A_79 : i32 to vector<16xi32>
      %shift_right_arithmetic3A_81 = arith.shrsi %bitcast3A_78, %shift_right_arithmetic3A_80 : vector<16xi32>
      %or3A_82 = arith.constant -2147483648 : i32
      %or3A_83 = vector.broadcast %or3A_82 : i32 to vector<16xi32>
      %or3A_84 = arith.ori %shift_right_arithmetic3A_81, %or3A_83 : vector<16xi32>
      %xor3A_85 = arith.xori %bitcast3A_78, %or3A_84 : vector<16xi32>
      %get3A_86 = arith.constant 24576 : index
      %get3A_87 = tpu.vector_load %arg4[%get3A_86] {strides = array<i32>} : memref<32768xf32, #tpu.memory_space<vmem>>, vector<16xf32>,
      %bitcast3A_88 = vector.bitcast %get3A_87 : vector<16xf32> to vector<16xi32>
      %shift_right_arithmetic3A_89 = arith.constant 31 : i32
      %shift_right_arithmetic3A_90 = vector.broadcast %shift_right_arithmetic3A_89 : i32 to vector<16xi32>
      %shift_right_arithmetic3A_91 = arith.shrsi %bitcast3A_88, %shift_right_arithmetic3A_90 : vector<16xi32>
      %or3A_92 = arith.constant -2147483648 : i32
      %or3A_93 = vector.broadcast %or3A_92 : i32 to vector<16xi32>
      %or3A_94 = arith.ori %shift_right_arithmetic3A_91, %or3A_93 : vector<16xi32>
      %xor3A_95 = arith.xori %bitcast3A_88, %or3A_94 : vector<16xi32>
      %get3A_96 = arith.constant 28672 : index
      %get3A_97 = tpu.vector_load %arg4[%get3A_96] {strides = array<i32>} : memref<32768xf32, #tpu.memory_space<vmem>>, vector<16xf32>,
      %bitcast3A_98 = vector.bitcast %get3A_97 : vector<16xf32> to vector<16xi32>
      %shift_right_arithmetic3A_99 = arith.constant 31 : i32
      %shift_right_arithmetic3A_100 = vector.broadcast %shift_right_arithmetic3A_99 : i32 to vector<16xi32>
      %shift_right_arithmetic3A_101 = arith.shrsi %bitcast3A_98, %shift_right_arithmetic3A_100 : vector<16xi32>
      %or3A_102 = arith.constant -2147483648 : i32
      %or3A_103 = vector.broadcast %or3A_102 : i32 to vector<16xi32>
      %or3A_104 = arith.ori %shift_right_arithmetic3A_101, %or3A_103 : vector<16xi32>
      %xor3A_105 = arith.xori %bitcast3A_98, %or3A_104 : vector<16xi32>
      %shift_right_logical3A = arith.constant 0 : i32
      %shift_right_logical3A_106 = vector.broadcast %shift_right_logical3A : i32 to vector<16xi32>
      %shift_right_logical3A_107 = arith.shrui %xor3A, %shift_right_logical3A_106 : vector<16xi32>
      %and3A = arith.constant 255 : i32
      %and3A_108 = vector.broadcast %and3A : i32 to vector<16xi32>
      %and3A_109 = arith.andi %shift_right_logical3A_107, %and3A_108 : vector<16xi32>
      %shift_left3A = arith.constant 4 : i32
      %shift_left3A_110 = vector.broadcast %shift_left3A : i32 to vector<16xi32>
      %shift_left3A_111 = arith.shli %and3A_109, %shift_left3A_110 : vector<16xi32>
      %or3A_112 = arith.ori %shift_left3A_111, %iota3A : vector<16xi32>
      %shift_right_logical3A_113 = arith.constant 0 : i32
      %shift_right_logical3A_114 = vector.broadcast %shift_right_logical3A_113 : i32 to vector<16xi32>
      %shift_right_logical3A_115 = arith.shrui %xor3A_45, %shift_right_logical3A_114 : vector<16xi32>
      %and3A_116 = arith.constant 255 : i32
      %and3A_117 = vector.broadcast %and3A_116 : i32 to vector<16xi32>
      %and3A_118 = arith.andi %shift_right_logical3A_115, %and3A_117 : vector<16xi32>
      %shift_left3A_119 = arith.constant 4 : i32
      %shift_left3A_120 = vector.broadcast %shift_left3A_119 : i32 to vector<16xi32>
      %shift_left3A_121 = arith.shli %and3A_118, %shift_left3A_120 : vector<16xi32>
      %or3A_122 = arith.ori %shift_left3A_121, %iota3A : vector<16xi32>
      %shift_right_logical3A_123 = arith.constant 0 : i32
      %shift_right_logical3A_124 = vector.broadcast %shift_right_logical3A_123 : i32 to vector<16xi32>
      %shift_right_logical3A_125 = arith.shrui %xor3A_55, %shift_right_logical3A_124 : vector<16xi32>
      %and3A_126 = arith.constant 255 : i32
      %and3A_127 = vector.broadcast %and3A_126 : i32 to vector<16xi32>
      %and3A_128 = arith.andi %shift_right_logical3A_125, %and3A_127 : vector<16xi32>
      %shift_left3A_129 = arith.constant 4 : i32
      %shift_left3A_130 = vector.broadcast %shift_left3A_129 : i32 to vector<16xi32>
      %shift_left3A_131 = arith.shli %and3A_128, %shift_left3A_130 : vector<16xi32>
      %or3A_132 = arith.ori %shift_left3A_131, %iota3A : vector<16xi32>
      %shift_right_logical3A_133 = arith.constant 0 : i32
      %shift_right_logical3A_134 = vector.broadcast %shift_right_logical3A_133 : i32 to vector<16xi32>
      %shift_right_logical3A_135 = arith.shrui %xor3A_65, %shift_right_logical3A_134 : vector<16xi32>
      %and3A_136 = arith.constant 255 : i32
      %and3A_137 = vector.broadcast %and3A_136 : i32 to vector<16xi32>
      %and3A_138 = arith.andi %shift_right_logical3A_135, %and3A_137 : vector<16xi32>
      %shift_left3A_139 = arith.constant 4 : i32
      %shift_left3A_140 = vector.broadcast %shift_left3A_139 : i32 to vector<16xi32>
      %shift_left3A_141 = arith.shli %and3A_138, %shift_left3A_140 : vector<16xi32>
      %or3A_142 = arith.ori %shift_left3A_141, %iota3A : vector<16xi32>
      %shift_right_logical3A_143 = arith.constant 0 : i32
      %shift_right_logical3A_144 = vector.broadcast %shift_right_logical3A_143 : i32 to vector<16xi32>
      %shift_right_logical3A_145 = arith.shrui %xor3A_75, %shift_right_logical3A_144 : vector<16xi32>
      %and3A_146 = arith.constant 255 : i32
      %and3A_147 = vector.broadcast %and3A_146 : i32 to vector<16xi32>
      %and3A_148 = arith.andi %shift_right_logical3A_145, %and3A_147 : vector<16xi32>
      %shift_left3A_149 = arith.constant 4 : i32
      %shift_left3A_150 = vector.broadcast %shift_left3A_149 : i32 to vector<16xi32>
      %shift_left3A_151 = arith.shli %and3A_148, %shift_left3A_150 : vector<16xi32>
      %or3A_152 = arith.ori %shift_left3A_151, %iota3A : vector<16xi32>
      %shift_right_logical3A_153 = arith.constant 0 : i32
      %shift_right_logical3A_154 = vector.broadcast %shift_right_logical3A_153 : i32 to vector<16xi32>
      %shift_right_logical3A_155 = arith.shrui %xor3A_85, %shift_right_logical3A_154 : vector<16xi32>
      %and3A_156 = arith.constant 255 : i32
      %and3A_157 = vector.broadcast %and3A_156 : i32 to vector<16xi32>
      %and3A_158 = arith.andi %shift_right_logical3A_155, %and3A_157 : vector<16xi32>
      %shift_left3A_159 = arith.constant 4 : i32
      %shift_left3A_160 = vector.broadcast %shift_left3A_159 : i32 to vector<16xi32>
      %shift_left3A_161 = arith.shli %and3A_158, %shift_left3A_160 : vector<16xi32>
      %or3A_162 = arith.ori %shift_left3A_161, %iota3A : vector<16xi32>
      %shift_right_logical3A_163 = arith.constant 0 : i32
      %shift_right_logical3A_164 = vector.broadcast %shift_right_logical3A_163 : i32 to vector<16xi32>
      %shift_right_logical3A_165 = arith.shrui %xor3A_95, %shift_right_logical3A_164 : vector<16xi32>
      %and3A_166 = arith.constant 255 : i32
      %and3A_167 = vector.broadcast %and3A_166 : i32 to vector<16xi32>
      %and3A_168 = arith.andi %shift_right_logical3A_165, %and3A_167 : vector<16xi32>
      %shift_left3A_169 = arith.constant 4 : i32
      %shift_left3A_170 = vector.broadcast %shift_left3A_169 : i32 to vector<16xi32>
      %shift_left3A_171 = arith.shli %and3A_168, %shift_left3A_170 : vector<16xi32>
      %or3A_172 = arith.ori %shift_left3A_171, %iota3A : vector<16xi32>
      %shift_right_logical3A_173 = arith.constant 0 : i32
      %shift_right_logical3A_174 = vector.broadcast %shift_right_logical3A_173 : i32 to vector<16xi32>
      %shift_right_logical3A_175 = arith.shrui %xor3A_105, %shift_right_logical3A_174 : vector<16xi32>
      %and3A_176 = arith.constant 255 : i32
      %and3A_177 = vector.broadcast %and3A_176 : i32 to vector<16xi32>
      %and3A_178 = arith.andi %shift_right_logical3A_175, %and3A_177 : vector<16xi32>
      %shift_left3A_179 = arith.constant 4 : i32
      %shift_left3A_180 = vector.broadcast %shift_left3A_179 : i32 to vector<16xi32>
      %shift_left3A_181 = arith.shli %and3A_178, %shift_left3A_180 : vector<16xi32>
      %or3A_182 = arith.ori %shift_left3A_181, %iota3A : vector<16xi32>
      %scan3A_183 = arith.constant 0 : i32
      %scan3A_184 = arith.constant 256 : i32
      %scan3A_185 = arith.addi %scan3A_183, %scan3A_184 : i32
      %scan3A_186 = arith.constant 1 : i32
      %scan3A_187:16 = scf.for %scan3A_591 = %scan3A_183 to %scan3A_185 step %scan3A_186 iter_args(%scan3A_592 = %xor3A, %scan3A_593 = %xor3A_45, %scan3A_594 = %xor3A_55, %scan3A_595 = %xor3A_65, %scan3A_596 = %xor3A_75, %scan3A_597 = %xor3A_85, %scan3A_598 = %xor3A_95, %scan3A_599 = %xor3A_105, %scan3A_600 = %or3A_112, %scan3A_601 = %or3A_122, %scan3A_602 = %or3A_132, %scan3A_603 = %or3A_142, %scan3A_604 = %or3A_152, %scan3A_605 = %or3A_162, %scan3A_606 = %or3A_172, %scan3A_607 = %or3A_182) -> (vector<16xi32>, vector<16xi32>, vector<16xi32>, vector<16xi32>, vector<16xi32>, vector<16xi32>, vector<16xi32>, vector<16xi32>, vector<16xi32>, vector<16xi32>, vector<16xi32>, vector<16xi32>, vector<16xi32>, vector<16xi32>, vector<16xi32>, vector<16xi32>)  : i32 {
        %add3A_608 = arith.constant 1 : i32
        %add3A_609 = arith.addi %scan3A_591, %add3A_608 : i32
        %min3A = arith.constant 255 : i32
        %min3A_610 = arith.minsi %add3A_609, %min3A : i32
        %add3A_611 = arith.constant 0 : i32
        %add3A_612 = arith.addi %add3A_611, %min3A_610 : i32
        %mul3A_613 = arith.constant 16 : i32
        %mul3A_614 = arith.muli %add3A_612, %mul3A_613 : i32
        %get3A_615 = arith.index_cast %mul3A_614 : i32 to index
        %get3A_616 = tpu.vector_load %arg4[%get3A_615] {strides = array<i32>} : memref<32768xf32, #tpu.memory_space<vmem>>, vector<16xf32>,
        %bitcast3A_617 = vector.bitcast %get3A_616 : vector<16xf32> to vector<16xi32>
        %shift_right_arithmetic3A_618 = arith.constant 31 : i32
        %shift_right_arithmetic3A_619 = vector.broadcast %shift_right_arithmetic3A_618 : i32 to vector<16xi32>
        %shift_right_arithmetic3A_620 = arith.shrsi %bitcast3A_617, %shift_right_arithmetic3A_619 : vector<16xi32>
        %or3A_621 = arith.constant -2147483648 : i32
        %or3A_622 = vector.broadcast %or3A_621 : i32 to vector<16xi32>
        %or3A_623 = arith.ori %shift_right_arithmetic3A_620, %or3A_622 : vector<16xi32>
        %xor3A_624 = arith.xori %bitcast3A_617, %or3A_623 : vector<16xi32>
        %add3A_625 = arith.constant 256 : i32
        %add3A_626 = arith.addi %add3A_625, %min3A_610 : i32
        %mul3A_627 = arith.constant 16 : i32
        %mul3A_628 = arith.muli %add3A_626, %mul3A_627 : i32
        %get3A_629 = arith.index_cast %mul3A_628 : i32 to index
        %get3A_630 = tpu.vector_load %arg4[%get3A_629] {strides = array<i32>} : memref<32768xf32, #tpu.memory_space<vmem>>, vector<16xf32>,
        %bitcast3A_631 = vector.bitcast %get3A_630 : vector<16xf32> to vector<16xi32>
        %shift_right_arithmetic3A_632 = arith.constant 31 : i32
        %shift_right_arithmetic3A_633 = vector.broadcast %shift_right_arithmetic3A_632 : i32 to vector<16xi32>
        %shift_right_arithmetic3A_634 = arith.shrsi %bitcast3A_631, %shift_right_arithmetic3A_633 : vector<16xi32>
        %or3A_635 = arith.constant -2147483648 : i32
        %or3A_636 = vector.broadcast %or3A_635 : i32 to vector<16xi32>
        %or3A_637 = arith.ori %shift_right_arithmetic3A_634, %or3A_636 : vector<16xi32>
        %xor3A_638 = arith.xori %bitcast3A_631, %or3A_637 : vector<16xi32>
        %add3A_639 = arith.constant 512 : i32
        %add3A_640 = arith.addi %add3A_639, %min3A_610 : i32
        %mul3A_641 = arith.constant 16 : i32
        %mul3A_642 = arith.muli %add3A_640, %mul3A_641 : i32
        %get3A_643 = arith.index_cast %mul3A_642 : i32 to index
        %get3A_644 = tpu.vector_load %arg4[%get3A_643] {strides = array<i32>} : memref<32768xf32, #tpu.memory_space<vmem>>, vector<16xf32>,
        %bitcast3A_645 = vector.bitcast %get3A_644 : vector<16xf32> to vector<16xi32>
        %shift_right_arithmetic3A_646 = arith.constant 31 : i32
        %shift_right_arithmetic3A_647 = vector.broadcast %shift_right_arithmetic3A_646 : i32 to vector<16xi32>
        %shift_right_arithmetic3A_648 = arith.shrsi %bitcast3A_645, %shift_right_arithmetic3A_647 : vector<16xi32>
        %or3A_649 = arith.constant -2147483648 : i32
        %or3A_650 = vector.broadcast %or3A_649 : i32 to vector<16xi32>
        %or3A_651 = arith.ori %shift_right_arithmetic3A_648, %or3A_650 : vector<16xi32>
        %xor3A_652 = arith.xori %bitcast3A_645, %or3A_651 : vector<16xi32>
        %add3A_653 = arith.constant 768 : i32
        %add3A_654 = arith.addi %add3A_653, %min3A_610 : i32
        %mul3A_655 = arith.constant 16 : i32
        %mul3A_656 = arith.muli %add3A_654, %mul3A_655 : i32
        %get3A_657 = arith.index_cast %mul3A_656 : i32 to index
        %get3A_658 = tpu.vector_load %arg4[%get3A_657] {strides = array<i32>} : memref<32768xf32, #tpu.memory_space<vmem>>, vector<16xf32>,
        %bitcast3A_659 = vector.bitcast %get3A_658 : vector<16xf32> to vector<16xi32>
        %shift_right_arithmetic3A_660 = arith.constant 31 : i32
        %shift_right_arithmetic3A_661 = vector.broadcast %shift_right_arithmetic3A_660 : i32 to vector<16xi32>
        %shift_right_arithmetic3A_662 = arith.shrsi %bitcast3A_659, %shift_right_arithmetic3A_661 : vector<16xi32>
        %or3A_663 = arith.constant -2147483648 : i32
        %or3A_664 = vector.broadcast %or3A_663 : i32 to vector<16xi32>
        %or3A_665 = arith.ori %shift_right_arithmetic3A_662, %or3A_664 : vector<16xi32>
        %xor3A_666 = arith.xori %bitcast3A_659, %or3A_665 : vector<16xi32>
        %add3A_667 = arith.constant 1024 : i32
        %add3A_668 = arith.addi %add3A_667, %min3A_610 : i32
        %mul3A_669 = arith.constant 16 : i32
        %mul3A_670 = arith.muli %add3A_668, %mul3A_669 : i32
        %get3A_671 = arith.index_cast %mul3A_670 : i32 to index
        %get3A_672 = tpu.vector_load %arg4[%get3A_671] {strides = array<i32>} : memref<32768xf32, #tpu.memory_space<vmem>>, vector<16xf32>,
        %bitcast3A_673 = vector.bitcast %get3A_672 : vector<16xf32> to vector<16xi32>
        %shift_right_arithmetic3A_674 = arith.constant 31 : i32
        %shift_right_arithmetic3A_675 = vector.broadcast %shift_right_arithmetic3A_674 : i32 to vector<16xi32>
        %shift_right_arithmetic3A_676 = arith.shrsi %bitcast3A_673, %shift_right_arithmetic3A_675 : vector<16xi32>
        %or3A_677 = arith.constant -2147483648 : i32
        %or3A_678 = vector.broadcast %or3A_677 : i32 to vector<16xi32>
        %or3A_679 = arith.ori %shift_right_arithmetic3A_676, %or3A_678 : vector<16xi32>
        %xor3A_680 = arith.xori %bitcast3A_673, %or3A_679 : vector<16xi32>
        %add3A_681 = arith.constant 1280 : i32
        %add3A_682 = arith.addi %add3A_681, %min3A_610 : i32
        %mul3A_683 = arith.constant 16 : i32
        %mul3A_684 = arith.muli %add3A_682, %mul3A_683 : i32
        %get3A_685 = arith.index_cast %mul3A_684 : i32 to index
        %get3A_686 = tpu.vector_load %arg4[%get3A_685] {strides = array<i32>} : memref<32768xf32, #tpu.memory_space<vmem>>, vector<16xf32>,
        %bitcast3A_687 = vector.bitcast %get3A_686 : vector<16xf32> to vector<16xi32>
        %shift_right_arithmetic3A_688 = arith.constant 31 : i32
        %shift_right_arithmetic3A_689 = vector.broadcast %shift_right_arithmetic3A_688 : i32 to vector<16xi32>
        %shift_right_arithmetic3A_690 = arith.shrsi %bitcast3A_687, %shift_right_arithmetic3A_689 : vector<16xi32>
        %or3A_691 = arith.constant -2147483648 : i32
        %or3A_692 = vector.broadcast %or3A_691 : i32 to vector<16xi32>
        %or3A_693 = arith.ori %shift_right_arithmetic3A_690, %or3A_692 : vector<16xi32>
        %xor3A_694 = arith.xori %bitcast3A_687, %or3A_693 : vector<16xi32>
        %add3A_695 = arith.constant 1536 : i32
        %add3A_696 = arith.addi %add3A_695, %min3A_610 : i32
        %mul3A_697 = arith.constant 16 : i32
        %mul3A_698 = arith.muli %add3A_696, %mul3A_697 : i32
        %get3A_699 = arith.index_cast %mul3A_698 : i32 to index
        %get3A_700 = tpu.vector_load %arg4[%get3A_699] {strides = array<i32>} : memref<32768xf32, #tpu.memory_space<vmem>>, vector<16xf32>,
        %bitcast3A_701 = vector.bitcast %get3A_700 : vector<16xf32> to vector<16xi32>
        %shift_right_arithmetic3A_702 = arith.constant 31 : i32
        %shift_right_arithmetic3A_703 = vector.broadcast %shift_right_arithmetic3A_702 : i32 to vector<16xi32>
        %shift_right_arithmetic3A_704 = arith.shrsi %bitcast3A_701, %shift_right_arithmetic3A_703 : vector<16xi32>
        %or3A_705 = arith.constant -2147483648 : i32
        %or3A_706 = vector.broadcast %or3A_705 : i32 to vector<16xi32>
        %or3A_707 = arith.ori %shift_right_arithmetic3A_704, %or3A_706 : vector<16xi32>
        %xor3A_708 = arith.xori %bitcast3A_701, %or3A_707 : vector<16xi32>
        %add3A_709 = arith.constant 1792 : i32
        %add3A_710 = arith.addi %add3A_709, %min3A_610 : i32
        %mul3A_711 = arith.constant 16 : i32
        %mul3A_712 = arith.muli %add3A_710, %mul3A_711 : i32
        %get3A_713 = arith.index_cast %mul3A_712 : i32 to index
        %get3A_714 = tpu.vector_load %arg4[%get3A_713] {strides = array<i32>} : memref<32768xf32, #tpu.memory_space<vmem>>, vector<16xf32>,
        %bitcast3A_715 = vector.bitcast %get3A_714 : vector<16xf32> to vector<16xi32>
        %shift_right_arithmetic3A_716 = arith.constant 31 : i32
        %shift_right_arithmetic3A_717 = vector.broadcast %shift_right_arithmetic3A_716 : i32 to vector<16xi32>
        %shift_right_arithmetic3A_718 = arith.shrsi %bitcast3A_715, %shift_right_arithmetic3A_717 : vector<16xi32>
        %or3A_719 = arith.constant -2147483648 : i32
        %or3A_720 = vector.broadcast %or3A_719 : i32 to vector<16xi32>
        %or3A_721 = arith.ori %shift_right_arithmetic3A_718, %or3A_720 : vector<16xi32>
        %xor3A_722 = arith.xori %bitcast3A_715, %or3A_721 : vector<16xi32>
        %shift_right_logical3A_723 = arith.constant 0 : i32
        %shift_right_logical3A_724 = vector.broadcast %shift_right_logical3A_723 : i32 to vector<16xi32>
        %shift_right_logical3A_725 = arith.shrui %xor3A_624, %shift_right_logical3A_724 : vector<16xi32>
        %and3A_726 = arith.constant 255 : i32
        %and3A_727 = vector.broadcast %and3A_726 : i32 to vector<16xi32>
        %and3A_728 = arith.andi %shift_right_logical3A_725, %and3A_727 : vector<16xi32>
        %shift_left3A_729 = arith.constant 4 : i32
        %shift_left3A_730 = vector.broadcast %shift_left3A_729 : i32 to vector<16xi32>
        %shift_left3A_731 = arith.shli %and3A_728, %shift_left3A_730 : vector<16xi32>
        %or3A_732 = arith.ori %shift_left3A_731, %iota3A : vector<16xi32>
        %shift_right_logical3A_733 = arith.constant 0 : i32
        %shift_right_logical3A_734 = vector.broadcast %shift_right_logical3A_733 : i32 to vector<16xi32>
        %shift_right_logical3A_735 = arith.shrui %xor3A_638, %shift_right_logical3A_734 : vector<16xi32>
        %and3A_736 = arith.constant 255 : i32
        %and3A_737 = vector.broadcast %and3A_736 : i32 to vector<16xi32>
        %and3A_738 = arith.andi %shift_right_logical3A_735, %and3A_737 : vector<16xi32>
        %shift_left3A_739 = arith.constant 4 : i32
        %shift_left3A_740 = vector.broadcast %shift_left3A_739 : i32 to vector<16xi32>
        %shift_left3A_741 = arith.shli %and3A_738, %shift_left3A_740 : vector<16xi32>
        %or3A_742 = arith.ori %shift_left3A_741, %iota3A : vector<16xi32>
        %shift_right_logical3A_743 = arith.constant 0 : i32
        %shift_right_logical3A_744 = vector.broadcast %shift_right_logical3A_743 : i32 to vector<16xi32>
        %shift_right_logical3A_745 = arith.shrui %xor3A_652, %shift_right_logical3A_744 : vector<16xi32>
        %and3A_746 = arith.constant 255 : i32
        %and3A_747 = vector.broadcast %and3A_746 : i32 to vector<16xi32>
        %and3A_748 = arith.andi %shift_right_logical3A_745, %and3A_747 : vector<16xi32>
        %shift_left3A_749 = arith.constant 4 : i32
        %shift_left3A_750 = vector.broadcast %shift_left3A_749 : i32 to vector<16xi32>
        %shift_left3A_751 = arith.shli %and3A_748, %shift_left3A_750 : vector<16xi32>
        %or3A_752 = arith.ori %shift_left3A_751, %iota3A : vector<16xi32>
        %shift_right_logical3A_753 = arith.constant 0 : i32
        %shift_right_logical3A_754 = vector.broadcast %shift_right_logical3A_753 : i32 to vector<16xi32>
        %shift_right_logical3A_755 = arith.shrui %xor3A_666, %shift_right_logical3A_754 : vector<16xi32>
        %and3A_756 = arith.constant 255 : i32
        %and3A_757 = vector.broadcast %and3A_756 : i32 to vector<16xi32>
        %and3A_758 = arith.andi %shift_right_logical3A_755, %and3A_757 : vector<16xi32>
        %shift_left3A_759 = arith.constant 4 : i32
        %shift_left3A_760 = vector.broadcast %shift_left3A_759 : i32 to vector<16xi32>
        %shift_left3A_761 = arith.shli %and3A_758, %shift_left3A_760 : vector<16xi32>
        %or3A_762 = arith.ori %shift_left3A_761, %iota3A : vector<16xi32>
        %shift_right_logical3A_763 = arith.constant 0 : i32
        %shift_right_logical3A_764 = vector.broadcast %shift_right_logical3A_763 : i32 to vector<16xi32>
        %shift_right_logical3A_765 = arith.shrui %xor3A_680, %shift_right_logical3A_764 : vector<16xi32>
        %and3A_766 = arith.constant 255 : i32
        %and3A_767 = vector.broadcast %and3A_766 : i32 to vector<16xi32>
        %and3A_768 = arith.andi %shift_right_logical3A_765, %and3A_767 : vector<16xi32>
        %shift_left3A_769 = arith.constant 4 : i32
        %shift_left3A_770 = vector.broadcast %shift_left3A_769 : i32 to vector<16xi32>
        %shift_left3A_771 = arith.shli %and3A_768, %shift_left3A_770 : vector<16xi32>
        %or3A_772 = arith.ori %shift_left3A_771, %iota3A : vector<16xi32>
        %shift_right_logical3A_773 = arith.constant 0 : i32
        %shift_right_logical3A_774 = vector.broadcast %shift_right_logical3A_773 : i32 to vector<16xi32>
        %shift_right_logical3A_775 = arith.shrui %xor3A_694, %shift_right_logical3A_774 : vector<16xi32>
        %and3A_776 = arith.constant 255 : i32
        %and3A_777 = vector.broadcast %and3A_776 : i32 to vector<16xi32>
        %and3A_778 = arith.andi %shift_right_logical3A_775, %and3A_777 : vector<16xi32>
        %shift_left3A_779 = arith.constant 4 : i32
        %shift_left3A_780 = vector.broadcast %shift_left3A_779 : i32 to vector<16xi32>
        %shift_left3A_781 = arith.shli %and3A_778, %shift_left3A_780 : vector<16xi32>
        %or3A_782 = arith.ori %shift_left3A_781, %iota3A : vector<16xi32>
        %shift_right_logical3A_783 = arith.constant 0 : i32
        %shift_right_logical3A_784 = vector.broadcast %shift_right_logical3A_783 : i32 to vector<16xi32>
        %shift_right_logical3A_785 = arith.shrui %xor3A_708, %shift_right_logical3A_784 : vector<16xi32>
        %and3A_786 = arith.constant 255 : i32
        %and3A_787 = vector.broadcast %and3A_786 : i32 to vector<16xi32>
        %and3A_788 = arith.andi %shift_right_logical3A_785, %and3A_787 : vector<16xi32>
        %shift_left3A_789 = arith.constant 4 : i32
        %shift_left3A_790 = vector.broadcast %shift_left3A_789 : i32 to vector<16xi32>
        %shift_left3A_791 = arith.shli %and3A_788, %shift_left3A_790 : vector<16xi32>
        %or3A_792 = arith.ori %shift_left3A_791, %iota3A : vector<16xi32>
        %shift_right_logical3A_793 = arith.constant 0 : i32
        %shift_right_logical3A_794 = vector.broadcast %shift_right_logical3A_793 : i32 to vector<16xi32>
        %shift_right_logical3A_795 = arith.shrui %xor3A_722, %shift_right_logical3A_794 : vector<16xi32>
        %and3A_796 = arith.constant 255 : i32
        %and3A_797 = vector.broadcast %and3A_796 : i32 to vector<16xi32>
        %and3A_798 = arith.andi %shift_right_logical3A_795, %and3A_797 : vector<16xi32>
        %shift_left3A_799 = arith.constant 4 : i32
        %shift_left3A_800 = vector.broadcast %shift_left3A_799 : i32 to vector<16xi32>
        %shift_left3A_801 = arith.shli %and3A_798, %shift_left3A_800 : vector<16xi32>
        %or3A_802 = arith.ori %shift_left3A_801, %iota3A : vector<16xi32>
        %gather3A = tpu.vector_load_idx %arg6[%scan3A_600] : memref<4096xi32, #tpu.memory_space<vmem>>[vector<16xi32>], vector<16xi32>,
        %gather3A_803 = tpu.vector_load_idx %arg7[%scan3A_601] : memref<4096xi32, #tpu.memory_space<vmem>>[vector<16xi32>], vector<16xi32>,
        %gather3A_804 = tpu.vector_load_idx %arg8[%scan3A_602] : memref<4096xi32, #tpu.memory_space<vmem>>[vector<16xi32>], vector<16xi32>,
        %gather3A_805 = tpu.vector_load_idx %arg9[%scan3A_603] : memref<4096xi32, #tpu.memory_space<vmem>>[vector<16xi32>], vector<16xi32>,
        %gather3A_806 = tpu.vector_load_idx %arg10[%scan3A_604] : memref<4096xi32, #tpu.memory_space<vmem>>[vector<16xi32>], vector<16xi32>,
        %gather3A_807 = tpu.vector_load_idx %arg11[%scan3A_605] : memref<4096xi32, #tpu.memory_space<vmem>>[vector<16xi32>], vector<16xi32>,
        %gather3A_808 = tpu.vector_load_idx %arg12[%scan3A_606] : memref<4096xi32, #tpu.memory_space<vmem>>[vector<16xi32>], vector<16xi32>,
        %gather3A_809 = tpu.vector_load_idx %arg13[%scan3A_607] : memref<4096xi32, #tpu.memory_space<vmem>>[vector<16xi32>], vector<16xi32>,
        tpu.vector_store_idx %arg6[%scan3A_600], %broadcast_in_dim3A_10 {add = true} : memref<4096xi32, #tpu.memory_space<vmem>>[vector<16xi32>], vector<16xi32>,
        tpu.vector_store_idx %arg7[%scan3A_601], %broadcast_in_dim3A_10 {add = true} : memref<4096xi32, #tpu.memory_space<vmem>>[vector<16xi32>], vector<16xi32>,
        tpu.vector_store_idx %arg8[%scan3A_602], %broadcast_in_dim3A_10 {add = true} : memref<4096xi32, #tpu.memory_space<vmem>>[vector<16xi32>], vector<16xi32>,
        tpu.vector_store_idx %arg9[%scan3A_603], %broadcast_in_dim3A_10 {add = true} : memref<4096xi32, #tpu.memory_space<vmem>>[vector<16xi32>], vector<16xi32>,
        tpu.vector_store_idx %arg10[%scan3A_604], %broadcast_in_dim3A_10 {add = true} : memref<4096xi32, #tpu.memory_space<vmem>>[vector<16xi32>], vector<16xi32>,
        tpu.vector_store_idx %arg11[%scan3A_605], %broadcast_in_dim3A_10 {add = true} : memref<4096xi32, #tpu.memory_space<vmem>>[vector<16xi32>], vector<16xi32>,
        tpu.vector_store_idx %arg12[%scan3A_606], %broadcast_in_dim3A_10 {add = true} : memref<4096xi32, #tpu.memory_space<vmem>>[vector<16xi32>], vector<16xi32>,
        tpu.vector_store_idx %arg13[%scan3A_607], %broadcast_in_dim3A_10 {add = true} : memref<4096xi32, #tpu.memory_space<vmem>>[vector<16xi32>], vector<16xi32>,
        %and3A_810 = arith.constant 2047 : i32
        %and3A_811 = vector.broadcast %and3A_810 : i32 to vector<16xi32>
        %and3A_812 = arith.andi %gather3A, %and3A_811 : vector<16xi32>
        %shift_left3A_813 = arith.constant 4 : i32
        %shift_left3A_814 = vector.broadcast %shift_left3A_813 : i32 to vector<16xi32>
        %shift_left3A_815 = arith.shli %and3A_812, %shift_left3A_814 : vector<16xi32>
        %shift_right_logical3A_816 = arith.constant 11 : i32
        %shift_right_logical3A_817 = vector.broadcast %shift_right_logical3A_816 : i32 to vector<16xi32>
        %shift_right_logical3A_818 = arith.shrui %gather3A, %shift_right_logical3A_817 : vector<16xi32>
        %or3A_819 = arith.ori %shift_left3A_815, %shift_right_logical3A_818 : vector<16xi32>
        %bitcast3A_820 = vector.bitcast %scan3A_592 : vector<16xi32> to vector<16xf32>
        tpu.vector_store_idx %arg5[%or3A_819], %bitcast3A_820 : memref<32768xf32, #tpu.memory_space<vmem>>[vector<16xi32>], vector<16xf32>,
        %and3A_821 = arith.constant 2047 : i32
        %and3A_822 = vector.broadcast %and3A_821 : i32 to vector<16xi32>
        %and3A_823 = arith.andi %gather3A_803, %and3A_822 : vector<16xi32>
        %shift_left3A_824 = arith.constant 4 : i32
        %shift_left3A_825 = vector.broadcast %shift_left3A_824 : i32 to vector<16xi32>
        %shift_left3A_826 = arith.shli %and3A_823, %shift_left3A_825 : vector<16xi32>
        %shift_right_logical3A_827 = arith.constant 11 : i32
        %shift_right_logical3A_828 = vector.broadcast %shift_right_logical3A_827 : i32 to vector<16xi32>
        %shift_right_logical3A_829 = arith.shrui %gather3A_803, %shift_right_logical3A_828 : vector<16xi32>
        %or3A_830 = arith.ori %shift_left3A_826, %shift_right_logical3A_829 : vector<16xi32>
        %bitcast3A_831 = vector.bitcast %scan3A_593 : vector<16xi32> to vector<16xf32>
        tpu.vector_store_idx %arg5[%or3A_830], %bitcast3A_831 : memref<32768xf32, #tpu.memory_space<vmem>>[vector<16xi32>], vector<16xf32>,
        %and3A_832 = arith.constant 2047 : i32
        %and3A_833 = vector.broadcast %and3A_832 : i32 to vector<16xi32>
        %and3A_834 = arith.andi %gather3A_804, %and3A_833 : vector<16xi32>
        %shift_left3A_835 = arith.constant 4 : i32
        %shift_left3A_836 = vector.broadcast %shift_left3A_835 : i32 to vector<16xi32>
        %shift_left3A_837 = arith.shli %and3A_834, %shift_left3A_836 : vector<16xi32>
        %shift_right_logical3A_838 = arith.constant 11 : i32
        %shift_right_logical3A_839 = vector.broadcast %shift_right_logical3A_838 : i32 to vector<16xi32>
        %shift_right_logical3A_840 = arith.shrui %gather3A_804, %shift_right_logical3A_839 : vector<16xi32>
        %or3A_841 = arith.ori %shift_left3A_837, %shift_right_logical3A_840 : vector<16xi32>
        %bitcast3A_842 = vector.bitcast %scan3A_594 : vector<16xi32> to vector<16xf32>
        tpu.vector_store_idx %arg5[%or3A_841], %bitcast3A_842 : memref<32768xf32, #tpu.memory_space<vmem>>[vector<16xi32>], vector<16xf32>,
        %and3A_843 = arith.constant 2047 : i32
        %and3A_844 = vector.broadcast %and3A_843 : i32 to vector<16xi32>
        %and3A_845 = arith.andi %gather3A_805, %and3A_844 : vector<16xi32>
        %shift_left3A_846 = arith.constant 4 : i32
        %shift_left3A_847 = vector.broadcast %shift_left3A_846 : i32 to vector<16xi32>
        %shift_left3A_848 = arith.shli %and3A_845, %shift_left3A_847 : vector<16xi32>
        %shift_right_logical3A_849 = arith.constant 11 : i32
        %shift_right_logical3A_850 = vector.broadcast %shift_right_logical3A_849 : i32 to vector<16xi32>
        %shift_right_logical3A_851 = arith.shrui %gather3A_805, %shift_right_logical3A_850 : vector<16xi32>
        %or3A_852 = arith.ori %shift_left3A_848, %shift_right_logical3A_851 : vector<16xi32>
        %bitcast3A_853 = vector.bitcast %scan3A_595 : vector<16xi32> to vector<16xf32>
        tpu.vector_store_idx %arg5[%or3A_852], %bitcast3A_853 : memref<32768xf32, #tpu.memory_space<vmem>>[vector<16xi32>], vector<16xf32>,
        %and3A_854 = arith.constant 2047 : i32
        %and3A_855 = vector.broadcast %and3A_854 : i32 to vector<16xi32>
        %and3A_856 = arith.andi %gather3A_806, %and3A_855 : vector<16xi32>
        %shift_left3A_857 = arith.constant 4 : i32
        %shift_left3A_858 = vector.broadcast %shift_left3A_857 : i32 to vector<16xi32>
        %shift_left3A_859 = arith.shli %and3A_856, %shift_left3A_858 : vector<16xi32>
        %shift_right_logical3A_860 = arith.constant 11 : i32
        %shift_right_logical3A_861 = vector.broadcast %shift_right_logical3A_860 : i32 to vector<16xi32>
        %shift_right_logical3A_862 = arith.shrui %gather3A_806, %shift_right_logical3A_861 : vector<16xi32>
        %or3A_863 = arith.ori %shift_left3A_859, %shift_right_logical3A_862 : vector<16xi32>
        %bitcast3A_864 = vector.bitcast %scan3A_596 : vector<16xi32> to vector<16xf32>
        tpu.vector_store_idx %arg5[%or3A_863], %bitcast3A_864 : memref<32768xf32, #tpu.memory_space<vmem>>[vector<16xi32>], vector<16xf32>,
        %and3A_865 = arith.constant 2047 : i32
        %and3A_866 = vector.broadcast %and3A_865 : i32 to vector<16xi32>
        %and3A_867 = arith.andi %gather3A_807, %and3A_866 : vector<16xi32>
        %shift_left3A_868 = arith.constant 4 : i32
        %shift_left3A_869 = vector.broadcast %shift_left3A_868 : i32 to vector<16xi32>
        %shift_left3A_870 = arith.shli %and3A_867, %shift_left3A_869 : vector<16xi32>
        %shift_right_logical3A_871 = arith.constant 11 : i32
        %shift_right_logical3A_872 = vector.broadcast %shift_right_logical3A_871 : i32 to vector<16xi32>
        %shift_right_logical3A_873 = arith.shrui %gather3A_807, %shift_right_logical3A_872 : vector<16xi32>
        %or3A_874 = arith.ori %shift_left3A_870, %shift_right_logical3A_873 : vector<16xi32>
        %bitcast3A_875 = vector.bitcast %scan3A_597 : vector<16xi32> to vector<16xf32>
        tpu.vector_store_idx %arg5[%or3A_874], %bitcast3A_875 : memref<32768xf32, #tpu.memory_space<vmem>>[vector<16xi32>], vector<16xf32>,
        %and3A_876 = arith.constant 2047 : i32
        %and3A_877 = vector.broadcast %and3A_876 : i32 to vector<16xi32>
        %and3A_878 = arith.andi %gather3A_808, %and3A_877 : vector<16xi32>
        %shift_left3A_879 = arith.constant 4 : i32
        %shift_left3A_880 = vector.broadcast %shift_left3A_879 : i32 to vector<16xi32>
        %shift_left3A_881 = arith.shli %and3A_878, %shift_left3A_880 : vector<16xi32>
        %shift_right_logical3A_882 = arith.constant 11 : i32
        %shift_right_logical3A_883 = vector.broadcast %shift_right_logical3A_882 : i32 to vector<16xi32>
        %shift_right_logical3A_884 = arith.shrui %gather3A_808, %shift_right_logical3A_883 : vector<16xi32>
        %or3A_885 = arith.ori %shift_left3A_881, %shift_right_logical3A_884 : vector<16xi32>
        %bitcast3A_886 = vector.bitcast %scan3A_598 : vector<16xi32> to vector<16xf32>
        tpu.vector_store_idx %arg5[%or3A_885], %bitcast3A_886 : memref<32768xf32, #tpu.memory_space<vmem>>[vector<16xi32>], vector<16xf32>,
        %and3A_887 = arith.constant 2047 : i32
        %and3A_888 = vector.broadcast %and3A_887 : i32 to vector<16xi32>
        %and3A_889 = arith.andi %gather3A_809, %and3A_888 : vector<16xi32>
        %shift_left3A_890 = arith.constant 4 : i32
        %shift_left3A_891 = vector.broadcast %shift_left3A_890 : i32 to vector<16xi32>
        %shift_left3A_892 = arith.shli %and3A_889, %shift_left3A_891 : vector<16xi32>
        %shift_right_logical3A_893 = arith.constant 11 : i32
        %shift_right_logical3A_894 = vector.broadcast %shift_right_logical3A_893 : i32 to vector<16xi32>
        %shift_right_logical3A_895 = arith.shrui %gather3A_809, %shift_right_logical3A_894 : vector<16xi32>
        %or3A_896 = arith.ori %shift_left3A_892, %shift_right_logical3A_895 : vector<16xi32>
        %bitcast3A_897 = vector.bitcast %scan3A_599 : vector<16xi32> to vector<16xf32>
        tpu.vector_store_idx %arg5[%or3A_896], %bitcast3A_897 : memref<32768xf32, #tpu.memory_space<vmem>>[vector<16xi32>], vector<16xf32>,
        scf.yield %xor3A_624, %xor3A_638, %xor3A_652, %xor3A_666, %xor3A_680, %xor3A_694, %xor3A_708, %xor3A_722, %or3A_732, %or3A_742, %or3A_752, %or3A_762, %or3A_772, %or3A_782, %or3A_792, %or3A_802 : vector<16xi32>, vector<16xi32>, vector<16xi32>, vector<16xi32>, vector<16xi32>, vector<16xi32>, vector<16xi32>, vector<16xi32>, vector<16xi32>, vector<16xi32>, vector<16xi32>, vector<16xi32>, vector<16xi32>, vector<16xi32>, vector<16xi32>, vector<16xi32>
      }
      %scan3A_188 = arith.constant 256 : i32
      %iota3A_189 = tpu.iota {dimensions = array<i32: 0>} : vector<16xi32>
      %broadcast_in_dim3A_190 = arith.constant 1 : i32
      %broadcast_in_dim3A_191 = vector.broadcast %broadcast_in_dim3A_190 : i32 to vector<16xi32>
      %broadcast_in_dim3A_192 = arith.constant 0 : i32
      %broadcast_in_dim3A_193 = vector.broadcast %broadcast_in_dim3A_192 : i32 to vector<16xi32>
      %parallel_loop3A_194 = arith.constant 0 : i32
      %parallel_loop3A_195 = arith.constant 256 : i32
      %parallel_loop3A_196 = arith.constant 1 : i32
      scf.for %parallel_loop3A_591 = %parallel_loop3A_194 to %parallel_loop3A_195 step %parallel_loop3A_196  : i32 {
        %parallel_loop3A_592 = arith.constant 16 : i32
        %parallel_loop3A_593 = arith.muli %parallel_loop3A_591, %parallel_loop3A_592 : i32
        %parallel_loop3A_594 = arith.index_cast %parallel_loop3A_593 : i32 to index
        %parallel_loop3A_595 = tpu.vector_load %arg6[%parallel_loop3A_594] {strides = array<i32>} : memref<4096xi32, #tpu.memory_space<vmem>>, vector<16xi32>,
        tpu.vector_store %arg6[%parallel_loop3A_594], %broadcast_in_dim3A_193 {strides = array<i32>} : memref<4096xi32, #tpu.memory_space<vmem>>, vector<16xi32>,
        %parallel_loop3A_596 = arith.constant 16 : i32
        %parallel_loop3A_597 = arith.muli %parallel_loop3A_591, %parallel_loop3A_596 : i32
        %parallel_loop3A_598 = arith.index_cast %parallel_loop3A_597 : i32 to index
        %parallel_loop3A_599 = tpu.vector_load %arg7[%parallel_loop3A_598] {strides = array<i32>} : memref<4096xi32, #tpu.memory_space<vmem>>, vector<16xi32>,
        tpu.vector_store %arg7[%parallel_loop3A_598], %broadcast_in_dim3A_193 {strides = array<i32>} : memref<4096xi32, #tpu.memory_space<vmem>>, vector<16xi32>,
        %parallel_loop3A_600 = arith.constant 16 : i32
        %parallel_loop3A_601 = arith.muli %parallel_loop3A_591, %parallel_loop3A_600 : i32
        %parallel_loop3A_602 = arith.index_cast %parallel_loop3A_601 : i32 to index
        %parallel_loop3A_603 = tpu.vector_load %arg8[%parallel_loop3A_602] {strides = array<i32>} : memref<4096xi32, #tpu.memory_space<vmem>>, vector<16xi32>,
        tpu.vector_store %arg8[%parallel_loop3A_602], %broadcast_in_dim3A_193 {strides = array<i32>} : memref<4096xi32, #tpu.memory_space<vmem>>, vector<16xi32>,
        %parallel_loop3A_604 = arith.constant 16 : i32
        %parallel_loop3A_605 = arith.muli %parallel_loop3A_591, %parallel_loop3A_604 : i32
        %parallel_loop3A_606 = arith.index_cast %parallel_loop3A_605 : i32 to index
        %parallel_loop3A_607 = tpu.vector_load %arg9[%parallel_loop3A_606] {strides = array<i32>} : memref<4096xi32, #tpu.memory_space<vmem>>, vector<16xi32>,
        tpu.vector_store %arg9[%parallel_loop3A_606], %broadcast_in_dim3A_193 {strides = array<i32>} : memref<4096xi32, #tpu.memory_space<vmem>>, vector<16xi32>,
        %parallel_loop3A_608 = arith.constant 16 : i32
        %parallel_loop3A_609 = arith.muli %parallel_loop3A_591, %parallel_loop3A_608 : i32
        %parallel_loop3A_610 = arith.index_cast %parallel_loop3A_609 : i32 to index
        %parallel_loop3A_611 = tpu.vector_load %arg10[%parallel_loop3A_610] {strides = array<i32>} : memref<4096xi32, #tpu.memory_space<vmem>>, vector<16xi32>,
        tpu.vector_store %arg10[%parallel_loop3A_610], %broadcast_in_dim3A_193 {strides = array<i32>} : memref<4096xi32, #tpu.memory_space<vmem>>, vector<16xi32>,
        %parallel_loop3A_612 = arith.constant 16 : i32
        %parallel_loop3A_613 = arith.muli %parallel_loop3A_591, %parallel_loop3A_612 : i32
        %parallel_loop3A_614 = arith.index_cast %parallel_loop3A_613 : i32 to index
        %parallel_loop3A_615 = tpu.vector_load %arg11[%parallel_loop3A_614] {strides = array<i32>} : memref<4096xi32, #tpu.memory_space<vmem>>, vector<16xi32>,
        tpu.vector_store %arg11[%parallel_loop3A_614], %broadcast_in_dim3A_193 {strides = array<i32>} : memref<4096xi32, #tpu.memory_space<vmem>>, vector<16xi32>,
        %parallel_loop3A_616 = arith.constant 16 : i32
        %parallel_loop3A_617 = arith.muli %parallel_loop3A_591, %parallel_loop3A_616 : i32
        %parallel_loop3A_618 = arith.index_cast %parallel_loop3A_617 : i32 to index
        %parallel_loop3A_619 = tpu.vector_load %arg12[%parallel_loop3A_618] {strides = array<i32>} : memref<4096xi32, #tpu.memory_space<vmem>>, vector<16xi32>,
        tpu.vector_store %arg12[%parallel_loop3A_618], %broadcast_in_dim3A_193 {strides = array<i32>} : memref<4096xi32, #tpu.memory_space<vmem>>, vector<16xi32>,
        %parallel_loop3A_620 = arith.constant 16 : i32
        %parallel_loop3A_621 = arith.muli %parallel_loop3A_591, %parallel_loop3A_620 : i32
        %parallel_loop3A_622 = arith.index_cast %parallel_loop3A_621 : i32 to index
        %parallel_loop3A_623 = tpu.vector_load %arg13[%parallel_loop3A_622] {strides = array<i32>} : memref<4096xi32, #tpu.memory_space<vmem>>, vector<16xi32>,
        tpu.vector_store %arg13[%parallel_loop3A_622], %broadcast_in_dim3A_193 {strides = array<i32>} : memref<4096xi32, #tpu.memory_space<vmem>>, vector<16xi32>,
      } {sc.loop_unroll_factor = 1 : i64, sc.parallel_access}
      %parallel_loop3A_197 = arith.constant 0 : i32
      %parallel_loop3A_198 = arith.constant 256 : i32
      %parallel_loop3A_199 = arith.constant 1 : i32
      scf.for %parallel_loop3A_591 = %parallel_loop3A_197 to %parallel_loop3A_198 step %parallel_loop3A_199  : i32 {
        %parallel_loop3A_592 = arith.constant 0 : i32
        %parallel_loop3A_593 = arith.addi %parallel_loop3A_592, %parallel_loop3A_591 : i32
        %parallel_loop3A_594 = arith.constant 16 : i32
        %parallel_loop3A_595 = arith.muli %parallel_loop3A_593, %parallel_loop3A_594 : i32
        %parallel_loop3A_596 = arith.index_cast %parallel_loop3A_595 : i32 to index
        %parallel_loop3A_597 = tpu.vector_load %arg5[%parallel_loop3A_596] {strides = array<i32>} : memref<32768xf32, #tpu.memory_space<vmem>>, vector<16xf32>,
        %parallel_loop3A_598 = vector.bitcast %parallel_loop3A_597 : vector<16xf32> to vector<16xi32>
        %parallel_loop3A_599 = arith.constant 8 : i32
        %parallel_loop3A_600 = vector.broadcast %parallel_loop3A_599 : i32 to vector<16xi32>
        %parallel_loop3A_601 = arith.shrui %parallel_loop3A_598, %parallel_loop3A_600 : vector<16xi32>
        %parallel_loop3A_602 = arith.constant 255 : i32
        %parallel_loop3A_603 = vector.broadcast %parallel_loop3A_602 : i32 to vector<16xi32>
        %parallel_loop3A_604 = arith.andi %parallel_loop3A_601, %parallel_loop3A_603 : vector<16xi32>
        %parallel_loop3A_605 = arith.constant 4 : i32
        %parallel_loop3A_606 = vector.broadcast %parallel_loop3A_605 : i32 to vector<16xi32>
        %parallel_loop3A_607 = arith.shli %parallel_loop3A_604, %parallel_loop3A_606 : vector<16xi32>
        %parallel_loop3A_608 = arith.ori %parallel_loop3A_607, %iota3A_189 : vector<16xi32>
        tpu.vector_store_idx %arg6[%parallel_loop3A_608], %broadcast_in_dim3A_191 {add = true} : memref<4096xi32, #tpu.memory_space<vmem>>[vector<16xi32>], vector<16xi32>,
        %parallel_loop3A_609 = arith.constant 256 : i32
        %parallel_loop3A_610 = arith.addi %parallel_loop3A_609, %parallel_loop3A_591 : i32
        %parallel_loop3A_611 = arith.constant 16 : i32
        %parallel_loop3A_612 = arith.muli %parallel_loop3A_610, %parallel_loop3A_611 : i32
        %parallel_loop3A_613 = arith.index_cast %parallel_loop3A_612 : i32 to index
        %parallel_loop3A_614 = tpu.vector_load %arg5[%parallel_loop3A_613] {strides = array<i32>} : memref<32768xf32, #tpu.memory_space<vmem>>, vector<16xf32>,
        %parallel_loop3A_615 = vector.bitcast %parallel_loop3A_614 : vector<16xf32> to vector<16xi32>
        %parallel_loop3A_616 = arith.constant 8 : i32
        %parallel_loop3A_617 = vector.broadcast %parallel_loop3A_616 : i32 to vector<16xi32>
        %parallel_loop3A_618 = arith.shrui %parallel_loop3A_615, %parallel_loop3A_617 : vector<16xi32>
        %parallel_loop3A_619 = arith.constant 255 : i32
        %parallel_loop3A_620 = vector.broadcast %parallel_loop3A_619 : i32 to vector<16xi32>
        %parallel_loop3A_621 = arith.andi %parallel_loop3A_618, %parallel_loop3A_620 : vector<16xi32>
        %parallel_loop3A_622 = arith.constant 4 : i32
        %parallel_loop3A_623 = vector.broadcast %parallel_loop3A_622 : i32 to vector<16xi32>
        %parallel_loop3A_624 = arith.shli %parallel_loop3A_621, %parallel_loop3A_623 : vector<16xi32>
        %parallel_loop3A_625 = arith.ori %parallel_loop3A_624, %iota3A_189 : vector<16xi32>
        tpu.vector_store_idx %arg7[%parallel_loop3A_625], %broadcast_in_dim3A_191 {add = true} : memref<4096xi32, #tpu.memory_space<vmem>>[vector<16xi32>], vector<16xi32>,
        %parallel_loop3A_626 = arith.constant 512 : i32
        %parallel_loop3A_627 = arith.addi %parallel_loop3A_626, %parallel_loop3A_591 : i32
        %parallel_loop3A_628 = arith.constant 16 : i32
        %parallel_loop3A_629 = arith.muli %parallel_loop3A_627, %parallel_loop3A_628 : i32
        %parallel_loop3A_630 = arith.index_cast %parallel_loop3A_629 : i32 to index
        %parallel_loop3A_631 = tpu.vector_load %arg5[%parallel_loop3A_630] {strides = array<i32>} : memref<32768xf32, #tpu.memory_space<vmem>>, vector<16xf32>,
        %parallel_loop3A_632 = vector.bitcast %parallel_loop3A_631 : vector<16xf32> to vector<16xi32>
        %parallel_loop3A_633 = arith.constant 8 : i32
        %parallel_loop3A_634 = vector.broadcast %parallel_loop3A_633 : i32 to vector<16xi32>
        %parallel_loop3A_635 = arith.shrui %parallel_loop3A_632, %parallel_loop3A_634 : vector<16xi32>
        %parallel_loop3A_636 = arith.constant 255 : i32
        %parallel_loop3A_637 = vector.broadcast %parallel_loop3A_636 : i32 to vector<16xi32>
        %parallel_loop3A_638 = arith.andi %parallel_loop3A_635, %parallel_loop3A_637 : vector<16xi32>
        %parallel_loop3A_639 = arith.constant 4 : i32
        %parallel_loop3A_640 = vector.broadcast %parallel_loop3A_639 : i32 to vector<16xi32>
        %parallel_loop3A_641 = arith.shli %parallel_loop3A_638, %parallel_loop3A_640 : vector<16xi32>
        %parallel_loop3A_642 = arith.ori %parallel_loop3A_641, %iota3A_189 : vector<16xi32>
        tpu.vector_store_idx %arg8[%parallel_loop3A_642], %broadcast_in_dim3A_191 {add = true} : memref<4096xi32, #tpu.memory_space<vmem>>[vector<16xi32>], vector<16xi32>,
        %parallel_loop3A_643 = arith.constant 768 : i32
        %parallel_loop3A_644 = arith.addi %parallel_loop3A_643, %parallel_loop3A_591 : i32
        %parallel_loop3A_645 = arith.constant 16 : i32
        %parallel_loop3A_646 = arith.muli %parallel_loop3A_644, %parallel_loop3A_645 : i32
        %parallel_loop3A_647 = arith.index_cast %parallel_loop3A_646 : i32 to index
        %parallel_loop3A_648 = tpu.vector_load %arg5[%parallel_loop3A_647] {strides = array<i32>} : memref<32768xf32, #tpu.memory_space<vmem>>, vector<16xf32>,
        %parallel_loop3A_649 = vector.bitcast %parallel_loop3A_648 : vector<16xf32> to vector<16xi32>
        %parallel_loop3A_650 = arith.constant 8 : i32
        %parallel_loop3A_651 = vector.broadcast %parallel_loop3A_650 : i32 to vector<16xi32>
        %parallel_loop3A_652 = arith.shrui %parallel_loop3A_649, %parallel_loop3A_651 : vector<16xi32>
        %parallel_loop3A_653 = arith.constant 255 : i32
        %parallel_loop3A_654 = vector.broadcast %parallel_loop3A_653 : i32 to vector<16xi32>
        %parallel_loop3A_655 = arith.andi %parallel_loop3A_652, %parallel_loop3A_654 : vector<16xi32>
        %parallel_loop3A_656 = arith.constant 4 : i32
        %parallel_loop3A_657 = vector.broadcast %parallel_loop3A_656 : i32 to vector<16xi32>
        %parallel_loop3A_658 = arith.shli %parallel_loop3A_655, %parallel_loop3A_657 : vector<16xi32>
        %parallel_loop3A_659 = arith.ori %parallel_loop3A_658, %iota3A_189 : vector<16xi32>
        tpu.vector_store_idx %arg9[%parallel_loop3A_659], %broadcast_in_dim3A_191 {add = true} : memref<4096xi32, #tpu.memory_space<vmem>>[vector<16xi32>], vector<16xi32>,
        %parallel_loop3A_660 = arith.constant 1024 : i32
        %parallel_loop3A_661 = arith.addi %parallel_loop3A_660, %parallel_loop3A_591 : i32
        %parallel_loop3A_662 = arith.constant 16 : i32
        %parallel_loop3A_663 = arith.muli %parallel_loop3A_661, %parallel_loop3A_662 : i32
        %parallel_loop3A_664 = arith.index_cast %parallel_loop3A_663 : i32 to index
        %parallel_loop3A_665 = tpu.vector_load %arg5[%parallel_loop3A_664] {strides = array<i32>} : memref<32768xf32, #tpu.memory_space<vmem>>, vector<16xf32>,
        %parallel_loop3A_666 = vector.bitcast %parallel_loop3A_665 : vector<16xf32> to vector<16xi32>
        %parallel_loop3A_667 = arith.constant 8 : i32
        %parallel_loop3A_668 = vector.broadcast %parallel_loop3A_667 : i32 to vector<16xi32>
        %parallel_loop3A_669 = arith.shrui %parallel_loop3A_666, %parallel_loop3A_668 : vector<16xi32>
        %parallel_loop3A_670 = arith.constant 255 : i32
        %parallel_loop3A_671 = vector.broadcast %parallel_loop3A_670 : i32 to vector<16xi32>
        %parallel_loop3A_672 = arith.andi %parallel_loop3A_669, %parallel_loop3A_671 : vector<16xi32>
        %parallel_loop3A_673 = arith.constant 4 : i32
        %parallel_loop3A_674 = vector.broadcast %parallel_loop3A_673 : i32 to vector<16xi32>
        %parallel_loop3A_675 = arith.shli %parallel_loop3A_672, %parallel_loop3A_674 : vector<16xi32>
        %parallel_loop3A_676 = arith.ori %parallel_loop3A_675, %iota3A_189 : vector<16xi32>
        tpu.vector_store_idx %arg10[%parallel_loop3A_676], %broadcast_in_dim3A_191 {add = true} : memref<4096xi32, #tpu.memory_space<vmem>>[vector<16xi32>], vector<16xi32>,
        %parallel_loop3A_677 = arith.constant 1280 : i32
        %parallel_loop3A_678 = arith.addi %parallel_loop3A_677, %parallel_loop3A_591 : i32
        %parallel_loop3A_679 = arith.constant 16 : i32
        %parallel_loop3A_680 = arith.muli %parallel_loop3A_678, %parallel_loop3A_679 : i32
        %parallel_loop3A_681 = arith.index_cast %parallel_loop3A_680 : i32 to index
        %parallel_loop3A_682 = tpu.vector_load %arg5[%parallel_loop3A_681] {strides = array<i32>} : memref<32768xf32, #tpu.memory_space<vmem>>, vector<16xf32>,
        %parallel_loop3A_683 = vector.bitcast %parallel_loop3A_682 : vector<16xf32> to vector<16xi32>
        %parallel_loop3A_684 = arith.constant 8 : i32
        %parallel_loop3A_685 = vector.broadcast %parallel_loop3A_684 : i32 to vector<16xi32>
        %parallel_loop3A_686 = arith.shrui %parallel_loop3A_683, %parallel_loop3A_685 : vector<16xi32>
        %parallel_loop3A_687 = arith.constant 255 : i32
        %parallel_loop3A_688 = vector.broadcast %parallel_loop3A_687 : i32 to vector<16xi32>
        %parallel_loop3A_689 = arith.andi %parallel_loop3A_686, %parallel_loop3A_688 : vector<16xi32>
        %parallel_loop3A_690 = arith.constant 4 : i32
        %parallel_loop3A_691 = vector.broadcast %parallel_loop3A_690 : i32 to vector<16xi32>
        %parallel_loop3A_692 = arith.shli %parallel_loop3A_689, %parallel_loop3A_691 : vector<16xi32>
        %parallel_loop3A_693 = arith.ori %parallel_loop3A_692, %iota3A_189 : vector<16xi32>
        tpu.vector_store_idx %arg11[%parallel_loop3A_693], %broadcast_in_dim3A_191 {add = true} : memref<4096xi32, #tpu.memory_space<vmem>>[vector<16xi32>], vector<16xi32>,
        %parallel_loop3A_694 = arith.constant 1536 : i32
        %parallel_loop3A_695 = arith.addi %parallel_loop3A_694, %parallel_loop3A_591 : i32
        %parallel_loop3A_696 = arith.constant 16 : i32
        %parallel_loop3A_697 = arith.muli %parallel_loop3A_695, %parallel_loop3A_696 : i32
        %parallel_loop3A_698 = arith.index_cast %parallel_loop3A_697 : i32 to index
        %parallel_loop3A_699 = tpu.vector_load %arg5[%parallel_loop3A_698] {strides = array<i32>} : memref<32768xf32, #tpu.memory_space<vmem>>, vector<16xf32>,
        %parallel_loop3A_700 = vector.bitcast %parallel_loop3A_699 : vector<16xf32> to vector<16xi32>
        %parallel_loop3A_701 = arith.constant 8 : i32
        %parallel_loop3A_702 = vector.broadcast %parallel_loop3A_701 : i32 to vector<16xi32>
        %parallel_loop3A_703 = arith.shrui %parallel_loop3A_700, %parallel_loop3A_702 : vector<16xi32>
        %parallel_loop3A_704 = arith.constant 255 : i32
        %parallel_loop3A_705 = vector.broadcast %parallel_loop3A_704 : i32 to vector<16xi32>
        %parallel_loop3A_706 = arith.andi %parallel_loop3A_703, %parallel_loop3A_705 : vector<16xi32>
        %parallel_loop3A_707 = arith.constant 4 : i32
        %parallel_loop3A_708 = vector.broadcast %parallel_loop3A_707 : i32 to vector<16xi32>
        %parallel_loop3A_709 = arith.shli %parallel_loop3A_706, %parallel_loop3A_708 : vector<16xi32>
        %parallel_loop3A_710 = arith.ori %parallel_loop3A_709, %iota3A_189 : vector<16xi32>
        tpu.vector_store_idx %arg12[%parallel_loop3A_710], %broadcast_in_dim3A_191 {add = true} : memref<4096xi32, #tpu.memory_space<vmem>>[vector<16xi32>], vector<16xi32>,
        %parallel_loop3A_711 = arith.constant 1792 : i32
        %parallel_loop3A_712 = arith.addi %parallel_loop3A_711, %parallel_loop3A_591 : i32
        %parallel_loop3A_713 = arith.constant 16 : i32
        %parallel_loop3A_714 = arith.muli %parallel_loop3A_712, %parallel_loop3A_713 : i32
        %parallel_loop3A_715 = arith.index_cast %parallel_loop3A_714 : i32 to index
        %parallel_loop3A_716 = tpu.vector_load %arg5[%parallel_loop3A_715] {strides = array<i32>} : memref<32768xf32, #tpu.memory_space<vmem>>, vector<16xf32>,
        %parallel_loop3A_717 = vector.bitcast %parallel_loop3A_716 : vector<16xf32> to vector<16xi32>
        %parallel_loop3A_718 = arith.constant 8 : i32
        %parallel_loop3A_719 = vector.broadcast %parallel_loop3A_718 : i32 to vector<16xi32>
        %parallel_loop3A_720 = arith.shrui %parallel_loop3A_717, %parallel_loop3A_719 : vector<16xi32>
        %parallel_loop3A_721 = arith.constant 255 : i32
        %parallel_loop3A_722 = vector.broadcast %parallel_loop3A_721 : i32 to vector<16xi32>
        %parallel_loop3A_723 = arith.andi %parallel_loop3A_720, %parallel_loop3A_722 : vector<16xi32>
        %parallel_loop3A_724 = arith.constant 4 : i32
        %parallel_loop3A_725 = vector.broadcast %parallel_loop3A_724 : i32 to vector<16xi32>
        %parallel_loop3A_726 = arith.shli %parallel_loop3A_723, %parallel_loop3A_725 : vector<16xi32>
        %parallel_loop3A_727 = arith.ori %parallel_loop3A_726, %iota3A_189 : vector<16xi32>
        tpu.vector_store_idx %arg13[%parallel_loop3A_727], %broadcast_in_dim3A_191 {add = true} : memref<4096xi32, #tpu.memory_space<vmem>>[vector<16xi32>], vector<16xi32>,
      } {sc.loop_unroll_factor = 1 : i64, sc.parallel_access}
      %parallel_loop3A_200 = arith.constant 0 : i32
      %parallel_loop3A_201 = arith.constant 256 : i32
      %parallel_loop3A_202 = arith.constant 1 : i32
      scf.for %parallel_loop3A_591 = %parallel_loop3A_200 to %parallel_loop3A_201 step %parallel_loop3A_202  : i32 {
        %parallel_loop3A_592 = arith.constant 16 : i32
        %parallel_loop3A_593 = arith.muli %parallel_loop3A_591, %parallel_loop3A_592 : i32
        %parallel_loop3A_594 = arith.index_cast %parallel_loop3A_593 : i32 to index
        %parallel_loop3A_595 = tpu.vector_load %arg6[%parallel_loop3A_594] {strides = array<i32>} : memref<4096xi32, #tpu.memory_space<vmem>>, vector<16xi32>,
        %parallel_loop3A_596 = arith.constant 16 : i32
        %parallel_loop3A_597 = arith.muli %parallel_loop3A_591, %parallel_loop3A_596 : i32
        %parallel_loop3A_598 = arith.index_cast %parallel_loop3A_597 : i32 to index
        %parallel_loop3A_599 = tpu.vector_load %arg7[%parallel_loop3A_598] {strides = array<i32>} : memref<4096xi32, #tpu.memory_space<vmem>>, vector<16xi32>,
        %parallel_loop3A_600 = arith.constant 16 : i32
        %parallel_loop3A_601 = arith.muli %parallel_loop3A_591, %parallel_loop3A_600 : i32
        %parallel_loop3A_602 = arith.index_cast %parallel_loop3A_601 : i32 to index
        %parallel_loop3A_603 = tpu.vector_load %arg8[%parallel_loop3A_602] {strides = array<i32>} : memref<4096xi32, #tpu.memory_space<vmem>>, vector<16xi32>,
        %parallel_loop3A_604 = arith.constant 16 : i32
        %parallel_loop3A_605 = arith.muli %parallel_loop3A_591, %parallel_loop3A_604 : i32
        %parallel_loop3A_606 = arith.index_cast %parallel_loop3A_605 : i32 to index
        %parallel_loop3A_607 = tpu.vector_load %arg9[%parallel_loop3A_606] {strides = array<i32>} : memref<4096xi32, #tpu.memory_space<vmem>>, vector<16xi32>,
        %parallel_loop3A_608 = arith.constant 16 : i32
        %parallel_loop3A_609 = arith.muli %parallel_loop3A_591, %parallel_loop3A_608 : i32
        %parallel_loop3A_610 = arith.index_cast %parallel_loop3A_609 : i32 to index
        %parallel_loop3A_611 = tpu.vector_load %arg10[%parallel_loop3A_610] {strides = array<i32>} : memref<4096xi32, #tpu.memory_space<vmem>>, vector<16xi32>,
        %parallel_loop3A_612 = arith.constant 16 : i32
        %parallel_loop3A_613 = arith.muli %parallel_loop3A_591, %parallel_loop3A_612 : i32
        %parallel_loop3A_614 = arith.index_cast %parallel_loop3A_613 : i32 to index
        %parallel_loop3A_615 = tpu.vector_load %arg11[%parallel_loop3A_614] {strides = array<i32>} : memref<4096xi32, #tpu.memory_space<vmem>>, vector<16xi32>,
        %parallel_loop3A_616 = arith.constant 16 : i32
        %parallel_loop3A_617 = arith.muli %parallel_loop3A_591, %parallel_loop3A_616 : i32
        %parallel_loop3A_618 = arith.index_cast %parallel_loop3A_617 : i32 to index
        %parallel_loop3A_619 = tpu.vector_load %arg12[%parallel_loop3A_618] {strides = array<i32>} : memref<4096xi32, #tpu.memory_space<vmem>>, vector<16xi32>,
        %parallel_loop3A_620 = arith.constant 16 : i32
        %parallel_loop3A_621 = arith.muli %parallel_loop3A_591, %parallel_loop3A_620 : i32
        %parallel_loop3A_622 = arith.index_cast %parallel_loop3A_621 : i32 to index
        %parallel_loop3A_623 = tpu.vector_load %arg13[%parallel_loop3A_622] {strides = array<i32>} : memref<4096xi32, #tpu.memory_space<vmem>>, vector<16xi32>,
        %parallel_loop3A_624 = arith.addi %parallel_loop3A_595, %parallel_loop3A_599 : vector<16xi32>
        %parallel_loop3A_625 = arith.addi %parallel_loop3A_624, %parallel_loop3A_603 : vector<16xi32>
        %parallel_loop3A_626 = arith.addi %parallel_loop3A_625, %parallel_loop3A_607 : vector<16xi32>
        %parallel_loop3A_627 = arith.addi %parallel_loop3A_626, %parallel_loop3A_611 : vector<16xi32>
        %parallel_loop3A_628 = arith.addi %parallel_loop3A_627, %parallel_loop3A_615 : vector<16xi32>
        %parallel_loop3A_629 = arith.addi %parallel_loop3A_628, %parallel_loop3A_619 : vector<16xi32>
        %parallel_loop3A_630 = arith.addi %parallel_loop3A_629, %parallel_loop3A_623 : vector<16xi32>
        %parallel_loop3A_631 = arith.constant true
        %parallel_loop3A_632 = vector.broadcast %parallel_loop3A_631 : i1 to vector<16xi1>
        %parallel_loop3A_633 = tpu.scan <sum>, %parallel_loop3A_630 masked %parallel_loop3A_632 : vector<16xi32>, vector<16xi1> -> vector<16xi32>
        %parallel_loop3A_634 = arith.subi %parallel_loop3A_633, %parallel_loop3A_630 : vector<16xi32>
        %parallel_loop3A_635 = arith.constant 16 : i32
        %parallel_loop3A_636 = arith.muli %parallel_loop3A_591, %parallel_loop3A_635 : i32
        %parallel_loop3A_637 = arith.index_cast %parallel_loop3A_636 : i32 to index
        %parallel_loop3A_638 = tpu.vector_load %arg6[%parallel_loop3A_637] {strides = array<i32>} : memref<4096xi32, #tpu.memory_space<vmem>>, vector<16xi32>,
        tpu.vector_store %arg6[%parallel_loop3A_637], %parallel_loop3A_634 {strides = array<i32>} : memref<4096xi32, #tpu.memory_space<vmem>>, vector<16xi32>,
        %parallel_loop3A_639 = arith.addi %parallel_loop3A_634, %parallel_loop3A_595 : vector<16xi32>
        %parallel_loop3A_640 = arith.constant 16 : i32
        %parallel_loop3A_641 = arith.muli %parallel_loop3A_591, %parallel_loop3A_640 : i32
        %parallel_loop3A_642 = arith.index_cast %parallel_loop3A_641 : i32 to index
        %parallel_loop3A_643 = tpu.vector_load %arg7[%parallel_loop3A_642] {strides = array<i32>} : memref<4096xi32, #tpu.memory_space<vmem>>, vector<16xi32>,
        tpu.vector_store %arg7[%parallel_loop3A_642], %parallel_loop3A_639 {strides = array<i32>} : memref<4096xi32, #tpu.memory_space<vmem>>, vector<16xi32>,
        %parallel_loop3A_644 = arith.addi %parallel_loop3A_639, %parallel_loop3A_599 : vector<16xi32>
        %parallel_loop3A_645 = arith.constant 16 : i32
        %parallel_loop3A_646 = arith.muli %parallel_loop3A_591, %parallel_loop3A_645 : i32
        %parallel_loop3A_647 = arith.index_cast %parallel_loop3A_646 : i32 to index
        %parallel_loop3A_648 = tpu.vector_load %arg8[%parallel_loop3A_647] {strides = array<i32>} : memref<4096xi32, #tpu.memory_space<vmem>>, vector<16xi32>,
        tpu.vector_store %arg8[%parallel_loop3A_647], %parallel_loop3A_644 {strides = array<i32>} : memref<4096xi32, #tpu.memory_space<vmem>>, vector<16xi32>,
        %parallel_loop3A_649 = arith.addi %parallel_loop3A_644, %parallel_loop3A_603 : vector<16xi32>
        %parallel_loop3A_650 = arith.constant 16 : i32
        %parallel_loop3A_651 = arith.muli %parallel_loop3A_591, %parallel_loop3A_650 : i32
        %parallel_loop3A_652 = arith.index_cast %parallel_loop3A_651 : i32 to index
        %parallel_loop3A_653 = tpu.vector_load %arg9[%parallel_loop3A_652] {strides = array<i32>} : memref<4096xi32, #tpu.memory_space<vmem>>, vector<16xi32>,
        tpu.vector_store %arg9[%parallel_loop3A_652], %parallel_loop3A_649 {strides = array<i32>} : memref<4096xi32, #tpu.memory_space<vmem>>, vector<16xi32>,
        %parallel_loop3A_654 = arith.addi %parallel_loop3A_649, %parallel_loop3A_607 : vector<16xi32>
        %parallel_loop3A_655 = arith.constant 16 : i32
        %parallel_loop3A_656 = arith.muli %parallel_loop3A_591, %parallel_loop3A_655 : i32
        %parallel_loop3A_657 = arith.index_cast %parallel_loop3A_656 : i32 to index
        %parallel_loop3A_658 = tpu.vector_load %arg10[%parallel_loop3A_657] {strides = array<i32>} : memref<4096xi32, #tpu.memory_space<vmem>>, vector<16xi32>,
        tpu.vector_store %arg10[%parallel_loop3A_657], %parallel_loop3A_654 {strides = array<i32>} : memref<4096xi32, #tpu.memory_space<vmem>>, vector<16xi32>,
        %parallel_loop3A_659 = arith.addi %parallel_loop3A_654, %parallel_loop3A_611 : vector<16xi32>
        %parallel_loop3A_660 = arith.constant 16 : i32
        %parallel_loop3A_661 = arith.muli %parallel_loop3A_591, %parallel_loop3A_660 : i32
        %parallel_loop3A_662 = arith.index_cast %parallel_loop3A_661 : i32 to index
        %parallel_loop3A_663 = tpu.vector_load %arg11[%parallel_loop3A_662] {strides = array<i32>} : memref<4096xi32, #tpu.memory_space<vmem>>, vector<16xi32>,
        tpu.vector_store %arg11[%parallel_loop3A_662], %parallel_loop3A_659 {strides = array<i32>} : memref<4096xi32, #tpu.memory_space<vmem>>, vector<16xi32>,
        %parallel_loop3A_664 = arith.addi %parallel_loop3A_659, %parallel_loop3A_615 : vector<16xi32>
        %parallel_loop3A_665 = arith.constant 16 : i32
        %parallel_loop3A_666 = arith.muli %parallel_loop3A_591, %parallel_loop3A_665 : i32
        %parallel_loop3A_667 = arith.index_cast %parallel_loop3A_666 : i32 to index
        %parallel_loop3A_668 = tpu.vector_load %arg12[%parallel_loop3A_667] {strides = array<i32>} : memref<4096xi32, #tpu.memory_space<vmem>>, vector<16xi32>,
        tpu.vector_store %arg12[%parallel_loop3A_667], %parallel_loop3A_664 {strides = array<i32>} : memref<4096xi32, #tpu.memory_space<vmem>>, vector<16xi32>,
        %parallel_loop3A_669 = arith.addi %parallel_loop3A_664, %parallel_loop3A_619 : vector<16xi32>
        %parallel_loop3A_670 = arith.constant 16 : i32
        %parallel_loop3A_671 = arith.muli %parallel_loop3A_591, %parallel_loop3A_670 : i32
        %parallel_loop3A_672 = arith.index_cast %parallel_loop3A_671 : i32 to index
        %parallel_loop3A_673 = tpu.vector_load %arg13[%parallel_loop3A_672] {strides = array<i32>} : memref<4096xi32, #tpu.memory_space<vmem>>, vector<16xi32>,
        tpu.vector_store %arg13[%parallel_loop3A_672], %parallel_loop3A_669 {strides = array<i32>} : memref<4096xi32, #tpu.memory_space<vmem>>, vector<16xi32>,
        %parallel_loop3A_674 = arith.addi %parallel_loop3A_669, %parallel_loop3A_623 : vector<16xi32>
        %parallel_loop3A_675 = vector.broadcast %parallel_loop3A_591 : i32 to vector<16xi32>
        %parallel_loop3A_676 = arith.addi %parallel_loop3A_675, %broadcast_in_dim3A_193 : vector<16xi32>
        %parallel_loop3A_677 = vector.extract_strided_slice %parallel_loop3A_633 {offsets = [15], sizes = [1], strides = [1]} : vector<16xi32> to vector<1xi32>
        %parallel_loop3A_678 = vector.extract %parallel_loop3A_677[0] : i32 from vector<1xi32>
        %parallel_loop3A_679 = vector.broadcast %parallel_loop3A_678 : i32 to vector<16xi32>
        %parallel_loop3A_680 = arith.addi %parallel_loop3A_679, %broadcast_in_dim3A_193 : vector<16xi32>
        %parallel_loop3A_681 = arith.constant 0 : i32
        %parallel_loop3A_682 = vector.broadcast %parallel_loop3A_681 : i32 to vector<16xi32>
        %parallel_loop3A_683 = arith.cmpi eq, %iota3A_189, %parallel_loop3A_682 : vector<16xi32>
        tpu.vector_store_idx %arg14[%parallel_loop3A_676], %parallel_loop3A_680 masked %parallel_loop3A_683 : memref<256xi32, #tpu.memory_space<vmem>>[vector<16xi32>], vector<16xi32>, vector<16xi1>
      } {sc.loop_unroll_factor = 1 : i64, sc.parallel_access}
      %scan3A_203 = arith.constant 0 : i32
      %scan3A_204 = arith.constant 0 : i32
      %scan3A_205 = arith.constant 16 : i32
      %scan3A_206 = arith.addi %scan3A_204, %scan3A_205 : i32
      %scan3A_207 = arith.constant 1 : i32
      %scan3A_208 = scf.for %scan3A_591 = %scan3A_204 to %scan3A_206 step %scan3A_207 iter_args(%scan3A_592 = %scan3A_203) -> (i32)  : i32 {
        %mul3A_593 = arith.constant 16 : i32
        %mul3A_594 = arith.muli %scan3A_591, %mul3A_593 : i32
        %get3A_595 = arith.index_cast %mul3A_594 : i32 to index
        %get3A_596 = tpu.vector_load %arg14[%get3A_595] {strides = array<i32>} : memref<256xi32, #tpu.memory_space<vmem>>, vector<16xi32>,
        %broadcast_in_dim3A_597 = arith.constant true
        %broadcast_in_dim3A_598 = vector.broadcast %broadcast_in_dim3A_597 : i1 to vector<16xi1>
        %masked_cumsum3A = tpu.scan <sum>, %get3A_596 masked %broadcast_in_dim3A_598 : vector<16xi32>, vector<16xi1> -> vector<16xi32>
        %sub3A = arith.subi %masked_cumsum3A, %get3A_596 : vector<16xi32>
        %add3A_599 = vector.broadcast %scan3A_592 : i32 to vector<16xi32>
        %add3A_600 = arith.addi %sub3A, %add3A_599 : vector<16xi32>
        %mul3A_601 = arith.constant 16 : i32
        %mul3A_602 = arith.muli %scan3A_591, %mul3A_601 : i32
        %swap3A = arith.index_cast %mul3A_602 : i32 to index
        %swap3A_603 = tpu.vector_load %arg14[%swap3A] {strides = array<i32>} : memref<256xi32, #tpu.memory_space<vmem>>, vector<16xi32>,
        tpu.vector_store %arg14[%swap3A], %add3A_600 {strides = array<i32>} : memref<256xi32, #tpu.memory_space<vmem>>, vector<16xi32>,
        %slice3A = vector.extract_strided_slice %masked_cumsum3A {offsets = [15], sizes = [1], strides = [1]} : vector<16xi32> to vector<1xi32>
        %squeeze3A = vector.extract %slice3A[0] : i32 from vector<1xi32>
        %add3A_604 = arith.addi %scan3A_592, %squeeze3A : i32
        scf.yield %add3A_604 : i32
      }
      %scan3A_209 = arith.constant 16 : i32
      %parallel_loop3A_210 = arith.constant 0 : i32
      %parallel_loop3A_211 = arith.constant 256 : i32
      %parallel_loop3A_212 = arith.constant 1 : i32
      scf.for %parallel_loop3A_591 = %parallel_loop3A_210 to %parallel_loop3A_211 step %parallel_loop3A_212  : i32 {
        %parallel_loop3A_592 = vector.broadcast %parallel_loop3A_591 : i32 to vector<16xi32>
        %parallel_loop3A_593 = arith.addi %parallel_loop3A_592, %broadcast_in_dim3A_193 : vector<16xi32>
        %parallel_loop3A_594 = tpu.vector_load_idx %arg14[%parallel_loop3A_593] : memref<256xi32, #tpu.memory_space<vmem>>[vector<16xi32>], vector<16xi32>,
        %parallel_loop3A_595 = arith.constant 16 : i32
        %parallel_loop3A_596 = arith.muli %parallel_loop3A_591, %parallel_loop3A_595 : i32
        %parallel_loop3A_597 = arith.index_cast %parallel_loop3A_596 : i32 to index
        %parallel_loop3A_598 = tpu.vector_load %arg6[%parallel_loop3A_597] {strides = array<i32>} : memref<4096xi32, #tpu.memory_space<vmem>>, vector<16xi32>,
        %parallel_loop3A_599 = arith.addi %parallel_loop3A_598, %parallel_loop3A_594 : vector<16xi32>
        %parallel_loop3A_600 = arith.constant 16 : i32
        %parallel_loop3A_601 = arith.muli %parallel_loop3A_591, %parallel_loop3A_600 : i32
        %parallel_loop3A_602 = arith.index_cast %parallel_loop3A_601 : i32 to index
        %parallel_loop3A_603 = tpu.vector_load %arg6[%parallel_loop3A_602] {strides = array<i32>} : memref<4096xi32, #tpu.memory_space<vmem>>, vector<16xi32>,
        tpu.vector_store %arg6[%parallel_loop3A_602], %parallel_loop3A_599 {strides = array<i32>} : memref<4096xi32, #tpu.memory_space<vmem>>, vector<16xi32>,
        %parallel_loop3A_604 = arith.constant 16 : i32
        %parallel_loop3A_605 = arith.muli %parallel_loop3A_591, %parallel_loop3A_604 : i32
        %parallel_loop3A_606 = arith.index_cast %parallel_loop3A_605 : i32 to index
        %parallel_loop3A_607 = tpu.vector_load %arg7[%parallel_loop3A_606] {strides = array<i32>} : memref<4096xi32, #tpu.memory_space<vmem>>, vector<16xi32>,
        %parallel_loop3A_608 = arith.addi %parallel_loop3A_607, %parallel_loop3A_594 : vector<16xi32>
        %parallel_loop3A_609 = arith.constant 16 : i32
        %parallel_loop3A_610 = arith.muli %parallel_loop3A_591, %parallel_loop3A_609 : i32
        %parallel_loop3A_611 = arith.index_cast %parallel_loop3A_610 : i32 to index
        %parallel_loop3A_612 = tpu.vector_load %arg7[%parallel_loop3A_611] {strides = array<i32>} : memref<4096xi32, #tpu.memory_space<vmem>>, vector<16xi32>,
        tpu.vector_store %arg7[%parallel_loop3A_611], %parallel_loop3A_608 {strides = array<i32>} : memref<4096xi32, #tpu.memory_space<vmem>>, vector<16xi32>,
        %parallel_loop3A_613 = arith.constant 16 : i32
        %parallel_loop3A_614 = arith.muli %parallel_loop3A_591, %parallel_loop3A_613 : i32
        %parallel_loop3A_615 = arith.index_cast %parallel_loop3A_614 : i32 to index
        %parallel_loop3A_616 = tpu.vector_load %arg8[%parallel_loop3A_615] {strides = array<i32>} : memref<4096xi32, #tpu.memory_space<vmem>>, vector<16xi32>,
        %parallel_loop3A_617 = arith.addi %parallel_loop3A_616, %parallel_loop3A_594 : vector<16xi32>
        %parallel_loop3A_618 = arith.constant 16 : i32
        %parallel_loop3A_619 = arith.muli %parallel_loop3A_591, %parallel_loop3A_618 : i32
        %parallel_loop3A_620 = arith.index_cast %parallel_loop3A_619 : i32 to index
        %parallel_loop3A_621 = tpu.vector_load %arg8[%parallel_loop3A_620] {strides = array<i32>} : memref<4096xi32, #tpu.memory_space<vmem>>, vector<16xi32>,
        tpu.vector_store %arg8[%parallel_loop3A_620], %parallel_loop3A_617 {strides = array<i32>} : memref<4096xi32, #tpu.memory_space<vmem>>, vector<16xi32>,
        %parallel_loop3A_622 = arith.constant 16 : i32
        %parallel_loop3A_623 = arith.muli %parallel_loop3A_591, %parallel_loop3A_622 : i32
        %parallel_loop3A_624 = arith.index_cast %parallel_loop3A_623 : i32 to index
        %parallel_loop3A_625 = tpu.vector_load %arg9[%parallel_loop3A_624] {strides = array<i32>} : memref<4096xi32, #tpu.memory_space<vmem>>, vector<16xi32>,
        %parallel_loop3A_626 = arith.addi %parallel_loop3A_625, %parallel_loop3A_594 : vector<16xi32>
        %parallel_loop3A_627 = arith.constant 16 : i32
        %parallel_loop3A_628 = arith.muli %parallel_loop3A_591, %parallel_loop3A_627 : i32
        %parallel_loop3A_629 = arith.index_cast %parallel_loop3A_628 : i32 to index
        %parallel_loop3A_630 = tpu.vector_load %arg9[%parallel_loop3A_629] {strides = array<i32>} : memref<4096xi32, #tpu.memory_space<vmem>>, vector<16xi32>,
        tpu.vector_store %arg9[%parallel_loop3A_629], %parallel_loop3A_626 {strides = array<i32>} : memref<4096xi32, #tpu.memory_space<vmem>>, vector<16xi32>,
        %parallel_loop3A_631 = arith.constant 16 : i32
        %parallel_loop3A_632 = arith.muli %parallel_loop3A_591, %parallel_loop3A_631 : i32
        %parallel_loop3A_633 = arith.index_cast %parallel_loop3A_632 : i32 to index
        %parallel_loop3A_634 = tpu.vector_load %arg10[%parallel_loop3A_633] {strides = array<i32>} : memref<4096xi32, #tpu.memory_space<vmem>>, vector<16xi32>,
        %parallel_loop3A_635 = arith.addi %parallel_loop3A_634, %parallel_loop3A_594 : vector<16xi32>
        %parallel_loop3A_636 = arith.constant 16 : i32
        %parallel_loop3A_637 = arith.muli %parallel_loop3A_591, %parallel_loop3A_636 : i32
        %parallel_loop3A_638 = arith.index_cast %parallel_loop3A_637 : i32 to index
        %parallel_loop3A_639 = tpu.vector_load %arg10[%parallel_loop3A_638] {strides = array<i32>} : memref<4096xi32, #tpu.memory_space<vmem>>, vector<16xi32>,
        tpu.vector_store %arg10[%parallel_loop3A_638], %parallel_loop3A_635 {strides = array<i32>} : memref<4096xi32, #tpu.memory_space<vmem>>, vector<16xi32>,
        %parallel_loop3A_640 = arith.constant 16 : i32
        %parallel_loop3A_641 = arith.muli %parallel_loop3A_591, %parallel_loop3A_640 : i32
        %parallel_loop3A_642 = arith.index_cast %parallel_loop3A_641 : i32 to index
        %parallel_loop3A_643 = tpu.vector_load %arg11[%parallel_loop3A_642] {strides = array<i32>} : memref<4096xi32, #tpu.memory_space<vmem>>, vector<16xi32>,
        %parallel_loop3A_644 = arith.addi %parallel_loop3A_643, %parallel_loop3A_594 : vector<16xi32>
        %parallel_loop3A_645 = arith.constant 16 : i32
        %parallel_loop3A_646 = arith.muli %parallel_loop3A_591, %parallel_loop3A_645 : i32
        %parallel_loop3A_647 = arith.index_cast %parallel_loop3A_646 : i32 to index
        %parallel_loop3A_648 = tpu.vector_load %arg11[%parallel_loop3A_647] {strides = array<i32>} : memref<4096xi32, #tpu.memory_space<vmem>>, vector<16xi32>,
        tpu.vector_store %arg11[%parallel_loop3A_647], %parallel_loop3A_644 {strides = array<i32>} : memref<4096xi32, #tpu.memory_space<vmem>>, vector<16xi32>,
        %parallel_loop3A_649 = arith.constant 16 : i32
        %parallel_loop3A_650 = arith.muli %parallel_loop3A_591, %parallel_loop3A_649 : i32
        %parallel_loop3A_651 = arith.index_cast %parallel_loop3A_650 : i32 to index
        %parallel_loop3A_652 = tpu.vector_load %arg12[%parallel_loop3A_651] {strides = array<i32>} : memref<4096xi32, #tpu.memory_space<vmem>>, vector<16xi32>,
        %parallel_loop3A_653 = arith.addi %parallel_loop3A_652, %parallel_loop3A_594 : vector<16xi32>
        %parallel_loop3A_654 = arith.constant 16 : i32
        %parallel_loop3A_655 = arith.muli %parallel_loop3A_591, %parallel_loop3A_654 : i32
        %parallel_loop3A_656 = arith.index_cast %parallel_loop3A_655 : i32 to index
        %parallel_loop3A_657 = tpu.vector_load %arg12[%parallel_loop3A_656] {strides = array<i32>} : memref<4096xi32, #tpu.memory_space<vmem>>, vector<16xi32>,
        tpu.vector_store %arg12[%parallel_loop3A_656], %parallel_loop3A_653 {strides = array<i32>} : memref<4096xi32, #tpu.memory_space<vmem>>, vector<16xi32>,
        %parallel_loop3A_658 = arith.constant 16 : i32
        %parallel_loop3A_659 = arith.muli %parallel_loop3A_591, %parallel_loop3A_658 : i32
        %parallel_loop3A_660 = arith.index_cast %parallel_loop3A_659 : i32 to index
        %parallel_loop3A_661 = tpu.vector_load %arg13[%parallel_loop3A_660] {strides = array<i32>} : memref<4096xi32, #tpu.memory_space<vmem>>, vector<16xi32>,
        %parallel_loop3A_662 = arith.addi %parallel_loop3A_661, %parallel_loop3A_594 : vector<16xi32>
        %parallel_loop3A_663 = arith.constant 16 : i32
        %parallel_loop3A_664 = arith.muli %parallel_loop3A_591, %parallel_loop3A_663 : i32
        %parallel_loop3A_665 = arith.index_cast %parallel_loop3A_664 : i32 to index
        %parallel_loop3A_666 = tpu.vector_load %arg13[%parallel_loop3A_665] {strides = array<i32>} : memref<4096xi32, #tpu.memory_space<vmem>>, vector<16xi32>,
        tpu.vector_store %arg13[%parallel_loop3A_665], %parallel_loop3A_662 {strides = array<i32>} : memref<4096xi32, #tpu.memory_space<vmem>>, vector<16xi32>,
      } {sc.loop_unroll_factor = 1 : i64, sc.parallel_access}
      %get3A_213 = arith.constant 0 : index
      %get3A_214 = tpu.vector_load %arg5[%get3A_213] {strides = array<i32>} : memref<32768xf32, #tpu.memory_space<vmem>>, vector<16xf32>,
      %bitcast3A_215 = vector.bitcast %get3A_214 : vector<16xf32> to vector<16xi32>
      %get3A_216 = arith.constant 4096 : index
      %get3A_217 = tpu.vector_load %arg5[%get3A_216] {strides = array<i32>} : memref<32768xf32, #tpu.memory_space<vmem>>, vector<16xf32>,
      %bitcast3A_218 = vector.bitcast %get3A_217 : vector<16xf32> to vector<16xi32>
      %get3A_219 = arith.constant 8192 : index
      %get3A_220 = tpu.vector_load %arg5[%get3A_219] {strides = array<i32>} : memref<32768xf32, #tpu.memory_space<vmem>>, vector<16xf32>,
      %bitcast3A_221 = vector.bitcast %get3A_220 : vector<16xf32> to vector<16xi32>
      %get3A_222 = arith.constant 12288 : index
      %get3A_223 = tpu.vector_load %arg5[%get3A_222] {strides = array<i32>} : memref<32768xf32, #tpu.memory_space<vmem>>, vector<16xf32>,
      %bitcast3A_224 = vector.bitcast %get3A_223 : vector<16xf32> to vector<16xi32>
      %get3A_225 = arith.constant 16384 : index
      %get3A_226 = tpu.vector_load %arg5[%get3A_225] {strides = array<i32>} : memref<32768xf32, #tpu.memory_space<vmem>>, vector<16xf32>,
      %bitcast3A_227 = vector.bitcast %get3A_226 : vector<16xf32> to vector<16xi32>
      %get3A_228 = arith.constant 20480 : index
      %get3A_229 = tpu.vector_load %arg5[%get3A_228] {strides = array<i32>} : memref<32768xf32, #tpu.memory_space<vmem>>, vector<16xf32>,
      %bitcast3A_230 = vector.bitcast %get3A_229 : vector<16xf32> to vector<16xi32>
      %get3A_231 = arith.constant 24576 : index
      %get3A_232 = tpu.vector_load %arg5[%get3A_231] {strides = array<i32>} : memref<32768xf32, #tpu.memory_space<vmem>>, vector<16xf32>,
      %bitcast3A_233 = vector.bitcast %get3A_232 : vector<16xf32> to vector<16xi32>
      %get3A_234 = arith.constant 28672 : index
      %get3A_235 = tpu.vector_load %arg5[%get3A_234] {strides = array<i32>} : memref<32768xf32, #tpu.memory_space<vmem>>, vector<16xf32>,
      %bitcast3A_236 = vector.bitcast %get3A_235 : vector<16xf32> to vector<16xi32>
      %shift_right_logical3A_237 = arith.constant 8 : i32
      %shift_right_logical3A_238 = vector.broadcast %shift_right_logical3A_237 : i32 to vector<16xi32>
      %shift_right_logical3A_239 = arith.shrui %bitcast3A_215, %shift_right_logical3A_238 : vector<16xi32>
      %and3A_240 = arith.constant 255 : i32
      %and3A_241 = vector.broadcast %and3A_240 : i32 to vector<16xi32>
      %and3A_242 = arith.andi %shift_right_logical3A_239, %and3A_241 : vector<16xi32>
      %shift_left3A_243 = arith.constant 4 : i32
      %shift_left3A_244 = vector.broadcast %shift_left3A_243 : i32 to vector<16xi32>
      %shift_left3A_245 = arith.shli %and3A_242, %shift_left3A_244 : vector<16xi32>
      %or3A_246 = arith.ori %shift_left3A_245, %iota3A_189 : vector<16xi32>
      %shift_right_logical3A_247 = arith.constant 8 : i32
      %shift_right_logical3A_248 = vector.broadcast %shift_right_logical3A_247 : i32 to vector<16xi32>
      %shift_right_logical3A_249 = arith.shrui %bitcast3A_218, %shift_right_logical3A_248 : vector<16xi32>
      %and3A_250 = arith.constant 255 : i32
      %and3A_251 = vector.broadcast %and3A_250 : i32 to vector<16xi32>
      %and3A_252 = arith.andi %shift_right_logical3A_249, %and3A_251 : vector<16xi32>
      %shift_left3A_253 = arith.constant 4 : i32
      %shift_left3A_254 = vector.broadcast %shift_left3A_253 : i32 to vector<16xi32>
      %shift_left3A_255 = arith.shli %and3A_252, %shift_left3A_254 : vector<16xi32>
      %or3A_256 = arith.ori %shift_left3A_255, %iota3A_189 : vector<16xi32>
      %shift_right_logical3A_257 = arith.constant 8 : i32
      %shift_right_logical3A_258 = vector.broadcast %shift_right_logical3A_257 : i32 to vector<16xi32>
      %shift_right_logical3A_259 = arith.shrui %bitcast3A_221, %shift_right_logical3A_258 : vector<16xi32>
      %and3A_260 = arith.constant 255 : i32
      %and3A_261 = vector.broadcast %and3A_260 : i32 to vector<16xi32>
      %and3A_262 = arith.andi %shift_right_logical3A_259, %and3A_261 : vector<16xi32>
      %shift_left3A_263 = arith.constant 4 : i32
      %shift_left3A_264 = vector.broadcast %shift_left3A_263 : i32 to vector<16xi32>
      %shift_left3A_265 = arith.shli %and3A_262, %shift_left3A_264 : vector<16xi32>
      %or3A_266 = arith.ori %shift_left3A_265, %iota3A_189 : vector<16xi32>
      %shift_right_logical3A_267 = arith.constant 8 : i32
      %shift_right_logical3A_268 = vector.broadcast %shift_right_logical3A_267 : i32 to vector<16xi32>
      %shift_right_logical3A_269 = arith.shrui %bitcast3A_224, %shift_right_logical3A_268 : vector<16xi32>
      %and3A_270 = arith.constant 255 : i32
      %and3A_271 = vector.broadcast %and3A_270 : i32 to vector<16xi32>
      %and3A_272 = arith.andi %shift_right_logical3A_269, %and3A_271 : vector<16xi32>
      %shift_left3A_273 = arith.constant 4 : i32
      %shift_left3A_274 = vector.broadcast %shift_left3A_273 : i32 to vector<16xi32>
      %shift_left3A_275 = arith.shli %and3A_272, %shift_left3A_274 : vector<16xi32>
      %or3A_276 = arith.ori %shift_left3A_275, %iota3A_189 : vector<16xi32>
      %shift_right_logical3A_277 = arith.constant 8 : i32
      %shift_right_logical3A_278 = vector.broadcast %shift_right_logical3A_277 : i32 to vector<16xi32>
      %shift_right_logical3A_279 = arith.shrui %bitcast3A_227, %shift_right_logical3A_278 : vector<16xi32>
      %and3A_280 = arith.constant 255 : i32
      %and3A_281 = vector.broadcast %and3A_280 : i32 to vector<16xi32>
      %and3A_282 = arith.andi %shift_right_logical3A_279, %and3A_281 : vector<16xi32>
      %shift_left3A_283 = arith.constant 4 : i32
      %shift_left3A_284 = vector.broadcast %shift_left3A_283 : i32 to vector<16xi32>
      %shift_left3A_285 = arith.shli %and3A_282, %shift_left3A_284 : vector<16xi32>
      %or3A_286 = arith.ori %shift_left3A_285, %iota3A_189 : vector<16xi32>
      %shift_right_logical3A_287 = arith.constant 8 : i32
      %shift_right_logical3A_288 = vector.broadcast %shift_right_logical3A_287 : i32 to vector<16xi32>
      %shift_right_logical3A_289 = arith.shrui %bitcast3A_230, %shift_right_logical3A_288 : vector<16xi32>
      %and3A_290 = arith.constant 255 : i32
      %and3A_291 = vector.broadcast %and3A_290 : i32 to vector<16xi32>
      %and3A_292 = arith.andi %shift_right_logical3A_289, %and3A_291 : vector<16xi32>
      %shift_left3A_293 = arith.constant 4 : i32
      %shift_left3A_294 = vector.broadcast %shift_left3A_293 : i32 to vector<16xi32>
      %shift_left3A_295 = arith.shli %and3A_292, %shift_left3A_294 : vector<16xi32>
      %or3A_296 = arith.ori %shift_left3A_295, %iota3A_189 : vector<16xi32>
      %shift_right_logical3A_297 = arith.constant 8 : i32
      %shift_right_logical3A_298 = vector.broadcast %shift_right_logical3A_297 : i32 to vector<16xi32>
      %shift_right_logical3A_299 = arith.shrui %bitcast3A_233, %shift_right_logical3A_298 : vector<16xi32>
      %and3A_300 = arith.constant 255 : i32
      %and3A_301 = vector.broadcast %and3A_300 : i32 to vector<16xi32>
      %and3A_302 = arith.andi %shift_right_logical3A_299, %and3A_301 : vector<16xi32>
      %shift_left3A_303 = arith.constant 4 : i32
      %shift_left3A_304 = vector.broadcast %shift_left3A_303 : i32 to vector<16xi32>
      %shift_left3A_305 = arith.shli %and3A_302, %shift_left3A_304 : vector<16xi32>
      %or3A_306 = arith.ori %shift_left3A_305, %iota3A_189 : vector<16xi32>
      %shift_right_logical3A_307 = arith.constant 8 : i32
      %shift_right_logical3A_308 = vector.broadcast %shift_right_logical3A_307 : i32 to vector<16xi32>
      %shift_right_logical3A_309 = arith.shrui %bitcast3A_236, %shift_right_logical3A_308 : vector<16xi32>
      %and3A_310 = arith.constant 255 : i32
      %and3A_311 = vector.broadcast %and3A_310 : i32 to vector<16xi32>
      %and3A_312 = arith.andi %shift_right_logical3A_309, %and3A_311 : vector<16xi32>
      %shift_left3A_313 = arith.constant 4 : i32
      %shift_left3A_314 = vector.broadcast %shift_left3A_313 : i32 to vector<16xi32>
      %shift_left3A_315 = arith.shli %and3A_312, %shift_left3A_314 : vector<16xi32>
      %or3A_316 = arith.ori %shift_left3A_315, %iota3A_189 : vector<16xi32>
      %scan3A_317 = arith.constant 0 : i32
      %scan3A_318 = arith.constant 256 : i32
      %scan3A_319 = arith.addi %scan3A_317, %scan3A_318 : i32
      %scan3A_320 = arith.constant 1 : i32
      %scan3A_321:16 = scf.for %scan3A_591 = %scan3A_317 to %scan3A_319 step %scan3A_320 iter_args(%scan3A_592 = %bitcast3A_215, %scan3A_593 = %bitcast3A_218, %scan3A_594 = %bitcast3A_221, %scan3A_595 = %bitcast3A_224, %scan3A_596 = %bitcast3A_227, %scan3A_597 = %bitcast3A_230, %scan3A_598 = %bitcast3A_233, %scan3A_599 = %bitcast3A_236, %scan3A_600 = %or3A_246, %scan3A_601 = %or3A_256, %scan3A_602 = %or3A_266, %scan3A_603 = %or3A_276, %scan3A_604 = %or3A_286, %scan3A_605 = %or3A_296, %scan3A_606 = %or3A_306, %scan3A_607 = %or3A_316) -> (vector<16xi32>, vector<16xi32>, vector<16xi32>, vector<16xi32>, vector<16xi32>, vector<16xi32>, vector<16xi32>, vector<16xi32>, vector<16xi32>, vector<16xi32>, vector<16xi32>, vector<16xi32>, vector<16xi32>, vector<16xi32>, vector<16xi32>, vector<16xi32>)  : i32 {
        %add3A_608 = arith.constant 1 : i32
        %add3A_609 = arith.addi %scan3A_591, %add3A_608 : i32
        %min3A = arith.constant 255 : i32
        %min3A_610 = arith.minsi %add3A_609, %min3A : i32
        %add3A_611 = arith.constant 0 : i32
        %add3A_612 = arith.addi %add3A_611, %min3A_610 : i32
        %mul3A_613 = arith.constant 16 : i32
        %mul3A_614 = arith.muli %add3A_612, %mul3A_613 : i32
        %get3A_615 = arith.index_cast %mul3A_614 : i32 to index
        %get3A_616 = tpu.vector_load %arg5[%get3A_615] {strides = array<i32>} : memref<32768xf32, #tpu.memory_space<vmem>>, vector<16xf32>,
        %bitcast3A_617 = vector.bitcast %get3A_616 : vector<16xf32> to vector<16xi32>
        %add3A_618 = arith.constant 256 : i32
        %add3A_619 = arith.addi %add3A_618, %min3A_610 : i32
        %mul3A_620 = arith.constant 16 : i32
        %mul3A_621 = arith.muli %add3A_619, %mul3A_620 : i32
        %get3A_622 = arith.index_cast %mul3A_621 : i32 to index
        %get3A_623 = tpu.vector_load %arg5[%get3A_622] {strides = array<i32>} : memref<32768xf32, #tpu.memory_space<vmem>>, vector<16xf32>,
        %bitcast3A_624 = vector.bitcast %get3A_623 : vector<16xf32> to vector<16xi32>
        %add3A_625 = arith.constant 512 : i32
        %add3A_626 = arith.addi %add3A_625, %min3A_610 : i32
        %mul3A_627 = arith.constant 16 : i32
        %mul3A_628 = arith.muli %add3A_626, %mul3A_627 : i32
        %get3A_629 = arith.index_cast %mul3A_628 : i32 to index
        %get3A_630 = tpu.vector_load %arg5[%get3A_629] {strides = array<i32>} : memref<32768xf32, #tpu.memory_space<vmem>>, vector<16xf32>,
        %bitcast3A_631 = vector.bitcast %get3A_630 : vector<16xf32> to vector<16xi32>
        %add3A_632 = arith.constant 768 : i32
        %add3A_633 = arith.addi %add3A_632, %min3A_610 : i32
        %mul3A_634 = arith.constant 16 : i32
        %mul3A_635 = arith.muli %add3A_633, %mul3A_634 : i32
        %get3A_636 = arith.index_cast %mul3A_635 : i32 to index
        %get3A_637 = tpu.vector_load %arg5[%get3A_636] {strides = array<i32>} : memref<32768xf32, #tpu.memory_space<vmem>>, vector<16xf32>,
        %bitcast3A_638 = vector.bitcast %get3A_637 : vector<16xf32> to vector<16xi32>
        %add3A_639 = arith.constant 1024 : i32
        %add3A_640 = arith.addi %add3A_639, %min3A_610 : i32
        %mul3A_641 = arith.constant 16 : i32
        %mul3A_642 = arith.muli %add3A_640, %mul3A_641 : i32
        %get3A_643 = arith.index_cast %mul3A_642 : i32 to index
        %get3A_644 = tpu.vector_load %arg5[%get3A_643] {strides = array<i32>} : memref<32768xf32, #tpu.memory_space<vmem>>, vector<16xf32>,
        %bitcast3A_645 = vector.bitcast %get3A_644 : vector<16xf32> to vector<16xi32>
        %add3A_646 = arith.constant 1280 : i32
        %add3A_647 = arith.addi %add3A_646, %min3A_610 : i32
        %mul3A_648 = arith.constant 16 : i32
        %mul3A_649 = arith.muli %add3A_647, %mul3A_648 : i32
        %get3A_650 = arith.index_cast %mul3A_649 : i32 to index
        %get3A_651 = tpu.vector_load %arg5[%get3A_650] {strides = array<i32>} : memref<32768xf32, #tpu.memory_space<vmem>>, vector<16xf32>,
        %bitcast3A_652 = vector.bitcast %get3A_651 : vector<16xf32> to vector<16xi32>
        %add3A_653 = arith.constant 1536 : i32
        %add3A_654 = arith.addi %add3A_653, %min3A_610 : i32
        %mul3A_655 = arith.constant 16 : i32
        %mul3A_656 = arith.muli %add3A_654, %mul3A_655 : i32
        %get3A_657 = arith.index_cast %mul3A_656 : i32 to index
        %get3A_658 = tpu.vector_load %arg5[%get3A_657] {strides = array<i32>} : memref<32768xf32, #tpu.memory_space<vmem>>, vector<16xf32>,
        %bitcast3A_659 = vector.bitcast %get3A_658 : vector<16xf32> to vector<16xi32>
        %add3A_660 = arith.constant 1792 : i32
        %add3A_661 = arith.addi %add3A_660, %min3A_610 : i32
        %mul3A_662 = arith.constant 16 : i32
        %mul3A_663 = arith.muli %add3A_661, %mul3A_662 : i32
        %get3A_664 = arith.index_cast %mul3A_663 : i32 to index
        %get3A_665 = tpu.vector_load %arg5[%get3A_664] {strides = array<i32>} : memref<32768xf32, #tpu.memory_space<vmem>>, vector<16xf32>,
        %bitcast3A_666 = vector.bitcast %get3A_665 : vector<16xf32> to vector<16xi32>
        %shift_right_logical3A_667 = arith.constant 8 : i32
        %shift_right_logical3A_668 = vector.broadcast %shift_right_logical3A_667 : i32 to vector<16xi32>
        %shift_right_logical3A_669 = arith.shrui %bitcast3A_617, %shift_right_logical3A_668 : vector<16xi32>
        %and3A_670 = arith.constant 255 : i32
        %and3A_671 = vector.broadcast %and3A_670 : i32 to vector<16xi32>
        %and3A_672 = arith.andi %shift_right_logical3A_669, %and3A_671 : vector<16xi32>
        %shift_left3A_673 = arith.constant 4 : i32
        %shift_left3A_674 = vector.broadcast %shift_left3A_673 : i32 to vector<16xi32>
        %shift_left3A_675 = arith.shli %and3A_672, %shift_left3A_674 : vector<16xi32>
        %or3A_676 = arith.ori %shift_left3A_675, %iota3A_189 : vector<16xi32>
        %shift_right_logical3A_677 = arith.constant 8 : i32
        %shift_right_logical3A_678 = vector.broadcast %shift_right_logical3A_677 : i32 to vector<16xi32>
        %shift_right_logical3A_679 = arith.shrui %bitcast3A_624, %shift_right_logical3A_678 : vector<16xi32>
        %and3A_680 = arith.constant 255 : i32
        %and3A_681 = vector.broadcast %and3A_680 : i32 to vector<16xi32>
        %and3A_682 = arith.andi %shift_right_logical3A_679, %and3A_681 : vector<16xi32>
        %shift_left3A_683 = arith.constant 4 : i32
        %shift_left3A_684 = vector.broadcast %shift_left3A_683 : i32 to vector<16xi32>
        %shift_left3A_685 = arith.shli %and3A_682, %shift_left3A_684 : vector<16xi32>
        %or3A_686 = arith.ori %shift_left3A_685, %iota3A_189 : vector<16xi32>
        %shift_right_logical3A_687 = arith.constant 8 : i32
        %shift_right_logical3A_688 = vector.broadcast %shift_right_logical3A_687 : i32 to vector<16xi32>
        %shift_right_logical3A_689 = arith.shrui %bitcast3A_631, %shift_right_logical3A_688 : vector<16xi32>
        %and3A_690 = arith.constant 255 : i32
        %and3A_691 = vector.broadcast %and3A_690 : i32 to vector<16xi32>
        %and3A_692 = arith.andi %shift_right_logical3A_689, %and3A_691 : vector<16xi32>
        %shift_left3A_693 = arith.constant 4 : i32
        %shift_left3A_694 = vector.broadcast %shift_left3A_693 : i32 to vector<16xi32>
        %shift_left3A_695 = arith.shli %and3A_692, %shift_left3A_694 : vector<16xi32>
        %or3A_696 = arith.ori %shift_left3A_695, %iota3A_189 : vector<16xi32>
        %shift_right_logical3A_697 = arith.constant 8 : i32
        %shift_right_logical3A_698 = vector.broadcast %shift_right_logical3A_697 : i32 to vector<16xi32>
        %shift_right_logical3A_699 = arith.shrui %bitcast3A_638, %shift_right_logical3A_698 : vector<16xi32>
        %and3A_700 = arith.constant 255 : i32
        %and3A_701 = vector.broadcast %and3A_700 : i32 to vector<16xi32>
        %and3A_702 = arith.andi %shift_right_logical3A_699, %and3A_701 : vector<16xi32>
        %shift_left3A_703 = arith.constant 4 : i32
        %shift_left3A_704 = vector.broadcast %shift_left3A_703 : i32 to vector<16xi32>
        %shift_left3A_705 = arith.shli %and3A_702, %shift_left3A_704 : vector<16xi32>
        %or3A_706 = arith.ori %shift_left3A_705, %iota3A_189 : vector<16xi32>
        %shift_right_logical3A_707 = arith.constant 8 : i32
        %shift_right_logical3A_708 = vector.broadcast %shift_right_logical3A_707 : i32 to vector<16xi32>
        %shift_right_logical3A_709 = arith.shrui %bitcast3A_645, %shift_right_logical3A_708 : vector<16xi32>
        %and3A_710 = arith.constant 255 : i32
        %and3A_711 = vector.broadcast %and3A_710 : i32 to vector<16xi32>
        %and3A_712 = arith.andi %shift_right_logical3A_709, %and3A_711 : vector<16xi32>
        %shift_left3A_713 = arith.constant 4 : i32
        %shift_left3A_714 = vector.broadcast %shift_left3A_713 : i32 to vector<16xi32>
        %shift_left3A_715 = arith.shli %and3A_712, %shift_left3A_714 : vector<16xi32>
        %or3A_716 = arith.ori %shift_left3A_715, %iota3A_189 : vector<16xi32>
        %shift_right_logical3A_717 = arith.constant 8 : i32
        %shift_right_logical3A_718 = vector.broadcast %shift_right_logical3A_717 : i32 to vector<16xi32>
        %shift_right_logical3A_719 = arith.shrui %bitcast3A_652, %shift_right_logical3A_718 : vector<16xi32>
        %and3A_720 = arith.constant 255 : i32
        %and3A_721 = vector.broadcast %and3A_720 : i32 to vector<16xi32>
        %and3A_722 = arith.andi %shift_right_logical3A_719, %and3A_721 : vector<16xi32>
        %shift_left3A_723 = arith.constant 4 : i32
        %shift_left3A_724 = vector.broadcast %shift_left3A_723 : i32 to vector<16xi32>
        %shift_left3A_725 = arith.shli %and3A_722, %shift_left3A_724 : vector<16xi32>
        %or3A_726 = arith.ori %shift_left3A_725, %iota3A_189 : vector<16xi32>
        %shift_right_logical3A_727 = arith.constant 8 : i32
        %shift_right_logical3A_728 = vector.broadcast %shift_right_logical3A_727 : i32 to vector<16xi32>
        %shift_right_logical3A_729 = arith.shrui %bitcast3A_659, %shift_right_logical3A_728 : vector<16xi32>
        %and3A_730 = arith.constant 255 : i32
        %and3A_731 = vector.broadcast %and3A_730 : i32 to vector<16xi32>
        %and3A_732 = arith.andi %shift_right_logical3A_729, %and3A_731 : vector<16xi32>
        %shift_left3A_733 = arith.constant 4 : i32
        %shift_left3A_734 = vector.broadcast %shift_left3A_733 : i32 to vector<16xi32>
        %shift_left3A_735 = arith.shli %and3A_732, %shift_left3A_734 : vector<16xi32>
        %or3A_736 = arith.ori %shift_left3A_735, %iota3A_189 : vector<16xi32>
        %shift_right_logical3A_737 = arith.constant 8 : i32
        %shift_right_logical3A_738 = vector.broadcast %shift_right_logical3A_737 : i32 to vector<16xi32>
        %shift_right_logical3A_739 = arith.shrui %bitcast3A_666, %shift_right_logical3A_738 : vector<16xi32>
        %and3A_740 = arith.constant 255 : i32
        %and3A_741 = vector.broadcast %and3A_740 : i32 to vector<16xi32>
        %and3A_742 = arith.andi %shift_right_logical3A_739, %and3A_741 : vector<16xi32>
        %shift_left3A_743 = arith.constant 4 : i32
        %shift_left3A_744 = vector.broadcast %shift_left3A_743 : i32 to vector<16xi32>
        %shift_left3A_745 = arith.shli %and3A_742, %shift_left3A_744 : vector<16xi32>
        %or3A_746 = arith.ori %shift_left3A_745, %iota3A_189 : vector<16xi32>
        %gather3A = tpu.vector_load_idx %arg6[%scan3A_600] : memref<4096xi32, #tpu.memory_space<vmem>>[vector<16xi32>], vector<16xi32>,
        %gather3A_747 = tpu.vector_load_idx %arg7[%scan3A_601] : memref<4096xi32, #tpu.memory_space<vmem>>[vector<16xi32>], vector<16xi32>,
        %gather3A_748 = tpu.vector_load_idx %arg8[%scan3A_602] : memref<4096xi32, #tpu.memory_space<vmem>>[vector<16xi32>], vector<16xi32>,
        %gather3A_749 = tpu.vector_load_idx %arg9[%scan3A_603] : memref<4096xi32, #tpu.memory_space<vmem>>[vector<16xi32>], vector<16xi32>,
        %gather3A_750 = tpu.vector_load_idx %arg10[%scan3A_604] : memref<4096xi32, #tpu.memory_space<vmem>>[vector<16xi32>], vector<16xi32>,
        %gather3A_751 = tpu.vector_load_idx %arg11[%scan3A_605] : memref<4096xi32, #tpu.memory_space<vmem>>[vector<16xi32>], vector<16xi32>,
        %gather3A_752 = tpu.vector_load_idx %arg12[%scan3A_606] : memref<4096xi32, #tpu.memory_space<vmem>>[vector<16xi32>], vector<16xi32>,
        %gather3A_753 = tpu.vector_load_idx %arg13[%scan3A_607] : memref<4096xi32, #tpu.memory_space<vmem>>[vector<16xi32>], vector<16xi32>,
        tpu.vector_store_idx %arg6[%scan3A_600], %broadcast_in_dim3A_191 {add = true} : memref<4096xi32, #tpu.memory_space<vmem>>[vector<16xi32>], vector<16xi32>,
        tpu.vector_store_idx %arg7[%scan3A_601], %broadcast_in_dim3A_191 {add = true} : memref<4096xi32, #tpu.memory_space<vmem>>[vector<16xi32>], vector<16xi32>,
        tpu.vector_store_idx %arg8[%scan3A_602], %broadcast_in_dim3A_191 {add = true} : memref<4096xi32, #tpu.memory_space<vmem>>[vector<16xi32>], vector<16xi32>,
        tpu.vector_store_idx %arg9[%scan3A_603], %broadcast_in_dim3A_191 {add = true} : memref<4096xi32, #tpu.memory_space<vmem>>[vector<16xi32>], vector<16xi32>,
        tpu.vector_store_idx %arg10[%scan3A_604], %broadcast_in_dim3A_191 {add = true} : memref<4096xi32, #tpu.memory_space<vmem>>[vector<16xi32>], vector<16xi32>,
        tpu.vector_store_idx %arg11[%scan3A_605], %broadcast_in_dim3A_191 {add = true} : memref<4096xi32, #tpu.memory_space<vmem>>[vector<16xi32>], vector<16xi32>,
        tpu.vector_store_idx %arg12[%scan3A_606], %broadcast_in_dim3A_191 {add = true} : memref<4096xi32, #tpu.memory_space<vmem>>[vector<16xi32>], vector<16xi32>,
        tpu.vector_store_idx %arg13[%scan3A_607], %broadcast_in_dim3A_191 {add = true} : memref<4096xi32, #tpu.memory_space<vmem>>[vector<16xi32>], vector<16xi32>,
        %and3A_754 = arith.constant 2047 : i32
        %and3A_755 = vector.broadcast %and3A_754 : i32 to vector<16xi32>
        %and3A_756 = arith.andi %gather3A, %and3A_755 : vector<16xi32>
        %shift_left3A_757 = arith.constant 4 : i32
        %shift_left3A_758 = vector.broadcast %shift_left3A_757 : i32 to vector<16xi32>
        %shift_left3A_759 = arith.shli %and3A_756, %shift_left3A_758 : vector<16xi32>
        %shift_right_logical3A_760 = arith.constant 11 : i32
        %shift_right_logical3A_761 = vector.broadcast %shift_right_logical3A_760 : i32 to vector<16xi32>
        %shift_right_logical3A_762 = arith.shrui %gather3A, %shift_right_logical3A_761 : vector<16xi32>
        %or3A_763 = arith.ori %shift_left3A_759, %shift_right_logical3A_762 : vector<16xi32>
        %bitcast3A_764 = vector.bitcast %scan3A_592 : vector<16xi32> to vector<16xf32>
        tpu.vector_store_idx %arg4[%or3A_763], %bitcast3A_764 : memref<32768xf32, #tpu.memory_space<vmem>>[vector<16xi32>], vector<16xf32>,
        %and3A_765 = arith.constant 2047 : i32
        %and3A_766 = vector.broadcast %and3A_765 : i32 to vector<16xi32>
        %and3A_767 = arith.andi %gather3A_747, %and3A_766 : vector<16xi32>
        %shift_left3A_768 = arith.constant 4 : i32
        %shift_left3A_769 = vector.broadcast %shift_left3A_768 : i32 to vector<16xi32>
        %shift_left3A_770 = arith.shli %and3A_767, %shift_left3A_769 : vector<16xi32>
        %shift_right_logical3A_771 = arith.constant 11 : i32
        %shift_right_logical3A_772 = vector.broadcast %shift_right_logical3A_771 : i32 to vector<16xi32>
        %shift_right_logical3A_773 = arith.shrui %gather3A_747, %shift_right_logical3A_772 : vector<16xi32>
        %or3A_774 = arith.ori %shift_left3A_770, %shift_right_logical3A_773 : vector<16xi32>
        %bitcast3A_775 = vector.bitcast %scan3A_593 : vector<16xi32> to vector<16xf32>
        tpu.vector_store_idx %arg4[%or3A_774], %bitcast3A_775 : memref<32768xf32, #tpu.memory_space<vmem>>[vector<16xi32>], vector<16xf32>,
        %and3A_776 = arith.constant 2047 : i32
        %and3A_777 = vector.broadcast %and3A_776 : i32 to vector<16xi32>
        %and3A_778 = arith.andi %gather3A_748, %and3A_777 : vector<16xi32>
        %shift_left3A_779 = arith.constant 4 : i32
        %shift_left3A_780 = vector.broadcast %shift_left3A_779 : i32 to vector<16xi32>
        %shift_left3A_781 = arith.shli %and3A_778, %shift_left3A_780 : vector<16xi32>
        %shift_right_logical3A_782 = arith.constant 11 : i32
        %shift_right_logical3A_783 = vector.broadcast %shift_right_logical3A_782 : i32 to vector<16xi32>
        %shift_right_logical3A_784 = arith.shrui %gather3A_748, %shift_right_logical3A_783 : vector<16xi32>
        %or3A_785 = arith.ori %shift_left3A_781, %shift_right_logical3A_784 : vector<16xi32>
        %bitcast3A_786 = vector.bitcast %scan3A_594 : vector<16xi32> to vector<16xf32>
        tpu.vector_store_idx %arg4[%or3A_785], %bitcast3A_786 : memref<32768xf32, #tpu.memory_space<vmem>>[vector<16xi32>], vector<16xf32>,
        %and3A_787 = arith.constant 2047 : i32
        %and3A_788 = vector.broadcast %and3A_787 : i32 to vector<16xi32>
        %and3A_789 = arith.andi %gather3A_749, %and3A_788 : vector<16xi32>
        %shift_left3A_790 = arith.constant 4 : i32
        %shift_left3A_791 = vector.broadcast %shift_left3A_790 : i32 to vector<16xi32>
        %shift_left3A_792 = arith.shli %and3A_789, %shift_left3A_791 : vector<16xi32>
        %shift_right_logical3A_793 = arith.constant 11 : i32
        %shift_right_logical3A_794 = vector.broadcast %shift_right_logical3A_793 : i32 to vector<16xi32>
        %shift_right_logical3A_795 = arith.shrui %gather3A_749, %shift_right_logical3A_794 : vector<16xi32>
        %or3A_796 = arith.ori %shift_left3A_792, %shift_right_logical3A_795 : vector<16xi32>
        %bitcast3A_797 = vector.bitcast %scan3A_595 : vector<16xi32> to vector<16xf32>
        tpu.vector_store_idx %arg4[%or3A_796], %bitcast3A_797 : memref<32768xf32, #tpu.memory_space<vmem>>[vector<16xi32>], vector<16xf32>,
        %and3A_798 = arith.constant 2047 : i32
        %and3A_799 = vector.broadcast %and3A_798 : i32 to vector<16xi32>
        %and3A_800 = arith.andi %gather3A_750, %and3A_799 : vector<16xi32>
        %shift_left3A_801 = arith.constant 4 : i32
        %shift_left3A_802 = vector.broadcast %shift_left3A_801 : i32 to vector<16xi32>
        %shift_left3A_803 = arith.shli %and3A_800, %shift_left3A_802 : vector<16xi32>
        %shift_right_logical3A_804 = arith.constant 11 : i32
        %shift_right_logical3A_805 = vector.broadcast %shift_right_logical3A_804 : i32 to vector<16xi32>
        %shift_right_logical3A_806 = arith.shrui %gather3A_750, %shift_right_logical3A_805 : vector<16xi32>
        %or3A_807 = arith.ori %shift_left3A_803, %shift_right_logical3A_806 : vector<16xi32>
        %bitcast3A_808 = vector.bitcast %scan3A_596 : vector<16xi32> to vector<16xf32>
        tpu.vector_store_idx %arg4[%or3A_807], %bitcast3A_808 : memref<32768xf32, #tpu.memory_space<vmem>>[vector<16xi32>], vector<16xf32>,
        %and3A_809 = arith.constant 2047 : i32
        %and3A_810 = vector.broadcast %and3A_809 : i32 to vector<16xi32>
        %and3A_811 = arith.andi %gather3A_751, %and3A_810 : vector<16xi32>
        %shift_left3A_812 = arith.constant 4 : i32
        %shift_left3A_813 = vector.broadcast %shift_left3A_812 : i32 to vector<16xi32>
        %shift_left3A_814 = arith.shli %and3A_811, %shift_left3A_813 : vector<16xi32>
        %shift_right_logical3A_815 = arith.constant 11 : i32
        %shift_right_logical3A_816 = vector.broadcast %shift_right_logical3A_815 : i32 to vector<16xi32>
        %shift_right_logical3A_817 = arith.shrui %gather3A_751, %shift_right_logical3A_816 : vector<16xi32>
        %or3A_818 = arith.ori %shift_left3A_814, %shift_right_logical3A_817 : vector<16xi32>
        %bitcast3A_819 = vector.bitcast %scan3A_597 : vector<16xi32> to vector<16xf32>
        tpu.vector_store_idx %arg4[%or3A_818], %bitcast3A_819 : memref<32768xf32, #tpu.memory_space<vmem>>[vector<16xi32>], vector<16xf32>,
        %and3A_820 = arith.constant 2047 : i32
        %and3A_821 = vector.broadcast %and3A_820 : i32 to vector<16xi32>
        %and3A_822 = arith.andi %gather3A_752, %and3A_821 : vector<16xi32>
        %shift_left3A_823 = arith.constant 4 : i32
        %shift_left3A_824 = vector.broadcast %shift_left3A_823 : i32 to vector<16xi32>
        %shift_left3A_825 = arith.shli %and3A_822, %shift_left3A_824 : vector<16xi32>
        %shift_right_logical3A_826 = arith.constant 11 : i32
        %shift_right_logical3A_827 = vector.broadcast %shift_right_logical3A_826 : i32 to vector<16xi32>
        %shift_right_logical3A_828 = arith.shrui %gather3A_752, %shift_right_logical3A_827 : vector<16xi32>
        %or3A_829 = arith.ori %shift_left3A_825, %shift_right_logical3A_828 : vector<16xi32>
        %bitcast3A_830 = vector.bitcast %scan3A_598 : vector<16xi32> to vector<16xf32>
        tpu.vector_store_idx %arg4[%or3A_829], %bitcast3A_830 : memref<32768xf32, #tpu.memory_space<vmem>>[vector<16xi32>], vector<16xf32>,
        %and3A_831 = arith.constant 2047 : i32
        %and3A_832 = vector.broadcast %and3A_831 : i32 to vector<16xi32>
        %and3A_833 = arith.andi %gather3A_753, %and3A_832 : vector<16xi32>
        %shift_left3A_834 = arith.constant 4 : i32
        %shift_left3A_835 = vector.broadcast %shift_left3A_834 : i32 to vector<16xi32>
        %shift_left3A_836 = arith.shli %and3A_833, %shift_left3A_835 : vector<16xi32>
        %shift_right_logical3A_837 = arith.constant 11 : i32
        %shift_right_logical3A_838 = vector.broadcast %shift_right_logical3A_837 : i32 to vector<16xi32>
        %shift_right_logical3A_839 = arith.shrui %gather3A_753, %shift_right_logical3A_838 : vector<16xi32>
        %or3A_840 = arith.ori %shift_left3A_836, %shift_right_logical3A_839 : vector<16xi32>
        %bitcast3A_841 = vector.bitcast %scan3A_599 : vector<16xi32> to vector<16xf32>
        tpu.vector_store_idx %arg4[%or3A_840], %bitcast3A_841 : memref<32768xf32, #tpu.memory_space<vmem>>[vector<16xi32>], vector<16xf32>,
        scf.yield %bitcast3A_617, %bitcast3A_624, %bitcast3A_631, %bitcast3A_638, %bitcast3A_645, %bitcast3A_652, %bitcast3A_659, %bitcast3A_666, %or3A_676, %or3A_686, %or3A_696, %or3A_706, %or3A_716, %or3A_726, %or3A_736, %or3A_746 : vector<16xi32>, vector<16xi32>, vector<16xi32>, vector<16xi32>, vector<16xi32>, vector<16xi32>, vector<16xi32>, vector<16xi32>, vector<16xi32>, vector<16xi32>, vector<16xi32>, vector<16xi32>, vector<16xi32>, vector<16xi32>, vector<16xi32>, vector<16xi32>
      }
      %scan3A_322 = arith.constant 256 : i32
      %iota3A_323 = tpu.iota {dimensions = array<i32: 0>} : vector<16xi32>
      %broadcast_in_dim3A_324 = arith.constant 1 : i32
      %broadcast_in_dim3A_325 = vector.broadcast %broadcast_in_dim3A_324 : i32 to vector<16xi32>
      %broadcast_in_dim3A_326 = arith.constant 0 : i32
      %broadcast_in_dim3A_327 = vector.broadcast %broadcast_in_dim3A_326 : i32 to vector<16xi32>
      %parallel_loop3A_328 = arith.constant 0 : i32
      %parallel_loop3A_329 = arith.constant 256 : i32
      %parallel_loop3A_330 = arith.constant 1 : i32
      scf.for %parallel_loop3A_591 = %parallel_loop3A_328 to %parallel_loop3A_329 step %parallel_loop3A_330  : i32 {
        %parallel_loop3A_592 = arith.constant 16 : i32
        %parallel_loop3A_593 = arith.muli %parallel_loop3A_591, %parallel_loop3A_592 : i32
        %parallel_loop3A_594 = arith.index_cast %parallel_loop3A_593 : i32 to index
        %parallel_loop3A_595 = tpu.vector_load %arg6[%parallel_loop3A_594] {strides = array<i32>} : memref<4096xi32, #tpu.memory_space<vmem>>, vector<16xi32>,
        tpu.vector_store %arg6[%parallel_loop3A_594], %broadcast_in_dim3A_327 {strides = array<i32>} : memref<4096xi32, #tpu.memory_space<vmem>>, vector<16xi32>,
        %parallel_loop3A_596 = arith.constant 16 : i32
        %parallel_loop3A_597 = arith.muli %parallel_loop3A_591, %parallel_loop3A_596 : i32
        %parallel_loop3A_598 = arith.index_cast %parallel_loop3A_597 : i32 to index
        %parallel_loop3A_599 = tpu.vector_load %arg7[%parallel_loop3A_598] {strides = array<i32>} : memref<4096xi32, #tpu.memory_space<vmem>>, vector<16xi32>,
        tpu.vector_store %arg7[%parallel_loop3A_598], %broadcast_in_dim3A_327 {strides = array<i32>} : memref<4096xi32, #tpu.memory_space<vmem>>, vector<16xi32>,
        %parallel_loop3A_600 = arith.constant 16 : i32
        %parallel_loop3A_601 = arith.muli %parallel_loop3A_591, %parallel_loop3A_600 : i32
        %parallel_loop3A_602 = arith.index_cast %parallel_loop3A_601 : i32 to index
        %parallel_loop3A_603 = tpu.vector_load %arg8[%parallel_loop3A_602] {strides = array<i32>} : memref<4096xi32, #tpu.memory_space<vmem>>, vector<16xi32>,
        tpu.vector_store %arg8[%parallel_loop3A_602], %broadcast_in_dim3A_327 {strides = array<i32>} : memref<4096xi32, #tpu.memory_space<vmem>>, vector<16xi32>,
        %parallel_loop3A_604 = arith.constant 16 : i32
        %parallel_loop3A_605 = arith.muli %parallel_loop3A_591, %parallel_loop3A_604 : i32
        %parallel_loop3A_606 = arith.index_cast %parallel_loop3A_605 : i32 to index
        %parallel_loop3A_607 = tpu.vector_load %arg9[%parallel_loop3A_606] {strides = array<i32>} : memref<4096xi32, #tpu.memory_space<vmem>>, vector<16xi32>,
        tpu.vector_store %arg9[%parallel_loop3A_606], %broadcast_in_dim3A_327 {strides = array<i32>} : memref<4096xi32, #tpu.memory_space<vmem>>, vector<16xi32>,
        %parallel_loop3A_608 = arith.constant 16 : i32
        %parallel_loop3A_609 = arith.muli %parallel_loop3A_591, %parallel_loop3A_608 : i32
        %parallel_loop3A_610 = arith.index_cast %parallel_loop3A_609 : i32 to index
        %parallel_loop3A_611 = tpu.vector_load %arg10[%parallel_loop3A_610] {strides = array<i32>} : memref<4096xi32, #tpu.memory_space<vmem>>, vector<16xi32>,
        tpu.vector_store %arg10[%parallel_loop3A_610], %broadcast_in_dim3A_327 {strides = array<i32>} : memref<4096xi32, #tpu.memory_space<vmem>>, vector<16xi32>,
        %parallel_loop3A_612 = arith.constant 16 : i32
        %parallel_loop3A_613 = arith.muli %parallel_loop3A_591, %parallel_loop3A_612 : i32
        %parallel_loop3A_614 = arith.index_cast %parallel_loop3A_613 : i32 to index
        %parallel_loop3A_615 = tpu.vector_load %arg11[%parallel_loop3A_614] {strides = array<i32>} : memref<4096xi32, #tpu.memory_space<vmem>>, vector<16xi32>,
        tpu.vector_store %arg11[%parallel_loop3A_614], %broadcast_in_dim3A_327 {strides = array<i32>} : memref<4096xi32, #tpu.memory_space<vmem>>, vector<16xi32>,
        %parallel_loop3A_616 = arith.constant 16 : i32
        %parallel_loop3A_617 = arith.muli %parallel_loop3A_591, %parallel_loop3A_616 : i32
        %parallel_loop3A_618 = arith.index_cast %parallel_loop3A_617 : i32 to index
        %parallel_loop3A_619 = tpu.vector_load %arg12[%parallel_loop3A_618] {strides = array<i32>} : memref<4096xi32, #tpu.memory_space<vmem>>, vector<16xi32>,
        tpu.vector_store %arg12[%parallel_loop3A_618], %broadcast_in_dim3A_327 {strides = array<i32>} : memref<4096xi32, #tpu.memory_space<vmem>>, vector<16xi32>,
        %parallel_loop3A_620 = arith.constant 16 : i32
        %parallel_loop3A_621 = arith.muli %parallel_loop3A_591, %parallel_loop3A_620 : i32
        %parallel_loop3A_622 = arith.index_cast %parallel_loop3A_621 : i32 to index
        %parallel_loop3A_623 = tpu.vector_load %arg13[%parallel_loop3A_622] {strides = array<i32>} : memref<4096xi32, #tpu.memory_space<vmem>>, vector<16xi32>,
        tpu.vector_store %arg13[%parallel_loop3A_622], %broadcast_in_dim3A_327 {strides = array<i32>} : memref<4096xi32, #tpu.memory_space<vmem>>, vector<16xi32>,
      } {sc.loop_unroll_factor = 1 : i64, sc.parallel_access}
      %parallel_loop3A_331 = arith.constant 0 : i32
      %parallel_loop3A_332 = arith.constant 256 : i32
      %parallel_loop3A_333 = arith.constant 1 : i32
      scf.for %parallel_loop3A_591 = %parallel_loop3A_331 to %parallel_loop3A_332 step %parallel_loop3A_333  : i32 {
        %parallel_loop3A_592 = arith.constant 0 : i32
        %parallel_loop3A_593 = arith.addi %parallel_loop3A_592, %parallel_loop3A_591 : i32
        %parallel_loop3A_594 = arith.constant 16 : i32
        %parallel_loop3A_595 = arith.muli %parallel_loop3A_593, %parallel_loop3A_594 : i32
        %parallel_loop3A_596 = arith.index_cast %parallel_loop3A_595 : i32 to index
        %parallel_loop3A_597 = tpu.vector_load %arg4[%parallel_loop3A_596] {strides = array<i32>} : memref<32768xf32, #tpu.memory_space<vmem>>, vector<16xf32>,
        %parallel_loop3A_598 = vector.bitcast %parallel_loop3A_597 : vector<16xf32> to vector<16xi32>
        %parallel_loop3A_599 = arith.constant 16 : i32
        %parallel_loop3A_600 = vector.broadcast %parallel_loop3A_599 : i32 to vector<16xi32>
        %parallel_loop3A_601 = arith.shrui %parallel_loop3A_598, %parallel_loop3A_600 : vector<16xi32>
        %parallel_loop3A_602 = arith.constant 255 : i32
        %parallel_loop3A_603 = vector.broadcast %parallel_loop3A_602 : i32 to vector<16xi32>
        %parallel_loop3A_604 = arith.andi %parallel_loop3A_601, %parallel_loop3A_603 : vector<16xi32>
        %parallel_loop3A_605 = arith.constant 4 : i32
        %parallel_loop3A_606 = vector.broadcast %parallel_loop3A_605 : i32 to vector<16xi32>
        %parallel_loop3A_607 = arith.shli %parallel_loop3A_604, %parallel_loop3A_606 : vector<16xi32>
        %parallel_loop3A_608 = arith.ori %parallel_loop3A_607, %iota3A_323 : vector<16xi32>
        tpu.vector_store_idx %arg6[%parallel_loop3A_608], %broadcast_in_dim3A_325 {add = true} : memref<4096xi32, #tpu.memory_space<vmem>>[vector<16xi32>], vector<16xi32>,
        %parallel_loop3A_609 = arith.constant 256 : i32
        %parallel_loop3A_610 = arith.addi %parallel_loop3A_609, %parallel_loop3A_591 : i32
        %parallel_loop3A_611 = arith.constant 16 : i32
        %parallel_loop3A_612 = arith.muli %parallel_loop3A_610, %parallel_loop3A_611 : i32
        %parallel_loop3A_613 = arith.index_cast %parallel_loop3A_612 : i32 to index
        %parallel_loop3A_614 = tpu.vector_load %arg4[%parallel_loop3A_613] {strides = array<i32>} : memref<32768xf32, #tpu.memory_space<vmem>>, vector<16xf32>,
        %parallel_loop3A_615 = vector.bitcast %parallel_loop3A_614 : vector<16xf32> to vector<16xi32>
        %parallel_loop3A_616 = arith.constant 16 : i32
        %parallel_loop3A_617 = vector.broadcast %parallel_loop3A_616 : i32 to vector<16xi32>
        %parallel_loop3A_618 = arith.shrui %parallel_loop3A_615, %parallel_loop3A_617 : vector<16xi32>
        %parallel_loop3A_619 = arith.constant 255 : i32
        %parallel_loop3A_620 = vector.broadcast %parallel_loop3A_619 : i32 to vector<16xi32>
        %parallel_loop3A_621 = arith.andi %parallel_loop3A_618, %parallel_loop3A_620 : vector<16xi32>
        %parallel_loop3A_622 = arith.constant 4 : i32
        %parallel_loop3A_623 = vector.broadcast %parallel_loop3A_622 : i32 to vector<16xi32>
        %parallel_loop3A_624 = arith.shli %parallel_loop3A_621, %parallel_loop3A_623 : vector<16xi32>
        %parallel_loop3A_625 = arith.ori %parallel_loop3A_624, %iota3A_323 : vector<16xi32>
        tpu.vector_store_idx %arg7[%parallel_loop3A_625], %broadcast_in_dim3A_325 {add = true} : memref<4096xi32, #tpu.memory_space<vmem>>[vector<16xi32>], vector<16xi32>,
        %parallel_loop3A_626 = arith.constant 512 : i32
        %parallel_loop3A_627 = arith.addi %parallel_loop3A_626, %parallel_loop3A_591 : i32
        %parallel_loop3A_628 = arith.constant 16 : i32
        %parallel_loop3A_629 = arith.muli %parallel_loop3A_627, %parallel_loop3A_628 : i32
        %parallel_loop3A_630 = arith.index_cast %parallel_loop3A_629 : i32 to index
        %parallel_loop3A_631 = tpu.vector_load %arg4[%parallel_loop3A_630] {strides = array<i32>} : memref<32768xf32, #tpu.memory_space<vmem>>, vector<16xf32>,
        %parallel_loop3A_632 = vector.bitcast %parallel_loop3A_631 : vector<16xf32> to vector<16xi32>
        %parallel_loop3A_633 = arith.constant 16 : i32
        %parallel_loop3A_634 = vector.broadcast %parallel_loop3A_633 : i32 to vector<16xi32>
        %parallel_loop3A_635 = arith.shrui %parallel_loop3A_632, %parallel_loop3A_634 : vector<16xi32>
        %parallel_loop3A_636 = arith.constant 255 : i32
        %parallel_loop3A_637 = vector.broadcast %parallel_loop3A_636 : i32 to vector<16xi32>
        %parallel_loop3A_638 = arith.andi %parallel_loop3A_635, %parallel_loop3A_637 : vector<16xi32>
        %parallel_loop3A_639 = arith.constant 4 : i32
        %parallel_loop3A_640 = vector.broadcast %parallel_loop3A_639 : i32 to vector<16xi32>
        %parallel_loop3A_641 = arith.shli %parallel_loop3A_638, %parallel_loop3A_640 : vector<16xi32>
        %parallel_loop3A_642 = arith.ori %parallel_loop3A_641, %iota3A_323 : vector<16xi32>
        tpu.vector_store_idx %arg8[%parallel_loop3A_642], %broadcast_in_dim3A_325 {add = true} : memref<4096xi32, #tpu.memory_space<vmem>>[vector<16xi32>], vector<16xi32>,
        %parallel_loop3A_643 = arith.constant 768 : i32
        %parallel_loop3A_644 = arith.addi %parallel_loop3A_643, %parallel_loop3A_591 : i32
        %parallel_loop3A_645 = arith.constant 16 : i32
        %parallel_loop3A_646 = arith.muli %parallel_loop3A_644, %parallel_loop3A_645 : i32
        %parallel_loop3A_647 = arith.index_cast %parallel_loop3A_646 : i32 to index
        %parallel_loop3A_648 = tpu.vector_load %arg4[%parallel_loop3A_647] {strides = array<i32>} : memref<32768xf32, #tpu.memory_space<vmem>>, vector<16xf32>,
        %parallel_loop3A_649 = vector.bitcast %parallel_loop3A_648 : vector<16xf32> to vector<16xi32>
        %parallel_loop3A_650 = arith.constant 16 : i32
        %parallel_loop3A_651 = vector.broadcast %parallel_loop3A_650 : i32 to vector<16xi32>
        %parallel_loop3A_652 = arith.shrui %parallel_loop3A_649, %parallel_loop3A_651 : vector<16xi32>
        %parallel_loop3A_653 = arith.constant 255 : i32
        %parallel_loop3A_654 = vector.broadcast %parallel_loop3A_653 : i32 to vector<16xi32>
        %parallel_loop3A_655 = arith.andi %parallel_loop3A_652, %parallel_loop3A_654 : vector<16xi32>
        %parallel_loop3A_656 = arith.constant 4 : i32
        %parallel_loop3A_657 = vector.broadcast %parallel_loop3A_656 : i32 to vector<16xi32>
        %parallel_loop3A_658 = arith.shli %parallel_loop3A_655, %parallel_loop3A_657 : vector<16xi32>
        %parallel_loop3A_659 = arith.ori %parallel_loop3A_658, %iota3A_323 : vector<16xi32>
        tpu.vector_store_idx %arg9[%parallel_loop3A_659], %broadcast_in_dim3A_325 {add = true} : memref<4096xi32, #tpu.memory_space<vmem>>[vector<16xi32>], vector<16xi32>,
        %parallel_loop3A_660 = arith.constant 1024 : i32
        %parallel_loop3A_661 = arith.addi %parallel_loop3A_660, %parallel_loop3A_591 : i32
        %parallel_loop3A_662 = arith.constant 16 : i32
        %parallel_loop3A_663 = arith.muli %parallel_loop3A_661, %parallel_loop3A_662 : i32
        %parallel_loop3A_664 = arith.index_cast %parallel_loop3A_663 : i32 to index
        %parallel_loop3A_665 = tpu.vector_load %arg4[%parallel_loop3A_664] {strides = array<i32>} : memref<32768xf32, #tpu.memory_space<vmem>>, vector<16xf32>,
        %parallel_loop3A_666 = vector.bitcast %parallel_loop3A_665 : vector<16xf32> to vector<16xi32>
        %parallel_loop3A_667 = arith.constant 16 : i32
        %parallel_loop3A_668 = vector.broadcast %parallel_loop3A_667 : i32 to vector<16xi32>
        %parallel_loop3A_669 = arith.shrui %parallel_loop3A_666, %parallel_loop3A_668 : vector<16xi32>
        %parallel_loop3A_670 = arith.constant 255 : i32
        %parallel_loop3A_671 = vector.broadcast %parallel_loop3A_670 : i32 to vector<16xi32>
        %parallel_loop3A_672 = arith.andi %parallel_loop3A_669, %parallel_loop3A_671 : vector<16xi32>
        %parallel_loop3A_673 = arith.constant 4 : i32
        %parallel_loop3A_674 = vector.broadcast %parallel_loop3A_673 : i32 to vector<16xi32>
        %parallel_loop3A_675 = arith.shli %parallel_loop3A_672, %parallel_loop3A_674 : vector<16xi32>
        %parallel_loop3A_676 = arith.ori %parallel_loop3A_675, %iota3A_323 : vector<16xi32>
        tpu.vector_store_idx %arg10[%parallel_loop3A_676], %broadcast_in_dim3A_325 {add = true} : memref<4096xi32, #tpu.memory_space<vmem>>[vector<16xi32>], vector<16xi32>,
        %parallel_loop3A_677 = arith.constant 1280 : i32
        %parallel_loop3A_678 = arith.addi %parallel_loop3A_677, %parallel_loop3A_591 : i32
        %parallel_loop3A_679 = arith.constant 16 : i32
        %parallel_loop3A_680 = arith.muli %parallel_loop3A_678, %parallel_loop3A_679 : i32
        %parallel_loop3A_681 = arith.index_cast %parallel_loop3A_680 : i32 to index
        %parallel_loop3A_682 = tpu.vector_load %arg4[%parallel_loop3A_681] {strides = array<i32>} : memref<32768xf32, #tpu.memory_space<vmem>>, vector<16xf32>,
        %parallel_loop3A_683 = vector.bitcast %parallel_loop3A_682 : vector<16xf32> to vector<16xi32>
        %parallel_loop3A_684 = arith.constant 16 : i32
        %parallel_loop3A_685 = vector.broadcast %parallel_loop3A_684 : i32 to vector<16xi32>
        %parallel_loop3A_686 = arith.shrui %parallel_loop3A_683, %parallel_loop3A_685 : vector<16xi32>
        %parallel_loop3A_687 = arith.constant 255 : i32
        %parallel_loop3A_688 = vector.broadcast %parallel_loop3A_687 : i32 to vector<16xi32>
        %parallel_loop3A_689 = arith.andi %parallel_loop3A_686, %parallel_loop3A_688 : vector<16xi32>
        %parallel_loop3A_690 = arith.constant 4 : i32
        %parallel_loop3A_691 = vector.broadcast %parallel_loop3A_690 : i32 to vector<16xi32>
        %parallel_loop3A_692 = arith.shli %parallel_loop3A_689, %parallel_loop3A_691 : vector<16xi32>
        %parallel_loop3A_693 = arith.ori %parallel_loop3A_692, %iota3A_323 : vector<16xi32>
        tpu.vector_store_idx %arg11[%parallel_loop3A_693], %broadcast_in_dim3A_325 {add = true} : memref<4096xi32, #tpu.memory_space<vmem>>[vector<16xi32>], vector<16xi32>,
        %parallel_loop3A_694 = arith.constant 1536 : i32
        %parallel_loop3A_695 = arith.addi %parallel_loop3A_694, %parallel_loop3A_591 : i32
        %parallel_loop3A_696 = arith.constant 16 : i32
        %parallel_loop3A_697 = arith.muli %parallel_loop3A_695, %parallel_loop3A_696 : i32
        %parallel_loop3A_698 = arith.index_cast %parallel_loop3A_697 : i32 to index
        %parallel_loop3A_699 = tpu.vector_load %arg4[%parallel_loop3A_698] {strides = array<i32>} : memref<32768xf32, #tpu.memory_space<vmem>>, vector<16xf32>,
        %parallel_loop3A_700 = vector.bitcast %parallel_loop3A_699 : vector<16xf32> to vector<16xi32>
        %parallel_loop3A_701 = arith.constant 16 : i32
        %parallel_loop3A_702 = vector.broadcast %parallel_loop3A_701 : i32 to vector<16xi32>
        %parallel_loop3A_703 = arith.shrui %parallel_loop3A_700, %parallel_loop3A_702 : vector<16xi32>
        %parallel_loop3A_704 = arith.constant 255 : i32
        %parallel_loop3A_705 = vector.broadcast %parallel_loop3A_704 : i32 to vector<16xi32>
        %parallel_loop3A_706 = arith.andi %parallel_loop3A_703, %parallel_loop3A_705 : vector<16xi32>
        %parallel_loop3A_707 = arith.constant 4 : i32
        %parallel_loop3A_708 = vector.broadcast %parallel_loop3A_707 : i32 to vector<16xi32>
        %parallel_loop3A_709 = arith.shli %parallel_loop3A_706, %parallel_loop3A_708 : vector<16xi32>
        %parallel_loop3A_710 = arith.ori %parallel_loop3A_709, %iota3A_323 : vector<16xi32>
        tpu.vector_store_idx %arg12[%parallel_loop3A_710], %broadcast_in_dim3A_325 {add = true} : memref<4096xi32, #tpu.memory_space<vmem>>[vector<16xi32>], vector<16xi32>,
        %parallel_loop3A_711 = arith.constant 1792 : i32
        %parallel_loop3A_712 = arith.addi %parallel_loop3A_711, %parallel_loop3A_591 : i32
        %parallel_loop3A_713 = arith.constant 16 : i32
        %parallel_loop3A_714 = arith.muli %parallel_loop3A_712, %parallel_loop3A_713 : i32
        %parallel_loop3A_715 = arith.index_cast %parallel_loop3A_714 : i32 to index
        %parallel_loop3A_716 = tpu.vector_load %arg4[%parallel_loop3A_715] {strides = array<i32>} : memref<32768xf32, #tpu.memory_space<vmem>>, vector<16xf32>,
        %parallel_loop3A_717 = vector.bitcast %parallel_loop3A_716 : vector<16xf32> to vector<16xi32>
        %parallel_loop3A_718 = arith.constant 16 : i32
        %parallel_loop3A_719 = vector.broadcast %parallel_loop3A_718 : i32 to vector<16xi32>
        %parallel_loop3A_720 = arith.shrui %parallel_loop3A_717, %parallel_loop3A_719 : vector<16xi32>
        %parallel_loop3A_721 = arith.constant 255 : i32
        %parallel_loop3A_722 = vector.broadcast %parallel_loop3A_721 : i32 to vector<16xi32>
        %parallel_loop3A_723 = arith.andi %parallel_loop3A_720, %parallel_loop3A_722 : vector<16xi32>
        %parallel_loop3A_724 = arith.constant 4 : i32
        %parallel_loop3A_725 = vector.broadcast %parallel_loop3A_724 : i32 to vector<16xi32>
        %parallel_loop3A_726 = arith.shli %parallel_loop3A_723, %parallel_loop3A_725 : vector<16xi32>
        %parallel_loop3A_727 = arith.ori %parallel_loop3A_726, %iota3A_323 : vector<16xi32>
        tpu.vector_store_idx %arg13[%parallel_loop3A_727], %broadcast_in_dim3A_325 {add = true} : memref<4096xi32, #tpu.memory_space<vmem>>[vector<16xi32>], vector<16xi32>,
      } {sc.loop_unroll_factor = 1 : i64, sc.parallel_access}
      %parallel_loop3A_334 = arith.constant 0 : i32
      %parallel_loop3A_335 = arith.constant 256 : i32
      %parallel_loop3A_336 = arith.constant 1 : i32
      scf.for %parallel_loop3A_591 = %parallel_loop3A_334 to %parallel_loop3A_335 step %parallel_loop3A_336  : i32 {
        %parallel_loop3A_592 = arith.constant 16 : i32
        %parallel_loop3A_593 = arith.muli %parallel_loop3A_591, %parallel_loop3A_592 : i32
        %parallel_loop3A_594 = arith.index_cast %parallel_loop3A_593 : i32 to index
        %parallel_loop3A_595 = tpu.vector_load %arg6[%parallel_loop3A_594] {strides = array<i32>} : memref<4096xi32, #tpu.memory_space<vmem>>, vector<16xi32>,
        %parallel_loop3A_596 = arith.constant 16 : i32
        %parallel_loop3A_597 = arith.muli %parallel_loop3A_591, %parallel_loop3A_596 : i32
        %parallel_loop3A_598 = arith.index_cast %parallel_loop3A_597 : i32 to index
        %parallel_loop3A_599 = tpu.vector_load %arg7[%parallel_loop3A_598] {strides = array<i32>} : memref<4096xi32, #tpu.memory_space<vmem>>, vector<16xi32>,
        %parallel_loop3A_600 = arith.constant 16 : i32
        %parallel_loop3A_601 = arith.muli %parallel_loop3A_591, %parallel_loop3A_600 : i32
        %parallel_loop3A_602 = arith.index_cast %parallel_loop3A_601 : i32 to index
        %parallel_loop3A_603 = tpu.vector_load %arg8[%parallel_loop3A_602] {strides = array<i32>} : memref<4096xi32, #tpu.memory_space<vmem>>, vector<16xi32>,
        %parallel_loop3A_604 = arith.constant 16 : i32
        %parallel_loop3A_605 = arith.muli %parallel_loop3A_591, %parallel_loop3A_604 : i32
        %parallel_loop3A_606 = arith.index_cast %parallel_loop3A_605 : i32 to index
        %parallel_loop3A_607 = tpu.vector_load %arg9[%parallel_loop3A_606] {strides = array<i32>} : memref<4096xi32, #tpu.memory_space<vmem>>, vector<16xi32>,
        %parallel_loop3A_608 = arith.constant 16 : i32
        %parallel_loop3A_609 = arith.muli %parallel_loop3A_591, %parallel_loop3A_608 : i32
        %parallel_loop3A_610 = arith.index_cast %parallel_loop3A_609 : i32 to index
        %parallel_loop3A_611 = tpu.vector_load %arg10[%parallel_loop3A_610] {strides = array<i32>} : memref<4096xi32, #tpu.memory_space<vmem>>, vector<16xi32>,
        %parallel_loop3A_612 = arith.constant 16 : i32
        %parallel_loop3A_613 = arith.muli %parallel_loop3A_591, %parallel_loop3A_612 : i32
        %parallel_loop3A_614 = arith.index_cast %parallel_loop3A_613 : i32 to index
        %parallel_loop3A_615 = tpu.vector_load %arg11[%parallel_loop3A_614] {strides = array<i32>} : memref<4096xi32, #tpu.memory_space<vmem>>, vector<16xi32>,
        %parallel_loop3A_616 = arith.constant 16 : i32
        %parallel_loop3A_617 = arith.muli %parallel_loop3A_591, %parallel_loop3A_616 : i32
        %parallel_loop3A_618 = arith.index_cast %parallel_loop3A_617 : i32 to index
        %parallel_loop3A_619 = tpu.vector_load %arg12[%parallel_loop3A_618] {strides = array<i32>} : memref<4096xi32, #tpu.memory_space<vmem>>, vector<16xi32>,
        %parallel_loop3A_620 = arith.constant 16 : i32
        %parallel_loop3A_621 = arith.muli %parallel_loop3A_591, %parallel_loop3A_620 : i32
        %parallel_loop3A_622 = arith.index_cast %parallel_loop3A_621 : i32 to index
        %parallel_loop3A_623 = tpu.vector_load %arg13[%parallel_loop3A_622] {strides = array<i32>} : memref<4096xi32, #tpu.memory_space<vmem>>, vector<16xi32>,
        %parallel_loop3A_624 = arith.addi %parallel_loop3A_595, %parallel_loop3A_599 : vector<16xi32>
        %parallel_loop3A_625 = arith.addi %parallel_loop3A_624, %parallel_loop3A_603 : vector<16xi32>
        %parallel_loop3A_626 = arith.addi %parallel_loop3A_625, %parallel_loop3A_607 : vector<16xi32>
        %parallel_loop3A_627 = arith.addi %parallel_loop3A_626, %parallel_loop3A_611 : vector<16xi32>
        %parallel_loop3A_628 = arith.addi %parallel_loop3A_627, %parallel_loop3A_615 : vector<16xi32>
        %parallel_loop3A_629 = arith.addi %parallel_loop3A_628, %parallel_loop3A_619 : vector<16xi32>
        %parallel_loop3A_630 = arith.addi %parallel_loop3A_629, %parallel_loop3A_623 : vector<16xi32>
        %parallel_loop3A_631 = arith.constant true
        %parallel_loop3A_632 = vector.broadcast %parallel_loop3A_631 : i1 to vector<16xi1>
        %parallel_loop3A_633 = tpu.scan <sum>, %parallel_loop3A_630 masked %parallel_loop3A_632 : vector<16xi32>, vector<16xi1> -> vector<16xi32>
        %parallel_loop3A_634 = arith.subi %parallel_loop3A_633, %parallel_loop3A_630 : vector<16xi32>
        %parallel_loop3A_635 = arith.constant 16 : i32
        %parallel_loop3A_636 = arith.muli %parallel_loop3A_591, %parallel_loop3A_635 : i32
        %parallel_loop3A_637 = arith.index_cast %parallel_loop3A_636 : i32 to index
        %parallel_loop3A_638 = tpu.vector_load %arg6[%parallel_loop3A_637] {strides = array<i32>} : memref<4096xi32, #tpu.memory_space<vmem>>, vector<16xi32>,
        tpu.vector_store %arg6[%parallel_loop3A_637], %parallel_loop3A_634 {strides = array<i32>} : memref<4096xi32, #tpu.memory_space<vmem>>, vector<16xi32>,
        %parallel_loop3A_639 = arith.addi %parallel_loop3A_634, %parallel_loop3A_595 : vector<16xi32>
        %parallel_loop3A_640 = arith.constant 16 : i32
        %parallel_loop3A_641 = arith.muli %parallel_loop3A_591, %parallel_loop3A_640 : i32
        %parallel_loop3A_642 = arith.index_cast %parallel_loop3A_641 : i32 to index
        %parallel_loop3A_643 = tpu.vector_load %arg7[%parallel_loop3A_642] {strides = array<i32>} : memref<4096xi32, #tpu.memory_space<vmem>>, vector<16xi32>,
        tpu.vector_store %arg7[%parallel_loop3A_642], %parallel_loop3A_639 {strides = array<i32>} : memref<4096xi32, #tpu.memory_space<vmem>>, vector<16xi32>,
        %parallel_loop3A_644 = arith.addi %parallel_loop3A_639, %parallel_loop3A_599 : vector<16xi32>
        %parallel_loop3A_645 = arith.constant 16 : i32
        %parallel_loop3A_646 = arith.muli %parallel_loop3A_591, %parallel_loop3A_645 : i32
        %parallel_loop3A_647 = arith.index_cast %parallel_loop3A_646 : i32 to index
        %parallel_loop3A_648 = tpu.vector_load %arg8[%parallel_loop3A_647] {strides = array<i32>} : memref<4096xi32, #tpu.memory_space<vmem>>, vector<16xi32>,
        tpu.vector_store %arg8[%parallel_loop3A_647], %parallel_loop3A_644 {strides = array<i32>} : memref<4096xi32, #tpu.memory_space<vmem>>, vector<16xi32>,
        %parallel_loop3A_649 = arith.addi %parallel_loop3A_644, %parallel_loop3A_603 : vector<16xi32>
        %parallel_loop3A_650 = arith.constant 16 : i32
        %parallel_loop3A_651 = arith.muli %parallel_loop3A_591, %parallel_loop3A_650 : i32
        %parallel_loop3A_652 = arith.index_cast %parallel_loop3A_651 : i32 to index
        %parallel_loop3A_653 = tpu.vector_load %arg9[%parallel_loop3A_652] {strides = array<i32>} : memref<4096xi32, #tpu.memory_space<vmem>>, vector<16xi32>,
        tpu.vector_store %arg9[%parallel_loop3A_652], %parallel_loop3A_649 {strides = array<i32>} : memref<4096xi32, #tpu.memory_space<vmem>>, vector<16xi32>,
        %parallel_loop3A_654 = arith.addi %parallel_loop3A_649, %parallel_loop3A_607 : vector<16xi32>
        %parallel_loop3A_655 = arith.constant 16 : i32
        %parallel_loop3A_656 = arith.muli %parallel_loop3A_591, %parallel_loop3A_655 : i32
        %parallel_loop3A_657 = arith.index_cast %parallel_loop3A_656 : i32 to index
        %parallel_loop3A_658 = tpu.vector_load %arg10[%parallel_loop3A_657] {strides = array<i32>} : memref<4096xi32, #tpu.memory_space<vmem>>, vector<16xi32>,
        tpu.vector_store %arg10[%parallel_loop3A_657], %parallel_loop3A_654 {strides = array<i32>} : memref<4096xi32, #tpu.memory_space<vmem>>, vector<16xi32>,
        %parallel_loop3A_659 = arith.addi %parallel_loop3A_654, %parallel_loop3A_611 : vector<16xi32>
        %parallel_loop3A_660 = arith.constant 16 : i32
        %parallel_loop3A_661 = arith.muli %parallel_loop3A_591, %parallel_loop3A_660 : i32
        %parallel_loop3A_662 = arith.index_cast %parallel_loop3A_661 : i32 to index
        %parallel_loop3A_663 = tpu.vector_load %arg11[%parallel_loop3A_662] {strides = array<i32>} : memref<4096xi32, #tpu.memory_space<vmem>>, vector<16xi32>,
        tpu.vector_store %arg11[%parallel_loop3A_662], %parallel_loop3A_659 {strides = array<i32>} : memref<4096xi32, #tpu.memory_space<vmem>>, vector<16xi32>,
        %parallel_loop3A_664 = arith.addi %parallel_loop3A_659, %parallel_loop3A_615 : vector<16xi32>
        %parallel_loop3A_665 = arith.constant 16 : i32
        %parallel_loop3A_666 = arith.muli %parallel_loop3A_591, %parallel_loop3A_665 : i32
        %parallel_loop3A_667 = arith.index_cast %parallel_loop3A_666 : i32 to index
        %parallel_loop3A_668 = tpu.vector_load %arg12[%parallel_loop3A_667] {strides = array<i32>} : memref<4096xi32, #tpu.memory_space<vmem>>, vector<16xi32>,
        tpu.vector_store %arg12[%parallel_loop3A_667], %parallel_loop3A_664 {strides = array<i32>} : memref<4096xi32, #tpu.memory_space<vmem>>, vector<16xi32>,
        %parallel_loop3A_669 = arith.addi %parallel_loop3A_664, %parallel_loop3A_619 : vector<16xi32>
        %parallel_loop3A_670 = arith.constant 16 : i32
        %parallel_loop3A_671 = arith.muli %parallel_loop3A_591, %parallel_loop3A_670 : i32
        %parallel_loop3A_672 = arith.index_cast %parallel_loop3A_671 : i32 to index
        %parallel_loop3A_673 = tpu.vector_load %arg13[%parallel_loop3A_672] {strides = array<i32>} : memref<4096xi32, #tpu.memory_space<vmem>>, vector<16xi32>,
        tpu.vector_store %arg13[%parallel_loop3A_672], %parallel_loop3A_669 {strides = array<i32>} : memref<4096xi32, #tpu.memory_space<vmem>>, vector<16xi32>,
        %parallel_loop3A_674 = arith.addi %parallel_loop3A_669, %parallel_loop3A_623 : vector<16xi32>
        %parallel_loop3A_675 = vector.broadcast %parallel_loop3A_591 : i32 to vector<16xi32>
        %parallel_loop3A_676 = arith.addi %parallel_loop3A_675, %broadcast_in_dim3A_327 : vector<16xi32>
        %parallel_loop3A_677 = vector.extract_strided_slice %parallel_loop3A_633 {offsets = [15], sizes = [1], strides = [1]} : vector<16xi32> to vector<1xi32>
        %parallel_loop3A_678 = vector.extract %parallel_loop3A_677[0] : i32 from vector<1xi32>
        %parallel_loop3A_679 = vector.broadcast %parallel_loop3A_678 : i32 to vector<16xi32>
        %parallel_loop3A_680 = arith.addi %parallel_loop3A_679, %broadcast_in_dim3A_327 : vector<16xi32>
        %parallel_loop3A_681 = arith.constant 0 : i32
        %parallel_loop3A_682 = vector.broadcast %parallel_loop3A_681 : i32 to vector<16xi32>
        %parallel_loop3A_683 = arith.cmpi eq, %iota3A_323, %parallel_loop3A_682 : vector<16xi32>
        tpu.vector_store_idx %arg14[%parallel_loop3A_676], %parallel_loop3A_680 masked %parallel_loop3A_683 : memref<256xi32, #tpu.memory_space<vmem>>[vector<16xi32>], vector<16xi32>, vector<16xi1>
      } {sc.loop_unroll_factor = 1 : i64, sc.parallel_access}
      %scan3A_337 = arith.constant 0 : i32
      %scan3A_338 = arith.constant 0 : i32
      %scan3A_339 = arith.constant 16 : i32
      %scan3A_340 = arith.addi %scan3A_338, %scan3A_339 : i32
      %scan3A_341 = arith.constant 1 : i32
      %scan3A_342 = scf.for %scan3A_591 = %scan3A_338 to %scan3A_340 step %scan3A_341 iter_args(%scan3A_592 = %scan3A_337) -> (i32)  : i32 {
        %mul3A_593 = arith.constant 16 : i32
        %mul3A_594 = arith.muli %scan3A_591, %mul3A_593 : i32
        %get3A_595 = arith.index_cast %mul3A_594 : i32 to index
        %get3A_596 = tpu.vector_load %arg14[%get3A_595] {strides = array<i32>} : memref<256xi32, #tpu.memory_space<vmem>>, vector<16xi32>,
        %broadcast_in_dim3A_597 = arith.constant true
        %broadcast_in_dim3A_598 = vector.broadcast %broadcast_in_dim3A_597 : i1 to vector<16xi1>
        %masked_cumsum3A = tpu.scan <sum>, %get3A_596 masked %broadcast_in_dim3A_598 : vector<16xi32>, vector<16xi1> -> vector<16xi32>
        %sub3A = arith.subi %masked_cumsum3A, %get3A_596 : vector<16xi32>
        %add3A_599 = vector.broadcast %scan3A_592 : i32 to vector<16xi32>
        %add3A_600 = arith.addi %sub3A, %add3A_599 : vector<16xi32>
        %mul3A_601 = arith.constant 16 : i32
        %mul3A_602 = arith.muli %scan3A_591, %mul3A_601 : i32
        %swap3A = arith.index_cast %mul3A_602 : i32 to index
        %swap3A_603 = tpu.vector_load %arg14[%swap3A] {strides = array<i32>} : memref<256xi32, #tpu.memory_space<vmem>>, vector<16xi32>,
        tpu.vector_store %arg14[%swap3A], %add3A_600 {strides = array<i32>} : memref<256xi32, #tpu.memory_space<vmem>>, vector<16xi32>,
        %slice3A = vector.extract_strided_slice %masked_cumsum3A {offsets = [15], sizes = [1], strides = [1]} : vector<16xi32> to vector<1xi32>
        %squeeze3A = vector.extract %slice3A[0] : i32 from vector<1xi32>
        %add3A_604 = arith.addi %scan3A_592, %squeeze3A : i32
        scf.yield %add3A_604 : i32
      }
      %scan3A_343 = arith.constant 16 : i32
      %parallel_loop3A_344 = arith.constant 0 : i32
      %parallel_loop3A_345 = arith.constant 256 : i32
      %parallel_loop3A_346 = arith.constant 1 : i32
      scf.for %parallel_loop3A_591 = %parallel_loop3A_344 to %parallel_loop3A_345 step %parallel_loop3A_346  : i32 {
        %parallel_loop3A_592 = vector.broadcast %parallel_loop3A_591 : i32 to vector<16xi32>
        %parallel_loop3A_593 = arith.addi %parallel_loop3A_592, %broadcast_in_dim3A_327 : vector<16xi32>
        %parallel_loop3A_594 = tpu.vector_load_idx %arg14[%parallel_loop3A_593] : memref<256xi32, #tpu.memory_space<vmem>>[vector<16xi32>], vector<16xi32>,
        %parallel_loop3A_595 = arith.constant 16 : i32
        %parallel_loop3A_596 = arith.muli %parallel_loop3A_591, %parallel_loop3A_595 : i32
        %parallel_loop3A_597 = arith.index_cast %parallel_loop3A_596 : i32 to index
        %parallel_loop3A_598 = tpu.vector_load %arg6[%parallel_loop3A_597] {strides = array<i32>} : memref<4096xi32, #tpu.memory_space<vmem>>, vector<16xi32>,
        %parallel_loop3A_599 = arith.addi %parallel_loop3A_598, %parallel_loop3A_594 : vector<16xi32>
        %parallel_loop3A_600 = arith.constant 16 : i32
        %parallel_loop3A_601 = arith.muli %parallel_loop3A_591, %parallel_loop3A_600 : i32
        %parallel_loop3A_602 = arith.index_cast %parallel_loop3A_601 : i32 to index
        %parallel_loop3A_603 = tpu.vector_load %arg6[%parallel_loop3A_602] {strides = array<i32>} : memref<4096xi32, #tpu.memory_space<vmem>>, vector<16xi32>,
        tpu.vector_store %arg6[%parallel_loop3A_602], %parallel_loop3A_599 {strides = array<i32>} : memref<4096xi32, #tpu.memory_space<vmem>>, vector<16xi32>,
        %parallel_loop3A_604 = arith.constant 16 : i32
        %parallel_loop3A_605 = arith.muli %parallel_loop3A_591, %parallel_loop3A_604 : i32
        %parallel_loop3A_606 = arith.index_cast %parallel_loop3A_605 : i32 to index
        %parallel_loop3A_607 = tpu.vector_load %arg7[%parallel_loop3A_606] {strides = array<i32>} : memref<4096xi32, #tpu.memory_space<vmem>>, vector<16xi32>,
        %parallel_loop3A_608 = arith.addi %parallel_loop3A_607, %parallel_loop3A_594 : vector<16xi32>
        %parallel_loop3A_609 = arith.constant 16 : i32
        %parallel_loop3A_610 = arith.muli %parallel_loop3A_591, %parallel_loop3A_609 : i32
        %parallel_loop3A_611 = arith.index_cast %parallel_loop3A_610 : i32 to index
        %parallel_loop3A_612 = tpu.vector_load %arg7[%parallel_loop3A_611] {strides = array<i32>} : memref<4096xi32, #tpu.memory_space<vmem>>, vector<16xi32>,
        tpu.vector_store %arg7[%parallel_loop3A_611], %parallel_loop3A_608 {strides = array<i32>} : memref<4096xi32, #tpu.memory_space<vmem>>, vector<16xi32>,
        %parallel_loop3A_613 = arith.constant 16 : i32
        %parallel_loop3A_614 = arith.muli %parallel_loop3A_591, %parallel_loop3A_613 : i32
        %parallel_loop3A_615 = arith.index_cast %parallel_loop3A_614 : i32 to index
        %parallel_loop3A_616 = tpu.vector_load %arg8[%parallel_loop3A_615] {strides = array<i32>} : memref<4096xi32, #tpu.memory_space<vmem>>, vector<16xi32>,
        %parallel_loop3A_617 = arith.addi %parallel_loop3A_616, %parallel_loop3A_594 : vector<16xi32>
        %parallel_loop3A_618 = arith.constant 16 : i32
        %parallel_loop3A_619 = arith.muli %parallel_loop3A_591, %parallel_loop3A_618 : i32
        %parallel_loop3A_620 = arith.index_cast %parallel_loop3A_619 : i32 to index
        %parallel_loop3A_621 = tpu.vector_load %arg8[%parallel_loop3A_620] {strides = array<i32>} : memref<4096xi32, #tpu.memory_space<vmem>>, vector<16xi32>,
        tpu.vector_store %arg8[%parallel_loop3A_620], %parallel_loop3A_617 {strides = array<i32>} : memref<4096xi32, #tpu.memory_space<vmem>>, vector<16xi32>,
        %parallel_loop3A_622 = arith.constant 16 : i32
        %parallel_loop3A_623 = arith.muli %parallel_loop3A_591, %parallel_loop3A_622 : i32
        %parallel_loop3A_624 = arith.index_cast %parallel_loop3A_623 : i32 to index
        %parallel_loop3A_625 = tpu.vector_load %arg9[%parallel_loop3A_624] {strides = array<i32>} : memref<4096xi32, #tpu.memory_space<vmem>>, vector<16xi32>,
        %parallel_loop3A_626 = arith.addi %parallel_loop3A_625, %parallel_loop3A_594 : vector<16xi32>
        %parallel_loop3A_627 = arith.constant 16 : i32
        %parallel_loop3A_628 = arith.muli %parallel_loop3A_591, %parallel_loop3A_627 : i32
        %parallel_loop3A_629 = arith.index_cast %parallel_loop3A_628 : i32 to index
        %parallel_loop3A_630 = tpu.vector_load %arg9[%parallel_loop3A_629] {strides = array<i32>} : memref<4096xi32, #tpu.memory_space<vmem>>, vector<16xi32>,
        tpu.vector_store %arg9[%parallel_loop3A_629], %parallel_loop3A_626 {strides = array<i32>} : memref<4096xi32, #tpu.memory_space<vmem>>, vector<16xi32>,
        %parallel_loop3A_631 = arith.constant 16 : i32
        %parallel_loop3A_632 = arith.muli %parallel_loop3A_591, %parallel_loop3A_631 : i32
        %parallel_loop3A_633 = arith.index_cast %parallel_loop3A_632 : i32 to index
        %parallel_loop3A_634 = tpu.vector_load %arg10[%parallel_loop3A_633] {strides = array<i32>} : memref<4096xi32, #tpu.memory_space<vmem>>, vector<16xi32>,
        %parallel_loop3A_635 = arith.addi %parallel_loop3A_634, %parallel_loop3A_594 : vector<16xi32>
        %parallel_loop3A_636 = arith.constant 16 : i32
        %parallel_loop3A_637 = arith.muli %parallel_loop3A_591, %parallel_loop3A_636 : i32
        %parallel_loop3A_638 = arith.index_cast %parallel_loop3A_637 : i32 to index
        %parallel_loop3A_639 = tpu.vector_load %arg10[%parallel_loop3A_638] {strides = array<i32>} : memref<4096xi32, #tpu.memory_space<vmem>>, vector<16xi32>,
        tpu.vector_store %arg10[%parallel_loop3A_638], %parallel_loop3A_635 {strides = array<i32>} : memref<4096xi32, #tpu.memory_space<vmem>>, vector<16xi32>,
        %parallel_loop3A_640 = arith.constant 16 : i32
        %parallel_loop3A_641 = arith.muli %parallel_loop3A_591, %parallel_loop3A_640 : i32
        %parallel_loop3A_642 = arith.index_cast %parallel_loop3A_641 : i32 to index
        %parallel_loop3A_643 = tpu.vector_load %arg11[%parallel_loop3A_642] {strides = array<i32>} : memref<4096xi32, #tpu.memory_space<vmem>>, vector<16xi32>,
        %parallel_loop3A_644 = arith.addi %parallel_loop3A_643, %parallel_loop3A_594 : vector<16xi32>
        %parallel_loop3A_645 = arith.constant 16 : i32
        %parallel_loop3A_646 = arith.muli %parallel_loop3A_591, %parallel_loop3A_645 : i32
        %parallel_loop3A_647 = arith.index_cast %parallel_loop3A_646 : i32 to index
        %parallel_loop3A_648 = tpu.vector_load %arg11[%parallel_loop3A_647] {strides = array<i32>} : memref<4096xi32, #tpu.memory_space<vmem>>, vector<16xi32>,
        tpu.vector_store %arg11[%parallel_loop3A_647], %parallel_loop3A_644 {strides = array<i32>} : memref<4096xi32, #tpu.memory_space<vmem>>, vector<16xi32>,
        %parallel_loop3A_649 = arith.constant 16 : i32
        %parallel_loop3A_650 = arith.muli %parallel_loop3A_591, %parallel_loop3A_649 : i32
        %parallel_loop3A_651 = arith.index_cast %parallel_loop3A_650 : i32 to index
        %parallel_loop3A_652 = tpu.vector_load %arg12[%parallel_loop3A_651] {strides = array<i32>} : memref<4096xi32, #tpu.memory_space<vmem>>, vector<16xi32>,
        %parallel_loop3A_653 = arith.addi %parallel_loop3A_652, %parallel_loop3A_594 : vector<16xi32>
        %parallel_loop3A_654 = arith.constant 16 : i32
        %parallel_loop3A_655 = arith.muli %parallel_loop3A_591, %parallel_loop3A_654 : i32
        %parallel_loop3A_656 = arith.index_cast %parallel_loop3A_655 : i32 to index
        %parallel_loop3A_657 = tpu.vector_load %arg12[%parallel_loop3A_656] {strides = array<i32>} : memref<4096xi32, #tpu.memory_space<vmem>>, vector<16xi32>,
        tpu.vector_store %arg12[%parallel_loop3A_656], %parallel_loop3A_653 {strides = array<i32>} : memref<4096xi32, #tpu.memory_space<vmem>>, vector<16xi32>,
        %parallel_loop3A_658 = arith.constant 16 : i32
        %parallel_loop3A_659 = arith.muli %parallel_loop3A_591, %parallel_loop3A_658 : i32
        %parallel_loop3A_660 = arith.index_cast %parallel_loop3A_659 : i32 to index
        %parallel_loop3A_661 = tpu.vector_load %arg13[%parallel_loop3A_660] {strides = array<i32>} : memref<4096xi32, #tpu.memory_space<vmem>>, vector<16xi32>,
        %parallel_loop3A_662 = arith.addi %parallel_loop3A_661, %parallel_loop3A_594 : vector<16xi32>
        %parallel_loop3A_663 = arith.constant 16 : i32
        %parallel_loop3A_664 = arith.muli %parallel_loop3A_591, %parallel_loop3A_663 : i32
        %parallel_loop3A_665 = arith.index_cast %parallel_loop3A_664 : i32 to index
        %parallel_loop3A_666 = tpu.vector_load %arg13[%parallel_loop3A_665] {strides = array<i32>} : memref<4096xi32, #tpu.memory_space<vmem>>, vector<16xi32>,
        tpu.vector_store %arg13[%parallel_loop3A_665], %parallel_loop3A_662 {strides = array<i32>} : memref<4096xi32, #tpu.memory_space<vmem>>, vector<16xi32>,
      } {sc.loop_unroll_factor = 1 : i64, sc.parallel_access}
      %get3A_347 = arith.constant 0 : index
      %get3A_348 = tpu.vector_load %arg4[%get3A_347] {strides = array<i32>} : memref<32768xf32, #tpu.memory_space<vmem>>, vector<16xf32>,
      %bitcast3A_349 = vector.bitcast %get3A_348 : vector<16xf32> to vector<16xi32>
      %get3A_350 = arith.constant 4096 : index
      %get3A_351 = tpu.vector_load %arg4[%get3A_350] {strides = array<i32>} : memref<32768xf32, #tpu.memory_space<vmem>>, vector<16xf32>,
      %bitcast3A_352 = vector.bitcast %get3A_351 : vector<16xf32> to vector<16xi32>
      %get3A_353 = arith.constant 8192 : index
      %get3A_354 = tpu.vector_load %arg4[%get3A_353] {strides = array<i32>} : memref<32768xf32, #tpu.memory_space<vmem>>, vector<16xf32>,
      %bitcast3A_355 = vector.bitcast %get3A_354 : vector<16xf32> to vector<16xi32>
      %get3A_356 = arith.constant 12288 : index
      %get3A_357 = tpu.vector_load %arg4[%get3A_356] {strides = array<i32>} : memref<32768xf32, #tpu.memory_space<vmem>>, vector<16xf32>,
      %bitcast3A_358 = vector.bitcast %get3A_357 : vector<16xf32> to vector<16xi32>
      %get3A_359 = arith.constant 16384 : index
      %get3A_360 = tpu.vector_load %arg4[%get3A_359] {strides = array<i32>} : memref<32768xf32, #tpu.memory_space<vmem>>, vector<16xf32>,
      %bitcast3A_361 = vector.bitcast %get3A_360 : vector<16xf32> to vector<16xi32>
      %get3A_362 = arith.constant 20480 : index
      %get3A_363 = tpu.vector_load %arg4[%get3A_362] {strides = array<i32>} : memref<32768xf32, #tpu.memory_space<vmem>>, vector<16xf32>,
      %bitcast3A_364 = vector.bitcast %get3A_363 : vector<16xf32> to vector<16xi32>
      %get3A_365 = arith.constant 24576 : index
      %get3A_366 = tpu.vector_load %arg4[%get3A_365] {strides = array<i32>} : memref<32768xf32, #tpu.memory_space<vmem>>, vector<16xf32>,
      %bitcast3A_367 = vector.bitcast %get3A_366 : vector<16xf32> to vector<16xi32>
      %get3A_368 = arith.constant 28672 : index
      %get3A_369 = tpu.vector_load %arg4[%get3A_368] {strides = array<i32>} : memref<32768xf32, #tpu.memory_space<vmem>>, vector<16xf32>,
      %bitcast3A_370 = vector.bitcast %get3A_369 : vector<16xf32> to vector<16xi32>
      %shift_right_logical3A_371 = arith.constant 16 : i32
      %shift_right_logical3A_372 = vector.broadcast %shift_right_logical3A_371 : i32 to vector<16xi32>
      %shift_right_logical3A_373 = arith.shrui %bitcast3A_349, %shift_right_logical3A_372 : vector<16xi32>
      %and3A_374 = arith.constant 255 : i32
      %and3A_375 = vector.broadcast %and3A_374 : i32 to vector<16xi32>
      %and3A_376 = arith.andi %shift_right_logical3A_373, %and3A_375 : vector<16xi32>
      %shift_left3A_377 = arith.constant 4 : i32
      %shift_left3A_378 = vector.broadcast %shift_left3A_377 : i32 to vector<16xi32>
      %shift_left3A_379 = arith.shli %and3A_376, %shift_left3A_378 : vector<16xi32>
      %or3A_380 = arith.ori %shift_left3A_379, %iota3A_323 : vector<16xi32>
      %shift_right_logical3A_381 = arith.constant 16 : i32
      %shift_right_logical3A_382 = vector.broadcast %shift_right_logical3A_381 : i32 to vector<16xi32>
      %shift_right_logical3A_383 = arith.shrui %bitcast3A_352, %shift_right_logical3A_382 : vector<16xi32>
      %and3A_384 = arith.constant 255 : i32
      %and3A_385 = vector.broadcast %and3A_384 : i32 to vector<16xi32>
      %and3A_386 = arith.andi %shift_right_logical3A_383, %and3A_385 : vector<16xi32>
      %shift_left3A_387 = arith.constant 4 : i32
      %shift_left3A_388 = vector.broadcast %shift_left3A_387 : i32 to vector<16xi32>
      %shift_left3A_389 = arith.shli %and3A_386, %shift_left3A_388 : vector<16xi32>
      %or3A_390 = arith.ori %shift_left3A_389, %iota3A_323 : vector<16xi32>
      %shift_right_logical3A_391 = arith.constant 16 : i32
      %shift_right_logical3A_392 = vector.broadcast %shift_right_logical3A_391 : i32 to vector<16xi32>
      %shift_right_logical3A_393 = arith.shrui %bitcast3A_355, %shift_right_logical3A_392 : vector<16xi32>
      %and3A_394 = arith.constant 255 : i32
      %and3A_395 = vector.broadcast %and3A_394 : i32 to vector<16xi32>
      %and3A_396 = arith.andi %shift_right_logical3A_393, %and3A_395 : vector<16xi32>
      %shift_left3A_397 = arith.constant 4 : i32
      %shift_left3A_398 = vector.broadcast %shift_left3A_397 : i32 to vector<16xi32>
      %shift_left3A_399 = arith.shli %and3A_396, %shift_left3A_398 : vector<16xi32>
      %or3A_400 = arith.ori %shift_left3A_399, %iota3A_323 : vector<16xi32>
      %shift_right_logical3A_401 = arith.constant 16 : i32
      %shift_right_logical3A_402 = vector.broadcast %shift_right_logical3A_401 : i32 to vector<16xi32>
      %shift_right_logical3A_403 = arith.shrui %bitcast3A_358, %shift_right_logical3A_402 : vector<16xi32>
      %and3A_404 = arith.constant 255 : i32
      %and3A_405 = vector.broadcast %and3A_404 : i32 to vector<16xi32>
      %and3A_406 = arith.andi %shift_right_logical3A_403, %and3A_405 : vector<16xi32>
      %shift_left3A_407 = arith.constant 4 : i32
      %shift_left3A_408 = vector.broadcast %shift_left3A_407 : i32 to vector<16xi32>
      %shift_left3A_409 = arith.shli %and3A_406, %shift_left3A_408 : vector<16xi32>
      %or3A_410 = arith.ori %shift_left3A_409, %iota3A_323 : vector<16xi32>
      %shift_right_logical3A_411 = arith.constant 16 : i32
      %shift_right_logical3A_412 = vector.broadcast %shift_right_logical3A_411 : i32 to vector<16xi32>
      %shift_right_logical3A_413 = arith.shrui %bitcast3A_361, %shift_right_logical3A_412 : vector<16xi32>
      %and3A_414 = arith.constant 255 : i32
      %and3A_415 = vector.broadcast %and3A_414 : i32 to vector<16xi32>
      %and3A_416 = arith.andi %shift_right_logical3A_413, %and3A_415 : vector<16xi32>
      %shift_left3A_417 = arith.constant 4 : i32
      %shift_left3A_418 = vector.broadcast %shift_left3A_417 : i32 to vector<16xi32>
      %shift_left3A_419 = arith.shli %and3A_416, %shift_left3A_418 : vector<16xi32>
      %or3A_420 = arith.ori %shift_left3A_419, %iota3A_323 : vector<16xi32>
      %shift_right_logical3A_421 = arith.constant 16 : i32
      %shift_right_logical3A_422 = vector.broadcast %shift_right_logical3A_421 : i32 to vector<16xi32>
      %shift_right_logical3A_423 = arith.shrui %bitcast3A_364, %shift_right_logical3A_422 : vector<16xi32>
      %and3A_424 = arith.constant 255 : i32
      %and3A_425 = vector.broadcast %and3A_424 : i32 to vector<16xi32>
      %and3A_426 = arith.andi %shift_right_logical3A_423, %and3A_425 : vector<16xi32>
      %shift_left3A_427 = arith.constant 4 : i32
      %shift_left3A_428 = vector.broadcast %shift_left3A_427 : i32 to vector<16xi32>
      %shift_left3A_429 = arith.shli %and3A_426, %shift_left3A_428 : vector<16xi32>
      %or3A_430 = arith.ori %shift_left3A_429, %iota3A_323 : vector<16xi32>
      %shift_right_logical3A_431 = arith.constant 16 : i32
      %shift_right_logical3A_432 = vector.broadcast %shift_right_logical3A_431 : i32 to vector<16xi32>
      %shift_right_logical3A_433 = arith.shrui %bitcast3A_367, %shift_right_logical3A_432 : vector<16xi32>
      %and3A_434 = arith.constant 255 : i32
      %and3A_435 = vector.broadcast %and3A_434 : i32 to vector<16xi32>
      %and3A_436 = arith.andi %shift_right_logical3A_433, %and3A_435 : vector<16xi32>
      %shift_left3A_437 = arith.constant 4 : i32
      %shift_left3A_438 = vector.broadcast %shift_left3A_437 : i32 to vector<16xi32>
      %shift_left3A_439 = arith.shli %and3A_436, %shift_left3A_438 : vector<16xi32>
      %or3A_440 = arith.ori %shift_left3A_439, %iota3A_323 : vector<16xi32>
      %shift_right_logical3A_441 = arith.constant 16 : i32
      %shift_right_logical3A_442 = vector.broadcast %shift_right_logical3A_441 : i32 to vector<16xi32>
      %shift_right_logical3A_443 = arith.shrui %bitcast3A_370, %shift_right_logical3A_442 : vector<16xi32>
      %and3A_444 = arith.constant 255 : i32
      %and3A_445 = vector.broadcast %and3A_444 : i32 to vector<16xi32>
      %and3A_446 = arith.andi %shift_right_logical3A_443, %and3A_445 : vector<16xi32>
      %shift_left3A_447 = arith.constant 4 : i32
      %shift_left3A_448 = vector.broadcast %shift_left3A_447 : i32 to vector<16xi32>
      %shift_left3A_449 = arith.shli %and3A_446, %shift_left3A_448 : vector<16xi32>
      %or3A_450 = arith.ori %shift_left3A_449, %iota3A_323 : vector<16xi32>
      %scan3A_451 = arith.constant 0 : i32
      %scan3A_452 = arith.constant 256 : i32
      %scan3A_453 = arith.addi %scan3A_451, %scan3A_452 : i32
      %scan3A_454 = arith.constant 1 : i32
      %scan3A_455:16 = scf.for %scan3A_591 = %scan3A_451 to %scan3A_453 step %scan3A_454 iter_args(%scan3A_592 = %bitcast3A_349, %scan3A_593 = %bitcast3A_352, %scan3A_594 = %bitcast3A_355, %scan3A_595 = %bitcast3A_358, %scan3A_596 = %bitcast3A_361, %scan3A_597 = %bitcast3A_364, %scan3A_598 = %bitcast3A_367, %scan3A_599 = %bitcast3A_370, %scan3A_600 = %or3A_380, %scan3A_601 = %or3A_390, %scan3A_602 = %or3A_400, %scan3A_603 = %or3A_410, %scan3A_604 = %or3A_420, %scan3A_605 = %or3A_430, %scan3A_606 = %or3A_440, %scan3A_607 = %or3A_450) -> (vector<16xi32>, vector<16xi32>, vector<16xi32>, vector<16xi32>, vector<16xi32>, vector<16xi32>, vector<16xi32>, vector<16xi32>, vector<16xi32>, vector<16xi32>, vector<16xi32>, vector<16xi32>, vector<16xi32>, vector<16xi32>, vector<16xi32>, vector<16xi32>)  : i32 {
        %add3A_608 = arith.constant 1 : i32
        %add3A_609 = arith.addi %scan3A_591, %add3A_608 : i32
        %min3A = arith.constant 255 : i32
        %min3A_610 = arith.minsi %add3A_609, %min3A : i32
        %add3A_611 = arith.constant 0 : i32
        %add3A_612 = arith.addi %add3A_611, %min3A_610 : i32
        %mul3A_613 = arith.constant 16 : i32
        %mul3A_614 = arith.muli %add3A_612, %mul3A_613 : i32
        %get3A_615 = arith.index_cast %mul3A_614 : i32 to index
        %get3A_616 = tpu.vector_load %arg4[%get3A_615] {strides = array<i32>} : memref<32768xf32, #tpu.memory_space<vmem>>, vector<16xf32>,
        %bitcast3A_617 = vector.bitcast %get3A_616 : vector<16xf32> to vector<16xi32>
        %add3A_618 = arith.constant 256 : i32
        %add3A_619 = arith.addi %add3A_618, %min3A_610 : i32
        %mul3A_620 = arith.constant 16 : i32
        %mul3A_621 = arith.muli %add3A_619, %mul3A_620 : i32
        %get3A_622 = arith.index_cast %mul3A_621 : i32 to index
        %get3A_623 = tpu.vector_load %arg4[%get3A_622] {strides = array<i32>} : memref<32768xf32, #tpu.memory_space<vmem>>, vector<16xf32>,
        %bitcast3A_624 = vector.bitcast %get3A_623 : vector<16xf32> to vector<16xi32>
        %add3A_625 = arith.constant 512 : i32
        %add3A_626 = arith.addi %add3A_625, %min3A_610 : i32
        %mul3A_627 = arith.constant 16 : i32
        %mul3A_628 = arith.muli %add3A_626, %mul3A_627 : i32
        %get3A_629 = arith.index_cast %mul3A_628 : i32 to index
        %get3A_630 = tpu.vector_load %arg4[%get3A_629] {strides = array<i32>} : memref<32768xf32, #tpu.memory_space<vmem>>, vector<16xf32>,
        %bitcast3A_631 = vector.bitcast %get3A_630 : vector<16xf32> to vector<16xi32>
        %add3A_632 = arith.constant 768 : i32
        %add3A_633 = arith.addi %add3A_632, %min3A_610 : i32
        %mul3A_634 = arith.constant 16 : i32
        %mul3A_635 = arith.muli %add3A_633, %mul3A_634 : i32
        %get3A_636 = arith.index_cast %mul3A_635 : i32 to index
        %get3A_637 = tpu.vector_load %arg4[%get3A_636] {strides = array<i32>} : memref<32768xf32, #tpu.memory_space<vmem>>, vector<16xf32>,
        %bitcast3A_638 = vector.bitcast %get3A_637 : vector<16xf32> to vector<16xi32>
        %add3A_639 = arith.constant 1024 : i32
        %add3A_640 = arith.addi %add3A_639, %min3A_610 : i32
        %mul3A_641 = arith.constant 16 : i32
        %mul3A_642 = arith.muli %add3A_640, %mul3A_641 : i32
        %get3A_643 = arith.index_cast %mul3A_642 : i32 to index
        %get3A_644 = tpu.vector_load %arg4[%get3A_643] {strides = array<i32>} : memref<32768xf32, #tpu.memory_space<vmem>>, vector<16xf32>,
        %bitcast3A_645 = vector.bitcast %get3A_644 : vector<16xf32> to vector<16xi32>
        %add3A_646 = arith.constant 1280 : i32
        %add3A_647 = arith.addi %add3A_646, %min3A_610 : i32
        %mul3A_648 = arith.constant 16 : i32
        %mul3A_649 = arith.muli %add3A_647, %mul3A_648 : i32
        %get3A_650 = arith.index_cast %mul3A_649 : i32 to index
        %get3A_651 = tpu.vector_load %arg4[%get3A_650] {strides = array<i32>} : memref<32768xf32, #tpu.memory_space<vmem>>, vector<16xf32>,
        %bitcast3A_652 = vector.bitcast %get3A_651 : vector<16xf32> to vector<16xi32>
        %add3A_653 = arith.constant 1536 : i32
        %add3A_654 = arith.addi %add3A_653, %min3A_610 : i32
        %mul3A_655 = arith.constant 16 : i32
        %mul3A_656 = arith.muli %add3A_654, %mul3A_655 : i32
        %get3A_657 = arith.index_cast %mul3A_656 : i32 to index
        %get3A_658 = tpu.vector_load %arg4[%get3A_657] {strides = array<i32>} : memref<32768xf32, #tpu.memory_space<vmem>>, vector<16xf32>,
        %bitcast3A_659 = vector.bitcast %get3A_658 : vector<16xf32> to vector<16xi32>
        %add3A_660 = arith.constant 1792 : i32
        %add3A_661 = arith.addi %add3A_660, %min3A_610 : i32
        %mul3A_662 = arith.constant 16 : i32
        %mul3A_663 = arith.muli %add3A_661, %mul3A_662 : i32
        %get3A_664 = arith.index_cast %mul3A_663 : i32 to index
        %get3A_665 = tpu.vector_load %arg4[%get3A_664] {strides = array<i32>} : memref<32768xf32, #tpu.memory_space<vmem>>, vector<16xf32>,
        %bitcast3A_666 = vector.bitcast %get3A_665 : vector<16xf32> to vector<16xi32>
        %shift_right_logical3A_667 = arith.constant 16 : i32
        %shift_right_logical3A_668 = vector.broadcast %shift_right_logical3A_667 : i32 to vector<16xi32>
        %shift_right_logical3A_669 = arith.shrui %bitcast3A_617, %shift_right_logical3A_668 : vector<16xi32>
        %and3A_670 = arith.constant 255 : i32
        %and3A_671 = vector.broadcast %and3A_670 : i32 to vector<16xi32>
        %and3A_672 = arith.andi %shift_right_logical3A_669, %and3A_671 : vector<16xi32>
        %shift_left3A_673 = arith.constant 4 : i32
        %shift_left3A_674 = vector.broadcast %shift_left3A_673 : i32 to vector<16xi32>
        %shift_left3A_675 = arith.shli %and3A_672, %shift_left3A_674 : vector<16xi32>
        %or3A_676 = arith.ori %shift_left3A_675, %iota3A_323 : vector<16xi32>
        %shift_right_logical3A_677 = arith.constant 16 : i32
        %shift_right_logical3A_678 = vector.broadcast %shift_right_logical3A_677 : i32 to vector<16xi32>
        %shift_right_logical3A_679 = arith.shrui %bitcast3A_624, %shift_right_logical3A_678 : vector<16xi32>
        %and3A_680 = arith.constant 255 : i32
        %and3A_681 = vector.broadcast %and3A_680 : i32 to vector<16xi32>
        %and3A_682 = arith.andi %shift_right_logical3A_679, %and3A_681 : vector<16xi32>
        %shift_left3A_683 = arith.constant 4 : i32
        %shift_left3A_684 = vector.broadcast %shift_left3A_683 : i32 to vector<16xi32>
        %shift_left3A_685 = arith.shli %and3A_682, %shift_left3A_684 : vector<16xi32>
        %or3A_686 = arith.ori %shift_left3A_685, %iota3A_323 : vector<16xi32>
        %shift_right_logical3A_687 = arith.constant 16 : i32
        %shift_right_logical3A_688 = vector.broadcast %shift_right_logical3A_687 : i32 to vector<16xi32>
        %shift_right_logical3A_689 = arith.shrui %bitcast3A_631, %shift_right_logical3A_688 : vector<16xi32>
        %and3A_690 = arith.constant 255 : i32
        %and3A_691 = vector.broadcast %and3A_690 : i32 to vector<16xi32>
        %and3A_692 = arith.andi %shift_right_logical3A_689, %and3A_691 : vector<16xi32>
        %shift_left3A_693 = arith.constant 4 : i32
        %shift_left3A_694 = vector.broadcast %shift_left3A_693 : i32 to vector<16xi32>
        %shift_left3A_695 = arith.shli %and3A_692, %shift_left3A_694 : vector<16xi32>
        %or3A_696 = arith.ori %shift_left3A_695, %iota3A_323 : vector<16xi32>
        %shift_right_logical3A_697 = arith.constant 16 : i32
        %shift_right_logical3A_698 = vector.broadcast %shift_right_logical3A_697 : i32 to vector<16xi32>
        %shift_right_logical3A_699 = arith.shrui %bitcast3A_638, %shift_right_logical3A_698 : vector<16xi32>
        %and3A_700 = arith.constant 255 : i32
        %and3A_701 = vector.broadcast %and3A_700 : i32 to vector<16xi32>
        %and3A_702 = arith.andi %shift_right_logical3A_699, %and3A_701 : vector<16xi32>
        %shift_left3A_703 = arith.constant 4 : i32
        %shift_left3A_704 = vector.broadcast %shift_left3A_703 : i32 to vector<16xi32>
        %shift_left3A_705 = arith.shli %and3A_702, %shift_left3A_704 : vector<16xi32>
        %or3A_706 = arith.ori %shift_left3A_705, %iota3A_323 : vector<16xi32>
        %shift_right_logical3A_707 = arith.constant 16 : i32
        %shift_right_logical3A_708 = vector.broadcast %shift_right_logical3A_707 : i32 to vector<16xi32>
        %shift_right_logical3A_709 = arith.shrui %bitcast3A_645, %shift_right_logical3A_708 : vector<16xi32>
        %and3A_710 = arith.constant 255 : i32
        %and3A_711 = vector.broadcast %and3A_710 : i32 to vector<16xi32>
        %and3A_712 = arith.andi %shift_right_logical3A_709, %and3A_711 : vector<16xi32>
        %shift_left3A_713 = arith.constant 4 : i32
        %shift_left3A_714 = vector.broadcast %shift_left3A_713 : i32 to vector<16xi32>
        %shift_left3A_715 = arith.shli %and3A_712, %shift_left3A_714 : vector<16xi32>
        %or3A_716 = arith.ori %shift_left3A_715, %iota3A_323 : vector<16xi32>
        %shift_right_logical3A_717 = arith.constant 16 : i32
        %shift_right_logical3A_718 = vector.broadcast %shift_right_logical3A_717 : i32 to vector<16xi32>
        %shift_right_logical3A_719 = arith.shrui %bitcast3A_652, %shift_right_logical3A_718 : vector<16xi32>
        %and3A_720 = arith.constant 255 : i32
        %and3A_721 = vector.broadcast %and3A_720 : i32 to vector<16xi32>
        %and3A_722 = arith.andi %shift_right_logical3A_719, %and3A_721 : vector<16xi32>
        %shift_left3A_723 = arith.constant 4 : i32
        %shift_left3A_724 = vector.broadcast %shift_left3A_723 : i32 to vector<16xi32>
        %shift_left3A_725 = arith.shli %and3A_722, %shift_left3A_724 : vector<16xi32>
        %or3A_726 = arith.ori %shift_left3A_725, %iota3A_323 : vector<16xi32>
        %shift_right_logical3A_727 = arith.constant 16 : i32
        %shift_right_logical3A_728 = vector.broadcast %shift_right_logical3A_727 : i32 to vector<16xi32>
        %shift_right_logical3A_729 = arith.shrui %bitcast3A_659, %shift_right_logical3A_728 : vector<16xi32>
        %and3A_730 = arith.constant 255 : i32
        %and3A_731 = vector.broadcast %and3A_730 : i32 to vector<16xi32>
        %and3A_732 = arith.andi %shift_right_logical3A_729, %and3A_731 : vector<16xi32>
        %shift_left3A_733 = arith.constant 4 : i32
        %shift_left3A_734 = vector.broadcast %shift_left3A_733 : i32 to vector<16xi32>
        %shift_left3A_735 = arith.shli %and3A_732, %shift_left3A_734 : vector<16xi32>
        %or3A_736 = arith.ori %shift_left3A_735, %iota3A_323 : vector<16xi32>
        %shift_right_logical3A_737 = arith.constant 16 : i32
        %shift_right_logical3A_738 = vector.broadcast %shift_right_logical3A_737 : i32 to vector<16xi32>
        %shift_right_logical3A_739 = arith.shrui %bitcast3A_666, %shift_right_logical3A_738 : vector<16xi32>
        %and3A_740 = arith.constant 255 : i32
        %and3A_741 = vector.broadcast %and3A_740 : i32 to vector<16xi32>
        %and3A_742 = arith.andi %shift_right_logical3A_739, %and3A_741 : vector<16xi32>
        %shift_left3A_743 = arith.constant 4 : i32
        %shift_left3A_744 = vector.broadcast %shift_left3A_743 : i32 to vector<16xi32>
        %shift_left3A_745 = arith.shli %and3A_742, %shift_left3A_744 : vector<16xi32>
        %or3A_746 = arith.ori %shift_left3A_745, %iota3A_323 : vector<16xi32>
        %gather3A = tpu.vector_load_idx %arg6[%scan3A_600] : memref<4096xi32, #tpu.memory_space<vmem>>[vector<16xi32>], vector<16xi32>,
        %gather3A_747 = tpu.vector_load_idx %arg7[%scan3A_601] : memref<4096xi32, #tpu.memory_space<vmem>>[vector<16xi32>], vector<16xi32>,
        %gather3A_748 = tpu.vector_load_idx %arg8[%scan3A_602] : memref<4096xi32, #tpu.memory_space<vmem>>[vector<16xi32>], vector<16xi32>,
        %gather3A_749 = tpu.vector_load_idx %arg9[%scan3A_603] : memref<4096xi32, #tpu.memory_space<vmem>>[vector<16xi32>], vector<16xi32>,
        %gather3A_750 = tpu.vector_load_idx %arg10[%scan3A_604] : memref<4096xi32, #tpu.memory_space<vmem>>[vector<16xi32>], vector<16xi32>,
        %gather3A_751 = tpu.vector_load_idx %arg11[%scan3A_605] : memref<4096xi32, #tpu.memory_space<vmem>>[vector<16xi32>], vector<16xi32>,
        %gather3A_752 = tpu.vector_load_idx %arg12[%scan3A_606] : memref<4096xi32, #tpu.memory_space<vmem>>[vector<16xi32>], vector<16xi32>,
        %gather3A_753 = tpu.vector_load_idx %arg13[%scan3A_607] : memref<4096xi32, #tpu.memory_space<vmem>>[vector<16xi32>], vector<16xi32>,
        tpu.vector_store_idx %arg6[%scan3A_600], %broadcast_in_dim3A_325 {add = true} : memref<4096xi32, #tpu.memory_space<vmem>>[vector<16xi32>], vector<16xi32>,
        tpu.vector_store_idx %arg7[%scan3A_601], %broadcast_in_dim3A_325 {add = true} : memref<4096xi32, #tpu.memory_space<vmem>>[vector<16xi32>], vector<16xi32>,
        tpu.vector_store_idx %arg8[%scan3A_602], %broadcast_in_dim3A_325 {add = true} : memref<4096xi32, #tpu.memory_space<vmem>>[vector<16xi32>], vector<16xi32>,
        tpu.vector_store_idx %arg9[%scan3A_603], %broadcast_in_dim3A_325 {add = true} : memref<4096xi32, #tpu.memory_space<vmem>>[vector<16xi32>], vector<16xi32>,
        tpu.vector_store_idx %arg10[%scan3A_604], %broadcast_in_dim3A_325 {add = true} : memref<4096xi32, #tpu.memory_space<vmem>>[vector<16xi32>], vector<16xi32>,
        tpu.vector_store_idx %arg11[%scan3A_605], %broadcast_in_dim3A_325 {add = true} : memref<4096xi32, #tpu.memory_space<vmem>>[vector<16xi32>], vector<16xi32>,
        tpu.vector_store_idx %arg12[%scan3A_606], %broadcast_in_dim3A_325 {add = true} : memref<4096xi32, #tpu.memory_space<vmem>>[vector<16xi32>], vector<16xi32>,
        tpu.vector_store_idx %arg13[%scan3A_607], %broadcast_in_dim3A_325 {add = true} : memref<4096xi32, #tpu.memory_space<vmem>>[vector<16xi32>], vector<16xi32>,
        %and3A_754 = arith.constant 2047 : i32
        %and3A_755 = vector.broadcast %and3A_754 : i32 to vector<16xi32>
        %and3A_756 = arith.andi %gather3A, %and3A_755 : vector<16xi32>
        %shift_left3A_757 = arith.constant 4 : i32
        %shift_left3A_758 = vector.broadcast %shift_left3A_757 : i32 to vector<16xi32>
        %shift_left3A_759 = arith.shli %and3A_756, %shift_left3A_758 : vector<16xi32>
        %shift_right_logical3A_760 = arith.constant 11 : i32
        %shift_right_logical3A_761 = vector.broadcast %shift_right_logical3A_760 : i32 to vector<16xi32>
        %shift_right_logical3A_762 = arith.shrui %gather3A, %shift_right_logical3A_761 : vector<16xi32>
        %or3A_763 = arith.ori %shift_left3A_759, %shift_right_logical3A_762 : vector<16xi32>
        %bitcast3A_764 = vector.bitcast %scan3A_592 : vector<16xi32> to vector<16xf32>
        tpu.vector_store_idx %arg5[%or3A_763], %bitcast3A_764 : memref<32768xf32, #tpu.memory_space<vmem>>[vector<16xi32>], vector<16xf32>,
        %and3A_765 = arith.constant 2047 : i32
        %and3A_766 = vector.broadcast %and3A_765 : i32 to vector<16xi32>
        %and3A_767 = arith.andi %gather3A_747, %and3A_766 : vector<16xi32>
        %shift_left3A_768 = arith.constant 4 : i32
        %shift_left3A_769 = vector.broadcast %shift_left3A_768 : i32 to vector<16xi32>
        %shift_left3A_770 = arith.shli %and3A_767, %shift_left3A_769 : vector<16xi32>
        %shift_right_logical3A_771 = arith.constant 11 : i32
        %shift_right_logical3A_772 = vector.broadcast %shift_right_logical3A_771 : i32 to vector<16xi32>
        %shift_right_logical3A_773 = arith.shrui %gather3A_747, %shift_right_logical3A_772 : vector<16xi32>
        %or3A_774 = arith.ori %shift_left3A_770, %shift_right_logical3A_773 : vector<16xi32>
        %bitcast3A_775 = vector.bitcast %scan3A_593 : vector<16xi32> to vector<16xf32>
        tpu.vector_store_idx %arg5[%or3A_774], %bitcast3A_775 : memref<32768xf32, #tpu.memory_space<vmem>>[vector<16xi32>], vector<16xf32>,
        %and3A_776 = arith.constant 2047 : i32
        %and3A_777 = vector.broadcast %and3A_776 : i32 to vector<16xi32>
        %and3A_778 = arith.andi %gather3A_748, %and3A_777 : vector<16xi32>
        %shift_left3A_779 = arith.constant 4 : i32
        %shift_left3A_780 = vector.broadcast %shift_left3A_779 : i32 to vector<16xi32>
        %shift_left3A_781 = arith.shli %and3A_778, %shift_left3A_780 : vector<16xi32>
        %shift_right_logical3A_782 = arith.constant 11 : i32
        %shift_right_logical3A_783 = vector.broadcast %shift_right_logical3A_782 : i32 to vector<16xi32>
        %shift_right_logical3A_784 = arith.shrui %gather3A_748, %shift_right_logical3A_783 : vector<16xi32>
        %or3A_785 = arith.ori %shift_left3A_781, %shift_right_logical3A_784 : vector<16xi32>
        %bitcast3A_786 = vector.bitcast %scan3A_594 : vector<16xi32> to vector<16xf32>
        tpu.vector_store_idx %arg5[%or3A_785], %bitcast3A_786 : memref<32768xf32, #tpu.memory_space<vmem>>[vector<16xi32>], vector<16xf32>,
        %and3A_787 = arith.constant 2047 : i32
        %and3A_788 = vector.broadcast %and3A_787 : i32 to vector<16xi32>
        %and3A_789 = arith.andi %gather3A_749, %and3A_788 : vector<16xi32>
        %shift_left3A_790 = arith.constant 4 : i32
        %shift_left3A_791 = vector.broadcast %shift_left3A_790 : i32 to vector<16xi32>
        %shift_left3A_792 = arith.shli %and3A_789, %shift_left3A_791 : vector<16xi32>
        %shift_right_logical3A_793 = arith.constant 11 : i32
        %shift_right_logical3A_794 = vector.broadcast %shift_right_logical3A_793 : i32 to vector<16xi32>
        %shift_right_logical3A_795 = arith.shrui %gather3A_749, %shift_right_logical3A_794 : vector<16xi32>
        %or3A_796 = arith.ori %shift_left3A_792, %shift_right_logical3A_795 : vector<16xi32>
        %bitcast3A_797 = vector.bitcast %scan3A_595 : vector<16xi32> to vector<16xf32>
        tpu.vector_store_idx %arg5[%or3A_796], %bitcast3A_797 : memref<32768xf32, #tpu.memory_space<vmem>>[vector<16xi32>], vector<16xf32>,
        %and3A_798 = arith.constant 2047 : i32
        %and3A_799 = vector.broadcast %and3A_798 : i32 to vector<16xi32>
        %and3A_800 = arith.andi %gather3A_750, %and3A_799 : vector<16xi32>
        %shift_left3A_801 = arith.constant 4 : i32
        %shift_left3A_802 = vector.broadcast %shift_left3A_801 : i32 to vector<16xi32>
        %shift_left3A_803 = arith.shli %and3A_800, %shift_left3A_802 : vector<16xi32>
        %shift_right_logical3A_804 = arith.constant 11 : i32
        %shift_right_logical3A_805 = vector.broadcast %shift_right_logical3A_804 : i32 to vector<16xi32>
        %shift_right_logical3A_806 = arith.shrui %gather3A_750, %shift_right_logical3A_805 : vector<16xi32>
        %or3A_807 = arith.ori %shift_left3A_803, %shift_right_logical3A_806 : vector<16xi32>
        %bitcast3A_808 = vector.bitcast %scan3A_596 : vector<16xi32> to vector<16xf32>
        tpu.vector_store_idx %arg5[%or3A_807], %bitcast3A_808 : memref<32768xf32, #tpu.memory_space<vmem>>[vector<16xi32>], vector<16xf32>,
        %and3A_809 = arith.constant 2047 : i32
        %and3A_810 = vector.broadcast %and3A_809 : i32 to vector<16xi32>
        %and3A_811 = arith.andi %gather3A_751, %and3A_810 : vector<16xi32>
        %shift_left3A_812 = arith.constant 4 : i32
        %shift_left3A_813 = vector.broadcast %shift_left3A_812 : i32 to vector<16xi32>
        %shift_left3A_814 = arith.shli %and3A_811, %shift_left3A_813 : vector<16xi32>
        %shift_right_logical3A_815 = arith.constant 11 : i32
        %shift_right_logical3A_816 = vector.broadcast %shift_right_logical3A_815 : i32 to vector<16xi32>
        %shift_right_logical3A_817 = arith.shrui %gather3A_751, %shift_right_logical3A_816 : vector<16xi32>
        %or3A_818 = arith.ori %shift_left3A_814, %shift_right_logical3A_817 : vector<16xi32>
        %bitcast3A_819 = vector.bitcast %scan3A_597 : vector<16xi32> to vector<16xf32>
        tpu.vector_store_idx %arg5[%or3A_818], %bitcast3A_819 : memref<32768xf32, #tpu.memory_space<vmem>>[vector<16xi32>], vector<16xf32>,
        %and3A_820 = arith.constant 2047 : i32
        %and3A_821 = vector.broadcast %and3A_820 : i32 to vector<16xi32>
        %and3A_822 = arith.andi %gather3A_752, %and3A_821 : vector<16xi32>
        %shift_left3A_823 = arith.constant 4 : i32
        %shift_left3A_824 = vector.broadcast %shift_left3A_823 : i32 to vector<16xi32>
        %shift_left3A_825 = arith.shli %and3A_822, %shift_left3A_824 : vector<16xi32>
        %shift_right_logical3A_826 = arith.constant 11 : i32
        %shift_right_logical3A_827 = vector.broadcast %shift_right_logical3A_826 : i32 to vector<16xi32>
        %shift_right_logical3A_828 = arith.shrui %gather3A_752, %shift_right_logical3A_827 : vector<16xi32>
        %or3A_829 = arith.ori %shift_left3A_825, %shift_right_logical3A_828 : vector<16xi32>
        %bitcast3A_830 = vector.bitcast %scan3A_598 : vector<16xi32> to vector<16xf32>
        tpu.vector_store_idx %arg5[%or3A_829], %bitcast3A_830 : memref<32768xf32, #tpu.memory_space<vmem>>[vector<16xi32>], vector<16xf32>,
        %and3A_831 = arith.constant 2047 : i32
        %and3A_832 = vector.broadcast %and3A_831 : i32 to vector<16xi32>
        %and3A_833 = arith.andi %gather3A_753, %and3A_832 : vector<16xi32>
        %shift_left3A_834 = arith.constant 4 : i32
        %shift_left3A_835 = vector.broadcast %shift_left3A_834 : i32 to vector<16xi32>
        %shift_left3A_836 = arith.shli %and3A_833, %shift_left3A_835 : vector<16xi32>
        %shift_right_logical3A_837 = arith.constant 11 : i32
        %shift_right_logical3A_838 = vector.broadcast %shift_right_logical3A_837 : i32 to vector<16xi32>
        %shift_right_logical3A_839 = arith.shrui %gather3A_753, %shift_right_logical3A_838 : vector<16xi32>
        %or3A_840 = arith.ori %shift_left3A_836, %shift_right_logical3A_839 : vector<16xi32>
        %bitcast3A_841 = vector.bitcast %scan3A_599 : vector<16xi32> to vector<16xf32>
        tpu.vector_store_idx %arg5[%or3A_840], %bitcast3A_841 : memref<32768xf32, #tpu.memory_space<vmem>>[vector<16xi32>], vector<16xf32>,
        scf.yield %bitcast3A_617, %bitcast3A_624, %bitcast3A_631, %bitcast3A_638, %bitcast3A_645, %bitcast3A_652, %bitcast3A_659, %bitcast3A_666, %or3A_676, %or3A_686, %or3A_696, %or3A_706, %or3A_716, %or3A_726, %or3A_736, %or3A_746 : vector<16xi32>, vector<16xi32>, vector<16xi32>, vector<16xi32>, vector<16xi32>, vector<16xi32>, vector<16xi32>, vector<16xi32>, vector<16xi32>, vector<16xi32>, vector<16xi32>, vector<16xi32>, vector<16xi32>, vector<16xi32>, vector<16xi32>, vector<16xi32>
      }
      %scan3A_456 = arith.constant 256 : i32
      %iota3A_457 = tpu.iota {dimensions = array<i32: 0>} : vector<16xi32>
      %broadcast_in_dim3A_458 = arith.constant 1 : i32
      %broadcast_in_dim3A_459 = vector.broadcast %broadcast_in_dim3A_458 : i32 to vector<16xi32>
      %broadcast_in_dim3A_460 = arith.constant 0 : i32
      %broadcast_in_dim3A_461 = vector.broadcast %broadcast_in_dim3A_460 : i32 to vector<16xi32>
      %parallel_loop3A_462 = arith.constant 0 : i32
      %parallel_loop3A_463 = arith.constant 256 : i32
      %parallel_loop3A_464 = arith.constant 1 : i32
      scf.for %parallel_loop3A_591 = %parallel_loop3A_462 to %parallel_loop3A_463 step %parallel_loop3A_464  : i32 {
        %parallel_loop3A_592 = arith.constant 16 : i32
        %parallel_loop3A_593 = arith.muli %parallel_loop3A_591, %parallel_loop3A_592 : i32
        %parallel_loop3A_594 = arith.index_cast %parallel_loop3A_593 : i32 to index
        %parallel_loop3A_595 = tpu.vector_load %arg6[%parallel_loop3A_594] {strides = array<i32>} : memref<4096xi32, #tpu.memory_space<vmem>>, vector<16xi32>,
        tpu.vector_store %arg6[%parallel_loop3A_594], %broadcast_in_dim3A_461 {strides = array<i32>} : memref<4096xi32, #tpu.memory_space<vmem>>, vector<16xi32>,
        %parallel_loop3A_596 = arith.constant 16 : i32
        %parallel_loop3A_597 = arith.muli %parallel_loop3A_591, %parallel_loop3A_596 : i32
        %parallel_loop3A_598 = arith.index_cast %parallel_loop3A_597 : i32 to index
        %parallel_loop3A_599 = tpu.vector_load %arg7[%parallel_loop3A_598] {strides = array<i32>} : memref<4096xi32, #tpu.memory_space<vmem>>, vector<16xi32>,
        tpu.vector_store %arg7[%parallel_loop3A_598], %broadcast_in_dim3A_461 {strides = array<i32>} : memref<4096xi32, #tpu.memory_space<vmem>>, vector<16xi32>,
        %parallel_loop3A_600 = arith.constant 16 : i32
        %parallel_loop3A_601 = arith.muli %parallel_loop3A_591, %parallel_loop3A_600 : i32
        %parallel_loop3A_602 = arith.index_cast %parallel_loop3A_601 : i32 to index
        %parallel_loop3A_603 = tpu.vector_load %arg8[%parallel_loop3A_602] {strides = array<i32>} : memref<4096xi32, #tpu.memory_space<vmem>>, vector<16xi32>,
        tpu.vector_store %arg8[%parallel_loop3A_602], %broadcast_in_dim3A_461 {strides = array<i32>} : memref<4096xi32, #tpu.memory_space<vmem>>, vector<16xi32>,
        %parallel_loop3A_604 = arith.constant 16 : i32
        %parallel_loop3A_605 = arith.muli %parallel_loop3A_591, %parallel_loop3A_604 : i32
        %parallel_loop3A_606 = arith.index_cast %parallel_loop3A_605 : i32 to index
        %parallel_loop3A_607 = tpu.vector_load %arg9[%parallel_loop3A_606] {strides = array<i32>} : memref<4096xi32, #tpu.memory_space<vmem>>, vector<16xi32>,
        tpu.vector_store %arg9[%parallel_loop3A_606], %broadcast_in_dim3A_461 {strides = array<i32>} : memref<4096xi32, #tpu.memory_space<vmem>>, vector<16xi32>,
        %parallel_loop3A_608 = arith.constant 16 : i32
        %parallel_loop3A_609 = arith.muli %parallel_loop3A_591, %parallel_loop3A_608 : i32
        %parallel_loop3A_610 = arith.index_cast %parallel_loop3A_609 : i32 to index
        %parallel_loop3A_611 = tpu.vector_load %arg10[%parallel_loop3A_610] {strides = array<i32>} : memref<4096xi32, #tpu.memory_space<vmem>>, vector<16xi32>,
        tpu.vector_store %arg10[%parallel_loop3A_610], %broadcast_in_dim3A_461 {strides = array<i32>} : memref<4096xi32, #tpu.memory_space<vmem>>, vector<16xi32>,
        %parallel_loop3A_612 = arith.constant 16 : i32
        %parallel_loop3A_613 = arith.muli %parallel_loop3A_591, %parallel_loop3A_612 : i32
        %parallel_loop3A_614 = arith.index_cast %parallel_loop3A_613 : i32 to index
        %parallel_loop3A_615 = tpu.vector_load %arg11[%parallel_loop3A_614] {strides = array<i32>} : memref<4096xi32, #tpu.memory_space<vmem>>, vector<16xi32>,
        tpu.vector_store %arg11[%parallel_loop3A_614], %broadcast_in_dim3A_461 {strides = array<i32>} : memref<4096xi32, #tpu.memory_space<vmem>>, vector<16xi32>,
        %parallel_loop3A_616 = arith.constant 16 : i32
        %parallel_loop3A_617 = arith.muli %parallel_loop3A_591, %parallel_loop3A_616 : i32
        %parallel_loop3A_618 = arith.index_cast %parallel_loop3A_617 : i32 to index
        %parallel_loop3A_619 = tpu.vector_load %arg12[%parallel_loop3A_618] {strides = array<i32>} : memref<4096xi32, #tpu.memory_space<vmem>>, vector<16xi32>,
        tpu.vector_store %arg12[%parallel_loop3A_618], %broadcast_in_dim3A_461 {strides = array<i32>} : memref<4096xi32, #tpu.memory_space<vmem>>, vector<16xi32>,
        %parallel_loop3A_620 = arith.constant 16 : i32
        %parallel_loop3A_621 = arith.muli %parallel_loop3A_591, %parallel_loop3A_620 : i32
        %parallel_loop3A_622 = arith.index_cast %parallel_loop3A_621 : i32 to index
        %parallel_loop3A_623 = tpu.vector_load %arg13[%parallel_loop3A_622] {strides = array<i32>} : memref<4096xi32, #tpu.memory_space<vmem>>, vector<16xi32>,
        tpu.vector_store %arg13[%parallel_loop3A_622], %broadcast_in_dim3A_461 {strides = array<i32>} : memref<4096xi32, #tpu.memory_space<vmem>>, vector<16xi32>,
      } {sc.loop_unroll_factor = 1 : i64, sc.parallel_access}
      %parallel_loop3A_465 = arith.constant 0 : i32
      %parallel_loop3A_466 = arith.constant 256 : i32
      %parallel_loop3A_467 = arith.constant 1 : i32
      scf.for %parallel_loop3A_591 = %parallel_loop3A_465 to %parallel_loop3A_466 step %parallel_loop3A_467  : i32 {
        %parallel_loop3A_592 = arith.constant 0 : i32
        %parallel_loop3A_593 = arith.addi %parallel_loop3A_592, %parallel_loop3A_591 : i32
        %parallel_loop3A_594 = arith.constant 16 : i32
        %parallel_loop3A_595 = arith.muli %parallel_loop3A_593, %parallel_loop3A_594 : i32
        %parallel_loop3A_596 = arith.index_cast %parallel_loop3A_595 : i32 to index
        %parallel_loop3A_597 = tpu.vector_load %arg5[%parallel_loop3A_596] {strides = array<i32>} : memref<32768xf32, #tpu.memory_space<vmem>>, vector<16xf32>,
        %parallel_loop3A_598 = vector.bitcast %parallel_loop3A_597 : vector<16xf32> to vector<16xi32>
        %parallel_loop3A_599 = arith.constant 24 : i32
        %parallel_loop3A_600 = vector.broadcast %parallel_loop3A_599 : i32 to vector<16xi32>
        %parallel_loop3A_601 = arith.shrui %parallel_loop3A_598, %parallel_loop3A_600 : vector<16xi32>
        %parallel_loop3A_602 = arith.constant 255 : i32
        %parallel_loop3A_603 = vector.broadcast %parallel_loop3A_602 : i32 to vector<16xi32>
        %parallel_loop3A_604 = arith.andi %parallel_loop3A_601, %parallel_loop3A_603 : vector<16xi32>
        %parallel_loop3A_605 = arith.constant 4 : i32
        %parallel_loop3A_606 = vector.broadcast %parallel_loop3A_605 : i32 to vector<16xi32>
        %parallel_loop3A_607 = arith.shli %parallel_loop3A_604, %parallel_loop3A_606 : vector<16xi32>
        %parallel_loop3A_608 = arith.ori %parallel_loop3A_607, %iota3A_457 : vector<16xi32>
        tpu.vector_store_idx %arg6[%parallel_loop3A_608], %broadcast_in_dim3A_459 {add = true} : memref<4096xi32, #tpu.memory_space<vmem>>[vector<16xi32>], vector<16xi32>,
        %parallel_loop3A_609 = arith.constant 256 : i32
        %parallel_loop3A_610 = arith.addi %parallel_loop3A_609, %parallel_loop3A_591 : i32
        %parallel_loop3A_611 = arith.constant 16 : i32
        %parallel_loop3A_612 = arith.muli %parallel_loop3A_610, %parallel_loop3A_611 : i32
        %parallel_loop3A_613 = arith.index_cast %parallel_loop3A_612 : i32 to index
        %parallel_loop3A_614 = tpu.vector_load %arg5[%parallel_loop3A_613] {strides = array<i32>} : memref<32768xf32, #tpu.memory_space<vmem>>, vector<16xf32>,
        %parallel_loop3A_615 = vector.bitcast %parallel_loop3A_614 : vector<16xf32> to vector<16xi32>
        %parallel_loop3A_616 = arith.constant 24 : i32
        %parallel_loop3A_617 = vector.broadcast %parallel_loop3A_616 : i32 to vector<16xi32>
        %parallel_loop3A_618 = arith.shrui %parallel_loop3A_615, %parallel_loop3A_617 : vector<16xi32>
        %parallel_loop3A_619 = arith.constant 255 : i32
        %parallel_loop3A_620 = vector.broadcast %parallel_loop3A_619 : i32 to vector<16xi32>
        %parallel_loop3A_621 = arith.andi %parallel_loop3A_618, %parallel_loop3A_620 : vector<16xi32>
        %parallel_loop3A_622 = arith.constant 4 : i32
        %parallel_loop3A_623 = vector.broadcast %parallel_loop3A_622 : i32 to vector<16xi32>
        %parallel_loop3A_624 = arith.shli %parallel_loop3A_621, %parallel_loop3A_623 : vector<16xi32>
        %parallel_loop3A_625 = arith.ori %parallel_loop3A_624, %iota3A_457 : vector<16xi32>
        tpu.vector_store_idx %arg7[%parallel_loop3A_625], %broadcast_in_dim3A_459 {add = true} : memref<4096xi32, #tpu.memory_space<vmem>>[vector<16xi32>], vector<16xi32>,
        %parallel_loop3A_626 = arith.constant 512 : i32
        %parallel_loop3A_627 = arith.addi %parallel_loop3A_626, %parallel_loop3A_591 : i32
        %parallel_loop3A_628 = arith.constant 16 : i32
        %parallel_loop3A_629 = arith.muli %parallel_loop3A_627, %parallel_loop3A_628 : i32
        %parallel_loop3A_630 = arith.index_cast %parallel_loop3A_629 : i32 to index
        %parallel_loop3A_631 = tpu.vector_load %arg5[%parallel_loop3A_630] {strides = array<i32>} : memref<32768xf32, #tpu.memory_space<vmem>>, vector<16xf32>,
        %parallel_loop3A_632 = vector.bitcast %parallel_loop3A_631 : vector<16xf32> to vector<16xi32>
        %parallel_loop3A_633 = arith.constant 24 : i32
        %parallel_loop3A_634 = vector.broadcast %parallel_loop3A_633 : i32 to vector<16xi32>
        %parallel_loop3A_635 = arith.shrui %parallel_loop3A_632, %parallel_loop3A_634 : vector<16xi32>
        %parallel_loop3A_636 = arith.constant 255 : i32
        %parallel_loop3A_637 = vector.broadcast %parallel_loop3A_636 : i32 to vector<16xi32>
        %parallel_loop3A_638 = arith.andi %parallel_loop3A_635, %parallel_loop3A_637 : vector<16xi32>
        %parallel_loop3A_639 = arith.constant 4 : i32
        %parallel_loop3A_640 = vector.broadcast %parallel_loop3A_639 : i32 to vector<16xi32>
        %parallel_loop3A_641 = arith.shli %parallel_loop3A_638, %parallel_loop3A_640 : vector<16xi32>
        %parallel_loop3A_642 = arith.ori %parallel_loop3A_641, %iota3A_457 : vector<16xi32>
        tpu.vector_store_idx %arg8[%parallel_loop3A_642], %broadcast_in_dim3A_459 {add = true} : memref<4096xi32, #tpu.memory_space<vmem>>[vector<16xi32>], vector<16xi32>,
        %parallel_loop3A_643 = arith.constant 768 : i32
        %parallel_loop3A_644 = arith.addi %parallel_loop3A_643, %parallel_loop3A_591 : i32
        %parallel_loop3A_645 = arith.constant 16 : i32
        %parallel_loop3A_646 = arith.muli %parallel_loop3A_644, %parallel_loop3A_645 : i32
        %parallel_loop3A_647 = arith.index_cast %parallel_loop3A_646 : i32 to index
        %parallel_loop3A_648 = tpu.vector_load %arg5[%parallel_loop3A_647] {strides = array<i32>} : memref<32768xf32, #tpu.memory_space<vmem>>, vector<16xf32>,
        %parallel_loop3A_649 = vector.bitcast %parallel_loop3A_648 : vector<16xf32> to vector<16xi32>
        %parallel_loop3A_650 = arith.constant 24 : i32
        %parallel_loop3A_651 = vector.broadcast %parallel_loop3A_650 : i32 to vector<16xi32>
        %parallel_loop3A_652 = arith.shrui %parallel_loop3A_649, %parallel_loop3A_651 : vector<16xi32>
        %parallel_loop3A_653 = arith.constant 255 : i32
        %parallel_loop3A_654 = vector.broadcast %parallel_loop3A_653 : i32 to vector<16xi32>
        %parallel_loop3A_655 = arith.andi %parallel_loop3A_652, %parallel_loop3A_654 : vector<16xi32>
        %parallel_loop3A_656 = arith.constant 4 : i32
        %parallel_loop3A_657 = vector.broadcast %parallel_loop3A_656 : i32 to vector<16xi32>
        %parallel_loop3A_658 = arith.shli %parallel_loop3A_655, %parallel_loop3A_657 : vector<16xi32>
        %parallel_loop3A_659 = arith.ori %parallel_loop3A_658, %iota3A_457 : vector<16xi32>
        tpu.vector_store_idx %arg9[%parallel_loop3A_659], %broadcast_in_dim3A_459 {add = true} : memref<4096xi32, #tpu.memory_space<vmem>>[vector<16xi32>], vector<16xi32>,
        %parallel_loop3A_660 = arith.constant 1024 : i32
        %parallel_loop3A_661 = arith.addi %parallel_loop3A_660, %parallel_loop3A_591 : i32
        %parallel_loop3A_662 = arith.constant 16 : i32
        %parallel_loop3A_663 = arith.muli %parallel_loop3A_661, %parallel_loop3A_662 : i32
        %parallel_loop3A_664 = arith.index_cast %parallel_loop3A_663 : i32 to index
        %parallel_loop3A_665 = tpu.vector_load %arg5[%parallel_loop3A_664] {strides = array<i32>} : memref<32768xf32, #tpu.memory_space<vmem>>, vector<16xf32>,
        %parallel_loop3A_666 = vector.bitcast %parallel_loop3A_665 : vector<16xf32> to vector<16xi32>
        %parallel_loop3A_667 = arith.constant 24 : i32
        %parallel_loop3A_668 = vector.broadcast %parallel_loop3A_667 : i32 to vector<16xi32>
        %parallel_loop3A_669 = arith.shrui %parallel_loop3A_666, %parallel_loop3A_668 : vector<16xi32>
        %parallel_loop3A_670 = arith.constant 255 : i32
        %parallel_loop3A_671 = vector.broadcast %parallel_loop3A_670 : i32 to vector<16xi32>
        %parallel_loop3A_672 = arith.andi %parallel_loop3A_669, %parallel_loop3A_671 : vector<16xi32>
        %parallel_loop3A_673 = arith.constant 4 : i32
        %parallel_loop3A_674 = vector.broadcast %parallel_loop3A_673 : i32 to vector<16xi32>
        %parallel_loop3A_675 = arith.shli %parallel_loop3A_672, %parallel_loop3A_674 : vector<16xi32>
        %parallel_loop3A_676 = arith.ori %parallel_loop3A_675, %iota3A_457 : vector<16xi32>
        tpu.vector_store_idx %arg10[%parallel_loop3A_676], %broadcast_in_dim3A_459 {add = true} : memref<4096xi32, #tpu.memory_space<vmem>>[vector<16xi32>], vector<16xi32>,
        %parallel_loop3A_677 = arith.constant 1280 : i32
        %parallel_loop3A_678 = arith.addi %parallel_loop3A_677, %parallel_loop3A_591 : i32
        %parallel_loop3A_679 = arith.constant 16 : i32
        %parallel_loop3A_680 = arith.muli %parallel_loop3A_678, %parallel_loop3A_679 : i32
        %parallel_loop3A_681 = arith.index_cast %parallel_loop3A_680 : i32 to index
        %parallel_loop3A_682 = tpu.vector_load %arg5[%parallel_loop3A_681] {strides = array<i32>} : memref<32768xf32, #tpu.memory_space<vmem>>, vector<16xf32>,
        %parallel_loop3A_683 = vector.bitcast %parallel_loop3A_682 : vector<16xf32> to vector<16xi32>
        %parallel_loop3A_684 = arith.constant 24 : i32
        %parallel_loop3A_685 = vector.broadcast %parallel_loop3A_684 : i32 to vector<16xi32>
        %parallel_loop3A_686 = arith.shrui %parallel_loop3A_683, %parallel_loop3A_685 : vector<16xi32>
        %parallel_loop3A_687 = arith.constant 255 : i32
        %parallel_loop3A_688 = vector.broadcast %parallel_loop3A_687 : i32 to vector<16xi32>
        %parallel_loop3A_689 = arith.andi %parallel_loop3A_686, %parallel_loop3A_688 : vector<16xi32>
        %parallel_loop3A_690 = arith.constant 4 : i32
        %parallel_loop3A_691 = vector.broadcast %parallel_loop3A_690 : i32 to vector<16xi32>
        %parallel_loop3A_692 = arith.shli %parallel_loop3A_689, %parallel_loop3A_691 : vector<16xi32>
        %parallel_loop3A_693 = arith.ori %parallel_loop3A_692, %iota3A_457 : vector<16xi32>
        tpu.vector_store_idx %arg11[%parallel_loop3A_693], %broadcast_in_dim3A_459 {add = true} : memref<4096xi32, #tpu.memory_space<vmem>>[vector<16xi32>], vector<16xi32>,
        %parallel_loop3A_694 = arith.constant 1536 : i32
        %parallel_loop3A_695 = arith.addi %parallel_loop3A_694, %parallel_loop3A_591 : i32
        %parallel_loop3A_696 = arith.constant 16 : i32
        %parallel_loop3A_697 = arith.muli %parallel_loop3A_695, %parallel_loop3A_696 : i32
        %parallel_loop3A_698 = arith.index_cast %parallel_loop3A_697 : i32 to index
        %parallel_loop3A_699 = tpu.vector_load %arg5[%parallel_loop3A_698] {strides = array<i32>} : memref<32768xf32, #tpu.memory_space<vmem>>, vector<16xf32>,
        %parallel_loop3A_700 = vector.bitcast %parallel_loop3A_699 : vector<16xf32> to vector<16xi32>
        %parallel_loop3A_701 = arith.constant 24 : i32
        %parallel_loop3A_702 = vector.broadcast %parallel_loop3A_701 : i32 to vector<16xi32>
        %parallel_loop3A_703 = arith.shrui %parallel_loop3A_700, %parallel_loop3A_702 : vector<16xi32>
        %parallel_loop3A_704 = arith.constant 255 : i32
        %parallel_loop3A_705 = vector.broadcast %parallel_loop3A_704 : i32 to vector<16xi32>
        %parallel_loop3A_706 = arith.andi %parallel_loop3A_703, %parallel_loop3A_705 : vector<16xi32>
        %parallel_loop3A_707 = arith.constant 4 : i32
        %parallel_loop3A_708 = vector.broadcast %parallel_loop3A_707 : i32 to vector<16xi32>
        %parallel_loop3A_709 = arith.shli %parallel_loop3A_706, %parallel_loop3A_708 : vector<16xi32>
        %parallel_loop3A_710 = arith.ori %parallel_loop3A_709, %iota3A_457 : vector<16xi32>
        tpu.vector_store_idx %arg12[%parallel_loop3A_710], %broadcast_in_dim3A_459 {add = true} : memref<4096xi32, #tpu.memory_space<vmem>>[vector<16xi32>], vector<16xi32>,
        %parallel_loop3A_711 = arith.constant 1792 : i32
        %parallel_loop3A_712 = arith.addi %parallel_loop3A_711, %parallel_loop3A_591 : i32
        %parallel_loop3A_713 = arith.constant 16 : i32
        %parallel_loop3A_714 = arith.muli %parallel_loop3A_712, %parallel_loop3A_713 : i32
        %parallel_loop3A_715 = arith.index_cast %parallel_loop3A_714 : i32 to index
        %parallel_loop3A_716 = tpu.vector_load %arg5[%parallel_loop3A_715] {strides = array<i32>} : memref<32768xf32, #tpu.memory_space<vmem>>, vector<16xf32>,
        %parallel_loop3A_717 = vector.bitcast %parallel_loop3A_716 : vector<16xf32> to vector<16xi32>
        %parallel_loop3A_718 = arith.constant 24 : i32
        %parallel_loop3A_719 = vector.broadcast %parallel_loop3A_718 : i32 to vector<16xi32>
        %parallel_loop3A_720 = arith.shrui %parallel_loop3A_717, %parallel_loop3A_719 : vector<16xi32>
        %parallel_loop3A_721 = arith.constant 255 : i32
        %parallel_loop3A_722 = vector.broadcast %parallel_loop3A_721 : i32 to vector<16xi32>
        %parallel_loop3A_723 = arith.andi %parallel_loop3A_720, %parallel_loop3A_722 : vector<16xi32>
        %parallel_loop3A_724 = arith.constant 4 : i32
        %parallel_loop3A_725 = vector.broadcast %parallel_loop3A_724 : i32 to vector<16xi32>
        %parallel_loop3A_726 = arith.shli %parallel_loop3A_723, %parallel_loop3A_725 : vector<16xi32>
        %parallel_loop3A_727 = arith.ori %parallel_loop3A_726, %iota3A_457 : vector<16xi32>
        tpu.vector_store_idx %arg13[%parallel_loop3A_727], %broadcast_in_dim3A_459 {add = true} : memref<4096xi32, #tpu.memory_space<vmem>>[vector<16xi32>], vector<16xi32>,
      } {sc.loop_unroll_factor = 1 : i64, sc.parallel_access}
      %parallel_loop3A_468 = arith.constant 0 : i32
      %parallel_loop3A_469 = arith.constant 256 : i32
      %parallel_loop3A_470 = arith.constant 1 : i32
      scf.for %parallel_loop3A_591 = %parallel_loop3A_468 to %parallel_loop3A_469 step %parallel_loop3A_470  : i32 {
        %parallel_loop3A_592 = arith.constant 16 : i32
        %parallel_loop3A_593 = arith.muli %parallel_loop3A_591, %parallel_loop3A_592 : i32
        %parallel_loop3A_594 = arith.index_cast %parallel_loop3A_593 : i32 to index
        %parallel_loop3A_595 = tpu.vector_load %arg6[%parallel_loop3A_594] {strides = array<i32>} : memref<4096xi32, #tpu.memory_space<vmem>>, vector<16xi32>,
        %parallel_loop3A_596 = arith.constant 16 : i32
        %parallel_loop3A_597 = arith.muli %parallel_loop3A_591, %parallel_loop3A_596 : i32
        %parallel_loop3A_598 = arith.index_cast %parallel_loop3A_597 : i32 to index
        %parallel_loop3A_599 = tpu.vector_load %arg7[%parallel_loop3A_598] {strides = array<i32>} : memref<4096xi32, #tpu.memory_space<vmem>>, vector<16xi32>,
        %parallel_loop3A_600 = arith.constant 16 : i32
        %parallel_loop3A_601 = arith.muli %parallel_loop3A_591, %parallel_loop3A_600 : i32
        %parallel_loop3A_602 = arith.index_cast %parallel_loop3A_601 : i32 to index
        %parallel_loop3A_603 = tpu.vector_load %arg8[%parallel_loop3A_602] {strides = array<i32>} : memref<4096xi32, #tpu.memory_space<vmem>>, vector<16xi32>,
        %parallel_loop3A_604 = arith.constant 16 : i32
        %parallel_loop3A_605 = arith.muli %parallel_loop3A_591, %parallel_loop3A_604 : i32
        %parallel_loop3A_606 = arith.index_cast %parallel_loop3A_605 : i32 to index
        %parallel_loop3A_607 = tpu.vector_load %arg9[%parallel_loop3A_606] {strides = array<i32>} : memref<4096xi32, #tpu.memory_space<vmem>>, vector<16xi32>,
        %parallel_loop3A_608 = arith.constant 16 : i32
        %parallel_loop3A_609 = arith.muli %parallel_loop3A_591, %parallel_loop3A_608 : i32
        %parallel_loop3A_610 = arith.index_cast %parallel_loop3A_609 : i32 to index
        %parallel_loop3A_611 = tpu.vector_load %arg10[%parallel_loop3A_610] {strides = array<i32>} : memref<4096xi32, #tpu.memory_space<vmem>>, vector<16xi32>,
        %parallel_loop3A_612 = arith.constant 16 : i32
        %parallel_loop3A_613 = arith.muli %parallel_loop3A_591, %parallel_loop3A_612 : i32
        %parallel_loop3A_614 = arith.index_cast %parallel_loop3A_613 : i32 to index
        %parallel_loop3A_615 = tpu.vector_load %arg11[%parallel_loop3A_614] {strides = array<i32>} : memref<4096xi32, #tpu.memory_space<vmem>>, vector<16xi32>,
        %parallel_loop3A_616 = arith.constant 16 : i32
        %parallel_loop3A_617 = arith.muli %parallel_loop3A_591, %parallel_loop3A_616 : i32
        %parallel_loop3A_618 = arith.index_cast %parallel_loop3A_617 : i32 to index
        %parallel_loop3A_619 = tpu.vector_load %arg12[%parallel_loop3A_618] {strides = array<i32>} : memref<4096xi32, #tpu.memory_space<vmem>>, vector<16xi32>,
        %parallel_loop3A_620 = arith.constant 16 : i32
        %parallel_loop3A_621 = arith.muli %parallel_loop3A_591, %parallel_loop3A_620 : i32
        %parallel_loop3A_622 = arith.index_cast %parallel_loop3A_621 : i32 to index
        %parallel_loop3A_623 = tpu.vector_load %arg13[%parallel_loop3A_622] {strides = array<i32>} : memref<4096xi32, #tpu.memory_space<vmem>>, vector<16xi32>,
        %parallel_loop3A_624 = arith.addi %parallel_loop3A_595, %parallel_loop3A_599 : vector<16xi32>
        %parallel_loop3A_625 = arith.addi %parallel_loop3A_624, %parallel_loop3A_603 : vector<16xi32>
        %parallel_loop3A_626 = arith.addi %parallel_loop3A_625, %parallel_loop3A_607 : vector<16xi32>
        %parallel_loop3A_627 = arith.addi %parallel_loop3A_626, %parallel_loop3A_611 : vector<16xi32>
        %parallel_loop3A_628 = arith.addi %parallel_loop3A_627, %parallel_loop3A_615 : vector<16xi32>
        %parallel_loop3A_629 = arith.addi %parallel_loop3A_628, %parallel_loop3A_619 : vector<16xi32>
        %parallel_loop3A_630 = arith.addi %parallel_loop3A_629, %parallel_loop3A_623 : vector<16xi32>
        %parallel_loop3A_631 = arith.constant true
        %parallel_loop3A_632 = vector.broadcast %parallel_loop3A_631 : i1 to vector<16xi1>
        %parallel_loop3A_633 = tpu.scan <sum>, %parallel_loop3A_630 masked %parallel_loop3A_632 : vector<16xi32>, vector<16xi1> -> vector<16xi32>
        %parallel_loop3A_634 = arith.subi %parallel_loop3A_633, %parallel_loop3A_630 : vector<16xi32>
        %parallel_loop3A_635 = arith.constant 16 : i32
        %parallel_loop3A_636 = arith.muli %parallel_loop3A_591, %parallel_loop3A_635 : i32
        %parallel_loop3A_637 = arith.index_cast %parallel_loop3A_636 : i32 to index
        %parallel_loop3A_638 = tpu.vector_load %arg6[%parallel_loop3A_637] {strides = array<i32>} : memref<4096xi32, #tpu.memory_space<vmem>>, vector<16xi32>,
        tpu.vector_store %arg6[%parallel_loop3A_637], %parallel_loop3A_634 {strides = array<i32>} : memref<4096xi32, #tpu.memory_space<vmem>>, vector<16xi32>,
        %parallel_loop3A_639 = arith.addi %parallel_loop3A_634, %parallel_loop3A_595 : vector<16xi32>
        %parallel_loop3A_640 = arith.constant 16 : i32
        %parallel_loop3A_641 = arith.muli %parallel_loop3A_591, %parallel_loop3A_640 : i32
        %parallel_loop3A_642 = arith.index_cast %parallel_loop3A_641 : i32 to index
        %parallel_loop3A_643 = tpu.vector_load %arg7[%parallel_loop3A_642] {strides = array<i32>} : memref<4096xi32, #tpu.memory_space<vmem>>, vector<16xi32>,
        tpu.vector_store %arg7[%parallel_loop3A_642], %parallel_loop3A_639 {strides = array<i32>} : memref<4096xi32, #tpu.memory_space<vmem>>, vector<16xi32>,
        %parallel_loop3A_644 = arith.addi %parallel_loop3A_639, %parallel_loop3A_599 : vector<16xi32>
        %parallel_loop3A_645 = arith.constant 16 : i32
        %parallel_loop3A_646 = arith.muli %parallel_loop3A_591, %parallel_loop3A_645 : i32
        %parallel_loop3A_647 = arith.index_cast %parallel_loop3A_646 : i32 to index
        %parallel_loop3A_648 = tpu.vector_load %arg8[%parallel_loop3A_647] {strides = array<i32>} : memref<4096xi32, #tpu.memory_space<vmem>>, vector<16xi32>,
        tpu.vector_store %arg8[%parallel_loop3A_647], %parallel_loop3A_644 {strides = array<i32>} : memref<4096xi32, #tpu.memory_space<vmem>>, vector<16xi32>,
        %parallel_loop3A_649 = arith.addi %parallel_loop3A_644, %parallel_loop3A_603 : vector<16xi32>
        %parallel_loop3A_650 = arith.constant 16 : i32
        %parallel_loop3A_651 = arith.muli %parallel_loop3A_591, %parallel_loop3A_650 : i32
        %parallel_loop3A_652 = arith.index_cast %parallel_loop3A_651 : i32 to index
        %parallel_loop3A_653 = tpu.vector_load %arg9[%parallel_loop3A_652] {strides = array<i32>} : memref<4096xi32, #tpu.memory_space<vmem>>, vector<16xi32>,
        tpu.vector_store %arg9[%parallel_loop3A_652], %parallel_loop3A_649 {strides = array<i32>} : memref<4096xi32, #tpu.memory_space<vmem>>, vector<16xi32>,
        %parallel_loop3A_654 = arith.addi %parallel_loop3A_649, %parallel_loop3A_607 : vector<16xi32>
        %parallel_loop3A_655 = arith.constant 16 : i32
        %parallel_loop3A_656 = arith.muli %parallel_loop3A_591, %parallel_loop3A_655 : i32
        %parallel_loop3A_657 = arith.index_cast %parallel_loop3A_656 : i32 to index
        %parallel_loop3A_658 = tpu.vector_load %arg10[%parallel_loop3A_657] {strides = array<i32>} : memref<4096xi32, #tpu.memory_space<vmem>>, vector<16xi32>,
        tpu.vector_store %arg10[%parallel_loop3A_657], %parallel_loop3A_654 {strides = array<i32>} : memref<4096xi32, #tpu.memory_space<vmem>>, vector<16xi32>,
        %parallel_loop3A_659 = arith.addi %parallel_loop3A_654, %parallel_loop3A_611 : vector<16xi32>
        %parallel_loop3A_660 = arith.constant 16 : i32
        %parallel_loop3A_661 = arith.muli %parallel_loop3A_591, %parallel_loop3A_660 : i32
        %parallel_loop3A_662 = arith.index_cast %parallel_loop3A_661 : i32 to index
        %parallel_loop3A_663 = tpu.vector_load %arg11[%parallel_loop3A_662] {strides = array<i32>} : memref<4096xi32, #tpu.memory_space<vmem>>, vector<16xi32>,
        tpu.vector_store %arg11[%parallel_loop3A_662], %parallel_loop3A_659 {strides = array<i32>} : memref<4096xi32, #tpu.memory_space<vmem>>, vector<16xi32>,
        %parallel_loop3A_664 = arith.addi %parallel_loop3A_659, %parallel_loop3A_615 : vector<16xi32>
        %parallel_loop3A_665 = arith.constant 16 : i32
        %parallel_loop3A_666 = arith.muli %parallel_loop3A_591, %parallel_loop3A_665 : i32
        %parallel_loop3A_667 = arith.index_cast %parallel_loop3A_666 : i32 to index
        %parallel_loop3A_668 = tpu.vector_load %arg12[%parallel_loop3A_667] {strides = array<i32>} : memref<4096xi32, #tpu.memory_space<vmem>>, vector<16xi32>,
        tpu.vector_store %arg12[%parallel_loop3A_667], %parallel_loop3A_664 {strides = array<i32>} : memref<4096xi32, #tpu.memory_space<vmem>>, vector<16xi32>,
        %parallel_loop3A_669 = arith.addi %parallel_loop3A_664, %parallel_loop3A_619 : vector<16xi32>
        %parallel_loop3A_670 = arith.constant 16 : i32
        %parallel_loop3A_671 = arith.muli %parallel_loop3A_591, %parallel_loop3A_670 : i32
        %parallel_loop3A_672 = arith.index_cast %parallel_loop3A_671 : i32 to index
        %parallel_loop3A_673 = tpu.vector_load %arg13[%parallel_loop3A_672] {strides = array<i32>} : memref<4096xi32, #tpu.memory_space<vmem>>, vector<16xi32>,
        tpu.vector_store %arg13[%parallel_loop3A_672], %parallel_loop3A_669 {strides = array<i32>} : memref<4096xi32, #tpu.memory_space<vmem>>, vector<16xi32>,
        %parallel_loop3A_674 = arith.addi %parallel_loop3A_669, %parallel_loop3A_623 : vector<16xi32>
        %parallel_loop3A_675 = vector.broadcast %parallel_loop3A_591 : i32 to vector<16xi32>
        %parallel_loop3A_676 = arith.addi %parallel_loop3A_675, %broadcast_in_dim3A_461 : vector<16xi32>
        %parallel_loop3A_677 = vector.extract_strided_slice %parallel_loop3A_633 {offsets = [15], sizes = [1], strides = [1]} : vector<16xi32> to vector<1xi32>
        %parallel_loop3A_678 = vector.extract %parallel_loop3A_677[0] : i32 from vector<1xi32>
        %parallel_loop3A_679 = vector.broadcast %parallel_loop3A_678 : i32 to vector<16xi32>
        %parallel_loop3A_680 = arith.addi %parallel_loop3A_679, %broadcast_in_dim3A_461 : vector<16xi32>
        %parallel_loop3A_681 = arith.constant 0 : i32
        %parallel_loop3A_682 = vector.broadcast %parallel_loop3A_681 : i32 to vector<16xi32>
        %parallel_loop3A_683 = arith.cmpi eq, %iota3A_457, %parallel_loop3A_682 : vector<16xi32>
        tpu.vector_store_idx %arg14[%parallel_loop3A_676], %parallel_loop3A_680 masked %parallel_loop3A_683 : memref<256xi32, #tpu.memory_space<vmem>>[vector<16xi32>], vector<16xi32>, vector<16xi1>
      } {sc.loop_unroll_factor = 1 : i64, sc.parallel_access}
      %scan3A_471 = arith.constant 0 : i32
      %scan3A_472 = arith.constant 0 : i32
      %scan3A_473 = arith.constant 16 : i32
      %scan3A_474 = arith.addi %scan3A_472, %scan3A_473 : i32
      %scan3A_475 = arith.constant 1 : i32
      %scan3A_476 = scf.for %scan3A_591 = %scan3A_472 to %scan3A_474 step %scan3A_475 iter_args(%scan3A_592 = %scan3A_471) -> (i32)  : i32 {
        %mul3A_593 = arith.constant 16 : i32
        %mul3A_594 = arith.muli %scan3A_591, %mul3A_593 : i32
        %get3A_595 = arith.index_cast %mul3A_594 : i32 to index
        %get3A_596 = tpu.vector_load %arg14[%get3A_595] {strides = array<i32>} : memref<256xi32, #tpu.memory_space<vmem>>, vector<16xi32>,
        %broadcast_in_dim3A_597 = arith.constant true
        %broadcast_in_dim3A_598 = vector.broadcast %broadcast_in_dim3A_597 : i1 to vector<16xi1>
        %masked_cumsum3A = tpu.scan <sum>, %get3A_596 masked %broadcast_in_dim3A_598 : vector<16xi32>, vector<16xi1> -> vector<16xi32>
        %sub3A = arith.subi %masked_cumsum3A, %get3A_596 : vector<16xi32>
        %add3A_599 = vector.broadcast %scan3A_592 : i32 to vector<16xi32>
        %add3A_600 = arith.addi %sub3A, %add3A_599 : vector<16xi32>
        %mul3A_601 = arith.constant 16 : i32
        %mul3A_602 = arith.muli %scan3A_591, %mul3A_601 : i32
        %swap3A = arith.index_cast %mul3A_602 : i32 to index
        %swap3A_603 = tpu.vector_load %arg14[%swap3A] {strides = array<i32>} : memref<256xi32, #tpu.memory_space<vmem>>, vector<16xi32>,
        tpu.vector_store %arg14[%swap3A], %add3A_600 {strides = array<i32>} : memref<256xi32, #tpu.memory_space<vmem>>, vector<16xi32>,
        %slice3A = vector.extract_strided_slice %masked_cumsum3A {offsets = [15], sizes = [1], strides = [1]} : vector<16xi32> to vector<1xi32>
        %squeeze3A = vector.extract %slice3A[0] : i32 from vector<1xi32>
        %add3A_604 = arith.addi %scan3A_592, %squeeze3A : i32
        scf.yield %add3A_604 : i32
      }
      %scan3A_477 = arith.constant 16 : i32
      %parallel_loop3A_478 = arith.constant 0 : i32
      %parallel_loop3A_479 = arith.constant 256 : i32
      %parallel_loop3A_480 = arith.constant 1 : i32
      scf.for %parallel_loop3A_591 = %parallel_loop3A_478 to %parallel_loop3A_479 step %parallel_loop3A_480  : i32 {
        %parallel_loop3A_592 = vector.broadcast %parallel_loop3A_591 : i32 to vector<16xi32>
        %parallel_loop3A_593 = arith.addi %parallel_loop3A_592, %broadcast_in_dim3A_461 : vector<16xi32>
        %parallel_loop3A_594 = tpu.vector_load_idx %arg14[%parallel_loop3A_593] : memref<256xi32, #tpu.memory_space<vmem>>[vector<16xi32>], vector<16xi32>,
        %parallel_loop3A_595 = arith.constant 16 : i32
        %parallel_loop3A_596 = arith.muli %parallel_loop3A_591, %parallel_loop3A_595 : i32
        %parallel_loop3A_597 = arith.index_cast %parallel_loop3A_596 : i32 to index
        %parallel_loop3A_598 = tpu.vector_load %arg6[%parallel_loop3A_597] {strides = array<i32>} : memref<4096xi32, #tpu.memory_space<vmem>>, vector<16xi32>,
        %parallel_loop3A_599 = arith.addi %parallel_loop3A_598, %parallel_loop3A_594 : vector<16xi32>
        %parallel_loop3A_600 = arith.constant 16 : i32
        %parallel_loop3A_601 = arith.muli %parallel_loop3A_591, %parallel_loop3A_600 : i32
        %parallel_loop3A_602 = arith.index_cast %parallel_loop3A_601 : i32 to index
        %parallel_loop3A_603 = tpu.vector_load %arg6[%parallel_loop3A_602] {strides = array<i32>} : memref<4096xi32, #tpu.memory_space<vmem>>, vector<16xi32>,
        tpu.vector_store %arg6[%parallel_loop3A_602], %parallel_loop3A_599 {strides = array<i32>} : memref<4096xi32, #tpu.memory_space<vmem>>, vector<16xi32>,
        %parallel_loop3A_604 = arith.constant 16 : i32
        %parallel_loop3A_605 = arith.muli %parallel_loop3A_591, %parallel_loop3A_604 : i32
        %parallel_loop3A_606 = arith.index_cast %parallel_loop3A_605 : i32 to index
        %parallel_loop3A_607 = tpu.vector_load %arg7[%parallel_loop3A_606] {strides = array<i32>} : memref<4096xi32, #tpu.memory_space<vmem>>, vector<16xi32>,
        %parallel_loop3A_608 = arith.addi %parallel_loop3A_607, %parallel_loop3A_594 : vector<16xi32>
        %parallel_loop3A_609 = arith.constant 16 : i32
        %parallel_loop3A_610 = arith.muli %parallel_loop3A_591, %parallel_loop3A_609 : i32
        %parallel_loop3A_611 = arith.index_cast %parallel_loop3A_610 : i32 to index
        %parallel_loop3A_612 = tpu.vector_load %arg7[%parallel_loop3A_611] {strides = array<i32>} : memref<4096xi32, #tpu.memory_space<vmem>>, vector<16xi32>,
        tpu.vector_store %arg7[%parallel_loop3A_611], %parallel_loop3A_608 {strides = array<i32>} : memref<4096xi32, #tpu.memory_space<vmem>>, vector<16xi32>,
        %parallel_loop3A_613 = arith.constant 16 : i32
        %parallel_loop3A_614 = arith.muli %parallel_loop3A_591, %parallel_loop3A_613 : i32
        %parallel_loop3A_615 = arith.index_cast %parallel_loop3A_614 : i32 to index
        %parallel_loop3A_616 = tpu.vector_load %arg8[%parallel_loop3A_615] {strides = array<i32>} : memref<4096xi32, #tpu.memory_space<vmem>>, vector<16xi32>,
        %parallel_loop3A_617 = arith.addi %parallel_loop3A_616, %parallel_loop3A_594 : vector<16xi32>
        %parallel_loop3A_618 = arith.constant 16 : i32
        %parallel_loop3A_619 = arith.muli %parallel_loop3A_591, %parallel_loop3A_618 : i32
        %parallel_loop3A_620 = arith.index_cast %parallel_loop3A_619 : i32 to index
        %parallel_loop3A_621 = tpu.vector_load %arg8[%parallel_loop3A_620] {strides = array<i32>} : memref<4096xi32, #tpu.memory_space<vmem>>, vector<16xi32>,
        tpu.vector_store %arg8[%parallel_loop3A_620], %parallel_loop3A_617 {strides = array<i32>} : memref<4096xi32, #tpu.memory_space<vmem>>, vector<16xi32>,
        %parallel_loop3A_622 = arith.constant 16 : i32
        %parallel_loop3A_623 = arith.muli %parallel_loop3A_591, %parallel_loop3A_622 : i32
        %parallel_loop3A_624 = arith.index_cast %parallel_loop3A_623 : i32 to index
        %parallel_loop3A_625 = tpu.vector_load %arg9[%parallel_loop3A_624] {strides = array<i32>} : memref<4096xi32, #tpu.memory_space<vmem>>, vector<16xi32>,
        %parallel_loop3A_626 = arith.addi %parallel_loop3A_625, %parallel_loop3A_594 : vector<16xi32>
        %parallel_loop3A_627 = arith.constant 16 : i32
        %parallel_loop3A_628 = arith.muli %parallel_loop3A_591, %parallel_loop3A_627 : i32
        %parallel_loop3A_629 = arith.index_cast %parallel_loop3A_628 : i32 to index
        %parallel_loop3A_630 = tpu.vector_load %arg9[%parallel_loop3A_629] {strides = array<i32>} : memref<4096xi32, #tpu.memory_space<vmem>>, vector<16xi32>,
        tpu.vector_store %arg9[%parallel_loop3A_629], %parallel_loop3A_626 {strides = array<i32>} : memref<4096xi32, #tpu.memory_space<vmem>>, vector<16xi32>,
        %parallel_loop3A_631 = arith.constant 16 : i32
        %parallel_loop3A_632 = arith.muli %parallel_loop3A_591, %parallel_loop3A_631 : i32
        %parallel_loop3A_633 = arith.index_cast %parallel_loop3A_632 : i32 to index
        %parallel_loop3A_634 = tpu.vector_load %arg10[%parallel_loop3A_633] {strides = array<i32>} : memref<4096xi32, #tpu.memory_space<vmem>>, vector<16xi32>,
        %parallel_loop3A_635 = arith.addi %parallel_loop3A_634, %parallel_loop3A_594 : vector<16xi32>
        %parallel_loop3A_636 = arith.constant 16 : i32
        %parallel_loop3A_637 = arith.muli %parallel_loop3A_591, %parallel_loop3A_636 : i32
        %parallel_loop3A_638 = arith.index_cast %parallel_loop3A_637 : i32 to index
        %parallel_loop3A_639 = tpu.vector_load %arg10[%parallel_loop3A_638] {strides = array<i32>} : memref<4096xi32, #tpu.memory_space<vmem>>, vector<16xi32>,
        tpu.vector_store %arg10[%parallel_loop3A_638], %parallel_loop3A_635 {strides = array<i32>} : memref<4096xi32, #tpu.memory_space<vmem>>, vector<16xi32>,
        %parallel_loop3A_640 = arith.constant 16 : i32
        %parallel_loop3A_641 = arith.muli %parallel_loop3A_591, %parallel_loop3A_640 : i32
        %parallel_loop3A_642 = arith.index_cast %parallel_loop3A_641 : i32 to index
        %parallel_loop3A_643 = tpu.vector_load %arg11[%parallel_loop3A_642] {strides = array<i32>} : memref<4096xi32, #tpu.memory_space<vmem>>, vector<16xi32>,
        %parallel_loop3A_644 = arith.addi %parallel_loop3A_643, %parallel_loop3A_594 : vector<16xi32>
        %parallel_loop3A_645 = arith.constant 16 : i32
        %parallel_loop3A_646 = arith.muli %parallel_loop3A_591, %parallel_loop3A_645 : i32
        %parallel_loop3A_647 = arith.index_cast %parallel_loop3A_646 : i32 to index
        %parallel_loop3A_648 = tpu.vector_load %arg11[%parallel_loop3A_647] {strides = array<i32>} : memref<4096xi32, #tpu.memory_space<vmem>>, vector<16xi32>,
        tpu.vector_store %arg11[%parallel_loop3A_647], %parallel_loop3A_644 {strides = array<i32>} : memref<4096xi32, #tpu.memory_space<vmem>>, vector<16xi32>,
        %parallel_loop3A_649 = arith.constant 16 : i32
        %parallel_loop3A_650 = arith.muli %parallel_loop3A_591, %parallel_loop3A_649 : i32
        %parallel_loop3A_651 = arith.index_cast %parallel_loop3A_650 : i32 to index
        %parallel_loop3A_652 = tpu.vector_load %arg12[%parallel_loop3A_651] {strides = array<i32>} : memref<4096xi32, #tpu.memory_space<vmem>>, vector<16xi32>,
        %parallel_loop3A_653 = arith.addi %parallel_loop3A_652, %parallel_loop3A_594 : vector<16xi32>
        %parallel_loop3A_654 = arith.constant 16 : i32
        %parallel_loop3A_655 = arith.muli %parallel_loop3A_591, %parallel_loop3A_654 : i32
        %parallel_loop3A_656 = arith.index_cast %parallel_loop3A_655 : i32 to index
        %parallel_loop3A_657 = tpu.vector_load %arg12[%parallel_loop3A_656] {strides = array<i32>} : memref<4096xi32, #tpu.memory_space<vmem>>, vector<16xi32>,
        tpu.vector_store %arg12[%parallel_loop3A_656], %parallel_loop3A_653 {strides = array<i32>} : memref<4096xi32, #tpu.memory_space<vmem>>, vector<16xi32>,
        %parallel_loop3A_658 = arith.constant 16 : i32
        %parallel_loop3A_659 = arith.muli %parallel_loop3A_591, %parallel_loop3A_658 : i32
        %parallel_loop3A_660 = arith.index_cast %parallel_loop3A_659 : i32 to index
        %parallel_loop3A_661 = tpu.vector_load %arg13[%parallel_loop3A_660] {strides = array<i32>} : memref<4096xi32, #tpu.memory_space<vmem>>, vector<16xi32>,
        %parallel_loop3A_662 = arith.addi %parallel_loop3A_661, %parallel_loop3A_594 : vector<16xi32>
        %parallel_loop3A_663 = arith.constant 16 : i32
        %parallel_loop3A_664 = arith.muli %parallel_loop3A_591, %parallel_loop3A_663 : i32
        %parallel_loop3A_665 = arith.index_cast %parallel_loop3A_664 : i32 to index
        %parallel_loop3A_666 = tpu.vector_load %arg13[%parallel_loop3A_665] {strides = array<i32>} : memref<4096xi32, #tpu.memory_space<vmem>>, vector<16xi32>,
        tpu.vector_store %arg13[%parallel_loop3A_665], %parallel_loop3A_662 {strides = array<i32>} : memref<4096xi32, #tpu.memory_space<vmem>>, vector<16xi32>,
      } {sc.loop_unroll_factor = 1 : i64, sc.parallel_access}
      %get3A_481 = arith.constant 0 : index
      %get3A_482 = tpu.vector_load %arg5[%get3A_481] {strides = array<i32>} : memref<32768xf32, #tpu.memory_space<vmem>>, vector<16xf32>,
      %bitcast3A_483 = vector.bitcast %get3A_482 : vector<16xf32> to vector<16xi32>
      %get3A_484 = arith.constant 4096 : index
      %get3A_485 = tpu.vector_load %arg5[%get3A_484] {strides = array<i32>} : memref<32768xf32, #tpu.memory_space<vmem>>, vector<16xf32>,
      %bitcast3A_486 = vector.bitcast %get3A_485 : vector<16xf32> to vector<16xi32>
      %get3A_487 = arith.constant 8192 : index
      %get3A_488 = tpu.vector_load %arg5[%get3A_487] {strides = array<i32>} : memref<32768xf32, #tpu.memory_space<vmem>>, vector<16xf32>,
      %bitcast3A_489 = vector.bitcast %get3A_488 : vector<16xf32> to vector<16xi32>
      %get3A_490 = arith.constant 12288 : index
      %get3A_491 = tpu.vector_load %arg5[%get3A_490] {strides = array<i32>} : memref<32768xf32, #tpu.memory_space<vmem>>, vector<16xf32>,
      %bitcast3A_492 = vector.bitcast %get3A_491 : vector<16xf32> to vector<16xi32>
      %get3A_493 = arith.constant 16384 : index
      %get3A_494 = tpu.vector_load %arg5[%get3A_493] {strides = array<i32>} : memref<32768xf32, #tpu.memory_space<vmem>>, vector<16xf32>,
      %bitcast3A_495 = vector.bitcast %get3A_494 : vector<16xf32> to vector<16xi32>
      %get3A_496 = arith.constant 20480 : index
      %get3A_497 = tpu.vector_load %arg5[%get3A_496] {strides = array<i32>} : memref<32768xf32, #tpu.memory_space<vmem>>, vector<16xf32>,
      %bitcast3A_498 = vector.bitcast %get3A_497 : vector<16xf32> to vector<16xi32>
      %get3A_499 = arith.constant 24576 : index
      %get3A_500 = tpu.vector_load %arg5[%get3A_499] {strides = array<i32>} : memref<32768xf32, #tpu.memory_space<vmem>>, vector<16xf32>,
      %bitcast3A_501 = vector.bitcast %get3A_500 : vector<16xf32> to vector<16xi32>
      %get3A_502 = arith.constant 28672 : index
      %get3A_503 = tpu.vector_load %arg5[%get3A_502] {strides = array<i32>} : memref<32768xf32, #tpu.memory_space<vmem>>, vector<16xf32>,
      %bitcast3A_504 = vector.bitcast %get3A_503 : vector<16xf32> to vector<16xi32>
      %shift_right_logical3A_505 = arith.constant 24 : i32
      %shift_right_logical3A_506 = vector.broadcast %shift_right_logical3A_505 : i32 to vector<16xi32>
      %shift_right_logical3A_507 = arith.shrui %bitcast3A_483, %shift_right_logical3A_506 : vector<16xi32>
      %and3A_508 = arith.constant 255 : i32
      %and3A_509 = vector.broadcast %and3A_508 : i32 to vector<16xi32>
      %and3A_510 = arith.andi %shift_right_logical3A_507, %and3A_509 : vector<16xi32>
      %shift_left3A_511 = arith.constant 4 : i32
      %shift_left3A_512 = vector.broadcast %shift_left3A_511 : i32 to vector<16xi32>
      %shift_left3A_513 = arith.shli %and3A_510, %shift_left3A_512 : vector<16xi32>
      %or3A_514 = arith.ori %shift_left3A_513, %iota3A_457 : vector<16xi32>
      %shift_right_logical3A_515 = arith.constant 24 : i32
      %shift_right_logical3A_516 = vector.broadcast %shift_right_logical3A_515 : i32 to vector<16xi32>
      %shift_right_logical3A_517 = arith.shrui %bitcast3A_486, %shift_right_logical3A_516 : vector<16xi32>
      %and3A_518 = arith.constant 255 : i32
      %and3A_519 = vector.broadcast %and3A_518 : i32 to vector<16xi32>
      %and3A_520 = arith.andi %shift_right_logical3A_517, %and3A_519 : vector<16xi32>
      %shift_left3A_521 = arith.constant 4 : i32
      %shift_left3A_522 = vector.broadcast %shift_left3A_521 : i32 to vector<16xi32>
      %shift_left3A_523 = arith.shli %and3A_520, %shift_left3A_522 : vector<16xi32>
      %or3A_524 = arith.ori %shift_left3A_523, %iota3A_457 : vector<16xi32>
      %shift_right_logical3A_525 = arith.constant 24 : i32
      %shift_right_logical3A_526 = vector.broadcast %shift_right_logical3A_525 : i32 to vector<16xi32>
      %shift_right_logical3A_527 = arith.shrui %bitcast3A_489, %shift_right_logical3A_526 : vector<16xi32>
      %and3A_528 = arith.constant 255 : i32
      %and3A_529 = vector.broadcast %and3A_528 : i32 to vector<16xi32>
      %and3A_530 = arith.andi %shift_right_logical3A_527, %and3A_529 : vector<16xi32>
      %shift_left3A_531 = arith.constant 4 : i32
      %shift_left3A_532 = vector.broadcast %shift_left3A_531 : i32 to vector<16xi32>
      %shift_left3A_533 = arith.shli %and3A_530, %shift_left3A_532 : vector<16xi32>
      %or3A_534 = arith.ori %shift_left3A_533, %iota3A_457 : vector<16xi32>
      %shift_right_logical3A_535 = arith.constant 24 : i32
      %shift_right_logical3A_536 = vector.broadcast %shift_right_logical3A_535 : i32 to vector<16xi32>
      %shift_right_logical3A_537 = arith.shrui %bitcast3A_492, %shift_right_logical3A_536 : vector<16xi32>
      %and3A_538 = arith.constant 255 : i32
      %and3A_539 = vector.broadcast %and3A_538 : i32 to vector<16xi32>
      %and3A_540 = arith.andi %shift_right_logical3A_537, %and3A_539 : vector<16xi32>
      %shift_left3A_541 = arith.constant 4 : i32
      %shift_left3A_542 = vector.broadcast %shift_left3A_541 : i32 to vector<16xi32>
      %shift_left3A_543 = arith.shli %and3A_540, %shift_left3A_542 : vector<16xi32>
      %or3A_544 = arith.ori %shift_left3A_543, %iota3A_457 : vector<16xi32>
      %shift_right_logical3A_545 = arith.constant 24 : i32
      %shift_right_logical3A_546 = vector.broadcast %shift_right_logical3A_545 : i32 to vector<16xi32>
      %shift_right_logical3A_547 = arith.shrui %bitcast3A_495, %shift_right_logical3A_546 : vector<16xi32>
      %and3A_548 = arith.constant 255 : i32
      %and3A_549 = vector.broadcast %and3A_548 : i32 to vector<16xi32>
      %and3A_550 = arith.andi %shift_right_logical3A_547, %and3A_549 : vector<16xi32>
      %shift_left3A_551 = arith.constant 4 : i32
      %shift_left3A_552 = vector.broadcast %shift_left3A_551 : i32 to vector<16xi32>
      %shift_left3A_553 = arith.shli %and3A_550, %shift_left3A_552 : vector<16xi32>
      %or3A_554 = arith.ori %shift_left3A_553, %iota3A_457 : vector<16xi32>
      %shift_right_logical3A_555 = arith.constant 24 : i32
      %shift_right_logical3A_556 = vector.broadcast %shift_right_logical3A_555 : i32 to vector<16xi32>
      %shift_right_logical3A_557 = arith.shrui %bitcast3A_498, %shift_right_logical3A_556 : vector<16xi32>
      %and3A_558 = arith.constant 255 : i32
      %and3A_559 = vector.broadcast %and3A_558 : i32 to vector<16xi32>
      %and3A_560 = arith.andi %shift_right_logical3A_557, %and3A_559 : vector<16xi32>
      %shift_left3A_561 = arith.constant 4 : i32
      %shift_left3A_562 = vector.broadcast %shift_left3A_561 : i32 to vector<16xi32>
      %shift_left3A_563 = arith.shli %and3A_560, %shift_left3A_562 : vector<16xi32>
      %or3A_564 = arith.ori %shift_left3A_563, %iota3A_457 : vector<16xi32>
      %shift_right_logical3A_565 = arith.constant 24 : i32
      %shift_right_logical3A_566 = vector.broadcast %shift_right_logical3A_565 : i32 to vector<16xi32>
      %shift_right_logical3A_567 = arith.shrui %bitcast3A_501, %shift_right_logical3A_566 : vector<16xi32>
      %and3A_568 = arith.constant 255 : i32
      %and3A_569 = vector.broadcast %and3A_568 : i32 to vector<16xi32>
      %and3A_570 = arith.andi %shift_right_logical3A_567, %and3A_569 : vector<16xi32>
      %shift_left3A_571 = arith.constant 4 : i32
      %shift_left3A_572 = vector.broadcast %shift_left3A_571 : i32 to vector<16xi32>
      %shift_left3A_573 = arith.shli %and3A_570, %shift_left3A_572 : vector<16xi32>
      %or3A_574 = arith.ori %shift_left3A_573, %iota3A_457 : vector<16xi32>
      %shift_right_logical3A_575 = arith.constant 24 : i32
      %shift_right_logical3A_576 = vector.broadcast %shift_right_logical3A_575 : i32 to vector<16xi32>
      %shift_right_logical3A_577 = arith.shrui %bitcast3A_504, %shift_right_logical3A_576 : vector<16xi32>
      %and3A_578 = arith.constant 255 : i32
      %and3A_579 = vector.broadcast %and3A_578 : i32 to vector<16xi32>
      %and3A_580 = arith.andi %shift_right_logical3A_577, %and3A_579 : vector<16xi32>
      %shift_left3A_581 = arith.constant 4 : i32
      %shift_left3A_582 = vector.broadcast %shift_left3A_581 : i32 to vector<16xi32>
      %shift_left3A_583 = arith.shli %and3A_580, %shift_left3A_582 : vector<16xi32>
      %or3A_584 = arith.ori %shift_left3A_583, %iota3A_457 : vector<16xi32>
      %scan3A_585 = arith.constant 0 : i32
      %scan3A_586 = arith.constant 256 : i32
      %scan3A_587 = arith.addi %scan3A_585, %scan3A_586 : i32
      %scan3A_588 = arith.constant 1 : i32
      %scan3A_589:16 = scf.for %scan3A_591 = %scan3A_585 to %scan3A_587 step %scan3A_588 iter_args(%scan3A_592 = %bitcast3A_483, %scan3A_593 = %bitcast3A_486, %scan3A_594 = %bitcast3A_489, %scan3A_595 = %bitcast3A_492, %scan3A_596 = %bitcast3A_495, %scan3A_597 = %bitcast3A_498, %scan3A_598 = %bitcast3A_501, %scan3A_599 = %bitcast3A_504, %scan3A_600 = %or3A_514, %scan3A_601 = %or3A_524, %scan3A_602 = %or3A_534, %scan3A_603 = %or3A_544, %scan3A_604 = %or3A_554, %scan3A_605 = %or3A_564, %scan3A_606 = %or3A_574, %scan3A_607 = %or3A_584) -> (vector<16xi32>, vector<16xi32>, vector<16xi32>, vector<16xi32>, vector<16xi32>, vector<16xi32>, vector<16xi32>, vector<16xi32>, vector<16xi32>, vector<16xi32>, vector<16xi32>, vector<16xi32>, vector<16xi32>, vector<16xi32>, vector<16xi32>, vector<16xi32>)  : i32 {
        %add3A_608 = arith.constant 1 : i32
        %add3A_609 = arith.addi %scan3A_591, %add3A_608 : i32
        %min3A = arith.constant 255 : i32
        %min3A_610 = arith.minsi %add3A_609, %min3A : i32
        %add3A_611 = arith.constant 0 : i32
        %add3A_612 = arith.addi %add3A_611, %min3A_610 : i32
        %mul3A_613 = arith.constant 16 : i32
        %mul3A_614 = arith.muli %add3A_612, %mul3A_613 : i32
        %get3A_615 = arith.index_cast %mul3A_614 : i32 to index
        %get3A_616 = tpu.vector_load %arg5[%get3A_615] {strides = array<i32>} : memref<32768xf32, #tpu.memory_space<vmem>>, vector<16xf32>,
        %bitcast3A_617 = vector.bitcast %get3A_616 : vector<16xf32> to vector<16xi32>
        %add3A_618 = arith.constant 256 : i32
        %add3A_619 = arith.addi %add3A_618, %min3A_610 : i32
        %mul3A_620 = arith.constant 16 : i32
        %mul3A_621 = arith.muli %add3A_619, %mul3A_620 : i32
        %get3A_622 = arith.index_cast %mul3A_621 : i32 to index
        %get3A_623 = tpu.vector_load %arg5[%get3A_622] {strides = array<i32>} : memref<32768xf32, #tpu.memory_space<vmem>>, vector<16xf32>,
        %bitcast3A_624 = vector.bitcast %get3A_623 : vector<16xf32> to vector<16xi32>
        %add3A_625 = arith.constant 512 : i32
        %add3A_626 = arith.addi %add3A_625, %min3A_610 : i32
        %mul3A_627 = arith.constant 16 : i32
        %mul3A_628 = arith.muli %add3A_626, %mul3A_627 : i32
        %get3A_629 = arith.index_cast %mul3A_628 : i32 to index
        %get3A_630 = tpu.vector_load %arg5[%get3A_629] {strides = array<i32>} : memref<32768xf32, #tpu.memory_space<vmem>>, vector<16xf32>,
        %bitcast3A_631 = vector.bitcast %get3A_630 : vector<16xf32> to vector<16xi32>
        %add3A_632 = arith.constant 768 : i32
        %add3A_633 = arith.addi %add3A_632, %min3A_610 : i32
        %mul3A_634 = arith.constant 16 : i32
        %mul3A_635 = arith.muli %add3A_633, %mul3A_634 : i32
        %get3A_636 = arith.index_cast %mul3A_635 : i32 to index
        %get3A_637 = tpu.vector_load %arg5[%get3A_636] {strides = array<i32>} : memref<32768xf32, #tpu.memory_space<vmem>>, vector<16xf32>,
        %bitcast3A_638 = vector.bitcast %get3A_637 : vector<16xf32> to vector<16xi32>
        %add3A_639 = arith.constant 1024 : i32
        %add3A_640 = arith.addi %add3A_639, %min3A_610 : i32
        %mul3A_641 = arith.constant 16 : i32
        %mul3A_642 = arith.muli %add3A_640, %mul3A_641 : i32
        %get3A_643 = arith.index_cast %mul3A_642 : i32 to index
        %get3A_644 = tpu.vector_load %arg5[%get3A_643] {strides = array<i32>} : memref<32768xf32, #tpu.memory_space<vmem>>, vector<16xf32>,
        %bitcast3A_645 = vector.bitcast %get3A_644 : vector<16xf32> to vector<16xi32>
        %add3A_646 = arith.constant 1280 : i32
        %add3A_647 = arith.addi %add3A_646, %min3A_610 : i32
        %mul3A_648 = arith.constant 16 : i32
        %mul3A_649 = arith.muli %add3A_647, %mul3A_648 : i32
        %get3A_650 = arith.index_cast %mul3A_649 : i32 to index
        %get3A_651 = tpu.vector_load %arg5[%get3A_650] {strides = array<i32>} : memref<32768xf32, #tpu.memory_space<vmem>>, vector<16xf32>,
        %bitcast3A_652 = vector.bitcast %get3A_651 : vector<16xf32> to vector<16xi32>
        %add3A_653 = arith.constant 1536 : i32
        %add3A_654 = arith.addi %add3A_653, %min3A_610 : i32
        %mul3A_655 = arith.constant 16 : i32
        %mul3A_656 = arith.muli %add3A_654, %mul3A_655 : i32
        %get3A_657 = arith.index_cast %mul3A_656 : i32 to index
        %get3A_658 = tpu.vector_load %arg5[%get3A_657] {strides = array<i32>} : memref<32768xf32, #tpu.memory_space<vmem>>, vector<16xf32>,
        %bitcast3A_659 = vector.bitcast %get3A_658 : vector<16xf32> to vector<16xi32>
        %add3A_660 = arith.constant 1792 : i32
        %add3A_661 = arith.addi %add3A_660, %min3A_610 : i32
        %mul3A_662 = arith.constant 16 : i32
        %mul3A_663 = arith.muli %add3A_661, %mul3A_662 : i32
        %get3A_664 = arith.index_cast %mul3A_663 : i32 to index
        %get3A_665 = tpu.vector_load %arg5[%get3A_664] {strides = array<i32>} : memref<32768xf32, #tpu.memory_space<vmem>>, vector<16xf32>,
        %bitcast3A_666 = vector.bitcast %get3A_665 : vector<16xf32> to vector<16xi32>
        %shift_right_logical3A_667 = arith.constant 24 : i32
        %shift_right_logical3A_668 = vector.broadcast %shift_right_logical3A_667 : i32 to vector<16xi32>
        %shift_right_logical3A_669 = arith.shrui %bitcast3A_617, %shift_right_logical3A_668 : vector<16xi32>
        %and3A_670 = arith.constant 255 : i32
        %and3A_671 = vector.broadcast %and3A_670 : i32 to vector<16xi32>
        %and3A_672 = arith.andi %shift_right_logical3A_669, %and3A_671 : vector<16xi32>
        %shift_left3A_673 = arith.constant 4 : i32
        %shift_left3A_674 = vector.broadcast %shift_left3A_673 : i32 to vector<16xi32>
        %shift_left3A_675 = arith.shli %and3A_672, %shift_left3A_674 : vector<16xi32>
        %or3A_676 = arith.ori %shift_left3A_675, %iota3A_457 : vector<16xi32>
        %shift_right_logical3A_677 = arith.constant 24 : i32
        %shift_right_logical3A_678 = vector.broadcast %shift_right_logical3A_677 : i32 to vector<16xi32>
        %shift_right_logical3A_679 = arith.shrui %bitcast3A_624, %shift_right_logical3A_678 : vector<16xi32>
        %and3A_680 = arith.constant 255 : i32
        %and3A_681 = vector.broadcast %and3A_680 : i32 to vector<16xi32>
        %and3A_682 = arith.andi %shift_right_logical3A_679, %and3A_681 : vector<16xi32>
        %shift_left3A_683 = arith.constant 4 : i32
        %shift_left3A_684 = vector.broadcast %shift_left3A_683 : i32 to vector<16xi32>
        %shift_left3A_685 = arith.shli %and3A_682, %shift_left3A_684 : vector<16xi32>
        %or3A_686 = arith.ori %shift_left3A_685, %iota3A_457 : vector<16xi32>
        %shift_right_logical3A_687 = arith.constant 24 : i32
        %shift_right_logical3A_688 = vector.broadcast %shift_right_logical3A_687 : i32 to vector<16xi32>
        %shift_right_logical3A_689 = arith.shrui %bitcast3A_631, %shift_right_logical3A_688 : vector<16xi32>
        %and3A_690 = arith.constant 255 : i32
        %and3A_691 = vector.broadcast %and3A_690 : i32 to vector<16xi32>
        %and3A_692 = arith.andi %shift_right_logical3A_689, %and3A_691 : vector<16xi32>
        %shift_left3A_693 = arith.constant 4 : i32
        %shift_left3A_694 = vector.broadcast %shift_left3A_693 : i32 to vector<16xi32>
        %shift_left3A_695 = arith.shli %and3A_692, %shift_left3A_694 : vector<16xi32>
        %or3A_696 = arith.ori %shift_left3A_695, %iota3A_457 : vector<16xi32>
        %shift_right_logical3A_697 = arith.constant 24 : i32
        %shift_right_logical3A_698 = vector.broadcast %shift_right_logical3A_697 : i32 to vector<16xi32>
        %shift_right_logical3A_699 = arith.shrui %bitcast3A_638, %shift_right_logical3A_698 : vector<16xi32>
        %and3A_700 = arith.constant 255 : i32
        %and3A_701 = vector.broadcast %and3A_700 : i32 to vector<16xi32>
        %and3A_702 = arith.andi %shift_right_logical3A_699, %and3A_701 : vector<16xi32>
        %shift_left3A_703 = arith.constant 4 : i32
        %shift_left3A_704 = vector.broadcast %shift_left3A_703 : i32 to vector<16xi32>
        %shift_left3A_705 = arith.shli %and3A_702, %shift_left3A_704 : vector<16xi32>
        %or3A_706 = arith.ori %shift_left3A_705, %iota3A_457 : vector<16xi32>
        %shift_right_logical3A_707 = arith.constant 24 : i32
        %shift_right_logical3A_708 = vector.broadcast %shift_right_logical3A_707 : i32 to vector<16xi32>
        %shift_right_logical3A_709 = arith.shrui %bitcast3A_645, %shift_right_logical3A_708 : vector<16xi32>
        %and3A_710 = arith.constant 255 : i32
        %and3A_711 = vector.broadcast %and3A_710 : i32 to vector<16xi32>
        %and3A_712 = arith.andi %shift_right_logical3A_709, %and3A_711 : vector<16xi32>
        %shift_left3A_713 = arith.constant 4 : i32
        %shift_left3A_714 = vector.broadcast %shift_left3A_713 : i32 to vector<16xi32>
        %shift_left3A_715 = arith.shli %and3A_712, %shift_left3A_714 : vector<16xi32>
        %or3A_716 = arith.ori %shift_left3A_715, %iota3A_457 : vector<16xi32>
        %shift_right_logical3A_717 = arith.constant 24 : i32
        %shift_right_logical3A_718 = vector.broadcast %shift_right_logical3A_717 : i32 to vector<16xi32>
        %shift_right_logical3A_719 = arith.shrui %bitcast3A_652, %shift_right_logical3A_718 : vector<16xi32>
        %and3A_720 = arith.constant 255 : i32
        %and3A_721 = vector.broadcast %and3A_720 : i32 to vector<16xi32>
        %and3A_722 = arith.andi %shift_right_logical3A_719, %and3A_721 : vector<16xi32>
        %shift_left3A_723 = arith.constant 4 : i32
        %shift_left3A_724 = vector.broadcast %shift_left3A_723 : i32 to vector<16xi32>
        %shift_left3A_725 = arith.shli %and3A_722, %shift_left3A_724 : vector<16xi32>
        %or3A_726 = arith.ori %shift_left3A_725, %iota3A_457 : vector<16xi32>
        %shift_right_logical3A_727 = arith.constant 24 : i32
        %shift_right_logical3A_728 = vector.broadcast %shift_right_logical3A_727 : i32 to vector<16xi32>
        %shift_right_logical3A_729 = arith.shrui %bitcast3A_659, %shift_right_logical3A_728 : vector<16xi32>
        %and3A_730 = arith.constant 255 : i32
        %and3A_731 = vector.broadcast %and3A_730 : i32 to vector<16xi32>
        %and3A_732 = arith.andi %shift_right_logical3A_729, %and3A_731 : vector<16xi32>
        %shift_left3A_733 = arith.constant 4 : i32
        %shift_left3A_734 = vector.broadcast %shift_left3A_733 : i32 to vector<16xi32>
        %shift_left3A_735 = arith.shli %and3A_732, %shift_left3A_734 : vector<16xi32>
        %or3A_736 = arith.ori %shift_left3A_735, %iota3A_457 : vector<16xi32>
        %shift_right_logical3A_737 = arith.constant 24 : i32
        %shift_right_logical3A_738 = vector.broadcast %shift_right_logical3A_737 : i32 to vector<16xi32>
        %shift_right_logical3A_739 = arith.shrui %bitcast3A_666, %shift_right_logical3A_738 : vector<16xi32>
        %and3A_740 = arith.constant 255 : i32
        %and3A_741 = vector.broadcast %and3A_740 : i32 to vector<16xi32>
        %and3A_742 = arith.andi %shift_right_logical3A_739, %and3A_741 : vector<16xi32>
        %shift_left3A_743 = arith.constant 4 : i32
        %shift_left3A_744 = vector.broadcast %shift_left3A_743 : i32 to vector<16xi32>
        %shift_left3A_745 = arith.shli %and3A_742, %shift_left3A_744 : vector<16xi32>
        %or3A_746 = arith.ori %shift_left3A_745, %iota3A_457 : vector<16xi32>
        %gather3A = tpu.vector_load_idx %arg6[%scan3A_600] : memref<4096xi32, #tpu.memory_space<vmem>>[vector<16xi32>], vector<16xi32>,
        %gather3A_747 = tpu.vector_load_idx %arg7[%scan3A_601] : memref<4096xi32, #tpu.memory_space<vmem>>[vector<16xi32>], vector<16xi32>,
        %gather3A_748 = tpu.vector_load_idx %arg8[%scan3A_602] : memref<4096xi32, #tpu.memory_space<vmem>>[vector<16xi32>], vector<16xi32>,
        %gather3A_749 = tpu.vector_load_idx %arg9[%scan3A_603] : memref<4096xi32, #tpu.memory_space<vmem>>[vector<16xi32>], vector<16xi32>,
        %gather3A_750 = tpu.vector_load_idx %arg10[%scan3A_604] : memref<4096xi32, #tpu.memory_space<vmem>>[vector<16xi32>], vector<16xi32>,
        %gather3A_751 = tpu.vector_load_idx %arg11[%scan3A_605] : memref<4096xi32, #tpu.memory_space<vmem>>[vector<16xi32>], vector<16xi32>,
        %gather3A_752 = tpu.vector_load_idx %arg12[%scan3A_606] : memref<4096xi32, #tpu.memory_space<vmem>>[vector<16xi32>], vector<16xi32>,
        %gather3A_753 = tpu.vector_load_idx %arg13[%scan3A_607] : memref<4096xi32, #tpu.memory_space<vmem>>[vector<16xi32>], vector<16xi32>,
        tpu.vector_store_idx %arg6[%scan3A_600], %broadcast_in_dim3A_459 {add = true} : memref<4096xi32, #tpu.memory_space<vmem>>[vector<16xi32>], vector<16xi32>,
        tpu.vector_store_idx %arg7[%scan3A_601], %broadcast_in_dim3A_459 {add = true} : memref<4096xi32, #tpu.memory_space<vmem>>[vector<16xi32>], vector<16xi32>,
        tpu.vector_store_idx %arg8[%scan3A_602], %broadcast_in_dim3A_459 {add = true} : memref<4096xi32, #tpu.memory_space<vmem>>[vector<16xi32>], vector<16xi32>,
        tpu.vector_store_idx %arg9[%scan3A_603], %broadcast_in_dim3A_459 {add = true} : memref<4096xi32, #tpu.memory_space<vmem>>[vector<16xi32>], vector<16xi32>,
        tpu.vector_store_idx %arg10[%scan3A_604], %broadcast_in_dim3A_459 {add = true} : memref<4096xi32, #tpu.memory_space<vmem>>[vector<16xi32>], vector<16xi32>,
        tpu.vector_store_idx %arg11[%scan3A_605], %broadcast_in_dim3A_459 {add = true} : memref<4096xi32, #tpu.memory_space<vmem>>[vector<16xi32>], vector<16xi32>,
        tpu.vector_store_idx %arg12[%scan3A_606], %broadcast_in_dim3A_459 {add = true} : memref<4096xi32, #tpu.memory_space<vmem>>[vector<16xi32>], vector<16xi32>,
        tpu.vector_store_idx %arg13[%scan3A_607], %broadcast_in_dim3A_459 {add = true} : memref<4096xi32, #tpu.memory_space<vmem>>[vector<16xi32>], vector<16xi32>,
        %not3A = arith.constant dense<-1> : vector<16xi32>
        %not3A_754 = arith.xori %scan3A_592, %not3A : vector<16xi32>
        %shift_right_arithmetic3A_755 = arith.constant 31 : i32
        %shift_right_arithmetic3A_756 = vector.broadcast %shift_right_arithmetic3A_755 : i32 to vector<16xi32>
        %shift_right_arithmetic3A_757 = arith.shrsi %not3A_754, %shift_right_arithmetic3A_756 : vector<16xi32>
        %or3A_758 = arith.constant -2147483648 : i32
        %or3A_759 = vector.broadcast %or3A_758 : i32 to vector<16xi32>
        %or3A_760 = arith.ori %shift_right_arithmetic3A_757, %or3A_759 : vector<16xi32>
        %xor3A_761 = arith.xori %scan3A_592, %or3A_760 : vector<16xi32>
        %bitcast3A_762 = vector.bitcast %xor3A_761 : vector<16xi32> to vector<16xf32>
        tpu.vector_store_idx %arg4[%gather3A], %bitcast3A_762 : memref<32768xf32, #tpu.memory_space<vmem>>[vector<16xi32>], vector<16xf32>,
        %not3A_763 = arith.constant dense<-1> : vector<16xi32>
        %not3A_764 = arith.xori %scan3A_593, %not3A_763 : vector<16xi32>
        %shift_right_arithmetic3A_765 = arith.constant 31 : i32
        %shift_right_arithmetic3A_766 = vector.broadcast %shift_right_arithmetic3A_765 : i32 to vector<16xi32>
        %shift_right_arithmetic3A_767 = arith.shrsi %not3A_764, %shift_right_arithmetic3A_766 : vector<16xi32>
        %or3A_768 = arith.constant -2147483648 : i32
        %or3A_769 = vector.broadcast %or3A_768 : i32 to vector<16xi32>
        %or3A_770 = arith.ori %shift_right_arithmetic3A_767, %or3A_769 : vector<16xi32>
        %xor3A_771 = arith.xori %scan3A_593, %or3A_770 : vector<16xi32>
        %bitcast3A_772 = vector.bitcast %xor3A_771 : vector<16xi32> to vector<16xf32>
        tpu.vector_store_idx %arg4[%gather3A_747], %bitcast3A_772 : memref<32768xf32, #tpu.memory_space<vmem>>[vector<16xi32>], vector<16xf32>,
        %not3A_773 = arith.constant dense<-1> : vector<16xi32>
        %not3A_774 = arith.xori %scan3A_594, %not3A_773 : vector<16xi32>
        %shift_right_arithmetic3A_775 = arith.constant 31 : i32
        %shift_right_arithmetic3A_776 = vector.broadcast %shift_right_arithmetic3A_775 : i32 to vector<16xi32>
        %shift_right_arithmetic3A_777 = arith.shrsi %not3A_774, %shift_right_arithmetic3A_776 : vector<16xi32>
        %or3A_778 = arith.constant -2147483648 : i32
        %or3A_779 = vector.broadcast %or3A_778 : i32 to vector<16xi32>
        %or3A_780 = arith.ori %shift_right_arithmetic3A_777, %or3A_779 : vector<16xi32>
        %xor3A_781 = arith.xori %scan3A_594, %or3A_780 : vector<16xi32>
        %bitcast3A_782 = vector.bitcast %xor3A_781 : vector<16xi32> to vector<16xf32>
        tpu.vector_store_idx %arg4[%gather3A_748], %bitcast3A_782 : memref<32768xf32, #tpu.memory_space<vmem>>[vector<16xi32>], vector<16xf32>,
        %not3A_783 = arith.constant dense<-1> : vector<16xi32>
        %not3A_784 = arith.xori %scan3A_595, %not3A_783 : vector<16xi32>
        %shift_right_arithmetic3A_785 = arith.constant 31 : i32
        %shift_right_arithmetic3A_786 = vector.broadcast %shift_right_arithmetic3A_785 : i32 to vector<16xi32>
        %shift_right_arithmetic3A_787 = arith.shrsi %not3A_784, %shift_right_arithmetic3A_786 : vector<16xi32>
        %or3A_788 = arith.constant -2147483648 : i32
        %or3A_789 = vector.broadcast %or3A_788 : i32 to vector<16xi32>
        %or3A_790 = arith.ori %shift_right_arithmetic3A_787, %or3A_789 : vector<16xi32>
        %xor3A_791 = arith.xori %scan3A_595, %or3A_790 : vector<16xi32>
        %bitcast3A_792 = vector.bitcast %xor3A_791 : vector<16xi32> to vector<16xf32>
        tpu.vector_store_idx %arg4[%gather3A_749], %bitcast3A_792 : memref<32768xf32, #tpu.memory_space<vmem>>[vector<16xi32>], vector<16xf32>,
        %not3A_793 = arith.constant dense<-1> : vector<16xi32>
        %not3A_794 = arith.xori %scan3A_596, %not3A_793 : vector<16xi32>
        %shift_right_arithmetic3A_795 = arith.constant 31 : i32
        %shift_right_arithmetic3A_796 = vector.broadcast %shift_right_arithmetic3A_795 : i32 to vector<16xi32>
        %shift_right_arithmetic3A_797 = arith.shrsi %not3A_794, %shift_right_arithmetic3A_796 : vector<16xi32>
        %or3A_798 = arith.constant -2147483648 : i32
        %or3A_799 = vector.broadcast %or3A_798 : i32 to vector<16xi32>
        %or3A_800 = arith.ori %shift_right_arithmetic3A_797, %or3A_799 : vector<16xi32>
        %xor3A_801 = arith.xori %scan3A_596, %or3A_800 : vector<16xi32>
        %bitcast3A_802 = vector.bitcast %xor3A_801 : vector<16xi32> to vector<16xf32>
        tpu.vector_store_idx %arg4[%gather3A_750], %bitcast3A_802 : memref<32768xf32, #tpu.memory_space<vmem>>[vector<16xi32>], vector<16xf32>,
        %not3A_803 = arith.constant dense<-1> : vector<16xi32>
        %not3A_804 = arith.xori %scan3A_597, %not3A_803 : vector<16xi32>
        %shift_right_arithmetic3A_805 = arith.constant 31 : i32
        %shift_right_arithmetic3A_806 = vector.broadcast %shift_right_arithmetic3A_805 : i32 to vector<16xi32>
        %shift_right_arithmetic3A_807 = arith.shrsi %not3A_804, %shift_right_arithmetic3A_806 : vector<16xi32>
        %or3A_808 = arith.constant -2147483648 : i32
        %or3A_809 = vector.broadcast %or3A_808 : i32 to vector<16xi32>
        %or3A_810 = arith.ori %shift_right_arithmetic3A_807, %or3A_809 : vector<16xi32>
        %xor3A_811 = arith.xori %scan3A_597, %or3A_810 : vector<16xi32>
        %bitcast3A_812 = vector.bitcast %xor3A_811 : vector<16xi32> to vector<16xf32>
        tpu.vector_store_idx %arg4[%gather3A_751], %bitcast3A_812 : memref<32768xf32, #tpu.memory_space<vmem>>[vector<16xi32>], vector<16xf32>,
        %not3A_813 = arith.constant dense<-1> : vector<16xi32>
        %not3A_814 = arith.xori %scan3A_598, %not3A_813 : vector<16xi32>
        %shift_right_arithmetic3A_815 = arith.constant 31 : i32
        %shift_right_arithmetic3A_816 = vector.broadcast %shift_right_arithmetic3A_815 : i32 to vector<16xi32>
        %shift_right_arithmetic3A_817 = arith.shrsi %not3A_814, %shift_right_arithmetic3A_816 : vector<16xi32>
        %or3A_818 = arith.constant -2147483648 : i32
        %or3A_819 = vector.broadcast %or3A_818 : i32 to vector<16xi32>
        %or3A_820 = arith.ori %shift_right_arithmetic3A_817, %or3A_819 : vector<16xi32>
        %xor3A_821 = arith.xori %scan3A_598, %or3A_820 : vector<16xi32>
        %bitcast3A_822 = vector.bitcast %xor3A_821 : vector<16xi32> to vector<16xf32>
        tpu.vector_store_idx %arg4[%gather3A_752], %bitcast3A_822 : memref<32768xf32, #tpu.memory_space<vmem>>[vector<16xi32>], vector<16xf32>,
        %not3A_823 = arith.constant dense<-1> : vector<16xi32>
        %not3A_824 = arith.xori %scan3A_599, %not3A_823 : vector<16xi32>
        %shift_right_arithmetic3A_825 = arith.constant 31 : i32
        %shift_right_arithmetic3A_826 = vector.broadcast %shift_right_arithmetic3A_825 : i32 to vector<16xi32>
        %shift_right_arithmetic3A_827 = arith.shrsi %not3A_824, %shift_right_arithmetic3A_826 : vector<16xi32>
        %or3A_828 = arith.constant -2147483648 : i32
        %or3A_829 = vector.broadcast %or3A_828 : i32 to vector<16xi32>
        %or3A_830 = arith.ori %shift_right_arithmetic3A_827, %or3A_829 : vector<16xi32>
        %xor3A_831 = arith.xori %scan3A_599, %or3A_830 : vector<16xi32>
        %bitcast3A_832 = vector.bitcast %xor3A_831 : vector<16xi32> to vector<16xf32>
        tpu.vector_store_idx %arg4[%gather3A_753], %bitcast3A_832 : memref<32768xf32, #tpu.memory_space<vmem>>[vector<16xi32>], vector<16xf32>,
        scf.yield %bitcast3A_617, %bitcast3A_624, %bitcast3A_631, %bitcast3A_638, %bitcast3A_645, %bitcast3A_652, %bitcast3A_659, %bitcast3A_666, %or3A_676, %or3A_686, %or3A_696, %or3A_706, %or3A_716, %or3A_726, %or3A_736, %or3A_746 : vector<16xi32>, vector<16xi32>, vector<16xi32>, vector<16xi32>, vector<16xi32>, vector<16xi32>, vector<16xi32>, vector<16xi32>, vector<16xi32>, vector<16xi32>, vector<16xi32>, vector<16xi32>, vector<16xi32>, vector<16xi32>, vector<16xi32>, vector<16xi32>
      }
      %scan3A_590 = arith.constant 256 : i32
      "tpu.region"() ({
        %run_scoped3A = tpu.sem_alloc : memref<!tpu.dma_semaphore, #tpu.memory_space<semaphore_mem>>
        %dma_start3A = arith.constant 0 : i32
        %dma_start3A_591 = tpu.memref_slice %arg3[%add3A_9, %dma_start3A] : memref<128x32768xf32, #tpu.memory_space<hbm>> -> memref<1x32768xf32, #tpu.memory_space<hbm>>
        %dma_start3A_592 = tpu.memref_squeeze %dma_start3A_591 : memref<1x32768xf32, #tpu.memory_space<hbm>> -> memref<32768xf32, #tpu.memory_space<hbm>>
        %dma_start3A_593 = arith.constant 0 : i32
        %dma_start3A_594 = tpu.memref_slice %arg3[%add3A_9, %dma_start3A_593] : memref<128x32768xf32, #tpu.memory_space<hbm>> -> memref<1x32768xf32, #tpu.memory_space<hbm>>
        %dma_start3A_595 = tpu.memref_squeeze %dma_start3A_594 : memref<1x32768xf32, #tpu.memory_space<hbm>> -> memref<32768xf32, #tpu.memory_space<hbm>>
        tpu.enqueue_dma source(%arg4 : memref<32768xf32, #tpu.memory_space<vmem>>) target(%dma_start3A_595 : memref<32768xf32, #tpu.memory_space<hbm>>) target_semaphore(%run_scoped3A : memref<!tpu.dma_semaphore, #tpu.memory_space<semaphore_mem>>)
        %dma_wait3A = arith.constant 0 : i32
        %dma_wait3A_596 = tpu.memref_slice %arg3[%add3A_9, %dma_wait3A] : memref<128x32768xf32, #tpu.memory_space<hbm>> -> memref<1x32768xf32, #tpu.memory_space<hbm>>
        %dma_wait3A_597 = tpu.memref_squeeze %dma_wait3A_596 : memref<1x32768xf32, #tpu.memory_space<hbm>> -> memref<32768xf32, #tpu.memory_space<hbm>>
        %dma_wait3A_598 = arith.constant 0 : i32
        %dma_wait3A_599 = tpu.memref_slice %arg3[%add3A_9, %dma_wait3A_598] : memref<128x32768xf32, #tpu.memory_space<hbm>> -> memref<1x32768xf32, #tpu.memory_space<hbm>>
        %dma_wait3A_600 = tpu.memref_squeeze %dma_wait3A_599 : memref<1x32768xf32, #tpu.memory_space<hbm>> -> memref<32768xf32, #tpu.memory_space<hbm>>
        tpu.wait_dma2 semaphore(%run_scoped3A : memref<!tpu.dma_semaphore, #tpu.memory_space<semaphore_mem>>) src(%arg4 : memref<32768xf32, #tpu.memory_space<vmem>>) dst(%dma_wait3A_600 : memref<32768xf32, #tpu.memory_space<hbm>>)
        tpu.yield
      }) : () -> ()
    }
    %scan3A_5 = arith.constant 4 : i32
    return
  }
}

</mosaic_0001>

<sc_bundles>
// kernel: _sort.3.cloned.1.call-start
scs
__scs_entry_jumppad:
0x0: {  	(pc) =	sbr.rel $0x88, $3  }
0x1: {  	(tag) =	ssettag $0x0;
	lr =	simm.s32 $0x1  }
0x2: {  	[smem:$0x3FA0] =	sst lr;
	_ =	strace $0xD0000000  }
0x3: {  	_ = 	snop  }
0x4: {  	_ = 	snop  }
0x5: {  	_ = 	snop  }
0x6: {  	_ = 	snop  }
0x7: {  	_ = 	snop  }
__scs_overlays_trampoline_lowered:
0x8: {  	[smem:$0x3FAF] =	sst s0  }
0x9: {  	[smem:$0x3FB0] =	sst s1  }
0xa: {  	[smem:$0x3FB1] =	sst s2  }
0xb: {  	[smem:$0x3FB2] =	sst s3  }
0xc: {  	[smem:$0x3FB3] =	sst s4  }
0xd: {  	[smem:$0x3FB4] =	sst s5  }
0xe: {  	[smem:$0x3FB5] =	sst s6  }
0xf: {  	[smem:$0x3FB6] =	sst s7  }
0x10: {  	[smem:$0x3FB7] =	sst s8  }
0x11: {  	[smem:$0x3FB8] =	sst s9;
	s0 =	simm.s32 @!p0 $0x0  }
0x12: {  	s1 =	sld [smem:$0x3F9E];
	s0 =	simm.s32 @p0 $0x1  }
0x13: {  	[smem:$0x3FB9] =	sst s0;
	s0 =	simm.s32 @!p1 $0x0  }
0x14: {  	s2 =	sld [smem:$0x3F9D];
	s0 =	simm.s32 @p1 $0x1  }
0x15: {  	[smem:$0x3FBA] =	sst s0;
	s0 =	simm.s32 @!p2 $0x0  }
0x16: {  	s3 =	sld [smem:$0x3FDB];
	s0 =	simm.s32 @p2 $0x1  }
0x17: {  	s4 =	simm.s32 $0x1BF5;
	[smem:$0x3FBC] =	sst s0  }
0x18: {  	s0 =	sld [smem:$0x3F9F];
	_ =	swait.ge [sflag:s4], $0x0  }
0x19: {  	s7 =	sld [smem:$0x3FA0]  }
0x1a: {  	s8 =	sadd.s32 $0xFFFFE003, lr  }
0x1b: {  	s9 =	sadd.s32 $0xFFFFFEF7, lr;
	s5 =	simm.s32 $0xFFFFFFFF;
	p2 =	slt.u32 s8, $0xFFFFF086  }
0x1c: {  	p1 =	slt.u32 s9, $0xF7A;
	s5 =	simm.s32 @!p2 $0x0  }
0x1d: {  	s5 =	simm.s32 @p1 $0x1;
	p0 =	seq.s32 s7, s2  }
0x1e: {  	s7 =	smul.u32 @!p0 $0xF7A, s2;
	p2 =	seq.s32 @!p0 s5, $0x0  }
0x1f: {  	s9 =	smul.u32 $0xF7A, s1;
	s8 =	simm.s32 @!p0 $0x1BF5;
	p2 =	por !p2, p0  }
0x20: {  	[sflag:s8] =	ssyncset.s32 @!p0 $0xFFFFF086;
	s6 =	sadd.s32 @!p0 s3, s7;
	s7 =	simm.s32 @!p0 $0x108  }
0x21: {  	s3 =	sadd.s32 s3, s9;
	s6 =	sadd.s32 @!p0 $0x88, s6;
	s7 =	simm.s32 @p2 $0x1082  }
0x22: {  	[simem:s7], [sflag:s8] =	dma.local @!p0 [hbm:s6], $0xF7A  }
0x23: {  	s9 =	sor.u32 $0xD0000000, s2;
	s6 =	simm.s32 $0x108;
	_ =	swait.ge @!p0 [sflag:s8], $0x0  }
0x24: {  	s3 =	sadd.s32 $0x88, s3;
	s6 =	simm.s32 @!p1 $0x1082;
	[sflag:s4] =	ssyncset.s32 $0xFFFFF086  }
0x25: {  	[simem:s6], [sflag:s4] =	dma.local [hbm:s3], $0xF7A  }
0x26: {  	[smem:$0x3FA0] =	sst s1;
	(tag) =	ssettag s2;
	_ =	strace s9  }
0x27: {  	s1 =	sld [smem:$0x3FB0]  }
0x28: {  	s2 =	sld [smem:$0x3FB1]  }
0x29: {  	s4 =	sld [smem:$0x3FB3]  }
0x2a: {  	p0 =	seq.s32 s5, $0x0;
	s5 =	sld [smem:$0x3FB4]  }
0x2b: {  	s6 =	sld [smem:$0x3FB5]  }
0x2c: {  	s7 =	sld [smem:$0x3FB6]  }
0x2d: {  	s3 =	simm.s32 $0x108;
	s8 =	sld [smem:$0x3FB7]  }
0x2e: {  	s3 =	simm.s32 @!p0 $0x1082;
	s9 =	sld [smem:$0x3FB8]  }
0x2f: {  	lr =	sadd.s32 s0, s3;
	s0 =	sld [smem:$0x3FAF]  }
0x30: {  	s3 =	sld [smem:$0x3FB2]  }
0x31: {  	[smem:$0x3FBB] =	sst s10  }
0x32: {  	s10 =	sld [smem:$0x3FB9];
	_ =	sdelay $0x3  }
0x33: {  	p0 =	seq.s32 s10, $0x1;
	s10 =	sld [smem:$0x3FBB];
	_ =	sdelay $0x3  }
0x34: {  	[smem:$0x3FBB] =	sst s10  }
0x35: {  	s10 =	sld [smem:$0x3FBA];
	_ =	sdelay $0x3  }
0x36: {  	p1 =	seq.s32 s10, $0x1;
	s10 =	sld [smem:$0x3FBB];
	_ =	sdelay $0x3  }
0x37: {  	[smem:$0x3FBB] =	sst s10  }
0x38: {  	s10 =	sld [smem:$0x3FBC]  }
0x39: {  	_ = 	snop;
	(pc) =	sbr.ind lr, $3  }
0x3a: {  	_ = 	snop  }
0x3b: {  	_ = 	snop  }
0x3c: {  	p2 =	seq.s32 s10, $0x1;
	s10 =	sld [smem:$0x3FBB]  }
0x3d: {  	_ =	shalt  }
0x3e: {  	_ =	shalt  }
0x3f: {  	_ =	shalt  }
0x40: {  	_ =	shalt  }
0x41: {  	_ =	shalt  }
0x42: {  	_ =	shalt  }
0x43: {  	_ =	shalt  }
0x44: {  	_ =	shalt  }
0x45: {  	_ =	shalt  }
0x46: {  	_ =	shalt  }
0x47: {  	_ =	shalt  }
0x48: {  	_ =	shalt  }
0x49: {  	_ =	shalt  }
0x4a: {  	_ =	shalt  }
0x4b: {  	_ =	shalt  }
0x4c: {  	_ =	shalt  }
0x4d: {  	_ =	shalt  }
0x4e: {  	_ =	shalt  }
0x4f: {  	_ =	shalt  }
0x50: {  	_ =	shalt  }
0x51: {  	_ =	shalt  }
0x52: {  	_ =	shalt  }
0x53: {  	_ =	shalt  }
0x54: {  	_ =	shalt  }
0x55: {  	_ =	shalt  }
0x56: {  	_ =	shalt  }
0x57: {  	_ =	shalt  }
0x58: {  	_ =	shalt  }
0x59: {  	_ =	shalt  }
0x5a: {  	_ =	shalt  }
0x5b: {  	_ =	shalt  }
0x5c: {  	_ =	shalt  }
0x5d: {  	_ =	shalt  }
0x5e: {  	_ =	shalt  }
0x5f: {  	_ =	shalt  }
0x60: {  	_ =	shalt  }
0x61: {  	_ =	shalt  }
0x62: {  	_ =	shalt  }
0x63: {  	_ =	shalt  }
0x64: {  	_ =	shalt  }
0x65: {  	_ =	shalt  }
0x66: {  	_ =	shalt  }
0x67: {  	_ =	shalt  }
0x68: {  	_ =	shalt  }
0x69: {  	_ =	shalt  }
0x6a: {  	_ =	shalt  }
0x6b: {  	_ =	shalt  }
0x6c: {  	_ =	shalt  }
0x6d: {  	_ =	shalt  }
0x6e: {  	_ =	shalt  }
0x6f: {  	_ =	shalt  }
0x70: {  	_ =	shalt  }
0x71: {  	_ =	shalt  }
0x72: {  	_ =	shalt  }
0x73: {  	_ =	shalt  }
0x74: {  	_ =	shalt  }
0x75: {  	_ =	shalt  }
0x76: {  	_ =	shalt  }
0x77: {  	_ =	shalt  }
0x78: {  	_ =	shalt  }
0x79: {  	_ =	shalt  }
0x7a: {  	_ =	shalt  }
0x7b: {  	_ =	shalt  }
0x7c: {  	_ =	shalt  }
0x7d: {  	_ =	shalt  }
0x7e: {  	_ =	shalt  }
0x7f: {  	_ =	shalt  }
0x80: {  	_ =	shalt  }
0x81: {  	_ =	shalt  }
0x82: {  	_ =	shalt  }
0x83: {  	_ =	shalt  }
0x84: {  	_ =	shalt  }
0x85: {  	_ =	shalt  }
0x86: {  	_ =	shalt  }
0x87: {  	_ =	shalt  }
.Lfunc_end0:
.L_simem_size_0:
called_computation_lowered:
.L_overlay_start_0:
0x88: {  	s2 =	sld [smem:$0x3FD9]  }
0x89: {  	s3 =	sld [smem:$0x3FFE];
	_ =	sdelay $0x1  }
0x8a: {  	s1 =	srdreg.scid  }
0x8b: {  	s0 =	sand.u32 $0x1, s1  }
0x8c: {  	s18 =	sshll.u32 s0, $0xA;
	s2 =	sadd.s32 s3, s2  }
0x8d: {  	s2 =	sadd.s32 s2, s18  }
0x8e: {  	[smem:$0x3FC7] =	sst s2  }
0x8f: {  	_ = 	snop  }
0x90: {  	s2 =	sld [smem:$0x3FC9]  }
0x91: {  	s19 =	sld [smem:$0x3FD0];
	(tm) =	ssettm $0x1  }
0x92: {  	s4 =	sld [smem:$0x3FFB];
	_ =	sdelay $0x3  }
0x93: {  	_ =	strace s4  }
0x94: {  	s4 =	sld [smem:$0x3FFC];
	_ =	sdelay $0x3  }
0x95: {  	_ =	strace s4  }
0x96: {  	s4 =	sld [smem:$0x3FFD];
	_ =	sdelay $0x3  }
0x97: {  	_ =	strace s4  }
0x98: {  	_ =	strace $0x8FFFFFFF  }
0x99: {  	s20 =	sld [smem:$0x3FDB];
	_ =	sdelay $0x1  }
0x9a: {  	s5 =	simm.s32 $_scs_section_size  }
0x9b: {  	s6 =	simm.s32 $_size__tile_overlayer_lowered;
	s7 =	simm.s32 $_tile_overlayer_lowered  }
0x9c: {  	s23 =	simm.s32 $0x1BFF;
	s22 =	sshll.u32 s7, $0x1;
	s4 =	sadd.s32 s5, s20  }
0x9d: {  	s8 =	simm.s32 $0x0;
	s21 =	sshll.u32 s6, $0x1;
	s6 =	sadd.s32 s22, s4  }
0x9e: {  	[timem:s8], [sflag:s23] =	dma.local [hbm:s6], s21  }
0x9f: {  	_ =	swait.ge [sflag:s23], s21  }
0xa0: {  	s5 =	ssub.s32 $0x0, s21;
	[sflag:s23] =	ssyncset.done $0x0  }
0xa1: {  	[sflag:s23] =	ssyncadd.s32 s5;
	_ =	sdelay $0x1  }
0xa2: {  	s24 =	simm.s32 $0x1B8B  }
0xa3: {  	_ =	swait.ge [sflag:s24], $0x1  }
0xa4: {  	[sflag:s24] =	ssyncset.done $0x0  }
0xa5: {  	s25 =	simm.s32 $0x1B8E;
	[sflag:s24] =	ssyncadd.s32 $0xFFFFFFFF  }
0xa6: {  	s26 =	simm.s32 $execute0_lowered;
	[smem:$0x3FD2] =	sst s25  }
0xa7: {  	s5 =	sshll.u32 s26, $0x1;
	_ =	strace $0x80000046;
	[dreg:$0x1] =	wrdreg $0xFFFFFFFF  }
0xa8: {  	s28 =	simm.s32 $_size_execute0_lowered;
	s4 =	sadd.s32 s4, s5;
	[dreg:$0x0] =	wrdreg $0x0  }
0xa9: {  	s5 =	sshll.u32 s28, $0x1;
	[dreg:$0x2] =	wrdreg s4  }
0xaa: {  	[dreg:$0x3] =	wrdreg s5  }
0xab: {  	[dreg:$0x4] =	wrdreg $0xC0  }
0xac: {  	_ =	task [dreg:s8], $0x5FFFF  }
0xad: {  	[dreg:$0x1] =	wrdreg $0xFFFFFFFF  }
0xae: {  	[dreg:$0x0] =	wrdreg $0x60  }
0xaf: {  	[dreg:$0x2] =	wrdreg s2  }
0xb0: {  	[dreg:$0x3] =	wrdreg s19  }
0xb1: {  	[dreg:$0x4] =	wrdreg $0x9  }
0xb2: {  	_ =	task.clear_ibuf [dreg:s8], $0x5FFFF;
	_ =	strace $0x90000046  }
0xb3: {  	s29 =	simm.s32 $0x9;
	_ =	strace $0x80000048  }
0xb4: {  	_ =	swait.ge [sflag:s29], $0x1  }
0xb5: {  	[sflag:s29] =	ssyncadd.s32 $0xFFFFFFFF  }
0xb6: {  	_ =	strace $0x90000048  }
0xb7: {  	_ =	sfence  }
0xb8: {  	s30 =	sld [smem:$0x0];
	_ =	sdelay $0x2  }
0xb9: {  	s31 =	sshll.u32 s1, $0xD;
	s1 =	sshrl.u32 s1, $0x2  }
0xba: {  	s3 =	sand.u32 $0x4000, s31;
	s1 =	sadd.s32 s1, s30  }
0xbb: {  	s0 =	sor.u32 s3, s0;
	s1 =	sshll.u32 s1, $0x11  }
0xbc: {  	s0 =	sor.u32 s1, s0  }
0xbd: {  	s0 =	sadd.s32 $0x8F2B, s0  }
0xbe: {  	[sflag:s0] =	ssyncadd.remote.s32 $0x1  }
0xbf: {  	_ =	sfence.sel $0xFFFF  }
0xc0: {  	[dreg:$0x0] =	wrdreg $0xFFFFFFFF;
	(pc) =	sbr.abs _section_cstart, $3  }
0xc1: {  	[dreg:$0x1] =	wrdreg $0xFFFFFFFF  }
0xc2: {  	_ =	task.clear_ibuf [dreg:s8], $0x2FFFF;
	_ =	strace $0x9FFFFFFF  }
0xc3: {  	(tm) =	ssettm $0x7FFFFFFF  }
tec
execute0_lowered:
.L_overlay_start_1:
0x0: {  	(tag) =	ssettag $0x1  }
0x1: {  	s1 =	rddreg [dreg:$0x0]  }
0x2: {  	s2 =	rddreg [dreg:$0x1];
	s0 =	srdreg.scid;
	s4 =	simm.s32 $0x0  }
0x3: {  	s6 =	stileid.u32;
	s7 =	simm.s32 $0x80;
	s8 =	simm.s32 $0x400  }
0x4: {  	s9 =	simm.s32 $0x1;
	s10 =	simm.s32 $0x10000;
	s11 =	simm.s32 $0x11000  }
0x5: {  	s12 =	simm.s32 $0x12000;
	s13 =	simm.s32 $0x13000;
	s14 =	simm.s32 $0x14000  }
0x6: {  	s15 =	simm.s32 $0x15000;
	s16 =	simm.s32 $0x16000;
	s0 =	sand.u32 $0x1, s0  }
.Ltmp0:
0x7: {  	s17 =	simm.s32 $0x17000;
	s3 =	ssub.s32 $0x2, s0;
	(pc) =	sbr.rel .LBB2_1-.Ltmp0, $4  }
0x8: {  	s18 =	simm.s32 $0x18000;
	s19 =	simm.s32 $0x8000;
	s5 =	sshrl.u32 s3, $0x1  }
0x9: {  	s20 =	simm.s32 $0x0;
	[smem:$0x7FF] =	sst s4;
	s3 =	ssub.s32 s3, s5  }
0xa: {  	v0 =	vimm.s32 $0x0;
	s6 =	sshll.u32 s6, $0xF;
	s0 =	sshll.u32 s0, $0x6;
	s31 =	smax.u32 s3, $0x1  }
0xb: {  	v1 =	vlaneseq.u32;
	v2 =	vimm.s32 $0x1;
	v3 =	vimm.s32 $0x80000000;
	_ =	strace $0x80000047;
	s5 =	sor.u32 s6, s0;
	[dreg:$0x3] =	wrdreg s31  }
.LBB2_99:
0xc: {  	s20 =	sadd.s32 $0x1, s20;
	s0 =	rddreg [dreg:$0x3]  }
0xd: {  	p0 =	sne.s32 s20, s0  }
.Ltmp1:
0xe: {  	_ = 	snop;
	(pc) =	sbr.rel @!p0 .LBB2_100-.Ltmp1, $1  }
0xf: {  	_ =	sdelay $0x3  }
.LBB2_1:
0x10: {  	s21 =	simm.s32 $0x0  }
.LBB2_2:
0x11: {  	s0 =	sshll.u32 s21, $0x4  }
0x12: {  	s22 =	sadd.s32 s5, s0  }
0x13: {  	s0 =	simm.s32 $0x0;
	s3 =	sadd.s32 s1, s22  }
0x14: {  	[tilespmem:s0], [sflag:$0x1] =	stream.strided.gather [hbm4b:s3+s7], $0x8000, s8, s7, $0x38;
	[tilespmem:$0x18100] =	vst v63  }
0x15: {  	_ =	swait.ge [sflag:s9], $0x8000  }
0x16: {  	[sflag:s9] =	ssyncset.done $0x0  }
0x17: {  	s23 =	simm.s32 $0x40;
	s3 =	simm.s32 $0x0;
	[sflag:s9] =	ssyncadd.s32 $0xFFFF8000  }
.LBB2_3:
0x18: {  	p0 =	sne.s32 s23, $0x3FC0;
	[tilespmem:s3+$0x17000] =	vst v0  }
0x19: {  	[tilespmem:s3+$0x10000] =	vst v0  }
0x1a: {  	[tilespmem:s3+$0x11000] =	vst v0  }
.Ltmp2:
0x1b: {  	[tilespmem:s3+$0x12000] =	vst v0;
	(pc) =	sbr.rel @p0 .LBB2_3-.Ltmp2, $4  }
0x1c: {  	[tilespmem:s3+$0x13000] =	vst v0  }
0x1d: {  	[tilespmem:s3+$0x14000] =	vst v0  }
0x1e: {  	[tilespmem:s3+$0x15000] =	vst v0  }
0x1f: {  	[tilespmem:s3+$0x16000] =	vst v0;
	s3 =	sshra.s32 s23, $0x2;
	s23 =	sadd.s32 $0x40, s23  }
0x20: {  	[tilespmem:s3+$0x17000] =	vst v0  }
0x21: {  	[tilespmem:s3+$0x10000] =	vst v0  }
0x22: {  	[tilespmem:s3+$0x11000] =	vst v0  }
0x23: {  	[tilespmem:s3+$0x12000] =	vst v0  }
0x24: {  	[tilespmem:s3+$0x13000] =	vst v0  }
0x25: {  	[tilespmem:s3+$0x14000] =	vst v0  }
0x26: {  	[tilespmem:s3+$0x15000] =	vst v0  }
0x27: {  	[tilespmem:s3+$0x16000] =	vst v0  }
0x28: {  	v4 =	vld [tilespmem:s0+$0x0];
	_ =	sdelay $0x4  }
0x29: {  	v5 =	vshra.s32 v4, $0x1F  }
0x2a: {  	v4 =	vxor.u32 v4, v5  }
0x2b: {  	v4 =	vshll.u32 v4, $0x4  }
0x2c: {  	v4 =	vor.u32 v1, v4  }
0x2d: {  	v4 =	vand.u32 $0xFFF, v4;
	_ =	sdelay $0x2  }
0x2e: {  	s23 =	simm.s32 $0x10  }
0x2f: {  	v5 =	vld [tilespmem:s23+$0x0]  }
0x30: {  	s30 =	sand.u32 $0xFF0, s0;
	[tilespmem:v4+s10+$0x0] =	vst.idx.add.s32.msk $0xffff, v2  }
0x31: {  	v4 =	vld [tilespmem:s30+$0x1000];
	_ =	sdelay $0x2  }
0x32: {  	v6 =	vshra.s32 v5, $0x1F  }
0x33: {  	v5 =	vxor.u32 v5, v6  }
0x34: {  	v5 =	vshll.u32 v5, $0x4;
	v6 =	vshra.s32 v4, $0x1F  }
0x35: {  	v5 =	vor.u32 v1, v5;
	v4 =	vxor.u32 v4, v6  }
0x36: {  	v5 =	vand.u32 $0xFFF, v5;
	v4 =	vshll.u32 v4, $0x4  }
0x37: {  	v4 =	vor.u32 v1, v4  }
0x38: {  	s24 =	simm.s32 $0x20;
	v4 =	vand.u32 $0xFFF, v4  }
0x39: {  	v6 =	vld [tilespmem:s24+$0x0];
	_ =	sdelay $0x1  }
0x3a: {  	s23 =	sand.u32 $0xFF0, s23;
	[tilespmem:v5+s10+$0x0] =	vst.idx.add.s32.msk $0xffff, v2  }
0x3b: {  	v5 =	vld [tilespmem:s23+$0x1000]  }
0x3c: {  	[tilespmem:v4+s11+$0x0] =	vst.idx.add.s32.msk $0xffff, v2  }
0x3d: {  	v7 =	vshra.s32 v6, $0x1F;
	v4 =	vld [tilespmem:s30+$0x2000]  }
0x3e: {  	v6 =	vxor.u32 v6, v7  }
0x3f: {  	v6 =	vshll.u32 v6, $0x4  }
0x40: {  	v7 =	vshra.s32 v5, $0x1F;
	v6 =	vor.u32 v1, v6  }
0x41: {  	v5 =	vxor.u32 v5, v7;
	v6 =	vand.u32 $0xFFF, v6  }
0x42: {  	v5 =	vshll.u32 v5, $0x4;
	v7 =	vshra.s32 v4, $0x1F  }
0x43: {  	v5 =	vor.u32 v1, v5;
	v4 =	vxor.u32 v4, v7  }
0x44: {  	s25 =	simm.s32 $0x30;
	v5 =	vand.u32 $0xFFF, v5;
	v4 =	vshll.u32 v4, $0x4  }
0x45: {  	v7 =	vld [tilespmem:s25+$0x0];
	v4 =	vor.u32 v1, v4  }
0x46: {  	s24 =	sand.u32 $0xFF0, s24;
	[tilespmem:v6+s10+$0x0] =	vst.idx.add.s32.msk $0xffff, v2;
	v4 =	vand.u32 $0xFFF, v4  }
0x47: {  	v6 =	vld [tilespmem:s24+$0x1000];
	_ =	sdelay $0x1  }
0x48: {  	[tilespmem:v5+s11+$0x0] =	vst.idx.add.s32.msk $0xffff, v2  }
0x49: {  	v5 =	vld [tilespmem:s23+$0x2000];
	v8 =	vshra.s32 v7, $0x1F  }
0x4a: {  	[tilespmem:v4+s12+$0x0] =	vst.idx.add.s32.msk $0xffff, v2;
	v4 =	vxor.u32 v7, v8  }
0x4b: {  	v8 =	vshra.s32 v6, $0x1F;
	v7 =	vld [tilespmem:s30+$0x3000];
	v4 =	vshll.u32 v4, $0x4  }
0x4c: {  	v6 =	vxor.u32 v6, v8;
	v4 =	vor.u32 v1, v4  }
0x4d: {  	v6 =	vshll.u32 v6, $0x4;
	v4 =	vand.u32 $0xFFF, v4  }
0x4e: {  	v8 =	vshra.s32 v5, $0x1F;
	v6 =	vor.u32 v1, v6  }
0x4f: {  	v5 =	vxor.u32 v5, v8;
	v6 =	vand.u32 $0xFFF, v6  }
0x50: {  	s26 =	simm.s32 $0x40;
	v5 =	vshll.u32 v5, $0x4;
	v8 =	vshra.s32 v7, $0x1F  }
0x51: {  	v9 =	vld [tilespmem:s26+$0x0];
	v5 =	vor.u32 v1, v5;
	v7 =	vxor.u32 v7, v8  }
0x52: {  	s25 =	sand.u32 $0xFF0, s25;
	v5 =	vand.u32 $0xFFF, v5;
	v7 =	vshll.u32 v7, $0x4;
	[tilespmem:v4+s10+$0x0] =	vst.idx.add.s32.msk $0xffff, v2  }
0x53: {  	v4 =	vor.u32 v1, v7;
	v7 =	vld [tilespmem:s25+$0x1000]  }
0x54: {  	[tilespmem:v6+s11+$0x0] =	vst.idx.add.s32.msk $0xffff, v2;
	v4 =	vand.u32 $0xFFF, v4  }
0x55: {  	v6 =	vld [tilespmem:s24+$0x2000]  }
0x56: {  	v8 =	vshra.s32 v9, $0x1F  }
0x57: {  	[tilespmem:v5+s12+$0x0] =	vst.idx.add.s32.msk $0xffff, v2;
	v5 =	vxor.u32 v9, v8  }
0x58: {  	v8 =	vld [tilespmem:s23+$0x3000];
	v5 =	vshll.u32 v5, $0x4;
	v9 =	vshra.s32 v7, $0x1F  }
0x59: {  	v5 =	vor.u32 v1, v5;
	[tilespmem:v4+s13+$0x0] =	vst.idx.add.s32.msk $0xffff, v2;
	v4 =	vxor.u32 v7, v9  }
0x5a: {  	v5 =	vand.u32 $0xFFF, v5;
	v9 =	vshra.s32 v6, $0x1F;
	v7 =	vld [tilespmem:s30+$0x4000];
	v4 =	vshll.u32 v4, $0x4  }
0x5b: {  	v6 =	vxor.u32 v6, v9;
	v4 =	vor.u32 v1, v4  }
0x5c: {  	v6 =	vshll.u32 v6, $0x4;
	v4 =	vand.u32 $0xFFF, v4  }
0x5d: {  	s6 =	simm.s32 $0x50;
	v9 =	vshra.s32 v8, $0x1F;
	v6 =	vor.u32 v1, v6  }
0x5e: {  	v10 =	vld [tilespmem:s6+$0x0];
	v8 =	vxor.u32 v8, v9;
	v6 =	vand.u32 $0xFFF, v6  }
0x5f: {  	s26 =	sand.u32 $0xFF0, s26;
	v8 =	vshll.u32 v8, $0x4;
	[tilespmem:v5+s10+$0x0] =	vst.idx.add.s32.msk $0xffff, v2;
	v9 =	vshra.s32 v7, $0x1F  }
0x60: {  	v5 =	vor.u32 v1, v8;
	v8 =	vld [tilespmem:s26+$0x1000];
	v7 =	vxor.u32 v7, v9  }
0x61: {  	v7 =	vshll.u32 v7, $0x4;
	[tilespmem:v4+s11+$0x0] =	vst.idx.add.s32.msk $0xffff, v2;
	v4 =	vand.u32 $0xFFF, v5  }
0x62: {  	v5 =	vor.u32 v1, v7;
	v7 =	vld [tilespmem:s25+$0x2000]  }
0x63: {  	[tilespmem:v6+s12+$0x0] =	vst.idx.add.s32.msk $0xffff, v2;
	v6 =	vshra.s32 v10, $0x1F;
	v5 =	vand.u32 $0xFFF, v5  }
0x64: {  	v9 =	vld [tilespmem:s24+$0x3000];
	v6 =	vxor.u32 v10, v6  }
0x65: {  	v10 =	vshra.s32 v8, $0x1F;
	v6 =	vshll.u32 v6, $0x4  }
0x66: {  	v6 =	vor.u32 v1, v6;
	[tilespmem:v4+s13+$0x0] =	vst.idx.add.s32.msk $0xffff, v2;
	v4 =	vxor.u32 v8, v10  }
0x67: {  	v6 =	vand.u32 $0xFFF, v6;
	v8 =	vld [tilespmem:s23+$0x4000];
	v10 =	vshra.s32 v7, $0x1F;
	v4 =	vshll.u32 v4, $0x4  }
0x68: {  	[tilespmem:v5+s14+$0x0] =	vst.idx.add.s32.msk $0xffff, v2;
	v5 =	vxor.u32 v7, v10;
	v4 =	vor.u32 v1, v4  }
0x69: {  	v10 =	vshra.s32 v9, $0x1F;
	v7 =	vld [tilespmem:s30+$0x5000];
	v4 =	vand.u32 $0xFFF, v4;
	v5 =	vshll.u32 v5, $0x4  }
0x6a: {  	s29 =	simm.s32 $0x60;
	v9 =	vxor.u32 v9, v10;
	v5 =	vor.u32 v1, v5  }
0x6b: {  	v10 =	vld [tilespmem:s29+$0x0];
	v9 =	vshll.u32 v9, $0x4;
	v5 =	vand.u32 $0xFFF, v5  }
0x6c: {  	s28 =	sand.u32 $0xFF0, s6;
	v9 =	vor.u32 v1, v9;
	[tilespmem:v6+s10+$0x0] =	vst.idx.add.s32.msk $0xffff, v2;
	v11 =	vshra.s32 v8, $0x1F  }
0x6d: {  	v6 =	vxor.u32 v8, v11;
	v8 =	vand.u32 $0xFFF, v9;
	v9 =	vld [tilespmem:s28+$0x1000]  }
0x6e: {  	v6 =	vshll.u32 v6, $0x4;
	[tilespmem:v4+s11+$0x0] =	vst.idx.add.s32.msk $0xffff, v2;
	v4 =	vshra.s32 v7, $0x1F  }
0x6f: {  	v6 =	vor.u32 v1, v6;
	v4 =	vxor.u32 v7, v4;
	v7 =	vld [tilespmem:s26+$0x2000]  }
0x70: {  	v6 =	vand.u32 $0xFFF, v6;
	[tilespmem:v5+s12+$0x0] =	vst.idx.add.s32.msk $0xffff, v2;
	v4 =	vshll.u32 v4, $0x4  }
0x71: {  	v11 =	vshra.s32 v10, $0x1F;
	v4 =	vor.u32 v1, v4;
	v5 =	vld [tilespmem:s25+$0x3000]  }
0x72: {  	v4 =	vand.u32 $0xFFF, v4;
	[tilespmem:v8+s13+$0x0] =	vst.idx.add.s32.msk $0xffff, v2;
	v8 =	vxor.u32 v10, v11;
	v10 =	vshra.s32 v9, $0x1F  }
0x73: {  	v11 =	vld [tilespmem:s24+$0x4000];
	v8 =	vshll.u32 v8, $0x4;
	v9 =	vxor.u32 v9, v10  }
0x74: {  	v10 =	vshra.s32 v7, $0x1F;
	v8 =	vor.u32 v1, v8;
	v9 =	vshll.u32 v9, $0x4  }
0x75: {  	[tilespmem:v6+s14+$0x0] =	vst.idx.add.s32.msk $0xffff, v2;
	v6 =	vxor.u32 v7, v10;
	v7 =	vand.u32 $0xFFF, v8;
	v8 =	vor.u32 v1, v9  }
0x76: {  	v9 =	vld [tilespmem:s23+$0x5000];
	v8 =	vand.u32 $0xFFF, v8;
	v6 =	vshll.u32 v6, $0x4  }
0x77: {  	v10 =	vshra.s32 v5, $0x1F;
	[tilespmem:v4+s15+$0x0] =	vst.idx.add.s32.msk $0xffff, v2;
	v4 =	vor.u32 v1, v6  }
0x78: {  	s6 =	simm.s32 $0x70;
	v5 =	vxor.u32 v5, v10;
	v6 =	vshra.s32 v11, $0x1F;
	v4 =	vand.u32 $0xFFF, v4;
	v10 =	vld [tilespmem:s30+$0x6000]  }
0x79: {  	v12 =	vld [tilespmem:s6+$0x0];
	v5 =	vshll.u32 v5, $0x4;
	v6 =	vxor.u32 v11, v6  }
0x7a: {  	v5 =	vor.u32 v1, v5;
	v6 =	vshll.u32 v6, $0x4;
	[tilespmem:v7+s10+$0x0] =	vst.idx.add.s32.msk $0xffff, v2  }
0x7b: {  	s29 =	sand.u32 $0xFF0, s29;
	v5 =	vand.u32 $0xFFF, v5;
	v6 =	vor.u32 v1, v6;
	[tilespmem:v8+s11+$0x0] =	vst.idx.add.s32.msk $0xffff, v2  }
0x7c: {  	v7 =	vshra.s32 v9, $0x1F;
	v8 =	vld [tilespmem:s29+$0x1000];
	v6 =	vand.u32 $0xFFF, v6  }
0x7d: {  	v7 =	vxor.u32 v9, v7;
	[tilespmem:v4+s12+$0x0] =	vst.idx.add.s32.msk $0xffff, v2;
	v4 =	vshra.s32 v10, $0x1F  }
0x7e: {  	v9 =	vld [tilespmem:s28+$0x2000];
	v7 =	vshll.u32 v7, $0x4;
	v4 =	vxor.u32 v10, v4  }
0x7f: {  	v7 =	vor.u32 v1, v7;
	v10 =	vld [tilespmem:s26+$0x3000];
	v4 =	vshll.u32 v4, $0x4  }
0x80: {  	v7 =	vand.u32 $0xFFF, v7;
	[tilespmem:v5+s13+$0x0] =	vst.idx.add.s32.msk $0xffff, v2;
	v5 =	vshra.s32 v12, $0x1F;
	v4 =	vor.u32 v1, v4  }
0x81: {  	v5 =	vxor.u32 v12, v5;
	[tilespmem:v6+s14+$0x0] =	vst.idx.add.s32.msk $0xffff, v2;
	v4 =	vand.u32 $0xFFF, v4;
	v6 =	vshra.s32 v8, $0x1F  }
0x82: {  	s31 =	simm.s32 $0x80;
	v11 =	vld [tilespmem:s25+$0x4000];
	v5 =	vshll.u32 v5, $0x4;
	v6 =	vxor.u32 v8, v6  }
0x83: {  	v12 =	vld [tilespmem:s31+$0x0];
	v8 =	vshra.s32 v9, $0x1F;
	v5 =	vor.u32 v1, v5;
	v6 =	vshll.u32 v6, $0x4  }
0x84: {  	v8 =	vxor.u32 v9, v8;
	v9 =	vld [tilespmem:s24+$0x5000];
	v5 =	vand.u32 $0xFFF, v5;
	v6 =	vor.u32 v1, v6  }
0x85: {  	[tilespmem:v7+s15+$0x0] =	vst.idx.add.s32.msk $0xffff, v2;
	v7 =	vshll.u32 v8, $0x4;
	v6 =	vand.u32 $0xFFF, v6  }
0x86: {  	v8 =	vshra.s32 v10, $0x1F;
	[tilespmem:v4+s16+$0x0] =	vst.idx.add.s32.msk $0xffff, v2;
	v4 =	vor.u32 v1, v7  }
0x87: {  	v13 =	vld [tilespmem:s23+$0x6000];
	v7 =	vxor.u32 v10, v8;
	v8 =	vshra.s32 v11, $0x1F;
	v4 =	vand.u32 $0xFFF, v4  }
0x88: {  	v7 =	vshll.u32 v7, $0x4;
	v8 =	vxor.u32 v11, v8;
	v11 =	vld [tilespmem:s30+$0x7000]  }
0x89: {  	v7 =	vor.u32 v1, v7;
	v8 =	vshll.u32 v8, $0x4;
	[tilespmem:v5+s10+$0x0] =	vst.idx.add.s32.msk $0xffff, v2  }
0x8a: {  	s30 =	sand.u32 $0xFF0, s6;
	v5 =	vor.u32 v1, v8;
	[tilespmem:v6+s11+$0x0] =	vst.idx.add.s32.msk $0xffff, v2;
	v6 =	vand.u32 $0xFFF, v7  }
0x8b: {  	v10 =	vld [tilespmem:s30+$0x1000];
	v7 =	vand.u32 $0xFFF, v5;
	v5 =	vshra.s32 v9, $0x1F  }
0x8c: {  	v5 =	vxor.u32 v9, v5;
	[tilespmem:v4+s12+$0x0] =	vst.idx.add.s32.msk $0xffff, v2;
	v4 =	vshra.s32 v13, $0x1F  }
0x8d: {  	v9 =	vld [tilespmem:s29+$0x2000];
	v5 =	vshll.u32 v5, $0x4;
	v4 =	vxor.u32 v13, v4;
	v13 =	vshra.s32 v11, $0x1F  }
0x8e: {  	v5 =	vor.u32 v1, v5;
	v8 =	vld [tilespmem:s28+$0x3000];
	v4 =	vshll.u32 v4, $0x4;
	v11 =	vxor.u32 v11, v13  }
0x8f: {  	v5 =	vand.u32 $0xFFF, v5;
	[tilespmem:v6+s13+$0x0] =	vst.idx.add.s32.msk $0xffff, v2;
	v4 =	vor.u32 v1, v4;
	v11 =	vshll.u32 v11, $0x4  }
0x90: {  	v13 =	vshra.s32 v12, $0x1F;
	[tilespmem:v7+s14+$0x0] =	vst.idx.add.s32.msk $0xffff, v2;
	v6 =	vand.u32 $0xFFF, v4;
	v4 =	vor.u32 v1, v11  }
0x91: {  	s3 =	simm.s32 $0x90;
	s0 =	simm.s32 $0x90;
	v12 =	vxor.u32 v12, v13;
	v11 =	vshra.s32 v10, $0x1F;
	v7 =	vld [tilespmem:s26+$0x4000];
	v4 =	vand.u32 $0xFFF, v4  }
.LBB2_5:
0x92: {  	v13 =	vld [tilespmem:s3+$0x0];
	p0 =	sne.s32 s0, $0xFF0;
	v12 =	vshll.u32 v12, $0x4;
	v10 =	vxor.u32 v10, v11;
	v11 =	vshra.s32 v9, $0x1F;
	s6 =	smov.u32 s0;
	s0 =	sadd.s32 $0x10, s0  }
0x93: {  	v12 =	vor.u32 v1, v12;
	v10 =	vshll.u32 v10, $0x4;
	v9 =	vxor.u32 v9, v11;
	v11 =	vld [tilespmem:s25+$0x5000]  }
0x94: {  	v14 =	vshra.s32 v8, $0x1F;
	v12 =	vand.u32 $0xFFF, v12;
	v10 =	vor.u32 v1, v10;
	[tilespmem:v5+s15+$0x0] =	vst.idx.add.s32.msk $0xffff, v2  }
0x95: {  	v9 =	vshll.u32 v9, $0x4;
	v8 =	vxor.u32 v8, v14;
	v5 =	vand.u32 $0xFFF, v10;
	[tilespmem:v6+s16+$0x0] =	vst.idx.add.s32.msk $0xffff, v2  }
0x96: {  	v6 =	vor.u32 v1, v9;
	v8 =	vshll.u32 v8, $0x4;
	v9 =	vshra.s32 v7, $0x1F;
	[tilespmem:v4+s17+$0x0] =	vst.idx.add.s32.msk $0xffff, v2  }
0x97: {  	v4 =	vand.u32 $0xFFF, v6;
	v6 =	vor.u32 v1, v8;
	v7 =	vxor.u32 v7, v9;
	v8 =	vld [tilespmem:s24+$0x6000]  }
0x98: {  	v7 =	vshll.u32 v7, $0x4;
	v14 =	vld [tilespmem:s23+$0x7000];
	s23 =	smov.u32 s24;
	s24 =	smov.u32 s25;
	s25 =	smov.u32 s26  }
0x99: {  	s26 =	smov.u32 s28;
	s28 =	smov.u32 s29;
	s29 =	smov.u32 s30;
	[tilespmem:v12+s10+$0x0] =	vst.idx.add.s32.msk $0xffff, v2;
	v7 =	vor.u32 v1, v7  }
0x9a: {  	v6 =	vand.u32 $0xFFF, v6;
	s30 =	sand.u32 $0xFF0, s31;
	s31 =	smov.u32 s6;
	[tilespmem:v5+s11+$0x0] =	vst.idx.add.s32.msk $0xffff, v2;
	v7 =	vand.u32 $0xFFF, v7;
	v5 =	vshra.s32 v11, $0x1F  }
0x9b: {  	v10 =	vld [tilespmem:s30+$0x1000];
	v5 =	vxor.u32 v11, v5  }
0x9c: {  	[tilespmem:v4+s12+$0x0] =	vst.idx.add.s32.msk $0xffff, v2;
	v4 =	vshll.u32 v5, $0x4;
	v5 =	vshra.s32 v8, $0x1F  }
.Ltmp3:
0x9d: {  	v9 =	vld [tilespmem:s29+$0x2000];
	v4 =	vor.u32 v1, v4;
	v11 =	vxor.u32 v8, v5;
	v12 =	vshra.s32 v14, $0x1F;
	(pc) =	sbr.rel @p0 .LBB2_5-.Ltmp3, $4  }
0x9e: {  	v8 =	vld [tilespmem:s28+$0x3000];
	v5 =	vand.u32 $0xFFF, v4;
	v4 =	vshll.u32 v11, $0x4;
	v11 =	vxor.u32 v14, v12  }
0x9f: {  	[tilespmem:v6+s13+$0x0] =	vst.idx.add.s32.msk $0xffff, v2;
	v4 =	vor.u32 v1, v4;
	v11 =	vshll.u32 v11, $0x4  }
0xa0: {  	v12 =	vshra.s32 v13, $0x1F;
	[tilespmem:v7+s14+$0x0] =	vst.idx.add.s32.msk $0xffff, v2;
	v6 =	vand.u32 $0xFFF, v4;
	v4 =	vor.u32 v1, v11  }
0xa1: {  	s3 =	sadd.s32 $0x10, s3;
	v12 =	vxor.u32 v13, v12;
	v11 =	vshra.s32 v10, $0x1F;
	v7 =	vld [tilespmem:s26+$0x4000];
	v4 =	vand.u32 $0xFFF, v4  }
0xa2: {  	v12 =	vshll.u32 v12, $0x4  }
0xa3: {  	v12 =	vor.u32 v1, v12  }
0xa4: {  	v12 =	vand.u32 $0xFFF, v12;
	_ =	sdelay $0x4  }
0xa5: {  	s31 =	sand.u32 $0xFF0, s31;
	[tilespmem:v12+s10+$0x0] =	vst.idx.add.s32.msk $0xffff, v2  }
0xa6: {  	v12 =	vld [tilespmem:s31+$0x1000];
	_ =	sdelay $0x3  }
0xa7: {  	v10 =	vxor.u32 v10, v11  }
0xa8: {  	v10 =	vshll.u32 v10, $0x4;
	v11 =	vshra.s32 v12, $0x1F  }
0xa9: {  	v10 =	vor.u32 v1, v10;
	v11 =	vxor.u32 v12, v11  }
0xaa: {  	v10 =	vand.u32 $0xFFF, v10;
	v11 =	vshll.u32 v11, $0x4  }
0xab: {  	v11 =	vor.u32 v1, v11  }
0xac: {  	v11 =	vand.u32 $0xFFF, v11;
	_ =	sdelay $0x2  }
0xad: {  	[tilespmem:v10+s11+$0x0] =	vst.idx.add.s32.msk $0xffff, v2  }
0xae: {  	v10 =	vld [tilespmem:s30+$0x2000]  }
0xaf: {  	[tilespmem:v11+s11+$0x0] =	vst.idx.add.s32.msk $0xffff, v2  }
0xb0: {  	v11 =	vld [tilespmem:s31+$0x2000]  }
0xb1: {  	v12 =	vshra.s32 v9, $0x1F  }
0xb2: {  	v9 =	vxor.u32 v9, v12  }
0xb3: {  	v12 =	vshra.s32 v10, $0x1F;
	v9 =	vshll.u32 v9, $0x4  }
0xb4: {  	v10 =	vxor.u32 v10, v12;
	v9 =	vor.u32 v1, v9  }
0xb5: {  	v10 =	vshll.u32 v10, $0x4;
	v9 =	vand.u32 $0xFFF, v9;
	v12 =	vshra.s32 v11, $0x1F  }
0xb6: {  	v10 =	vor.u32 v1, v10;
	v11 =	vxor.u32 v11, v12  }
0xb7: {  	v10 =	vand.u32 $0xFFF, v10;
	v11 =	vshll.u32 v11, $0x4  }
0xb8: {  	v11 =	vor.u32 v1, v11  }
0xb9: {  	v11 =	vand.u32 $0xFFF, v11  }
0xba: {  	[tilespmem:v9+s12+$0x0] =	vst.idx.add.s32.msk $0xffff, v2  }
0xbb: {  	v9 =	vld [tilespmem:s29+$0x3000]  }
0xbc: {  	[tilespmem:v10+s12+$0x0] =	vst.idx.add.s32.msk $0xffff, v2  }
0xbd: {  	v10 =	vld [tilespmem:s30+$0x3000]  }
0xbe: {  	v12 =	vshra.s32 v8, $0x1F;
	[tilespmem:v11+s12+$0x0] =	vst.idx.add.s32.msk $0xffff, v2  }
0xbf: {  	v8 =	vxor.u32 v8, v12;
	v11 =	vld [tilespmem:s31+$0x3000]  }
0xc0: {  	v12 =	vshra.s32 v9, $0x1F;
	v8 =	vshll.u32 v8, $0x4  }
0xc1: {  	v9 =	vxor.u32 v9, v12;
	v8 =	vor.u32 v1, v8  }
0xc2: {  	v12 =	vshra.s32 v10, $0x1F;
	v9 =	vshll.u32 v9, $0x4;
	v8 =	vand.u32 $0xFFF, v8  }
0xc3: {  	v10 =	vxor.u32 v10, v12;
	v9 =	vor.u32 v1, v9  }
0xc4: {  	v10 =	vshll.u32 v10, $0x4;
	v9 =	vand.u32 $0xFFF, v9;
	v12 =	vshra.s32 v11, $0x1F  }
0xc5: {  	v10 =	vor.u32 v1, v10;
	v11 =	vxor.u32 v11, v12  }
0xc6: {  	v10 =	vand.u32 $0xFFF, v10;
	v11 =	vshll.u32 v11, $0x4  }
0xc7: {  	[tilespmem:v8+s13+$0x0] =	vst.idx.add.s32.msk $0xffff, v2;
	v8 =	vor.u32 v1, v11  }
0xc8: {  	v11 =	vld [tilespmem:s28+$0x4000];
	v8 =	vand.u32 $0xFFF, v8  }
0xc9: {  	[tilespmem:v9+s13+$0x0] =	vst.idx.add.s32.msk $0xffff, v2  }
0xca: {  	v9 =	vld [tilespmem:s29+$0x4000]  }
0xcb: {  	[tilespmem:v10+s13+$0x0] =	vst.idx.add.s32.msk $0xffff, v2;
	v12 =	vshra.s32 v7, $0x1F  }
0xcc: {  	v10 =	vld [tilespmem:s30+$0x4000];
	v7 =	vxor.u32 v7, v12  }
0xcd: {  	v7 =	vshll.u32 v7, $0x4;
	v12 =	vshra.s32 v11, $0x1F;
	[tilespmem:v8+s13+$0x0] =	vst.idx.add.s32.msk $0xffff, v2  }
0xce: {  	v7 =	vor.u32 v1, v7;
	v8 =	vxor.u32 v11, v12;
	v11 =	vld [tilespmem:s31+$0x4000]  }
0xcf: {  	v7 =	vand.u32 $0xFFF, v7;
	v12 =	vshra.s32 v9, $0x1F;
	v8 =	vshll.u32 v8, $0x4  }
0xd0: {  	v9 =	vxor.u32 v9, v12;
	v8 =	vor.u32 v1, v8  }
0xd1: {  	v12 =	vshra.s32 v10, $0x1F;
	v9 =	vshll.u32 v9, $0x4;
	v8 =	vand.u32 $0xFFF, v8  }
0xd2: {  	v10 =	vxor.u32 v10, v12;
	v9 =	vor.u32 v1, v9  }
0xd3: {  	v12 =	vld [tilespmem:s25+$0x5000];
	v10 =	vshll.u32 v10, $0x4;
	v9 =	vand.u32 $0xFFF, v9;
	v13 =	vshra.s32 v11, $0x1F  }
0xd4: {  	[tilespmem:v7+s14+$0x0] =	vst.idx.add.s32.msk $0xffff, v2;
	v51 =	vor.u32 v1, v10;
	v10 =	vxor.u32 v11, v13  }
0xd5: {  	v7 =	vand.u32 $0xFFF, v51;
	v11 =	vld [tilespmem:s26+$0x5000];
	v10 =	vshll.u32 v10, $0x4  }
0xd6: {  	[tilespmem:v8+s14+$0x0] =	vst.idx.add.s32.msk $0xffff, v2;
	v8 =	vor.u32 v1, v10  }
0xd7: {  	v10 =	vld [tilespmem:s28+$0x5000];
	v8 =	vand.u32 $0xFFF, v8  }
0xd8: {  	v13 =	vshra.s32 v12, $0x1F;
	[tilespmem:v9+s14+$0x0] =	vst.idx.add.s32.msk $0xffff, v2  }
0xd9: {  	v9 =	vxor.u32 v12, v13;
	v12 =	vld [tilespmem:s29+$0x5000]  }
0xda: {  	v9 =	vshll.u32 v9, $0x4;
	[tilespmem:v7+s14+$0x0] =	vst.idx.add.s32.msk $0xffff, v2;
	v13 =	vshra.s32 v11, $0x1F  }
0xdb: {  	v52 =	vor.u32 v1, v9;
	v9 =	vxor.u32 v11, v13;
	v11 =	vld [tilespmem:s30+$0x5000]  }
0xdc: {  	v7 =	vand.u32 $0xFFF, v52;
	v9 =	vshll.u32 v9, $0x4;
	v13 =	vshra.s32 v10, $0x1F;
	[tilespmem:v8+s14+$0x0] =	vst.idx.add.s32.msk $0xffff, v2  }
0xdd: {  	v8 =	vor.u32 v1, v9;
	v9 =	vxor.u32 v10, v13;
	v10 =	vld [tilespmem:s31+$0x5000]  }
0xde: {  	[tilespmem:v5+s15+$0x0] =	vst.idx.add.s32.msk $0xffff, v2;
	v5 =	vand.u32 $0xFFF, v8;
	v8 =	vshll.u32 v9, $0x4;
	v9 =	vshra.s32 v12, $0x1F  }
0xdf: {  	[tilespmem:v6+s16+$0x0] =	vst.idx.add.s32.msk $0xffff, v2;
	v53 =	vor.u32 v1, v8;
	v8 =	vxor.u32 v12, v9  }
0xe0: {  	v9 =	vld [tilespmem:s24+$0x6000];
	v6 =	vand.u32 $0xFFF, v53;
	v8 =	vshll.u32 v8, $0x4;
	v12 =	vshra.s32 v11, $0x1F  }
0xe1: {  	[tilespmem:v7+s15+$0x0] =	vst.idx.add.s32.msk $0xffff, v2;
	v54 =	vor.u32 v1, v8;
	v8 =	vxor.u32 v11, v12  }
0xe2: {  	v11 =	vld [tilespmem:s25+$0x6000];
	v7 =	vand.u32 $0xFFF, v54;
	v8 =	vshll.u32 v8, $0x4;
	v12 =	vshra.s32 v10, $0x1F  }
0xe3: {  	[tilespmem:v5+s15+$0x0] =	vst.idx.add.s32.msk $0xffff, v2;
	v5 =	vor.u32 v1, v8;
	v8 =	vxor.u32 v10, v12  }
0xe4: {  	v10 =	vld [tilespmem:s26+$0x6000];
	v5 =	vand.u32 $0xFFF, v5;
	v8 =	vshll.u32 v8, $0x4  }
0xe5: {  	v12 =	vshra.s32 v9, $0x1F;
	[tilespmem:v6+s15+$0x0] =	vst.idx.add.s32.msk $0xffff, v2;
	v55 =	vor.u32 v1, v8  }
0xe6: {  	v8 =	vxor.u32 v9, v12;
	v9 =	vld [tilespmem:s28+$0x6000];
	v6 =	vand.u32 $0xFFF, v55  }
0xe7: {  	v12 =	vshra.s32 v11, $0x1F;
	v8 =	vshll.u32 v8, $0x4;
	[tilespmem:v7+s15+$0x0] =	vst.idx.add.s32.msk $0xffff, v2  }
0xe8: {  	v56 =	vor.u32 v1, v8;
	v8 =	vxor.u32 v11, v12;
	v11 =	vld [tilespmem:s29+$0x6000]  }
0xe9: {  	v7 =	vand.u32 $0xFFF, v56;
	v8 =	vshll.u32 v8, $0x4;
	v12 =	vshra.s32 v10, $0x1F;
	[tilespmem:v5+s15+$0x0] =	vst.idx.add.s32.msk $0xffff, v2  }
0xea: {  	v5 =	vor.u32 v1, v8;
	v8 =	vxor.u32 v10, v12;
	v10 =	vld [tilespmem:s30+$0x6000]  }
0xeb: {  	v5 =	vand.u32 $0xFFF, v5;
	v8 =	vshll.u32 v8, $0x4;
	v12 =	vshra.s32 v9, $0x1F;
	[tilespmem:v6+s15+$0x0] =	vst.idx.add.s32.msk $0xffff, v2  }
0xec: {  	v57 =	vor.u32 v1, v8;
	v8 =	vxor.u32 v9, v12;
	v9 =	vld [tilespmem:s31+$0x6000]  }
0xed: {  	v12 =	vld [tilespmem:s23+$0x7000];
	v6 =	vand.u32 $0xFFF, v57;
	v8 =	vshll.u32 v8, $0x4;
	v13 =	vshra.s32 v11, $0x1F  }
0xee: {  	[tilespmem:v7+s16+$0x0] =	vst.idx.add.s32.msk $0xffff, v2;
	v58 =	vor.u32 v1, v8;
	v8 =	vxor.u32 v11, v13  }
0xef: {  	v11 =	vld [tilespmem:s24+$0x7000];
	v7 =	vand.u32 $0xFFF, v58;
	v8 =	vshll.u32 v8, $0x4;
	v13 =	vshra.s32 v10, $0x1F  }
0xf0: {  	[tilespmem:v5+s16+$0x0] =	vst.idx.add.s32.msk $0xffff, v2;
	v5 =	vor.u32 v1, v8;
	v8 =	vxor.u32 v10, v13  }
0xf1: {  	v10 =	vld [tilespmem:s25+$0x7000];
	v5 =	vand.u32 $0xFFF, v5;
	v8 =	vshll.u32 v8, $0x4;
	v13 =	vshra.s32 v9, $0x1F  }
0xf2: {  	[tilespmem:v6+s16+$0x0] =	vst.idx.add.s32.msk $0xffff, v2;
	v59 =	vor.u32 v1, v8;
	v8 =	vxor.u32 v9, v13  }
0xf3: {  	v9 =	vld [tilespmem:s26+$0x7000];
	v6 =	vand.u32 $0xFFF, v59;
	v8 =	vshll.u32 v8, $0x4  }
0xf4: {  	[tilespmem:v7+s16+$0x0] =	vst.idx.add.s32.msk $0xffff, v2;
	v60 =	vor.u32 v1, v8  }
0xf5: {  	v8 =	vshra.s32 v12, $0x1F;
	v13 =	vld [tilespmem:s28+$0x7000];
	v7 =	vand.u32 $0xFFF, v60  }
0xf6: {  	v8 =	vxor.u32 v12, v8;
	v12 =	vshra.s32 v11, $0x1F;
	[tilespmem:v5+s16+$0x0] =	vst.idx.add.s32.msk $0xffff, v2  }
0xf7: {  	v5 =	vshll.u32 v8, $0x4;
	v8 =	vxor.u32 v11, v12;
	v11 =	vld [tilespmem:s29+$0x7000]  }
0xf8: {  	v5 =	vor.u32 v1, v5;
	v8 =	vshll.u32 v8, $0x4;
	[tilespmem:v6+s16+$0x0] =	vst.idx.add.s32.msk $0xffff, v2  }
0xf9: {  	v5 =	vand.u32 $0xFFF, v5;
	v61 =	vor.u32 v1, v8;
	v8 =	vshra.s32 v10, $0x1F;
	v12 =	vld [tilespmem:s30+$0x7000]  }
0xfa: {  	v6 =	vand.u32 $0xFFF, v61;
	v8 =	vxor.u32 v10, v8;
	v10 =	vshra.s32 v9, $0x1F;
	[tilespmem:v7+s16+$0x0] =	vst.idx.add.s32.msk $0xffff, v2  }
0xfb: {  	v62 =	vshll.u32 v8, $0x4;
	v8 =	vxor.u32 v9, v10;
	v9 =	vshra.s32 v13, $0x1F;
	v10 =	vld [tilespmem:s31+$0x7000]  }
0xfc: {  	v7 =	vor.u32 v1, v62;
	v8 =	vshll.u32 v8, $0x4;
	v9 =	vxor.u32 v13, v9  }
0xfd: {  	v13 =	vshra.s32 v11, $0x1F;
	v7 =	vand.u32 $0xFFF, v7;
	v8 =	vor.u32 v1, v8  }
0xfe: {  	v9 =	vshll.u32 v9, $0x4;
	v11 =	vxor.u32 v11, v13;
	v8 =	vand.u32 $0xFFF, v8  }
0xff: {  	v9 =	vor.u32 v1, v9;
	v13 =	vshra.s32 v12, $0x1F;
	v11 =	vshll.u32 v11, $0x4  }
0x100: {  	v9 =	vand.u32 $0xFFF, v9;
	v12 =	vxor.u32 v12, v13;
	v13 =	vshra.s32 v10, $0x1F  }
0x101: {  	[tilespmem:v4+s17+$0x0] =	vst.idx.add.s32.msk $0xffff, v2;
	v4 =	vor.u32 v1, v11;
	v11 =	vshll.u32 v12, $0x4;
	v10 =	vxor.u32 v10, v13  }
0x102: {  	[tilespmem:v5+s17+$0x0] =	vst.idx.add.s32.msk $0xffff, v2;
	v4 =	vand.u32 $0xFFF, v4;
	v5 =	vor.u32 v1, v11;
	v10 =	vshll.u32 v10, $0x4  }
0x103: {  	[tilespmem:v6+s17+$0x0] =	vst.idx.add.s32.msk $0xffff, v2;
	v5 =	vand.u32 $0xFFF, v5;
	v63 =	vor.u32 v1, v10  }
0x104: {  	[tilespmem:v7+s17+$0x0] =	vst.idx.add.s32.msk $0xffff, v2;
	v6 =	vand.u32 $0xFFF, v63  }
0x105: {  	[tilespmem:v8+s17+$0x0] =	vst.idx.add.s32.msk $0xffff, v2  }
0x106: {  	p3 =	por $0x1, $0x1;
	[tilespmem:v9+s17+$0x0] =	vst.idx.add.s32.msk $0xffff, v2  }
.Ltmp4:
0x107: {  	[tilespmem:v4+s17+$0x0] =	vst.idx.add.s32.msk $0xffff, v2;
	(pc) =	sbr.rel @!p3 .LBB2_7-.Ltmp4, $4  }
0x108: {  	[tilespmem:v5+s17+$0x0] =	vst.idx.add.s32.msk $0xffff, v2  }
0x109: {  	s24 =	simm.s32 $0x0;
	[tilespmem:v6+s17+$0x0] =	vst.idx.add.s32.msk $0xffff, v2  }
0x10a: {  	p1 =	por $0x0, $0x0;
	v12 =	vld [tilespmem:s24+$0x10000]  }
0x10b: {  	p2 =	por $0x0, $0x0;
	p0 =	por $0x0, $0x0;
	s23 =	simm.s32 $0x0;
	v10 =	vld [tilespmem:s24+$0x11000]  }
0x10c: {  	v11 =	vld [tilespmem:s24+$0x12000]  }
0x10d: {  	v8 =	vld [tilespmem:s24+$0x13000]  }
0x10e: {  	v7 =	vld [tilespmem:s24+$0x14000];
	_ =	sdelay $0x1  }
0x10f: {  	v6 =	vld [tilespmem:s24+$0x15000];
	p3 =	por $0x1, $0x1;
	v4 =	vadd.s32 v12, v10  }
.Ltmp5:
0x110: {  	s26 =	simm.s32 $0x10;
	v4 =	vadd.s32 v11, v4;
	(pc) =	sbr.rel @!p3 .LBB2_9-.Ltmp5, $4  }
0x111: {  	v5 =	vadd.s32 v8, v4;
	v4 =	vld [tilespmem:s26+$0x10000]  }
0x112: {  	v13 =	vadd.s32 v7, v5;
	v5 =	vld [tilespmem:s26+$0x11000]  }
0x113: {  	v9 =	vld [tilespmem:s24+$0x16000]  }
0x114: {  	v20 =	vld [tilespmem:s24+$0x17000];
	p1 =	por $0x1, $0x1;
	v25 =	vadd.s32 v6, v13  }
0x115: {  	_ =	sdelay $0x1  }
0x116: {  	v15 =	vld [tilespmem:s26+$0x12000]  }
0x117: {  	v14 =	vld [tilespmem:s26+$0x13000];
	v13 =	vadd.s32 v9, v25  }
0x118: {  	v17 =	vadd.s32 v20, v13;
	v13 =	vld [tilespmem:s26+$0x14000];
	_ =	sdelay $0x1  }
0x119: {  	v18 =	vadd.s32 v4, v5;
	(xrf0) =	vadd.scan.msk.s32 $0xffff, v17  }
0x11a: {  	v16 =	vld [tilespmem:s26+$0x15000];
	p3 =	por $0x1, $0x1;
	v18 =	vadd.s32 v15, v18  }
.Ltmp6:
0x11b: {  	s29 =	simm.s32 $0x20;
	v18 =	vadd.s32 v14, v18;
	(pc) =	sbr.rel @!p3 .LBB2_11-.Ltmp6, $4  }
0x11c: {  	v27 =	vld [tilespmem:s29+$0x10000];
	v18 =	vadd.s32 v13, v18  }
0x11d: {  	v28 =	vld [tilespmem:s29+$0x11000]  }
0x11e: {  	v19 =	vld [tilespmem:s26+$0x16000]  }
0x11f: {  	p2 =	por $0x1, $0x1;
	v20 =	vld [tilespmem:s26+$0x17000];
	v25 =	vadd.s32 v16, v18;
	v18, _, _ =	vpop (xrf0)  }
0x120: {  	_ =	sdelay $0x2  }
0x121: {  	v23 =	vsub.s32 v18, v17;
	v21 =	vadd.s32 v19, v25  }
0x122: {  	v33 =	vld [tilespmem:s29+$0x12000];
	v22 =	vadd.s32 v20, v21;
	v20 =	vadd.s32 v12, v23  }
0x123: {  	v30 =	vld [tilespmem:s29+$0x13000];
	[tilespmem:s24+$0x11000] =	vst v20;
	v20 =	vadd.s32 v10, v20  }
0x124: {  	v31 =	vld [tilespmem:s29+$0x14000];
	[tilespmem:s24+$0x12000] =	vst v20;
	v20 =	vadd.s32 v11, v20  }
0x125: {  	[tilespmem:s24+$0x13000] =	vst v20;
	v20 =	vadd.s32 v8, v20  }
0x126: {  	[tilespmem:s24+$0x10000] =	vst v23;
	v21 =	vadd.s32 v27, v28;
	(xrf0) =	vadd.scan.msk.s32 $0xffff, v22;
	v24 =	vadd.s32 v7, v20  }
0x127: {  	v34 =	vld [tilespmem:s29+$0x15000];
	p4 =	por $0x1, $0x1;
	v21 =	vadd.s32 v33, v21;
	[tilespmem:s24+$0x15000] =	vst v24;
	v24 =	vadd.s32 v6, v24  }
.Ltmp7:
0x128: {  	v23 =	vld [tilespmem:s29+$0x16000];
	v21 =	vadd.s32 v30, v21;
	[tilespmem:s24+$0x16000] =	vst v24;
	v29 =	vadd.s32 v9, v24;
	v24 =	vmov s23;
	(pc) =	sbr.rel @!p4 .LBB2_13-.Ltmp7, $4  }
0x129: {  	v21 =	vadd.s32 v31, v21;
	[tilespmem:s24+$0x14000] =	vst v20;
	v20 =	vld [tilespmem:s29+$0x17000]  }
0x12a: {  	s25 =	simm.s32 $0x30  }
0x12b: {  	v26 =	vbroadcast v18, $0xF;
	v41 =	vld [tilespmem:s25+$0x10000]  }
0x12c: {  	s0 =	simm.s32 $0x100;
	p3 =	por $0x1, $0x1;
	s28 =	simm.s32 $0x0;
	v42 =	vld [tilespmem:s25+$0x11000];
	v25 =	vadd.s32 v34, v21;
	v21, _, _ =	vpop (xrf0);
	[tilespmem:s24+$0x17000] =	vst v29  }
.LBB2_14:
0x12d: {  	p4 =	sne.s32 s0, $0x3FC0;
	v29 =	vld [tilespmem:s25+$0x12000];
	v25 =	vadd.s32 v23, v25;
	v32 =	vsub.s32 v21, v22;
	[tilespmem:v24+s18+$0x0] =	vst.idx.msk $0x1, v26;
	v35 =	vmov v23;
	s3 =	smov.u32 s25  }
0x12e: {  	v26 =	vld [tilespmem:s3+$0x13000];
	v22 =	vadd.s32 v20, v25;
	[tilespmem:s26+$0x10000] =	vst v32;
	v20 =	vadd.s32 v4, v32;
	v4 =	vmov v27  }
0x12f: {  	v25 =	vld [tilespmem:s3+$0x14000];
	(xrf0) =	vadd.scan.msk.s32 $0xffff, v22;
	[tilespmem:s26+$0x11000] =	vst v20;
	v20 =	vadd.s32 v5, v20;
	v5 =	vmov v28  }
0x130: {  	s28 =	sadd.s32 $0x1, s28;
	v32 =	vld [tilespmem:s3+$0x15000];
	[tilespmem:s26+$0x12000] =	vst v20;
	v20 =	vadd.s32 v15, v20;
	v15 =	vmov v33;
	v27 =	vmov v41  }
.Ltmp8:
0x131: {  	v24 =	vmov s28;
	v23 =	vld [tilespmem:s3+$0x16000];
	v37 =	vadd.s32 v27, v42;
	[tilespmem:s26+$0x13000] =	vst v20;
	v36 =	vadd.s32 v14, v20;
	v14 =	vmovc v30;
	v28 =	vmovc v42;
	(pc) =	sbr.rel @p4 .LBB2_14-.Ltmp8, $4  }
0x132: {  	v20 =	vld [tilespmem:s3+$0x17000];
	v37 =	vadd.s32 v29, v37;
	[tilespmem:s26+$0x14000] =	vst v36;
	v36 =	vadd.s32 v13, v36;
	v33 =	vmovc v29;
	v13 =	vmov v31  }
0x133: {  	s25 =	sshra.s32 s0, $0x2;
	v29 =	vadd.s32 v26, v37;
	[tilespmem:s26+$0x15000] =	vst v36;
	v36 =	vadd.s32 v16, v36;
	v30 =	vmovc v26;
	v16 =	vmov v34  }
0x134: {  	v26 =	vbroadcast v21, $0xF;
	v41 =	vld [tilespmem:s25+$0x10000];
	v29 =	vadd.s32 v25, v29;
	[tilespmem:s26+$0x16000] =	vst v36;
	v36 =	vadd.s32 v19, v36;
	v31 =	vmovc v25  }
0x135: {  	s0 =	sadd.s32 $0x40, s0;
	v19 =	vmov v35;
	v42 =	vld [tilespmem:s25+$0x11000];
	v25 =	vadd.s32 v32, v29;
	v21, _, _ =	vpop (xrf0);
	[tilespmem:s26+$0x17000] =	vst v36;
	v34 =	vmov v32;
	s26 =	smov.u32 s29;
	s29 =	smov.u32 s3  }
0x136: {  	_ =	sdelay $0x1  }
0x137: {  	v35 =	vmovc v4;
	v36 =	vmov v5;
	v37 =	vmov v15;
	v39 =	vmov v14  }
0x138: {  	v38 =	vmovc v13;
	v40 =	vmovc v16;
	v29 =	vmov v27;
	v32 =	vmov v28;
	v15 =	vmov v33  }
0x139: {  	s30 =	smov.u32 s26;
	v14 =	vmovc v30;
	v13 =	vmovc v31;
	v16 =	vmov v34;
	s26 =	smov.u32 s29;
	v4 =	vmov v41;
	v5 =	vmov v42  }
.LBB2_16:
0x13a: {  	_ =	sdelay $0x1  }
0x13b: {  	v25 =	vadd.s32 @p1 v23, v25  }
0x13c: {  	v27 =	vld [tilespmem:s25+$0x12000];
	v20 =	vadd.s32 @p1 v20, v25  }
0x13d: {  	v22 =	vsub.s32 @p2 v21, v22;
	[tilespmem:v24+s18+$0x0] =	vst.idx.msk @p3 $0x1, v26;
	v55 =	vld [tilespmem:s25+$0x13000];
	(xrf0) =	vadd.scan.msk.s32 @p1 $0xffff, v20  }
0x13e: {  	v56 =	vld [tilespmem:s25+$0x14000];
	s0 =	sadd.s32 @p3 $0x1, s28;
	s3 =	simm.s32 $0x0;
	[tilespmem:s30+$0x10000] =	vst @p2 v22;
	v22 =	vadd.s32 @p2 v35, v22  }
0x13f: {  	v57 =	vld [tilespmem:s25+$0x15000];
	v28 =	vadd.s32 v4, v5;
	v21 =	vbroadcast @p2 v21, $0xF;
	s3 =	smov.u32 @p3 s0;
	[tilespmem:s30+$0x11000] =	vst @p2 v22;
	v22 =	vadd.s32 @p2 v36, v22  }
0x140: {  	v31 =	vld [tilespmem:s25+$0x16000];
	v12 =	vpsel p1, v29, v12;
	v30 =	vmov @p2 s3;
	[tilespmem:s30+$0x12000] =	vst @p2 v22;
	v22 =	vadd.s32 @p2 v37, v22  }
0x141: {  	v33 =	vld [tilespmem:s25+$0x17000];
	v30 =	vpsel p2, v30, v0;
	[tilespmem:s30+$0x13000] =	vst @p2 v22;
	v22 =	vadd.s32 @p2 v39, v22;
	v28 =	vadd.s32 v27, v28  }
0x142: {  	v10 =	vpsel p1, v32, v10;
	[tilespmem:s30+$0x14000] =	vst @p2 v22;
	v22 =	vadd.s32 @p2 v38, v22;
	v28 =	vadd.s32 v55, v28  }
0x143: {  	v17 =	vpsel p1, v20, v17;
	[tilespmem:s30+$0x15000] =	vst @p2 v22;
	v22 =	vadd.s32 @p2 v40, v22;
	v28 =	vadd.s32 v56, v28;
	v34, _, _ =	vpop @p1 (xrf0)  }
0x144: {  	[tilespmem:s30+$0x16000] =	vst @p2 v22;
	v19 =	vadd.s32 @p2 v19, v22;
	v58 =	vadd.s32 v57, v28;
	v18 =	vpsel p1, v34, v18  }
0x145: {  	s6 =	smov.u32 s24;
	s0 =	smov.u32 @p1 s26;
	[tilespmem:s30+$0x17000] =	vst @p2 v19;
	v19 =	vpsel p2, v21, v0;
	v59 =	vadd.s32 v31, v58;
	v17 =	vsub.s32 @p1 v18, v17  }
0x146: {  	s6 =	smov.u32 @p1 s0;
	s0 =	sadd.s32 @p2 $0x1, s3;
	s3 =	simm.s32 $0x0;
	[tilespmem:v30+s18+$0x0] =	vst.idx.msk @p2 $0x1, v19;
	v60 =	vadd.s32 v33, v59;
	v12 =	vadd.s32 @p1 v12, v17  }
0x147: {  	v11 =	vpsel p1, v15, v11;
	s3 =	smov.u32 @p2 s0;
	[tilespmem:s6+$0x10000] =	vst @p1 v17;
	(xrf0) =	vadd.scan.msk.s32 $0xffff, v60;
	v10 =	vadd.s32 @p1 v10, v12  }
0x148: {  	[tilespmem:s6+$0x12000] =	vst @p1 v10;
	v10 =	vadd.s32 @p1 v11, v10;
	v11 =	vmov @p1 s3  }
0x149: {  	v8 =	vpsel p1, v14, v8;
	[tilespmem:s6+$0x11000] =	vst @p1 v12;
	v12 =	vmov @p1 v13;
	v13 =	vmov @p1 v16  }
0x14a: {  	[tilespmem:s6+$0x13000] =	vst @p1 v10;
	v8 =	vadd.s32 @p1 v8, v10;
	v10 =	vpsel p1, v11, v0;
	v7 =	vpsel p1, v12, v7  }
0x14b: {  	v6 =	vpsel p1, v13, v6;
	[tilespmem:s6+$0x14000] =	vst @p1 v8;
	v11 =	vmov @p1 v23;
	v7 =	vadd.s32 @p1 v7, v8  }
0x14c: {  	v8 =	vpsel p1, v11, v9;
	[tilespmem:s6+$0x15000] =	vst @p1 v7;
	v6 =	vadd.s32 @p1 v6, v7  }
0x14d: {  	v7 =	vbroadcast @p1 v18, $0xF;
	v61, _, _ =	vpop (xrf0);
	[tilespmem:s6+$0x16000] =	vst @p1 v6;
	v6 =	vadd.s32 @p1 v8, v6  }
0x14e: {  	v62 =	vsub.s32 v61, v60;
	[tilespmem:s6+$0x17000] =	vst @p1 v6  }
0x14f: {  	v6 =	vpsel p1, v7, v0;
	[tilespmem:s25+$0x10000] =	vst v62  }
0x150: {  	v4 =	vadd.s32 v4, v62;
	[tilespmem:v10+s18+$0x0] =	vst.idx.msk @p1 $0x1, v6  }
0x151: {  	s0 =	sadd.s32 @p1 $0x1, s3;
	s3 =	simm.s32 $0x0;
	[tilespmem:s25+$0x11000] =	vst v4;
	v4 =	vadd.s32 v5, v4  }
0x152: {  	s3 =	smov.u32 @p1 s0;
	[tilespmem:s25+$0x12000] =	vst v4;
	v4 =	vadd.s32 v27, v4  }
0x153: {  	v5 =	vmov s3;
	p1 =	por $0x1, $0x1;
	[tilespmem:s25+$0x13000] =	vst v4;
	v4 =	vadd.s32 v55, v4  }
.Ltmp9:
0x154: {  	[tilespmem:s25+$0x14000] =	vst v4;
	v4 =	vadd.s32 v56, v4;
	(pc) =	sbr.rel @!p1 .LBB2_17-.Ltmp9, $4  }
0x155: {  	[tilespmem:s25+$0x15000] =	vst v4;
	v4 =	vadd.s32 v57, v4  }
0x156: {  	v63 =	vbroadcast v61, $0xF;
	[tilespmem:s25+$0x16000] =	vst v4;
	v4 =	vadd.s32 v31, v4  }
0x157: {  	[tilespmem:s25+$0x17000] =	vst v4  }
0x158: {  	[tilespmem:v5+s18+$0x0] =	vst.idx.msk $0x1, v63  }
0x159: {  	v4 =	vld [tilespmem:s24+$0x18000];
	_ =	sdelay $0x4  }
0x15a: {  	(xrf0) =	vadd.scan.msk.s32 $0xffff, v4;
	_ =	sdelay $0x4  }
0x15b: {  	p1 =	por $0x1, $0x1  }
.Ltmp10:
0x15c: {  	v5, _, _ =	vpop (xrf0);
	(pc) =	sbr.rel @!p1 .LBB2_19-.Ltmp10, $4  }
0x15d: {  	(v2sf) =	vpush v5, $0xF  }
0x15e: {  	v4 =	vsub.s32 s23, v4  }
0x15f: {  	s3 =	simm.s32 $0x10;
	v4 =	vadd.s32 v5, v4  }
0x160: {  	s25 =	simm.s32 $0x80;
	p0 =	por $0x1, $0x1;
	s0 =	simm.s32 $0x0;
	[tilespmem:s24+$0x18000] =	vst v4  }
.LBB2_20:
0x161: {  	p1 =	sne.s32 s25, $0x3C0;
	v4 =	vld [tilespmem:s3+$0x18000];
	_ =	sdelay $0x4  }
0x162: {  	(xrf0) =	vadd.scan.msk.s32 $0xffff, v4;
	_ =	sdelay $0x5  }
.Ltmp11:
0x163: {  	v5, _, _ =	vpop (xrf0);
	s6 =	spop (v2sf);
	(pc) =	sbr.rel @p1 .LBB2_20-.Ltmp11, $4  }
0x164: {  	(v2sf) =	vpush v5, $0xF;
	s0 =	sadd.s32 s0, s6  }
0x165: {  	v4 =	vsub.s32 s0, v4  }
0x166: {  	v4 =	vadd.s32 v5, v4  }
0x167: {  	[tilespmem:s3+$0x18000] =	vst v4;
	s3 =	sshra.s32 s25, $0x2;
	s25 =	sadd.s32 $0x40, s25  }
0x168: {  	s24 =	smov.u32 s3  }
.LBB2_22:
0x169: {  	_ =	sdelay $0x1  }
0x16a: {  	v4 =	vld [tilespmem:s24+$0x18000];
	_ =	sdelay $0x4  }
0x16b: {  	(xrf0) =	vadd.scan.msk.s32 $0xffff, v4;
	_ =	sdelay $0x2  }
0x16c: {  	s6 =	simm.s32 $0x0;
	s3 =	spop @p0 (v2sf)  }
0x16d: {  	v5 =	vmov s6;
	s0 =	sadd.s32 @p0 s0, s3  }
0x16e: {  	s23 =	smov.u32 @p0 s0  }
0x16f: {  	v6, _, _ =	vpop (xrf0);
	v4 =	vsub.s32 s23, v4  }
0x170: {  	(v2sf) =	vpush v6, $0xF;
	v4 =	vadd.s32 v6, v4  }
0x171: {  	[tilespmem:s24+$0x18000] =	vst v4  }
0x172: {  	s0 =	simm.s32 $0x0;
	v10 =	vld.idx.msk [tilespmem:v5+s18+$0x0], $0xffff  }
0x173: {  	v4 =	vld [tilespmem:s0+$0x17000]  }
0x174: {  	v5 =	vld [tilespmem:s0+$0x10000]  }
0x175: {  	s30 =	simm.s32 $0x1;
	v6 =	vld [tilespmem:s0+$0x11000]  }
0x176: {  	v9 =	vmov s30;
	v7 =	vld [tilespmem:s0+$0x12000]  }
0x177: {  	v8 =	vld [tilespmem:s0+$0x13000]  }
0x178: {  	v11 =	vld [tilespmem:s0+$0x14000];
	v4 =	vadd.s32 v10, v4  }
0x179: {  	v12 =	vld [tilespmem:s0+$0x15000];
	v5 =	vadd.s32 v10, v5;
	[tilespmem:s0+$0x17000] =	vst v4  }
0x17a: {  	v13 =	vld [tilespmem:s0+$0x16000];
	[tilespmem:s0+$0x10000] =	vst v5;
	v5 =	vadd.s32 v10, v6  }
0x17b: {  	s3 =	simm.s32 $0x10;
	v4 =	vld.idx.msk [tilespmem:v9+s18+$0x0], $0xffff;
	[tilespmem:s0+$0x11000] =	vst v5;
	v5 =	vadd.s32 v10, v7  }
0x17c: {  	v6 =	vld [tilespmem:s3+$0x17000];
	[tilespmem:s0+$0x12000] =	vst v5;
	v5 =	vadd.s32 v10, v8  }
0x17d: {  	v7 =	vld [tilespmem:s3+$0x10000];
	v8 =	vadd.s32 v10, v11;
	[tilespmem:s0+$0x13000] =	vst v5  }
0x17e: {  	s24 =	simm.s32 $0x2;
	v11 =	vadd.s32 v10, v12;
	v5 =	vld [tilespmem:s3+$0x11000];
	[tilespmem:s0+$0x14000] =	vst v8  }
0x17f: {  	s25 =	simm.s32 $0xC0;
	s23 =	simm.s32 $0x80;
	v9 =	vmov s24;
	v10 =	vadd.s32 v10, v13;
	v8 =	vld [tilespmem:s3+$0x12000];
	[tilespmem:s0+$0x15000] =	vst v11;
	s31 =	spop (v2sf)  }
.LBB2_23:
0x180: {  	p0 =	sne.s32 s25, $0x3FC0;
	v11 =	vld [tilespmem:s3+$0x13000];
	[tilespmem:s0+$0x16000] =	vst v10;
	s0 =	smov.u32 s3  }
0x181: {  	v12 =	vmov v4;
	v10 =	vld [tilespmem:s0+$0x14000];
	v6 =	vadd.s32 v4, v6  }
0x182: {  	v4 =	vadd.s32 v12, v7;
	v13 =	vld [tilespmem:s0+$0x15000];
	[tilespmem:s0+$0x17000] =	vst v6  }
0x183: {  	[tilespmem:s0+$0x10000] =	vst v4;
	v5 =	vadd.s32 v12, v5;
	v14 =	vld [tilespmem:s0+$0x16000]  }
.Ltmp12:
0x184: {  	s3 =	sshra.s32 s23, $0x2;
	s23 =	smov.u32 s25;
	v4 =	vld.idx.msk [tilespmem:v9+s18+$0x0], $0xffff;
	[tilespmem:s0+$0x11000] =	vst v5;
	v5 =	vadd.s32 v12, v8;
	(pc) =	sbr.rel @p0 .LBB2_23-.Ltmp12, $4  }
0x185: {  	v6 =	vld [tilespmem:s3+$0x17000];
	[tilespmem:s0+$0x12000] =	vst v5;
	v5 =	vadd.s32 v12, v11  }
0x186: {  	v7 =	vld [tilespmem:s3+$0x10000];
	[tilespmem:s0+$0x13000] =	vst v5;
	v8 =	vadd.s32 v12, v10  }
0x187: {  	s24 =	sadd.s32 $0x1, s24;
	v5 =	vld [tilespmem:s3+$0x11000];
	[tilespmem:s0+$0x14000] =	vst v8;
	v10 =	vadd.s32 v12, v13  }
0x188: {  	s25 =	sadd.s32 $0x40, s25;
	v9 =	vmov s24;
	v8 =	vld [tilespmem:s3+$0x12000];
	[tilespmem:s0+$0x15000] =	vst v10;
	v10 =	vadd.s32 v12, v14  }
0x189: {  	v11 =	vld [tilespmem:s3+$0x13000]  }
0x18a: {  	v12 =	vld [tilespmem:s3+$0x14000]  }
0x18b: {  	v13 =	vld [tilespmem:s3+$0x15000];
	[tilespmem:s0+$0x16000] =	vst v10;
	v6 =	vadd.s32 v4, v6  }
0x18c: {  	v7 =	vadd.s32 v4, v7;
	[tilespmem:s3+$0x17000] =	vst v6;
	v6 =	vld [tilespmem:s3+$0x16000]  }
0x18d: {  	s30 =	sshra.s32 s23, $0x2;
	[tilespmem:s3+$0x10000] =	vst v7;
	v5 =	vadd.s32 v4, v5;
	v7 =	vld.idx.msk [tilespmem:v9+s18+$0x0], $0xffff  }
0x18e: {  	[tilespmem:s3+$0x11000] =	vst v5;
	v5 =	vadd.s32 v4, v8;
	v8 =	vld [tilespmem:s30+$0x17000]  }
0x18f: {  	v9 =	vld [tilespmem:s30+$0x10000];
	[tilespmem:s3+$0x12000] =	vst v5;
	v5 =	vadd.s32 v4, v11  }
0x190: {  	v10 =	vld [tilespmem:s30+$0x11000];
	[tilespmem:s3+$0x13000] =	vst v5;
	v5 =	vadd.s32 v4, v12  }
0x191: {  	v11 =	vld [tilespmem:s30+$0x12000];
	[tilespmem:s3+$0x14000] =	vst v5;
	v5 =	vadd.s32 v4, v13  }
0x192: {  	v4 =	vadd.s32 v4, v6;
	[tilespmem:s3+$0x15000] =	vst v5;
	v5 =	vld [tilespmem:s30+$0x13000]  }
0x193: {  	[tilespmem:s3+$0x16000] =	vst v4;
	v4 =	vld [tilespmem:s30+$0x14000];
	v6 =	vadd.s32 v7, v8  }
0x194: {  	v8 =	vadd.s32 v7, v9;
	v9 =	vld [tilespmem:s30+$0x15000];
	[tilespmem:s30+$0x17000] =	vst v6  }
0x195: {  	[tilespmem:s30+$0x10000] =	vst v8;
	v6 =	vadd.s32 v7, v10;
	v8 =	vld [tilespmem:s30+$0x16000]  }
0x196: {  	[tilespmem:s30+$0x11000] =	vst v6;
	v6 =	vadd.s32 v7, v11  }
0x197: {  	[tilespmem:s30+$0x12000] =	vst v6;
	v5 =	vadd.s32 v7, v5  }
0x198: {  	v4 =	vadd.s32 v7, v4;
	[tilespmem:s30+$0x13000] =	vst v5  }
0x199: {  	[tilespmem:s30+$0x14000] =	vst v4;
	v4 =	vadd.s32 v7, v9  }
0x19a: {  	[tilespmem:s30+$0x15000] =	vst v4;
	v4 =	vadd.s32 v7, v8  }
0x19b: {  	[tilespmem:s30+$0x16000] =	vst v4  }
0x19c: {  	v4 =	vld [tilespmem:$0x0]  }
0x19d: {  	v5 =	vld [tilespmem:$0x1000]  }
0x19e: {  	v6 =	vld [tilespmem:$0x2000]  }
0x19f: {  	v7 =	vld [tilespmem:$0x3000]  }
0x1a0: {  	v8 =	vld [tilespmem:$0x4000];
	_ =	sdelay $0x1  }
0x1a1: {  	v9 =	vld [tilespmem:$0x5000];
	v10 =	vshra.s32 v4, $0x1F;
	v11 =	vshra.s32 v5, $0x1F  }
0x1a2: {  	v12 =	vld [tilespmem:$0x6000];
	v10 =	vor.u32 $0x80000000, v10;
	v11 =	vor.u32 $0x80000000, v11  }
0x1a3: {  	v13 =	vld [tilespmem:$0x7000];
	v14 =	vxor.u32 v4, v10;
	v16 =	vxor.u32 v5, v11  }
0x1a4: {  	v4 =	vshra.s32 v6, $0x1F;
	v5 =	vshra.s32 v7, $0x1F;
	v10 =	vshra.s32 v8, $0x1F  }
0x1a5: {  	v4 =	vor.u32 $0x80000000, v4;
	v5 =	vor.u32 $0x80000000, v5;
	v10 =	vor.u32 $0x80000000, v10  }
0x1a6: {  	s31 =	simm.s32 $0x1;
	v15 =	vshll.u32 v16, $0x4;
	v6 =	vxor.u32 v6, v4;
	v4 =	vxor.u32 v7, v5  }
0x1a7: {  	s0 =	smin.u32 s31, $0xFF;
	v5 =	vxor.u32 v8, v10;
	v7 =	vshra.s32 v9, $0x1F;
	v8 =	vshra.s32 v12, $0x1F  }
0x1a8: {  	s0 =	sshll.u32 s0, $0x4;
	v10 =	vshra.s32 v13, $0x1F;
	v15 =	vor.u32 v1, v15;
	v7 =	vor.u32 $0x80000000, v7  }
0x1a9: {  	v23 =	vld [tilespmem:s0+$0x7000];
	v11 =	vor.u32 $0x80000000, v8;
	v10 =	vor.u32 $0x80000000, v10;
	v17 =	vshll.u32 v6, $0x4  }
0x1aa: {  	v18 =	vld [tilespmem:s0+$0x0];
	v21 =	vand.u32 $0xFFF, v15;
	v8 =	vxor.u32 v9, v7;
	v9 =	vxor.u32 v12, v11  }
0x1ab: {  	v20 =	vld [tilespmem:s0+$0x1000];
	v7 =	vxor.u32 v13, v10;
	v12 =	vshll.u32 v5, $0x4;
	v13 =	vshll.u32 v14, $0x4  }
0x1ac: {  	v22 =	vld [tilespmem:s0+$0x2000];
	v17 =	vor.u32 v1, v17;
	v10 =	vshll.u32 v8, $0x4;
	v11 =	vshll.u32 v7, $0x4  }
0x1ad: {  	v26 =	vld [tilespmem:s0+$0x4000];
	v12 =	vor.u32 v1, v12;
	v13 =	vor.u32 v1, v13;
	v24 =	vand.u32 $0xFFF, v17  }
0x1ae: {  	v15 =	vshll.u32 v9, $0x4;
	v17 =	vld [tilespmem:s0+$0x3000];
	v19 =	vand.u32 $0xFFF, v13;
	v13 =	vshll.u32 v4, $0x4  }
0x1af: {  	v29 =	vld [tilespmem:s0+$0x5000];
	v15 =	vor.u32 v1, v15;
	v10 =	vor.u32 v1, v10;
	v30 =	vand.u32 $0xFFF, v12  }
0x1b0: {  	v35 =	vld [tilespmem:s0+$0x6000];
	v11 =	vor.u32 v1, v11;
	v27 =	vand.u32 $0xFFF, v10;
	v10 =	vshra.s32 v18, $0x1F  }
0x1b1: {  	v12 =	vshra.s32 v22, $0x1F;
	v28 =	vand.u32 $0xFFF, v15;
	v10 =	vor.u32 $0x80000000, v10;
	v34 =	vld.idx.msk [tilespmem:v21+s11+$0x0], $0xffff  }
0x1b2: {  	v13 =	vor.u32 v1, v13;
	v31 =	vand.u32 $0xFFF, v11;
	v10 =	vxor.u32 v18, v10;
	v18 =	vld.idx.msk [tilespmem:v24+s12+$0x0], $0xffff  }
0x1b3: {  	v12 =	vor.u32 $0x80000000, v12;
	v25 =	vand.u32 $0xFFF, v13;
	v13 =	vshra.s32 v17, $0x1F;
	v32 =	vld.idx.msk [tilespmem:v19+s10+$0x0], $0xffff  }
0x1b4: {  	v12 =	vxor.u32 v22, v12;
	v22 =	vshra.s32 v29, $0x1F;
	v13 =	vor.u32 $0x80000000, v13;
	v60 =	vld.idx.msk [tilespmem:v30+s14+$0x0], $0xffff  }
0x1b5: {  	v15 =	vshra.s32 v26, $0x1F;
	v13 =	vxor.u32 v17, v13;
	v17 =	vor.u32 $0x80000000, v22;
	v22 =	vld.idx.msk [tilespmem:v27+s15+$0x0], $0xffff  }
0x1b6: {  	v33 =	vshra.s32 v23, $0x1F;
	v11 =	vshra.s32 v20, $0x1F;
	v15 =	vor.u32 $0x80000000, v15;
	v36 =	vld.idx.msk [tilespmem:v28+s16+$0x0], $0xffff  }
0x1b7: {  	v11 =	vor.u32 $0x80000000, v11;
	v15 =	vxor.u32 v26, v15;
	v26 =	vor.u32 $0x80000000, v33;
	v38 =	vld.idx.msk [tilespmem:v31+s17+$0x0], $0xffff  }
0x1b8: {  	v63 =	vshra.s32 v35, $0x1F;
	v11 =	vxor.u32 v20, v11;
	v23 =	vxor.u32 v23, v26;
	v20 =	vld.idx.msk [tilespmem:v25+s13+$0x0], $0xffff  }
0x1b9: {  	v17 =	vxor.u32 v29, v17;
	v37 =	vshll.u32 v34, $0x4;
	v34 =	vshrl.u32 v34, $0xB;
	[tilespmem:v19+s10+$0x0] =	vst.idx.add.s32.msk $0xffff, v2  }
0x1ba: {  	v37 =	vand.u32 $0x7FF0, v37;
	[tilespmem:v21+s11+$0x0] =	vst.idx.add.s32.msk $0xffff, v2;
	v39 =	vshll.u32 v18, $0x4;
	v18 =	vshrl.u32 v18, $0xB  }
0x1bb: {  	v34 =	vor.u32 v34, v37;
	[tilespmem:v24+s12+$0x0] =	vst.idx.add.s32.msk $0xffff, v2;
	v61 =	vshll.u32 v32, $0x4;
	v32 =	vshrl.u32 v32, $0xB  }
0x1bc: {  	v19 =	vand.u32 $0x7FF0, v39;
	[tilespmem:v25+s13+$0x0] =	vst.idx.add.s32.msk $0xffff, v2;
	v25 =	vshll.u32 v60, $0x4;
	v33 =	vand.u32 $0x7FF0, v61  }
0x1bd: {  	v18 =	vor.u32 v18, v19;
	v19 =	vshll.u32 v22, $0x4;
	v32 =	vor.u32 v32, v33  }
0x1be: {  	[tilespmem:v30+s14+$0x0] =	vst.idx.add.s32.msk $0xffff, v2;
	v62 =	vshll.u32 v20, $0x4;
	v21 =	vshrl.u32 v20, $0xB;
	v19 =	vand.u32 $0x7FF0, v19  }
0x1bf: {  	v20 =	vshrl.u32 v22, $0xB;
	v22 =	vshrl.u32 v60, $0xB;
	[tilespmem:v27+s15+$0x0] =	vst.idx.add.s32.msk $0xffff, v2;
	v27 =	vshrl.u32 v36, $0xB  }
0x1c0: {  	v24 =	vand.u32 $0x7FF0, v62;
	v20 =	vor.u32 v20, v19;
	v19 =	vshll.u32 v36, $0x4  }
0x1c1: {  	[tilespmem:v28+s16+$0x0] =	vst.idx.add.s32.msk $0xffff, v2;
	v21 =	vor.u32 v21, v24;
	v24 =	vand.u32 $0x7FF0, v25;
	v25 =	vand.u32 $0x7FF0, v19  }
0x1c2: {  	v19 =	vor.u32 $0x80000000, v63;
	[tilespmem:v31+s17+$0x0] =	vst.idx.add.s32.msk $0xffff, v2;
	v22 =	vor.u32 v22, v24;
	v24 =	vshll.u32 v38, $0x4  }
0x1c3: {  	v19 =	vxor.u32 v35, v19;
	v24 =	vand.u32 $0x7FF0, v24;
	[tilespmem:v32+s19+$0x0] =	vst.idx.msk $0xffff, v14;
	v14 =	vshrl.u32 v38, $0xB  }
0x1c4: {  	s23 =	simm.s32 $0x2;
	v25 =	vor.u32 v27, v25;
	[tilespmem:v34+s19+$0x0] =	vst.idx.msk $0xffff, v16;
	v24 =	vor.u32 v14, v24  }
.LBB2_25:
0x1c5: {  	p0 =	sne.s32 s23, $0x100;
	[tilespmem:v18+s19+$0x0] =	vst.idx.msk $0xffff, v6;
	v16 =	vmov v10;
	v14 =	vmov v11;
	v6 =	vmov v12;
	s0 =	smov.u32 s23;
	s23 =	sadd.s32 $0x1, s23  }
0x1c6: {  	[tilespmem:v21+s19+$0x0] =	vst.idx.msk $0xffff, v4;
	v4 =	vmov v13  }
0x1c7: {  	[tilespmem:v22+s19+$0x0] =	vst.idx.msk $0xffff, v5;
	v5 =	vmov v15  }
0x1c8: {  	[tilespmem:v20+s19+$0x0] =	vst.idx.msk $0xffff, v8;
	v8 =	vmov v17  }
0x1c9: {  	s0 =	smin.u32 s0, $0xFF;
	v17 =	vshll.u32 v17, $0x4;
	[tilespmem:v25+s19+$0x0] =	vst.idx.msk $0xffff, v9;
	v9 =	vmov v19  }
0x1ca: {  	v18 =	vshll.u32 v23, $0x4;
	v10 =	vshll.u32 v10, $0x4;
	v15 =	vshll.u32 v15, $0x4;
	s0 =	sshll.u32 s0, $0x4;
	[tilespmem:v24+s19+$0x0] =	vst.idx.msk $0xffff, v7;
	v7 =	vmovc v23  }
0x1cb: {  	v11 =	vshll.u32 v11, $0x4;
	v10 =	vor.u32 v1, v10;
	v15 =	vor.u32 v1, v15;
	v23 =	vld [tilespmem:s0+$0x7000]  }
0x1cc: {  	v12 =	vshll.u32 v12, $0x4;
	v11 =	vor.u32 v1, v11;
	v21 =	vand.u32 $0xFFF, v10;
	v20 =	vld [tilespmem:s0+$0x0]  }
0x1cd: {  	v12 =	vor.u32 v1, v12;
	v10 =	vshll.u32 v13, $0x4;
	v22 =	vand.u32 $0xFFF, v11;
	v13 =	vld [tilespmem:s0+$0x1000]  }
0x1ce: {  	v11 =	vshll.u32 v19, $0x4;
	v10 =	vor.u32 v1, v10;
	v24 =	vand.u32 $0xFFF, v12;
	v19 =	vld [tilespmem:s0+$0x2000]  }
0x1cf: {  	v11 =	vor.u32 v1, v11;
	v25 =	vand.u32 $0xFFF, v10;
	v12 =	vor.u32 v1, v17;
	v17 =	vld [tilespmem:s0+$0x3000]  }
0x1d0: {  	v10 =	vor.u32 v1, v18;
	v27 =	vand.u32 $0xFFF, v11;
	v26 =	vand.u32 $0xFFF, v12;
	v18 =	vld [tilespmem:s0+$0x4000]  }
0x1d1: {  	v29 =	vand.u32 $0xFFF, v15;
	v30 =	vand.u32 $0xFFF, v10;
	v11 =	vshra.s32 v20, $0x1F;
	v28 =	vld [tilespmem:s0+$0x5000]  }
0x1d2: {  	v31 =	vshra.s32 v23, $0x1F;
	v10 =	vor.u32 $0x80000000, v11;
	v11 =	vshra.s32 v13, $0x1F;
	v32 =	vld.idx.msk [tilespmem:v21+s10+$0x0], $0xffff  }
0x1d3: {  	v10 =	vxor.u32 v20, v10;
	v11 =	vor.u32 $0x80000000, v11;
	v12 =	vshra.s32 v19, $0x1F;
	v20 =	vld.idx.msk [tilespmem:v22+s11+$0x0], $0xffff  }
0x1d4: {  	v11 =	vxor.u32 v13, v11;
	v12 =	vor.u32 $0x80000000, v12;
	v13 =	vshra.s32 v17, $0x1F;
	v33 =	vld.idx.msk [tilespmem:v24+s12+$0x0], $0xffff  }
0x1d5: {  	v12 =	vxor.u32 v19, v12;
	v13 =	vor.u32 $0x80000000, v13;
	v15 =	vshra.s32 v18, $0x1F;
	v19 =	vld.idx.msk [tilespmem:v25+s13+$0x0], $0xffff  }
0x1d6: {  	v13 =	vxor.u32 v17, v13;
	v15 =	vor.u32 $0x80000000, v15;
	v17 =	vshra.s32 v28, $0x1F;
	v34 =	vld [tilespmem:s0+$0x6000]  }
0x1d7: {  	v31 =	vor.u32 $0x80000000, v31;
	v15 =	vxor.u32 v18, v15;
	v17 =	vor.u32 $0x80000000, v17;
	v35 =	vld.idx.msk [tilespmem:v26+s15+$0x0], $0xffff  }
0x1d8: {  	v18 =	vshll.u32 v32, $0x4;
	v32 =	vshrl.u32 v32, $0xB;
	v17 =	vxor.u32 v28, v17;
	v28 =	vld.idx.msk [tilespmem:v29+s14+$0x0], $0xffff  }
0x1d9: {  	v18 =	vand.u32 $0x7FF0, v18;
	v37 =	vshll.u32 v20, $0x4;
	v20 =	vshrl.u32 v20, $0xB;
	v36 =	vld.idx.msk [tilespmem:v27+s16+$0x0], $0xffff  }
0x1da: {  	v37 =	vand.u32 $0x7FF0, v37;
	v39 =	vshll.u32 v33, $0x4;
	v33 =	vshrl.u32 v33, $0xB;
	v38 =	vld.idx.msk [tilespmem:v30+s17+$0x0], $0xffff  }
0x1db: {  	v32 =	vor.u32 v32, v18;
	v18 =	vand.u32 $0x7FF0, v39;
	[tilespmem:v21+s10+$0x0] =	vst.idx.add.s32.msk $0xffff, v2;
	v21 =	vshll.u32 v19, $0x4  }
0x1dc: {  	v37 =	vor.u32 v20, v37;
	v39 =	vshra.s32 v34, $0x1F;
	v19 =	vshrl.u32 v19, $0xB;
	[tilespmem:v22+s11+$0x0] =	vst.idx.add.s32.msk $0xffff, v2  }
0x1dd: {  	v18 =	vor.u32 v33, v18;
	v21 =	vand.u32 $0x7FF0, v21;
	v20 =	vshll.u32 v35, $0x4;
	[tilespmem:v24+s12+$0x0] =	vst.idx.add.s32.msk $0xffff, v2  }
0x1de: {  	v22 =	vshrl.u32 v28, $0xB;
	v20 =	vand.u32 $0x7FF0, v20;
	v24 =	vshrl.u32 v35, $0xB;
	[tilespmem:v25+s13+$0x0] =	vst.idx.add.s32.msk $0xffff, v2  }
0x1df: {  	v25 =	vshll.u32 v28, $0x4;
	v20 =	vor.u32 v24, v20;
	v24 =	vshll.u32 v36, $0x4;
	[tilespmem:v29+s14+$0x0] =	vst.idx.add.s32.msk $0xffff, v2  }
.Ltmp13:
0x1e0: {  	v21 =	vor.u32 v19, v21;
	v19 =	vand.u32 $0x7FF0, v25;
	v24 =	vand.u32 $0x7FF0, v24;
	[tilespmem:v26+s15+$0x0] =	vst.idx.add.s32.msk $0xffff, v2;
	(pc) =	sbr.rel @p0 .LBB2_25-.Ltmp13, $4  }
0x1e1: {  	v25 =	vor.u32 $0x80000000, v39;
	v22 =	vor.u32 v22, v19;
	v26 =	vshll.u32 v38, $0x4;
	[tilespmem:v27+s16+$0x0] =	vst.idx.add.s32.msk $0xffff, v2  }
0x1e2: {  	v19 =	vxor.u32 v34, v25;
	v25 =	vshrl.u32 v36, $0xB;
	v26 =	vand.u32 $0x7FF0, v26;
	[tilespmem:v30+s17+$0x0] =	vst.idx.add.s32.msk $0xffff, v2  }
0x1e3: {  	v23 =	vxor.u32 v23, v31;
	v25 =	vor.u32 v25, v24;
	[tilespmem:v32+s19+$0x0] =	vst.idx.msk $0xffff, v16;
	v16 =	vshrl.u32 v38, $0xB  }
0x1e4: {  	[tilespmem:v37+s19+$0x0] =	vst.idx.msk $0xffff, v14;
	v24 =	vor.u32 v16, v26  }
0x1e5: {  	_ =	sdelay $0x3  }
0x1e6: {  	[tilespmem:v18+s19+$0x0] =	vst.idx.msk $0xffff, v6  }
0x1e7: {  	[tilespmem:v21+s19+$0x0] =	vst.idx.msk $0xffff, v4  }
0x1e8: {  	[tilespmem:v22+s19+$0x0] =	vst.idx.msk $0xffff, v5  }
0x1e9: {  	[tilespmem:v20+s19+$0x0] =	vst.idx.msk $0xffff, v8  }
0x1ea: {  	[tilespmem:v25+s19+$0x0] =	vst.idx.msk $0xffff, v9  }
0x1eb: {  	s0 =	simm.s32 $0x0;
	s3 =	simm.s32 $0x0;
	s23 =	simm.s32 $0x40;
	[tilespmem:v24+s19+$0x0] =	vst.idx.msk $0xffff, v7  }
.LBB2_27:
0x1ec: {  	p0 =	sne.s32 s23, $0x3FC0;
	[tilespmem:s3+$0x17000] =	vst v0  }
0x1ed: {  	[tilespmem:s3+$0x10000] =	vst v0  }
0x1ee: {  	[tilespmem:s3+$0x11000] =	vst v0  }
.Ltmp14:
0x1ef: {  	[tilespmem:s3+$0x12000] =	vst v0;
	(pc) =	sbr.rel @p0 .LBB2_27-.Ltmp14, $4  }
0x1f0: {  	[tilespmem:s3+$0x13000] =	vst v0  }
0x1f1: {  	[tilespmem:s3+$0x14000] =	vst v0  }
0x1f2: {  	[tilespmem:s3+$0x15000] =	vst v0  }
0x1f3: {  	[tilespmem:s3+$0x16000] =	vst v0;
	s3 =	sshra.s32 s23, $0x2;
	s23 =	sadd.s32 $0x40, s23  }
0x1f4: {  	[tilespmem:s3+$0x17000] =	vst v0  }
0x1f5: {  	[tilespmem:s3+$0x10000] =	vst v0  }
0x1f6: {  	[tilespmem:s3+$0x11000] =	vst v0  }
0x1f7: {  	[tilespmem:s3+$0x12000] =	vst v0  }
0x1f8: {  	[tilespmem:s3+$0x13000] =	vst v0  }
0x1f9: {  	[tilespmem:s3+$0x14000] =	vst v0  }
0x1fa: {  	[tilespmem:s3+$0x15000] =	vst v0  }
0x1fb: {  	[tilespmem:s3+$0x16000] =	vst v0;
	s25 =	simm.s32 $0x8000  }
0x1fc: {  	v4 =	vld [tilespmem:s25+$0x0];
	_ =	sdelay $0x4  }
0x1fd: {  	v4 =	vshrl.u32 v4, $0x4  }
0x1fe: {  	v4 =	vand.u32 $0xFF0, v4  }
0x1ff: {  	v4 =	vor.u32 v1, v4;
	_ =	sdelay $0x4  }
0x200: {  	s29 =	sand.u32 $0xFF0, s0;
	[tilespmem:v4+s10+$0x0] =	vst.idx.add.s32.msk $0xffff, v2  }
0x201: {  	v4 =	vld [tilespmem:s29+$0x9000]  }
0x202: {  	s26 =	simm.s32 $0x8010  }
0x203: {  	v5 =	vld [tilespmem:s26+$0x0];
	_ =	sdelay $0x2  }
0x204: {  	v4 =	vshrl.u32 v4, $0x4  }
0x205: {  	v4 =	vand.u32 $0xFF0, v4  }
0x206: {  	v5 =	vshrl.u32 v5, $0x4;
	v4 =	vor.u32 v1, v4  }
0x207: {  	v5 =	vand.u32 $0xFF0, v5  }
0x208: {  	v5 =	vor.u32 v1, v5;
	_ =	sdelay $0x2  }
0x209: {  	[tilespmem:v4+s11+$0x0] =	vst.idx.add.s32.msk $0xffff, v2  }
0x20a: {  	s3 =	simm.s32 $0x10;
	v4 =	vld [tilespmem:s29+$0xA000]  }
0x20b: {  	s23 =	sand.u32 $0xFF0, s3;
	[tilespmem:v5+s10+$0x0] =	vst.idx.add.s32.msk $0xffff, v2  }
0x20c: {  	v5 =	vld [tilespmem:s23+$0x9000];
	_ =	sdelay $0x1  }
0x20d: {  	s6 =	simm.s32 $0x8020  }
0x20e: {  	v6 =	vld [tilespmem:s6+$0x0];
	v4 =	vshrl.u32 v4, $0x4  }
0x20f: {  	v4 =	vand.u32 $0xFF0, v4  }
0x210: {  	v5 =	vshrl.u32 v5, $0x4;
	v4 =	vor.u32 v1, v4  }
0x211: {  	v5 =	vand.u32 $0xFF0, v5  }
0x212: {  	v5 =	vor.u32 v1, v5  }
0x213: {  	s24 =	simm.s32 $0x8030;
	v6 =	vshrl.u32 v6, $0x4  }
0x214: {  	v7 =	vld [tilespmem:s24+$0x0];
	v6 =	vand.u32 $0xFF0, v6  }
0x215: {  	[tilespmem:v4+s12+$0x0] =	vst.idx.add.s32.msk $0xffff, v2;
	v4 =	vor.u32 v1, v6  }
0x216: {  	v6 =	vld [tilespmem:s29+$0xB000]  }
0x217: {  	[tilespmem:v5+s11+$0x0] =	vst.idx.add.s32.msk $0xffff, v2  }
0x218: {  	v5 =	vld [tilespmem:s23+$0xA000]  }
0x219: {  	s25 =	simm.s32 $0x20  }
0x21a: {  	s24 =	sand.u32 $0xFF0, s25;
	v7 =	vshrl.u32 v7, $0x4;
	[tilespmem:v4+s10+$0x0] =	vst.idx.add.s32.msk $0xffff, v2  }
0x21b: {  	v7 =	vand.u32 $0xFF0, v7;
	v4 =	vshrl.u32 v6, $0x4;
	v6 =	vld [tilespmem:s24+$0x9000]  }
0x21c: {  	v7 =	vor.u32 v1, v7;
	v4 =	vand.u32 $0xFF0, v4  }
0x21d: {  	v5 =	vshrl.u32 v5, $0x4;
	v4 =	vor.u32 v1, v4  }
0x21e: {  	v5 =	vand.u32 $0xFF0, v5  }
0x21f: {  	s26 =	simm.s32 $0x8040;
	v5 =	vor.u32 v1, v5  }
0x220: {  	v8 =	vld [tilespmem:s26+$0x0];
	v6 =	vshrl.u32 v6, $0x4  }
0x221: {  	[tilespmem:v7+s10+$0x0] =	vst.idx.add.s32.msk $0xffff, v2;
	v6 =	vand.u32 $0xFF0, v6  }
0x222: {  	[tilespmem:v4+s13+$0x0] =	vst.idx.add.s32.msk $0xffff, v2;
	v4 =	vor.u32 v1, v6  }
0x223: {  	v6 =	vld [tilespmem:s29+$0xC000]  }
0x224: {  	s3 =	simm.s32 $0x30;
	[tilespmem:v5+s12+$0x0] =	vst.idx.add.s32.msk $0xffff, v2  }
0x225: {  	s25 =	sand.u32 $0xFF0, s3;
	v5 =	vshrl.u32 v8, $0x4;
	v7 =	vld [tilespmem:s23+$0xB000]  }
0x226: {  	v8 =	vld [tilespmem:s25+$0x9000];
	v5 =	vand.u32 $0xFF0, v5  }
0x227: {  	[tilespmem:v4+s11+$0x0] =	vst.idx.add.s32.msk $0xffff, v2;
	v4 =	vor.u32 v1, v5  }
0x228: {  	v5 =	vshrl.u32 v6, $0x4;
	v6 =	vld [tilespmem:s24+$0xA000]  }
0x229: {  	v5 =	vand.u32 $0xFF0, v5  }
0x22a: {  	s6 =	simm.s32 $0x8050;
	v7 =	vshrl.u32 v7, $0x4;
	v5 =	vor.u32 v1, v5  }
0x22b: {  	v9 =	vld [tilespmem:s6+$0x0];
	v7 =	vand.u32 $0xFF0, v7  }
0x22c: {  	s26 =	simm.s32 $0x40;
	v8 =	vshrl.u32 v8, $0x4;
	[tilespmem:v4+s10+$0x0] =	vst.idx.add.s32.msk $0xffff, v2;
	v4 =	vor.u32 v1, v7  }
0x22d: {  	s26 =	sand.u32 $0xFF0, s26;
	v7 =	vand.u32 $0xFF0, v8;
	v6 =	vshrl.u32 v6, $0x4  }
0x22e: {  	v8 =	vld [tilespmem:s26+$0x9000];
	v7 =	vor.u32 v1, v7;
	v6 =	vand.u32 $0xFF0, v6  }
0x22f: {  	[tilespmem:v5+s14+$0x0] =	vst.idx.add.s32.msk $0xffff, v2;
	v5 =	vor.u32 v1, v6  }
0x230: {  	v6 =	vld [tilespmem:s29+$0xD000]  }
0x231: {  	v9 =	vshrl.u32 v9, $0x4;
	[tilespmem:v4+s13+$0x0] =	vst.idx.add.s32.msk $0xffff, v2  }
0x232: {  	v4 =	vand.u32 $0xFF0, v9;
	v9 =	vld [tilespmem:s23+$0xC000]  }
0x233: {  	[tilespmem:v7+s11+$0x0] =	vst.idx.add.s32.msk $0xffff, v2;
	v4 =	vor.u32 v1, v4;
	v7 =	vshrl.u32 v8, $0x4  }
0x234: {  	[tilespmem:v5+s12+$0x0] =	vst.idx.add.s32.msk $0xffff, v2;
	v5 =	vand.u32 $0xFF0, v7  }
0x235: {  	s3 =	simm.s32 $0x8060;
	v6 =	vshrl.u32 v6, $0x4;
	v5 =	vor.u32 v1, v5;
	v7 =	vld [tilespmem:s24+$0xB000]  }
0x236: {  	v10 =	vld [tilespmem:s3+$0x0];
	v6 =	vand.u32 $0xFF0, v6  }
0x237: {  	s6 =	simm.s32 $0x50;
	v8 =	vld [tilespmem:s25+$0xA000];
	v6 =	vor.u32 v1, v6  }
0x238: {  	s28 =	sand.u32 $0xFF0, s6;
	v9 =	vshrl.u32 v9, $0x4;
	[tilespmem:v4+s10+$0x0] =	vst.idx.add.s32.msk $0xffff, v2  }
0x239: {  	v4 =	vand.u32 $0xFF0, v9;
	v9 =	vld [tilespmem:s28+$0x9000]  }
0x23a: {  	v4 =	vor.u32 v1, v4;
	[tilespmem:v5+s11+$0x0] =	vst.idx.add.s32.msk $0xffff, v2;
	v5 =	vshrl.u32 v7, $0x4  }
0x23b: {  	v5 =	vand.u32 $0xFF0, v5;
	v7 =	vld [tilespmem:s26+$0xA000]  }
0x23c: {  	s31 =	simm.s32 $0x8070;
	[tilespmem:v6+s15+$0x0] =	vst.idx.add.s32.msk $0xffff, v2;
	v6 =	vshrl.u32 v8, $0x4;
	v5 =	vor.u32 v1, v5  }
0x23d: {  	v11 =	vld [tilespmem:s31+$0x0];
	v8 =	vshrl.u32 v10, $0x4;
	v6 =	vand.u32 $0xFF0, v6  }
0x23e: {  	v10 =	vld [tilespmem:s29+$0xE000];
	v8 =	vand.u32 $0xFF0, v8;
	v6 =	vor.u32 v1, v6  }
0x23f: {  	[tilespmem:v4+s14+$0x0] =	vst.idx.add.s32.msk $0xffff, v2;
	v4 =	vor.u32 v1, v8  }
0x240: {  	v9 =	vshrl.u32 v9, $0x4;
	v8 =	vld [tilespmem:s23+$0xD000]  }
0x241: {  	v9 =	vand.u32 $0xFF0, v9;
	v7 =	vshrl.u32 v7, $0x4;
	[tilespmem:v5+s13+$0x0] =	vst.idx.add.s32.msk $0xffff, v2  }
0x242: {  	v9 =	vor.u32 v1, v9;
	v5 =	vand.u32 $0xFF0, v7;
	v12 =	vld [tilespmem:s24+$0xC000]  }
0x243: {  	s6 =	simm.s32 $0x60;
	[tilespmem:v6+s12+$0x0] =	vst.idx.add.s32.msk $0xffff, v2;
	v6 =	vor.u32 v1, v5;
	v5 =	vshrl.u32 v10, $0x4  }
0x244: {  	s30 =	sand.u32 $0xFF0, s6;
	[tilespmem:v4+s10+$0x0] =	vst.idx.add.s32.msk $0xffff, v2;
	v4 =	vand.u32 $0xFF0, v5  }
0x245: {  	v7 =	vld [tilespmem:s30+$0x9000];
	v10 =	vshrl.u32 v8, $0x4;
	v5 =	vor.u32 v1, v4  }
0x246: {  	v8 =	vld [tilespmem:s25+$0xB000];
	v4 =	vand.u32 $0xFF0, v10  }
0x247: {  	[tilespmem:v9+s11+$0x0] =	vst.idx.add.s32.msk $0xffff, v2;
	v10 =	vshrl.u32 v11, $0x4;
	v4 =	vor.u32 v1, v4;
	v11 =	vshrl.u32 v12, $0x4  }
0x248: {  	s0 =	simm.s32 $0x70;
	s3 =	simm.s32 $0x80;
	v9 =	vand.u32 $0xFF0, v10;
	[tilespmem:v6+s12+$0x0] =	vst.idx.add.s32.msk $0xffff, v2;
	v6 =	vand.u32 $0xFF0, v11  }
.LBB2_29:
0x249: {  	p0 =	sne.s32 s3, $0xFF0  }
0x24a: {  	v9 =	vor.u32 v1, v9;
	s31 =	sadd.s32 $0x10, s31;
	v6 =	vor.u32 v1, v6;
	[tilespmem:v5+s16+$0x0] =	vst.idx.add.s32.msk $0xffff, v2;
	s6 =	smov.u32 s3;
	s3 =	sadd.s32 $0x10, s3  }
0x24b: {  	v5 =	vshrl.u32 v8, $0x4;
	v8 =	vld [tilespmem:s29+$0xF000];
	s29 =	smov.u32 s23;
	s23 =	smov.u32 s24;
	s24 =	smov.u32 s25  }
0x24c: {  	s25 =	smov.u32 s26;
	s26 =	smov.u32 s28;
	s28 =	smov.u32 s30;
	v5 =	vand.u32 $0xFF0, v5;
	[tilespmem:v4+s15+$0x0] =	vst.idx.add.s32.msk $0xffff, v2  }
0x24d: {  	v4 =	vld [tilespmem:s26+$0xA000];
	v5 =	vor.u32 v1, v5  }
0x24e: {  	v10 =	vld [tilespmem:s29+$0xE000]  }
0x24f: {  	v7 =	vshrl.u32 v7, $0x4;
	[tilespmem:v6+s14+$0x0] =	vst.idx.add.s32.msk $0xffff, v2  }
0x250: {  	v6 =	vand.u32 $0xFF0, v7;
	v11 =	vld [tilespmem:s23+$0xD000];
	v7 =	vshrl.u32 v8, $0x4  }
0x251: {  	v6 =	vor.u32 v1, v6;
	v12 =	vld [tilespmem:s31+$0x0];
	v7 =	vand.u32 $0xFF0, v7  }
0x252: {  	v4 =	vshrl.u32 v4, $0x4;
	[tilespmem:v5+s13+$0x0] =	vst.idx.add.s32.msk $0xffff, v2;
	v13 =	vor.u32 v1, v7  }
0x253: {  	v4 =	vand.u32 $0xFF0, v4;
	v14 =	vld [tilespmem:s24+$0xC000];
	v5 =	vshrl.u32 v10, $0x4  }
0x254: {  	s30 =	sand.u32 $0xFF0, s0;
	s0 =	smov.u32 s6;
	[tilespmem:v9+s10+$0x0] =	vst.idx.add.s32.msk $0xffff, v2;
	v10 =	vor.u32 v1, v4;
	v4 =	vand.u32 $0xFF0, v5  }
.Ltmp15:
0x255: {  	v7 =	vld [tilespmem:s30+$0x9000];
	v9 =	vshrl.u32 v11, $0x4;
	v5 =	vor.u32 v1, v4;
	(pc) =	sbr.rel @p0 .LBB2_29-.Ltmp15, $4  }
0x256: {  	v8 =	vld [tilespmem:s25+$0xB000];
	v4 =	vand.u32 $0xFF0, v9  }
0x257: {  	v4 =	vor.u32 v1, v4;
	[tilespmem:v13+s17+$0x0] =	vst.idx.add.s32.msk $0xffff, v2  }
0x258: {  	v9 =	vshrl.u32 v12, $0x4;
	[tilespmem:v6+s11+$0x0] =	vst.idx.add.s32.msk $0xffff, v2;
	v6 =	vshrl.u32 v14, $0x4  }
0x259: {  	v9 =	vand.u32 $0xFF0, v9;
	[tilespmem:v10+s12+$0x0] =	vst.idx.add.s32.msk $0xffff, v2;
	v6 =	vand.u32 $0xFF0, v6  }
0x25a: {  	v9 =	vor.u32 v1, v9;
	_ =	sdelay $0x1  }
0x25b: {  	v7 =	vshrl.u32 v7, $0x4  }
0x25c: {  	v7 =	vand.u32 $0xFF0, v7  }
0x25d: {  	v7 =	vor.u32 v1, v7  }
0x25e: {  	s31 =	sand.u32 $0xFF0, s0;
	[tilespmem:v9+s10+$0x0] =	vst.idx.add.s32.msk $0xffff, v2  }
0x25f: {  	v9 =	vld [tilespmem:s31+$0x9000];
	_ =	sdelay $0x2  }
0x260: {  	[tilespmem:v7+s11+$0x0] =	vst.idx.add.s32.msk $0xffff, v2  }
0x261: {  	v7 =	vld [tilespmem:s30+$0xA000]  }
0x262: {  	v9 =	vshrl.u32 v9, $0x4  }
0x263: {  	v9 =	vand.u32 $0xFF0, v9  }
0x264: {  	v9 =	vor.u32 v1, v9  }
0x265: {  	v10 =	vld [tilespmem:s28+$0xA000]  }
0x266: {  	v7 =	vshrl.u32 v7, $0x4  }
0x267: {  	v7 =	vand.u32 $0xFF0, v7  }
0x268: {  	v7 =	vor.u32 v1, v7  }
0x269: {  	[tilespmem:v9+s11+$0x0] =	vst.idx.add.s32.msk $0xffff, v2  }
0x26a: {  	v10 =	vshrl.u32 v10, $0x4;
	v9 =	vld [tilespmem:s31+$0xA000]  }
0x26b: {  	v10 =	vand.u32 $0xFF0, v10  }
0x26c: {  	v8 =	vshrl.u32 v8, $0x4;
	v10 =	vor.u32 v1, v10  }
0x26d: {  	v50 =	vand.u32 $0xFF0, v8;
	[tilespmem:v7+s12+$0x0] =	vst.idx.add.s32.msk $0xffff, v2  }
0x26e: {  	v7 =	vor.u32 v1, v50;
	v8 =	vld [tilespmem:s30+$0xB000]  }
0x26f: {  	v9 =	vshrl.u32 v9, $0x4  }
0x270: {  	v11 =	vld [tilespmem:s26+$0xB000];
	v9 =	vand.u32 $0xFF0, v9  }
0x271: {  	[tilespmem:v10+s12+$0x0] =	vst.idx.add.s32.msk $0xffff, v2;
	v9 =	vor.u32 v1, v9  }
0x272: {  	v10 =	vld [tilespmem:s28+$0xB000]  }
0x273: {  	[tilespmem:v7+s13+$0x0] =	vst.idx.add.s32.msk $0xffff, v2;
	v8 =	vshrl.u32 v8, $0x4  }
0x274: {  	v51 =	vand.u32 $0xFF0, v8;
	v8 =	vld [tilespmem:s25+$0xC000];
	_ =	sdelay $0x1  }
0x275: {  	v11 =	vshrl.u32 v11, $0x4;
	v7 =	vor.u32 v1, v51;
	[tilespmem:v9+s12+$0x0] =	vst.idx.add.s32.msk $0xffff, v2  }
0x276: {  	v9 =	vand.u32 $0xFF0, v11;
	v11 =	vld [tilespmem:s31+$0xB000]  }
0x277: {  	[tilespmem:v5+s16+$0x0] =	vst.idx.add.s32.msk $0xffff, v2;
	v5 =	vor.u32 v1, v9;
	v9 =	vshrl.u32 v10, $0x4  }
0x278: {  	v8 =	vshrl.u32 v8, $0x4;
	v9 =	vand.u32 $0xFF0, v9  }
0x279: {  	[tilespmem:v4+s15+$0x0] =	vst.idx.add.s32.msk $0xffff, v2;
	v52 =	vand.u32 $0xFF0, v8;
	v4 =	vor.u32 v1, v9  }
0x27a: {  	[tilespmem:v7+s13+$0x0] =	vst.idx.add.s32.msk $0xffff, v2;
	v7 =	vor.u32 v1, v52  }
0x27b: {  	v8 =	vld [tilespmem:s30+$0xC000];
	v9 =	vshrl.u32 v11, $0x4  }
0x27c: {  	[tilespmem:v5+s13+$0x0] =	vst.idx.add.s32.msk $0xffff, v2;
	v5 =	vand.u32 $0xFF0, v9  }
0x27d: {  	v9 =	vld [tilespmem:s26+$0xC000];
	v5 =	vor.u32 v1, v5  }
0x27e: {  	[tilespmem:v4+s13+$0x0] =	vst.idx.add.s32.msk $0xffff, v2  }
0x27f: {  	v6 =	vor.u32 v1, v6;
	[tilespmem:v7+s14+$0x0] =	vst.idx.add.s32.msk $0xffff, v2  }
0x280: {  	v8 =	vshrl.u32 v8, $0x4;
	v4 =	vld [tilespmem:s28+$0xC000]  }
0x281: {  	v53 =	vand.u32 $0xFF0, v8;
	v8 =	vld [tilespmem:s25+$0xD000]  }
0x282: {  	v7 =	vor.u32 v1, v53;
	v9 =	vshrl.u32 v9, $0x4;
	[tilespmem:v5+s13+$0x0] =	vst.idx.add.s32.msk $0xffff, v2  }
0x283: {  	v5 =	vand.u32 $0xFF0, v9;
	v9 =	vld [tilespmem:s31+$0xC000]  }
0x284: {  	[tilespmem:v6+s14+$0x0] =	vst.idx.add.s32.msk $0xffff, v2;
	v5 =	vor.u32 v1, v5  }
0x285: {  	v11 =	vld [tilespmem:s23+$0xE000];
	v4 =	vshrl.u32 v4, $0x4  }
0x286: {  	v6 =	vld [tilespmem:s24+$0xD000];
	v8 =	vshrl.u32 v8, $0x4;
	v4 =	vand.u32 $0xFF0, v4  }
0x287: {  	[tilespmem:v7+s14+$0x0] =	vst.idx.add.s32.msk $0xffff, v2;
	v54 =	vand.u32 $0xFF0, v8;
	v4 =	vor.u32 v1, v4  }
0x288: {  	v8 =	vld [tilespmem:s30+$0xD000];
	v7 =	vor.u32 v1, v54;
	v9 =	vshrl.u32 v9, $0x4  }
0x289: {  	[tilespmem:v5+s14+$0x0] =	vst.idx.add.s32.msk $0xffff, v2;
	v5 =	vand.u32 $0xFF0, v9  }
0x28a: {  	v9 =	vshrl.u32 v11, $0x4;
	v11 =	vld [tilespmem:s26+$0xD000];
	v5 =	vor.u32 v1, v5  }
0x28b: {  	v9 =	vand.u32 $0xFF0, v9  }
0x28c: {  	v6 =	vshrl.u32 v6, $0x4;
	[tilespmem:v4+s14+$0x0] =	vst.idx.add.s32.msk $0xffff, v2;
	v4 =	vor.u32 v1, v9  }
0x28d: {  	v6 =	vand.u32 $0xFF0, v6;
	[tilespmem:v7+s15+$0x0] =	vst.idx.add.s32.msk $0xffff, v2  }
0x28e: {  	v6 =	vor.u32 v1, v6;
	v8 =	vshrl.u32 v8, $0x4;
	v9 =	vld [tilespmem:s28+$0xD000]  }
0x28f: {  	v55 =	vand.u32 $0xFF0, v8;
	v11 =	vshrl.u32 v11, $0x4;
	[tilespmem:v5+s14+$0x0] =	vst.idx.add.s32.msk $0xffff, v2  }
0x290: {  	v7 =	vor.u32 v1, v55;
	v5 =	vand.u32 $0xFF0, v11;
	v11 =	vld [tilespmem:s31+$0xD000]  }
0x291: {  	[tilespmem:v4+s16+$0x0] =	vst.idx.add.s32.msk $0xffff, v2;
	v4 =	vor.u32 v1, v5  }
0x292: {  	v8 =	vld [tilespmem:s25+$0xE000]  }
0x293: {  	[tilespmem:v6+s15+$0x0] =	vst.idx.add.s32.msk $0xffff, v2;
	v5 =	vshrl.u32 v9, $0x4  }
0x294: {  	v6 =	vld [tilespmem:s24+$0xE000];
	v5 =	vand.u32 $0xFF0, v5  }
0x295: {  	[tilespmem:v7+s15+$0x0] =	vst.idx.add.s32.msk $0xffff, v2;
	v5 =	vor.u32 v1, v5;
	v9 =	vshrl.u32 v11, $0x4  }
0x296: {  	[tilespmem:v4+s15+$0x0] =	vst.idx.add.s32.msk $0xffff, v2;
	v4 =	vand.u32 $0xFF0, v9  }
0x297: {  	v8 =	vshrl.u32 v8, $0x4;
	v9 =	vld [tilespmem:s26+$0xE000];
	v4 =	vor.u32 v1, v4  }
0x298: {  	v57 =	vand.u32 $0xFF0, v8;
	v8 =	vld [tilespmem:s30+$0xE000]  }
0x299: {  	v10 =	vld [tilespmem:s29+$0xF000]  }
0x29a: {  	v6 =	vshrl.u32 v6, $0x4;
	v7 =	vor.u32 v1, v57;
	[tilespmem:v5+s15+$0x0] =	vst.idx.add.s32.msk $0xffff, v2  }
0x29b: {  	v5 =	vand.u32 $0xFF0, v6;
	v56 =	vld [tilespmem:s28+$0xE000]  }
0x29c: {  	v5 =	vor.u32 v1, v5;
	v9 =	vshrl.u32 v9, $0x4;
	[tilespmem:v4+s15+$0x0] =	vst.idx.add.s32.msk $0xffff, v2  }
0x29d: {  	v8 =	vshrl.u32 v8, $0x4;
	v4 =	vand.u32 $0xFF0, v9;
	v9 =	vld [tilespmem:s31+$0xE000]  }
0x29e: {  	v11 =	vld [tilespmem:s23+$0xF000];
	v59 =	vand.u32 $0xFF0, v8;
	v4 =	vor.u32 v1, v4  }
0x29f: {  	[tilespmem:v7+s16+$0x0] =	vst.idx.add.s32.msk $0xffff, v2;
	v7 =	vor.u32 v1, v59  }
0x2a0: {  	v8 =	vld [tilespmem:s25+$0xF000];
	v6 =	vshrl.u32 v56, $0x4  }
0x2a1: {  	[tilespmem:v5+s16+$0x0] =	vst.idx.add.s32.msk $0xffff, v2;
	v5 =	vand.u32 $0xFF0, v6  }
0x2a2: {  	v58 =	vld [tilespmem:s24+$0xF000];
	v5 =	vor.u32 v1, v5;
	v9 =	vshrl.u32 v9, $0x4  }
0x2a3: {  	[tilespmem:v4+s16+$0x0] =	vst.idx.add.s32.msk $0xffff, v2;
	v4 =	vand.u32 $0xFF0, v9  }
0x2a4: {  	[tilespmem:v7+s16+$0x0] =	vst.idx.add.s32.msk $0xffff, v2;
	v4 =	vor.u32 v1, v4  }
0x2a5: {  	v60 =	vshrl.u32 v10, $0x4;
	v10 =	vld [tilespmem:s30+$0xF000]  }
0x2a6: {  	v9 =	vld [tilespmem:s26+$0xF000]  }
0x2a7: {  	[tilespmem:v5+s16+$0x0] =	vst.idx.add.s32.msk $0xffff, v2  }
0x2a8: {  	v11 =	vshrl.u32 v11, $0x4;
	v5 =	vld [tilespmem:s28+$0xF000]  }
0x2a9: {  	v61 =	vand.u32 $0xFF0, v11;
	v8 =	vshrl.u32 v8, $0x4;
	v7 =	vand.u32 $0xFF0, v60;
	[tilespmem:v4+s16+$0x0] =	vst.idx.add.s32.msk $0xffff, v2  }
0x2aa: {  	v8 =	vand.u32 $0xFF0, v8;
	v6 =	vshrl.u32 v58, $0x4;
	v4 =	vor.u32 v1, v7;
	v11 =	vld [tilespmem:s31+$0xF000]  }
0x2ab: {  	v8 =	vor.u32 v1, v8;
	v6 =	vand.u32 $0xFF0, v6  }
0x2ac: {  	v6 =	vor.u32 v1, v6;
	v9 =	vshrl.u32 v9, $0x4  }
0x2ad: {  	v7 =	vor.u32 v1, v61;
	v9 =	vand.u32 $0xFF0, v9;
	v5 =	vshrl.u32 v5, $0x4  }
0x2ae: {  	v10 =	vshrl.u32 v10, $0x4;
	v9 =	vor.u32 v1, v9;
	v5 =	vand.u32 $0xFF0, v5  }
0x2af: {  	[tilespmem:v4+s17+$0x0] =	vst.idx.add.s32.msk $0xffff, v2;
	v4 =	vor.u32 v1, v5;
	v5 =	vand.u32 $0xFF0, v10;
	v10 =	vshrl.u32 v11, $0x4  }
0x2b0: {  	[tilespmem:v8+s17+$0x0] =	vst.idx.add.s32.msk $0xffff, v2;
	v5 =	vor.u32 v1, v5;
	v62 =	vand.u32 $0xFF0, v10  }
0x2b1: {  	[tilespmem:v6+s17+$0x0] =	vst.idx.add.s32.msk $0xffff, v2;
	v63 =	vor.u32 v1, v62  }
0x2b2: {  	[tilespmem:v7+s17+$0x0] =	vst.idx.add.s32.msk $0xffff, v2  }
0x2b3: {  	p3 =	por $0x1, $0x1;
	[tilespmem:v9+s17+$0x0] =	vst.idx.add.s32.msk $0xffff, v2  }
.Ltmp16:
0x2b4: {  	[tilespmem:v4+s17+$0x0] =	vst.idx.add.s32.msk $0xffff, v2;
	(pc) =	sbr.rel @!p3 .LBB2_31-.Ltmp16, $4  }
0x2b5: {  	[tilespmem:v5+s17+$0x0] =	vst.idx.add.s32.msk $0xffff, v2  }
0x2b6: {  	s24 =	simm.s32 $0x0;
	[tilespmem:v63+s17+$0x0] =	vst.idx.add.s32.msk $0xffff, v2  }
0x2b7: {  	p1 =	por $0x0, $0x0;
	v12 =	vld [tilespmem:s24+$0x10000]  }
0x2b8: {  	p2 =	por $0x0, $0x0;
	p0 =	por $0x0, $0x0;
	s23 =	simm.s32 $0x0;
	v10 =	vld [tilespmem:s24+$0x11000]  }
0x2b9: {  	v11 =	vld [tilespmem:s24+$0x12000]  }
0x2ba: {  	v8 =	vld [tilespmem:s24+$0x13000]  }
0x2bb: {  	v7 =	vld [tilespmem:s24+$0x14000];
	_ =	sdelay $0x1  }
0x2bc: {  	v6 =	vld [tilespmem:s24+$0x15000];
	p3 =	por $0x1, $0x1;
	v4 =	vadd.s32 v12, v10  }
.Ltmp17:
0x2bd: {  	s26 =	simm.s32 $0x10;
	v4 =	vadd.s32 v11, v4;
	(pc) =	sbr.rel @!p3 .LBB2_33-.Ltmp17, $4  }
0x2be: {  	v5 =	vadd.s32 v8, v4;
	v4 =	vld [tilespmem:s26+$0x10000]  }
0x2bf: {  	v13 =	vadd.s32 v7, v5;
	v5 =	vld [tilespmem:s26+$0x11000]  }
0x2c0: {  	v9 =	vld [tilespmem:s24+$0x16000]  }
0x2c1: {  	v20 =	vld [tilespmem:s24+$0x17000];
	p1 =	por $0x1, $0x1;
	v25 =	vadd.s32 v6, v13  }
0x2c2: {  	_ =	sdelay $0x1  }
0x2c3: {  	v15 =	vld [tilespmem:s26+$0x12000]  }
0x2c4: {  	v14 =	vld [tilespmem:s26+$0x13000];
	v13 =	vadd.s32 v9, v25  }
0x2c5: {  	v17 =	vadd.s32 v20, v13;
	v13 =	vld [tilespmem:s26+$0x14000];
	_ =	sdelay $0x1  }
0x2c6: {  	v18 =	vadd.s32 v4, v5;
	(xrf0) =	vadd.scan.msk.s32 $0xffff, v17  }
0x2c7: {  	v16 =	vld [tilespmem:s26+$0x15000];
	p3 =	por $0x1, $0x1;
	v18 =	vadd.s32 v15, v18  }
.Ltmp18:
0x2c8: {  	s29 =	simm.s32 $0x20;
	v18 =	vadd.s32 v14, v18;
	(pc) =	sbr.rel @!p3 .LBB2_35-.Ltmp18, $4  }
0x2c9: {  	v27 =	vld [tilespmem:s29+$0x10000];
	v18 =	vadd.s32 v13, v18  }
0x2ca: {  	v28 =	vld [tilespmem:s29+$0x11000]  }
0x2cb: {  	v19 =	vld [tilespmem:s26+$0x16000]  }
0x2cc: {  	p2 =	por $0x1, $0x1;
	v20 =	vld [tilespmem:s26+$0x17000];
	v25 =	vadd.s32 v16, v18;
	v18, _, _ =	vpop (xrf0)  }
0x2cd: {  	_ =	sdelay $0x2  }
0x2ce: {  	v23 =	vsub.s32 v18, v17;
	v21 =	vadd.s32 v19, v25  }
0x2cf: {  	v33 =	vld [tilespmem:s29+$0x12000];
	v22 =	vadd.s32 v20, v21;
	v20 =	vadd.s32 v12, v23  }
0x2d0: {  	v30 =	vld [tilespmem:s29+$0x13000];
	[tilespmem:s24+$0x11000] =	vst v20;
	v20 =	vadd.s32 v10, v20  }
0x2d1: {  	v31 =	vld [tilespmem:s29+$0x14000];
	[tilespmem:s24+$0x12000] =	vst v20;
	v20 =	vadd.s32 v11, v20  }
0x2d2: {  	[tilespmem:s24+$0x13000] =	vst v20;
	v20 =	vadd.s32 v8, v20  }
0x2d3: {  	[tilespmem:s24+$0x10000] =	vst v23;
	v21 =	vadd.s32 v27, v28;
	(xrf0) =	vadd.scan.msk.s32 $0xffff, v22;
	v24 =	vadd.s32 v7, v20  }
0x2d4: {  	v34 =	vld [tilespmem:s29+$0x15000];
	p4 =	por $0x1, $0x1;
	v21 =	vadd.s32 v33, v21;
	[tilespmem:s24+$0x15000] =	vst v24;
	v24 =	vadd.s32 v6, v24  }
.Ltmp19:
0x2d5: {  	v23 =	vld [tilespmem:s29+$0x16000];
	v21 =	vadd.s32 v30, v21;
	[tilespmem:s24+$0x16000] =	vst v24;
	v29 =	vadd.s32 v9, v24;
	v24 =	vmov s23;
	(pc) =	sbr.rel @!p4 .LBB2_37-.Ltmp19, $4  }
0x2d6: {  	v21 =	vadd.s32 v31, v21;
	[tilespmem:s24+$0x14000] =	vst v20;
	v20 =	vld [tilespmem:s29+$0x17000]  }
0x2d7: {  	s25 =	simm.s32 $0x30  }
0x2d8: {  	v26 =	vbroadcast v18, $0xF;
	v41 =	vld [tilespmem:s25+$0x10000]  }
0x2d9: {  	s0 =	simm.s32 $0x100;
	p3 =	por $0x1, $0x1;
	s28 =	simm.s32 $0x0;
	v42 =	vld [tilespmem:s25+$0x11000];
	v25 =	vadd.s32 v34, v21;
	v21, _, _ =	vpop (xrf0);
	[tilespmem:s24+$0x17000] =	vst v29  }
.LBB2_38:
0x2da: {  	p4 =	sne.s32 s0, $0x3FC0;
	v29 =	vld [tilespmem:s25+$0x12000];
	v25 =	vadd.s32 v23, v25;
	v32 =	vsub.s32 v21, v22;
	[tilespmem:v24+s18+$0x0] =	vst.idx.msk $0x1, v26;
	v35 =	vmov v23;
	s3 =	smov.u32 s25  }
0x2db: {  	v26 =	vld [tilespmem:s3+$0x13000];
	v22 =	vadd.s32 v20, v25;
	[tilespmem:s26+$0x10000] =	vst v32;
	v20 =	vadd.s32 v4, v32;
	v4 =	vmov v27  }
0x2dc: {  	v25 =	vld [tilespmem:s3+$0x14000];
	(xrf0) =	vadd.scan.msk.s32 $0xffff, v22;
	[tilespmem:s26+$0x11000] =	vst v20;
	v20 =	vadd.s32 v5, v20;
	v5 =	vmov v28  }
0x2dd: {  	s28 =	sadd.s32 $0x1, s28;
	v32 =	vld [tilespmem:s3+$0x15000];
	[tilespmem:s26+$0x12000] =	vst v20;
	v20 =	vadd.s32 v15, v20;
	v15 =	vmov v33;
	v27 =	vmov v41  }
.Ltmp20:
0x2de: {  	v24 =	vmov s28;
	v23 =	vld [tilespmem:s3+$0x16000];
	v37 =	vadd.s32 v27, v42;
	[tilespmem:s26+$0x13000] =	vst v20;
	v36 =	vadd.s32 v14, v20;
	v14 =	vmovc v30;
	v28 =	vmovc v42;
	(pc) =	sbr.rel @p4 .LBB2_38-.Ltmp20, $4  }
0x2df: {  	v20 =	vld [tilespmem:s3+$0x17000];
	v37 =	vadd.s32 v29, v37;
	[tilespmem:s26+$0x14000] =	vst v36;
	v36 =	vadd.s32 v13, v36;
	v33 =	vmovc v29;
	v13 =	vmov v31  }
0x2e0: {  	s25 =	sshra.s32 s0, $0x2;
	v29 =	vadd.s32 v26, v37;
	[tilespmem:s26+$0x15000] =	vst v36;
	v36 =	vadd.s32 v16, v36;
	v30 =	vmovc v26;
	v16 =	vmov v34  }
0x2e1: {  	v26 =	vbroadcast v21, $0xF;
	v41 =	vld [tilespmem:s25+$0x10000];
	v29 =	vadd.s32 v25, v29;
	[tilespmem:s26+$0x16000] =	vst v36;
	v36 =	vadd.s32 v19, v36;
	v31 =	vmovc v25  }
0x2e2: {  	s0 =	sadd.s32 $0x40, s0;
	v19 =	vmov v35;
	v42 =	vld [tilespmem:s25+$0x11000];
	v25 =	vadd.s32 v32, v29;
	v21, _, _ =	vpop (xrf0);
	[tilespmem:s26+$0x17000] =	vst v36;
	v34 =	vmov v32;
	s26 =	smov.u32 s29;
	s29 =	smov.u32 s3  }
0x2e3: {  	_ =	sdelay $0x1  }
0x2e4: {  	v35 =	vmovc v4;
	v36 =	vmov v5;
	v37 =	vmov v15;
	v39 =	vmov v14  }
0x2e5: {  	v38 =	vmovc v13;
	v40 =	vmovc v16;
	v29 =	vmov v27;
	v32 =	vmov v28;
	v15 =	vmov v33  }
0x2e6: {  	s30 =	smov.u32 s26;
	v14 =	vmovc v30;
	v13 =	vmovc v31;
	v16 =	vmov v34;
	s26 =	smov.u32 s29;
	v4 =	vmov v41;
	v5 =	vmov v42  }
.LBB2_40:
0x2e7: {  	_ =	sdelay $0x1  }
0x2e8: {  	v25 =	vadd.s32 @p1 v23, v25  }
0x2e9: {  	v27 =	vld [tilespmem:s25+$0x12000];
	v20 =	vadd.s32 @p1 v20, v25  }
0x2ea: {  	v22 =	vsub.s32 @p2 v21, v22;
	[tilespmem:v24+s18+$0x0] =	vst.idx.msk @p3 $0x1, v26;
	v55 =	vld [tilespmem:s25+$0x13000];
	(xrf0) =	vadd.scan.msk.s32 @p1 $0xffff, v20  }
0x2eb: {  	v56 =	vld [tilespmem:s25+$0x14000];
	s0 =	sadd.s32 @p3 $0x1, s28;
	s3 =	simm.s32 $0x0;
	[tilespmem:s30+$0x10000] =	vst @p2 v22;
	v22 =	vadd.s32 @p2 v35, v22  }
0x2ec: {  	v57 =	vld [tilespmem:s25+$0x15000];
	v28 =	vadd.s32 v4, v5;
	v21 =	vbroadcast @p2 v21, $0xF;
	s3 =	smov.u32 @p3 s0;
	[tilespmem:s30+$0x11000] =	vst @p2 v22;
	v22 =	vadd.s32 @p2 v36, v22  }
0x2ed: {  	v31 =	vld [tilespmem:s25+$0x16000];
	v12 =	vpsel p1, v29, v12;
	v30 =	vmov @p2 s3;
	[tilespmem:s30+$0x12000] =	vst @p2 v22;
	v22 =	vadd.s32 @p2 v37, v22  }
0x2ee: {  	v33 =	vld [tilespmem:s25+$0x17000];
	v30 =	vpsel p2, v30, v0;
	[tilespmem:s30+$0x13000] =	vst @p2 v22;
	v22 =	vadd.s32 @p2 v39, v22;
	v28 =	vadd.s32 v27, v28  }
0x2ef: {  	v10 =	vpsel p1, v32, v10;
	[tilespmem:s30+$0x14000] =	vst @p2 v22;
	v22 =	vadd.s32 @p2 v38, v22;
	v28 =	vadd.s32 v55, v28  }
0x2f0: {  	v17 =	vpsel p1, v20, v17;
	[tilespmem:s30+$0x15000] =	vst @p2 v22;
	v22 =	vadd.s32 @p2 v40, v22;
	v28 =	vadd.s32 v56, v28;
	v34, _, _ =	vpop @p1 (xrf0)  }
0x2f1: {  	[tilespmem:s30+$0x16000] =	vst @p2 v22;
	v19 =	vadd.s32 @p2 v19, v22;
	v58 =	vadd.s32 v57, v28;
	v18 =	vpsel p1, v34, v18  }
0x2f2: {  	s6 =	smov.u32 s24;
	s0 =	smov.u32 @p1 s26;
	[tilespmem:s30+$0x17000] =	vst @p2 v19;
	v19 =	vpsel p2, v21, v0;
	v59 =	vadd.s32 v31, v58;
	v17 =	vsub.s32 @p1 v18, v17  }
0x2f3: {  	s6 =	smov.u32 @p1 s0;
	s0 =	sadd.s32 @p2 $0x1, s3;
	s3 =	simm.s32 $0x0;
	[tilespmem:v30+s18+$0x0] =	vst.idx.msk @p2 $0x1, v19;
	v60 =	vadd.s32 v33, v59;
	v12 =	vadd.s32 @p1 v12, v17  }
0x2f4: {  	v11 =	vpsel p1, v15, v11;
	s3 =	smov.u32 @p2 s0;
	[tilespmem:s6+$0x10000] =	vst @p1 v17;
	(xrf0) =	vadd.scan.msk.s32 $0xffff, v60;
	v10 =	vadd.s32 @p1 v10, v12  }
0x2f5: {  	[tilespmem:s6+$0x12000] =	vst @p1 v10;
	v10 =	vadd.s32 @p1 v11, v10;
	v11 =	vmov @p1 s3  }
0x2f6: {  	v8 =	vpsel p1, v14, v8;
	[tilespmem:s6+$0x11000] =	vst @p1 v12;
	v12 =	vmov @p1 v13;
	v13 =	vmov @p1 v16  }
0x2f7: {  	[tilespmem:s6+$0x13000] =	vst @p1 v10;
	v8 =	vadd.s32 @p1 v8, v10;
	v10 =	vpsel p1, v11, v0;
	v7 =	vpsel p1, v12, v7  }
0x2f8: {  	v6 =	vpsel p1, v13, v6;
	[tilespmem:s6+$0x14000] =	vst @p1 v8;
	v11 =	vmov @p1 v23;
	v7 =	vadd.s32 @p1 v7, v8  }
0x2f9: {  	v8 =	vpsel p1, v11, v9;
	[tilespmem:s6+$0x15000] =	vst @p1 v7;
	v6 =	vadd.s32 @p1 v6, v7  }
0x2fa: {  	v7 =	vbroadcast @p1 v18, $0xF;
	v61, _, _ =	vpop (xrf0);
	[tilespmem:s6+$0x16000] =	vst @p1 v6;
	v6 =	vadd.s32 @p1 v8, v6  }
0x2fb: {  	v62 =	vsub.s32 v61, v60;
	[tilespmem:s6+$0x17000] =	vst @p1 v6  }
0x2fc: {  	v6 =	vpsel p1, v7, v0;
	[tilespmem:s25+$0x10000] =	vst v62  }
0x2fd: {  	v4 =	vadd.s32 v4, v62;
	[tilespmem:v10+s18+$0x0] =	vst.idx.msk @p1 $0x1, v6  }
0x2fe: {  	s0 =	sadd.s32 @p1 $0x1, s3;
	s3 =	simm.s32 $0x0;
	[tilespmem:s25+$0x11000] =	vst v4;
	v4 =	vadd.s32 v5, v4  }
0x2ff: {  	s3 =	smov.u32 @p1 s0;
	[tilespmem:s25+$0x12000] =	vst v4;
	v4 =	vadd.s32 v27, v4  }
0x300: {  	v5 =	vmov s3;
	p1 =	por $0x1, $0x1;
	[tilespmem:s25+$0x13000] =	vst v4;
	v4 =	vadd.s32 v55, v4  }
.Ltmp21:
0x301: {  	[tilespmem:s25+$0x14000] =	vst v4;
	v4 =	vadd.s32 v56, v4;
	(pc) =	sbr.rel @!p1 .LBB2_41-.Ltmp21, $4  }
0x302: {  	[tilespmem:s25+$0x15000] =	vst v4;
	v4 =	vadd.s32 v57, v4  }
0x303: {  	v63 =	vbroadcast v61, $0xF;
	[tilespmem:s25+$0x16000] =	vst v4;
	v4 =	vadd.s32 v31, v4  }
0x304: {  	[tilespmem:s25+$0x17000] =	vst v4  }
0x305: {  	[tilespmem:v5+s18+$0x0] =	vst.idx.msk $0x1, v63  }
0x306: {  	v4 =	vld [tilespmem:s24+$0x18000];
	_ =	sdelay $0x4  }
0x307: {  	(xrf0) =	vadd.scan.msk.s32 $0xffff, v4;
	_ =	sdelay $0x4  }
0x308: {  	p1 =	por $0x1, $0x1  }
.Ltmp22:
0x309: {  	v5, _, _ =	vpop (xrf0);
	(pc) =	sbr.rel @!p1 .LBB2_43-.Ltmp22, $4  }
0x30a: {  	(v2sf) =	vpush v5, $0xF  }
0x30b: {  	v4 =	vsub.s32 s23, v4  }
0x30c: {  	s3 =	simm.s32 $0x10;
	v4 =	vadd.s32 v5, v4  }
0x30d: {  	s25 =	simm.s32 $0x80;
	p0 =	por $0x1, $0x1;
	s0 =	simm.s32 $0x0;
	[tilespmem:s24+$0x18000] =	vst v4  }
.LBB2_44:
0x30e: {  	p1 =	sne.s32 s25, $0x3C0;
	v4 =	vld [tilespmem:s3+$0x18000];
	_ =	sdelay $0x4  }
0x30f: {  	(xrf0) =	vadd.scan.msk.s32 $0xffff, v4;
	_ =	sdelay $0x5  }
.Ltmp23:
0x310: {  	v5, _, _ =	vpop (xrf0);
	s6 =	spop (v2sf);
	(pc) =	sbr.rel @p1 .LBB2_44-.Ltmp23, $4  }
0x311: {  	(v2sf) =	vpush v5, $0xF;
	s0 =	sadd.s32 s0, s6  }
0x312: {  	v4 =	vsub.s32 s0, v4  }
0x313: {  	v4 =	vadd.s32 v5, v4  }
0x314: {  	[tilespmem:s3+$0x18000] =	vst v4;
	s3 =	sshra.s32 s25, $0x2;
	s25 =	sadd.s32 $0x40, s25  }
0x315: {  	s24 =	smov.u32 s3  }
.LBB2_46:
0x316: {  	_ =	sdelay $0x1  }
0x317: {  	v4 =	vld [tilespmem:s24+$0x18000];
	_ =	sdelay $0x4  }
0x318: {  	(xrf0) =	vadd.scan.msk.s32 $0xffff, v4;
	_ =	sdelay $0x2  }
0x319: {  	s6 =	simm.s32 $0x0;
	s3 =	spop @p0 (v2sf)  }
0x31a: {  	v5 =	vmov s6;
	s0 =	sadd.s32 @p0 s0, s3  }
0x31b: {  	s23 =	smov.u32 @p0 s0  }
0x31c: {  	v6, _, _ =	vpop (xrf0);
	v4 =	vsub.s32 s23, v4  }
0x31d: {  	(v2sf) =	vpush v6, $0xF;
	v4 =	vadd.s32 v6, v4  }
0x31e: {  	[tilespmem:s24+$0x18000] =	vst v4  }
0x31f: {  	s0 =	simm.s32 $0x0;
	v10 =	vld.idx.msk [tilespmem:v5+s18+$0x0], $0xffff  }
0x320: {  	v4 =	vld [tilespmem:s0+$0x17000]  }
0x321: {  	v5 =	vld [tilespmem:s0+$0x10000]  }
0x322: {  	s30 =	simm.s32 $0x1;
	v6 =	vld [tilespmem:s0+$0x11000]  }
0x323: {  	v9 =	vmov s30;
	v7 =	vld [tilespmem:s0+$0x12000]  }
0x324: {  	v8 =	vld [tilespmem:s0+$0x13000]  }
0x325: {  	v11 =	vld [tilespmem:s0+$0x14000];
	v4 =	vadd.s32 v10, v4  }
0x326: {  	v12 =	vld [tilespmem:s0+$0x15000];
	v5 =	vadd.s32 v10, v5;
	[tilespmem:s0+$0x17000] =	vst v4  }
0x327: {  	v13 =	vld [tilespmem:s0+$0x16000];
	[tilespmem:s0+$0x10000] =	vst v5;
	v5 =	vadd.s32 v10, v6  }
0x328: {  	s3 =	simm.s32 $0x10;
	v4 =	vld.idx.msk [tilespmem:v9+s18+$0x0], $0xffff;
	[tilespmem:s0+$0x11000] =	vst v5;
	v5 =	vadd.s32 v10, v7  }
0x329: {  	v6 =	vld [tilespmem:s3+$0x17000];
	[tilespmem:s0+$0x12000] =	vst v5;
	v5 =	vadd.s32 v10, v8  }
0x32a: {  	v7 =	vld [tilespmem:s3+$0x10000];
	v8 =	vadd.s32 v10, v11;
	[tilespmem:s0+$0x13000] =	vst v5  }
0x32b: {  	s24 =	simm.s32 $0x2;
	v11 =	vadd.s32 v10, v12;
	v5 =	vld [tilespmem:s3+$0x11000];
	[tilespmem:s0+$0x14000] =	vst v8  }
0x32c: {  	s25 =	simm.s32 $0xC0;
	s23 =	simm.s32 $0x80;
	v9 =	vmov s24;
	v10 =	vadd.s32 v10, v13;
	v8 =	vld [tilespmem:s3+$0x12000];
	[tilespmem:s0+$0x15000] =	vst v11;
	s31 =	spop (v2sf)  }
.LBB2_47:
0x32d: {  	p0 =	sne.s32 s25, $0x3FC0;
	v11 =	vld [tilespmem:s3+$0x13000];
	[tilespmem:s0+$0x16000] =	vst v10;
	s0 =	smov.u32 s3  }
0x32e: {  	v12 =	vmov v4;
	v10 =	vld [tilespmem:s0+$0x14000];
	v6 =	vadd.s32 v4, v6  }
0x32f: {  	v4 =	vadd.s32 v12, v7;
	v13 =	vld [tilespmem:s0+$0x15000];
	[tilespmem:s0+$0x17000] =	vst v6  }
0x330: {  	[tilespmem:s0+$0x10000] =	vst v4;
	v5 =	vadd.s32 v12, v5;
	v14 =	vld [tilespmem:s0+$0x16000]  }
.Ltmp24:
0x331: {  	s3 =	sshra.s32 s23, $0x2;
	s23 =	smov.u32 s25;
	v4 =	vld.idx.msk [tilespmem:v9+s18+$0x0], $0xffff;
	[tilespmem:s0+$0x11000] =	vst v5;
	v5 =	vadd.s32 v12, v8;
	(pc) =	sbr.rel @p0 .LBB2_47-.Ltmp24, $4  }
0x332: {  	v6 =	vld [tilespmem:s3+$0x17000];
	[tilespmem:s0+$0x12000] =	vst v5;
	v5 =	vadd.s32 v12, v11  }
0x333: {  	v7 =	vld [tilespmem:s3+$0x10000];
	[tilespmem:s0+$0x13000] =	vst v5;
	v8 =	vadd.s32 v12, v10  }
0x334: {  	s24 =	sadd.s32 $0x1, s24;
	v5 =	vld [tilespmem:s3+$0x11000];
	[tilespmem:s0+$0x14000] =	vst v8;
	v10 =	vadd.s32 v12, v13  }
0x335: {  	s25 =	sadd.s32 $0x40, s25;
	v9 =	vmov s24;
	v8 =	vld [tilespmem:s3+$0x12000];
	[tilespmem:s0+$0x15000] =	vst v10;
	v10 =	vadd.s32 v12, v14  }
0x336: {  	v11 =	vld [tilespmem:s3+$0x13000]  }
0x337: {  	v12 =	vld [tilespmem:s3+$0x14000]  }
0x338: {  	v13 =	vld [tilespmem:s3+$0x15000];
	[tilespmem:s0+$0x16000] =	vst v10;
	v6 =	vadd.s32 v4, v6  }
0x339: {  	v7 =	vadd.s32 v4, v7;
	[tilespmem:s3+$0x17000] =	vst v6;
	v6 =	vld [tilespmem:s3+$0x16000]  }
0x33a: {  	s30 =	sshra.s32 s23, $0x2;
	[tilespmem:s3+$0x10000] =	vst v7;
	v5 =	vadd.s32 v4, v5;
	v7 =	vld.idx.msk [tilespmem:v9+s18+$0x0], $0xffff  }
0x33b: {  	[tilespmem:s3+$0x11000] =	vst v5;
	v5 =	vadd.s32 v4, v8;
	v8 =	vld [tilespmem:s30+$0x17000]  }
0x33c: {  	v9 =	vld [tilespmem:s30+$0x10000];
	[tilespmem:s3+$0x12000] =	vst v5;
	v5 =	vadd.s32 v4, v11  }
0x33d: {  	v10 =	vld [tilespmem:s30+$0x11000];
	[tilespmem:s3+$0x13000] =	vst v5;
	v5 =	vadd.s32 v4, v12  }
0x33e: {  	v11 =	vld [tilespmem:s30+$0x12000];
	[tilespmem:s3+$0x14000] =	vst v5;
	v5 =	vadd.s32 v4, v13  }
0x33f: {  	v4 =	vadd.s32 v4, v6;
	[tilespmem:s3+$0x15000] =	vst v5;
	v5 =	vld [tilespmem:s30+$0x13000]  }
0x340: {  	[tilespmem:s3+$0x16000] =	vst v4;
	v4 =	vld [tilespmem:s30+$0x14000];
	v6 =	vadd.s32 v7, v8  }
0x341: {  	v8 =	vadd.s32 v7, v9;
	v9 =	vld [tilespmem:s30+$0x15000];
	[tilespmem:s30+$0x17000] =	vst v6  }
0x342: {  	[tilespmem:s30+$0x10000] =	vst v8;
	v6 =	vadd.s32 v7, v10;
	v8 =	vld [tilespmem:s30+$0x16000]  }
0x343: {  	[tilespmem:s30+$0x11000] =	vst v6;
	v6 =	vadd.s32 v7, v11  }
0x344: {  	[tilespmem:s30+$0x12000] =	vst v6;
	v5 =	vadd.s32 v7, v5  }
0x345: {  	v4 =	vadd.s32 v7, v4;
	[tilespmem:s30+$0x13000] =	vst v5  }
0x346: {  	[tilespmem:s30+$0x14000] =	vst v4;
	v4 =	vadd.s32 v7, v9  }
0x347: {  	[tilespmem:s30+$0x15000] =	vst v4;
	v4 =	vadd.s32 v7, v8  }
0x348: {  	[tilespmem:s30+$0x16000] =	vst v4  }
0x349: {  	v11 =	vld [tilespmem:$0x8000]  }
0x34a: {  	v10 =	vld [tilespmem:$0x9000]  }
0x34b: {  	v4 =	vld [tilespmem:$0xA000]  }
0x34c: {  	v5 =	vld [tilespmem:$0xB000]  }
0x34d: {  	v6 =	vld [tilespmem:$0xC000]  }
0x34e: {  	s31 =	simm.s32 $0x1;
	v7 =	vld [tilespmem:$0xD000]  }
0x34f: {  	s0 =	smin.u32 s31, $0xFF;
	v8 =	vld [tilespmem:$0xE000]  }
0x350: {  	s0 =	sshll.u32 s0, $0x4;
	v9 =	vld [tilespmem:$0xF000]  }
0x351: {  	v12 =	vld [tilespmem:s0+$0xF000];
	v13 =	vshrl.u32 v11, $0x4  }
0x352: {  	v15 =	vshrl.u32 v10, $0x4;
	v14 =	vand.u32 $0xFF0, v13;
	v13 =	vld [tilespmem:s0+$0xE000]  }
0x353: {  	v16 =	vshrl.u32 v4, $0x4;
	v17 =	vand.u32 $0xFF0, v15;
	v15 =	vld [tilespmem:s0+$0x8000]  }
0x354: {  	v18 =	vshrl.u32 v5, $0x4;
	v19 =	vshrl.u32 v8, $0x4;
	v22 =	vor.u32 v1, v14;
	v14 =	vld [tilespmem:s0+$0xD000]  }
0x355: {  	v18 =	vand.u32 $0xFF0, v18;
	v23 =	vor.u32 v1, v17;
	v17 =	vand.u32 $0xFF0, v16;
	v16 =	vld [tilespmem:s0+$0x9000]  }
0x356: {  	v20 =	vshrl.u32 v6, $0x4;
	v19 =	vand.u32 $0xFF0, v19;
	v25 =	vor.u32 v1, v18;
	v18 =	vld [tilespmem:s0+$0xB000]  }
0x357: {  	v20 =	vand.u32 $0xFF0, v20;
	v26 =	vor.u32 v1, v19;
	v19 =	vld [tilespmem:s0+$0xC000]  }
0x358: {  	v21 =	vshrl.u32 v9, $0x4;
	v29 =	vor.u32 v1, v20;
	v24 =	vor.u32 v1, v17;
	v17 =	vld [tilespmem:s0+$0xA000]  }
0x359: {  	v28 =	vshrl.u32 v7, $0x4;
	v20 =	vand.u32 $0xFF0, v21;
	v27 =	vld.idx.msk [tilespmem:v22+s10+$0x0], $0xffff  }
0x35a: {  	v21 =	vand.u32 $0xFF0, v28;
	v30 =	vor.u32 v1, v20;
	v28 =	vld.idx.msk [tilespmem:v23+s11+$0x0], $0xffff  }
0x35b: {  	v31 =	vor.u32 v1, v21;
	v33 =	vld.idx.msk [tilespmem:v25+s13+$0x0], $0xffff  }
0x35c: {  	v20 =	vld.idx.msk [tilespmem:v26+s16+$0x0], $0xffff  }
0x35d: {  	v34 =	vld.idx.msk [tilespmem:v29+s14+$0x0], $0xffff  }
0x35e: {  	v32 =	vld.idx.msk [tilespmem:v24+s12+$0x0], $0xffff  }
0x35f: {  	v35 =	vld.idx.msk [tilespmem:v30+s17+$0x0], $0xffff  }
0x360: {  	v36 =	vld.idx.msk [tilespmem:v31+s15+$0x0], $0xffff  }
0x361: {  	[tilespmem:v22+s10+$0x0] =	vst.idx.add.s32.msk $0xffff, v2  }
0x362: {  	[tilespmem:v23+s11+$0x0] =	vst.idx.add.s32.msk $0xffff, v2;
	v21 =	vshll.u32 v27, $0x4  }
0x363: {  	[tilespmem:v24+s12+$0x0] =	vst.idx.add.s32.msk $0xffff, v2;
	v27 =	vshrl.u32 v27, $0xB;
	v23 =	vshll.u32 v33, $0x4;
	v21 =	vand.u32 $0x7FF0, v21  }
0x364: {  	[tilespmem:v25+s13+$0x0] =	vst.idx.add.s32.msk $0xffff, v2;
	v22 =	vshll.u32 v32, $0x4;
	v24 =	vshrl.u32 v32, $0xB;
	v63 =	vand.u32 $0x7FF0, v23  }
0x365: {  	[tilespmem:v29+s14+$0x0] =	vst.idx.add.s32.msk $0xffff, v2;
	v23 =	vshll.u32 v20, $0x4;
	v29 =	vshll.u32 v36, $0x4;
	v21 =	vor.u32 v27, v21  }
0x366: {  	v27 =	vshll.u32 v28, $0x4;
	v28 =	vshrl.u32 v28, $0xB;
	v22 =	vand.u32 $0x7FF0, v22  }
0x367: {  	v23 =	vand.u32 $0x7FF0, v23;
	v27 =	vand.u32 $0x7FF0, v27;
	v22 =	vor.u32 v24, v22  }
0x368: {  	[tilespmem:v31+s15+$0x0] =	vst.idx.add.s32.msk $0xffff, v2;
	v24 =	vshll.u32 v34, $0x4;
	v25 =	vor.u32 v28, v27;
	v27 =	vshrl.u32 v33, $0xB  }
0x369: {  	[tilespmem:v26+s16+$0x0] =	vst.idx.add.s32.msk $0xffff, v2;
	v28 =	vand.u32 $0x7FF0, v24;
	v24 =	vor.u32 v27, v63;
	v27 =	vshrl.u32 v34, $0xB  }
0x36a: {  	[tilespmem:v30+s17+$0x0] =	vst.idx.add.s32.msk $0xffff, v2;
	v30 =	vshrl.u32 v36, $0xB;
	v26 =	vor.u32 v27, v28;
	v27 =	vshll.u32 v35, $0x4  }
0x36b: {  	s24 =	simm.s32 $0x2;
	s23 =	simm.s32 $0x0;
	v28 =	vand.u32 $0x7FF0, v29;
	v29 =	vshrl.u32 v35, $0xB;
	v27 =	vand.u32 $0x7FF0, v27  }
.LBB2_49:
0x36c: {  	p0 =	sne.s32 s24, $0x100;
	[tilespmem:v21+s23+$0x0] =	vst.idx.msk $0xffff, v11;
	v21 =	vor.u32 v30, v28;
	v20 =	vshrl.u32 v20, $0xB;
	v11 =	vmov v15;
	s0 =	smov.u32 s24;
	s24 =	sadd.s32 $0x1, s24  }
0x36d: {  	[tilespmem:v25+s23+$0x0] =	vst.idx.msk $0xffff, v10;
	v20 =	vor.u32 v20, v23;
	v23 =	vor.u32 v29, v27;
	v10 =	vmov v16  }
0x36e: {  	[tilespmem:v22+s23+$0x0] =	vst.idx.msk $0xffff, v4;
	v4 =	vmov v17  }
0x36f: {  	[tilespmem:v24+s23+$0x0] =	vst.idx.msk $0xffff, v5;
	v5 =	vmov v18  }
0x370: {  	v18 =	vshrl.u32 v18, $0x4;
	[tilespmem:v26+s23+$0x0] =	vst.idx.msk $0xffff, v6;
	v6 =	vmov v19  }
0x371: {  	v15 =	vshrl.u32 v15, $0x4;
	v17 =	vshrl.u32 v17, $0x4;
	v19 =	vshrl.u32 v19, $0x4;
	[tilespmem:v21+s23+$0x0] =	vst.idx.msk $0xffff, v7;
	v7 =	vmovc v14  }
0x372: {  	v16 =	vshrl.u32 v16, $0x4;
	s0 =	smin.u32 s0, $0xFF;
	v15 =	vand.u32 $0xFF0, v15;
	v14 =	vshrl.u32 v14, $0x4;
	[tilespmem:v20+s23+$0x0] =	vst.idx.msk $0xffff, v8;
	v8 =	vmovc v13  }
0x373: {  	s0 =	sshll.u32 s0, $0x4;
	v22 =	vor.u32 v1, v15;
	v13 =	vand.u32 $0xFF0, v16;
	v14 =	vand.u32 $0xFF0, v14;
	[tilespmem:v23+s23+$0x0] =	vst.idx.msk $0xffff, v9;
	v9 =	vmovc v12  }
0x374: {  	v15 =	vand.u32 $0xFF0, v17;
	v23 =	vor.u32 v1, v13;
	v24 =	vor.u32 v1, v14;
	v12 =	vld [tilespmem:s0+$0xF000]  }
0x375: {  	v25 =	vor.u32 v1, v15;
	v15 =	vand.u32 $0xFF0, v18;
	v16 =	vshrl.u32 v8, $0x4;
	v13 =	vld [tilespmem:s0+$0xE000]  }
0x376: {  	v26 =	vor.u32 v1, v15;
	v17 =	vand.u32 $0xFF0, v19;
	v16 =	vand.u32 $0xFF0, v16;
	v14 =	vld [tilespmem:s0+$0xD000]  }
0x377: {  	v18 =	vshrl.u32 v9, $0x4;
	v27 =	vor.u32 v1, v16;
	v15 =	vld [tilespmem:s0+$0x8000]  }
0x378: {  	v28 =	vor.u32 v1, v17;
	v18 =	vand.u32 $0xFF0, v18;
	v16 =	vld [tilespmem:s0+$0x9000]  }
0x379: {  	v29 =	vor.u32 v1, v18;
	v17 =	vld [tilespmem:s0+$0xA000]  }
0x37a: {  	v18 =	vld [tilespmem:s0+$0xB000]  }
0x37b: {  	v21 =	vld.idx.msk [tilespmem:v22+s10+$0x0], $0xffff  }
0x37c: {  	v19 =	vld [tilespmem:s0+$0xC000]  }
0x37d: {  	v30 =	vld.idx.msk [tilespmem:v23+s11+$0x0], $0xffff  }
0x37e: {  	v31 =	vld.idx.msk [tilespmem:v25+s12+$0x0], $0xffff  }
0x37f: {  	v32 =	vld.idx.msk [tilespmem:v26+s13+$0x0], $0xffff  }
0x380: {  	v20 =	vld.idx.msk [tilespmem:v27+s16+$0x0], $0xffff  }
0x381: {  	v34 =	vshll.u32 v21, $0x4;
	v33 =	vld.idx.msk [tilespmem:v28+s14+$0x0], $0xffff  }
0x382: {  	v21 =	vshrl.u32 v21, $0xB;
	v34 =	vand.u32 $0x7FF0, v34;
	v35 =	vld.idx.msk [tilespmem:v29+s17+$0x0], $0xffff  }
0x383: {  	v21 =	vor.u32 v21, v34;
	v34 =	vshll.u32 v30, $0x4;
	v36 =	vld.idx.msk [tilespmem:v24+s15+$0x0], $0xffff  }
0x384: {  	v30 =	vshrl.u32 v30, $0xB;
	[tilespmem:v22+s10+$0x0] =	vst.idx.add.s32.msk $0xffff, v2;
	v22 =	vshll.u32 v31, $0x4  }
0x385: {  	v34 =	vand.u32 $0x7FF0, v34;
	[tilespmem:v23+s11+$0x0] =	vst.idx.add.s32.msk $0xffff, v2;
	v22 =	vand.u32 $0x7FF0, v22;
	v23 =	vshll.u32 v32, $0x4  }
0x386: {  	[tilespmem:v25+s12+$0x0] =	vst.idx.add.s32.msk $0xffff, v2;
	v25 =	vshrl.u32 v31, $0xB;
	v31 =	vand.u32 $0x7FF0, v23;
	v23 =	vshll.u32 v20, $0x4  }
.Ltmp25:
0x387: {  	[tilespmem:v26+s13+$0x0] =	vst.idx.add.s32.msk $0xffff, v2;
	v22 =	vor.u32 v25, v22;
	v26 =	vshll.u32 v33, $0x4;
	v23 =	vand.u32 $0x7FF0, v23;
	(pc) =	sbr.rel @p0 .LBB2_49-.Ltmp25, $4  }
0x388: {  	v25 =	vor.u32 v30, v34;
	[tilespmem:v28+s14+$0x0] =	vst.idx.add.s32.msk $0xffff, v2;
	v28 =	vshrl.u32 v32, $0xB;
	v26 =	vand.u32 $0x7FF0, v26  }
0x389: {  	v30 =	vshll.u32 v36, $0x4;
	[tilespmem:v24+s15+$0x0] =	vst.idx.add.s32.msk $0xffff, v2;
	v24 =	vor.u32 v28, v31;
	v28 =	vshrl.u32 v33, $0xB  }
0x38a: {  	[tilespmem:v27+s16+$0x0] =	vst.idx.add.s32.msk $0xffff, v2;
	v26 =	vor.u32 v28, v26;
	v28 =	vand.u32 $0x7FF0, v30;
	v27 =	vshll.u32 v35, $0x4  }
0x38b: {  	v30 =	vshrl.u32 v36, $0xB;
	[tilespmem:v29+s17+$0x0] =	vst.idx.add.s32.msk $0xffff, v2;
	v27 =	vand.u32 $0x7FF0, v27;
	v29 =	vshrl.u32 v35, $0xB  }
0x38c: {  	_ =	sdelay $0x3  }
0x38d: {  	[tilespmem:v21+s23+$0x0] =	vst.idx.msk $0xffff, v11;
	v61 =	vor.u32 v30, v28;
	v12 =	vshrl.u32 v20, $0xB  }
0x38e: {  	[tilespmem:v25+s23+$0x0] =	vst.idx.msk $0xffff, v10;
	v62 =	vor.u32 v12, v23  }
0x38f: {  	v63 =	vor.u32 v29, v27;
	[tilespmem:v22+s23+$0x0] =	vst.idx.msk $0xffff, v4  }
0x390: {  	[tilespmem:v24+s23+$0x0] =	vst.idx.msk $0xffff, v5  }
0x391: {  	[tilespmem:v26+s23+$0x0] =	vst.idx.msk $0xffff, v6  }
0x392: {  	[tilespmem:v61+s23+$0x0] =	vst.idx.msk $0xffff, v7  }
0x393: {  	[tilespmem:v62+s23+$0x0] =	vst.idx.msk $0xffff, v8  }
0x394: {  	s0 =	simm.s32 $0x0;
	s3 =	simm.s32 $0x40;
	[tilespmem:v63+s23+$0x0] =	vst.idx.msk $0xffff, v9  }
.LBB2_51:
0x395: {  	p0 =	sne.s32 s3, $0x3FC0;
	[tilespmem:s0+$0x17000] =	vst v0  }
0x396: {  	[tilespmem:s0+$0x10000] =	vst v0  }
0x397: {  	[tilespmem:s0+$0x11000] =	vst v0  }
.Ltmp26:
0x398: {  	[tilespmem:s0+$0x12000] =	vst v0;
	(pc) =	sbr.rel @p0 .LBB2_51-.Ltmp26, $4  }
0x399: {  	[tilespmem:s0+$0x13000] =	vst v0  }
0x39a: {  	[tilespmem:s0+$0x14000] =	vst v0  }
0x39b: {  	[tilespmem:s0+$0x15000] =	vst v0  }
0x39c: {  	[tilespmem:s0+$0x16000] =	vst v0;
	s0 =	sshra.s32 s3, $0x2;
	s3 =	sadd.s32 $0x40, s3  }
0x39d: {  	[tilespmem:s0+$0x17000] =	vst v0  }
0x39e: {  	[tilespmem:s0+$0x10000] =	vst v0  }
0x39f: {  	[tilespmem:s0+$0x11000] =	vst v0  }
0x3a0: {  	[tilespmem:s0+$0x12000] =	vst v0  }
0x3a1: {  	[tilespmem:s0+$0x13000] =	vst v0  }
0x3a2: {  	[tilespmem:s0+$0x14000] =	vst v0  }
0x3a3: {  	[tilespmem:s0+$0x15000] =	vst v0  }
0x3a4: {  	[tilespmem:s0+$0x16000] =	vst v0  }
0x3a5: {  	v4 =	vld [tilespmem:s23+$0x0];
	_ =	sdelay $0x4  }
0x3a6: {  	v4 =	vshrl.u32 v4, $0xC  }
0x3a7: {  	v4 =	vand.u32 $0xFF0, v4  }
0x3a8: {  	v4 =	vor.u32 v1, v4;
	_ =	sdelay $0x4  }
0x3a9: {  	s29 =	sand.u32 $0xFF0, s23;
	[tilespmem:v4+s10+$0x0] =	vst.idx.add.s32.msk $0xffff, v2  }
0x3aa: {  	v4 =	vld [tilespmem:s29+$0x1000]  }
0x3ab: {  	s24 =	simm.s32 $0x10  }
0x3ac: {  	v5 =	vld [tilespmem:s24+$0x0];
	_ =	sdelay $0x2  }
0x3ad: {  	v4 =	vshrl.u32 v4, $0xC  }
0x3ae: {  	v4 =	vand.u32 $0xFF0, v4  }
0x3af: {  	v5 =	vshrl.u32 v5, $0xC;
	v4 =	vor.u32 v1, v4  }
0x3b0: {  	v5 =	vand.u32 $0xFF0, v5  }
0x3b1: {  	v5 =	vor.u32 v1, v5;
	_ =	sdelay $0x2  }
0x3b2: {  	[tilespmem:v4+s11+$0x0] =	vst.idx.add.s32.msk $0xffff, v2  }
0x3b3: {  	v4 =	vld [tilespmem:s29+$0x2000]  }
0x3b4: {  	s23 =	sand.u32 $0xFF0, s24;
	[tilespmem:v5+s10+$0x0] =	vst.idx.add.s32.msk $0xffff, v2  }
0x3b5: {  	v5 =	vld [tilespmem:s23+$0x1000];
	_ =	sdelay $0x1  }
0x3b6: {  	s25 =	simm.s32 $0x20  }
0x3b7: {  	v6 =	vld [tilespmem:s25+$0x0];
	v4 =	vshrl.u32 v4, $0xC  }
0x3b8: {  	v4 =	vand.u32 $0xFF0, v4  }
0x3b9: {  	v5 =	vshrl.u32 v5, $0xC;
	v4 =	vor.u32 v1, v4  }
0x3ba: {  	v5 =	vand.u32 $0xFF0, v5  }
0x3bb: {  	v5 =	vor.u32 v1, v5  }
0x3bc: {  	s3 =	simm.s32 $0x30;
	v6 =	vshrl.u32 v6, $0xC  }
0x3bd: {  	v7 =	vld [tilespmem:s3+$0x0];
	v6 =	vand.u32 $0xFF0, v6  }
0x3be: {  	[tilespmem:v4+s12+$0x0] =	vst.idx.add.s32.msk $0xffff, v2;
	v4 =	vor.u32 v1, v6  }
0x3bf: {  	v6 =	vld [tilespmem:s29+$0x3000]  }
0x3c0: {  	[tilespmem:v5+s11+$0x0] =	vst.idx.add.s32.msk $0xffff, v2  }
0x3c1: {  	v5 =	vld [tilespmem:s23+$0x2000];
	_ =	sdelay $0x1  }
0x3c2: {  	s24 =	sand.u32 $0xFF0, s25;
	v7 =	vshrl.u32 v7, $0xC;
	[tilespmem:v4+s10+$0x0] =	vst.idx.add.s32.msk $0xffff, v2  }
0x3c3: {  	v7 =	vand.u32 $0xFF0, v7;
	v4 =	vshrl.u32 v6, $0xC;
	v6 =	vld [tilespmem:s24+$0x1000]  }
0x3c4: {  	v7 =	vor.u32 v1, v7;
	v4 =	vand.u32 $0xFF0, v4  }
0x3c5: {  	v5 =	vshrl.u32 v5, $0xC;
	v4 =	vor.u32 v1, v4  }
0x3c6: {  	v5 =	vand.u32 $0xFF0, v5  }
0x3c7: {  	s26 =	simm.s32 $0x40;
	v5 =	vor.u32 v1, v5  }
0x3c8: {  	v8 =	vld [tilespmem:s26+$0x0];
	v6 =	vshrl.u32 v6, $0xC  }
0x3c9: {  	[tilespmem:v7+s10+$0x0] =	vst.idx.add.s32.msk $0xffff, v2;
	v6 =	vand.u32 $0xFF0, v6  }
0x3ca: {  	[tilespmem:v4+s13+$0x0] =	vst.idx.add.s32.msk $0xffff, v2;
	v4 =	vor.u32 v1, v6  }
0x3cb: {  	v6 =	vld [tilespmem:s29+$0x4000]  }
0x3cc: {  	[tilespmem:v5+s12+$0x0] =	vst.idx.add.s32.msk $0xffff, v2  }
0x3cd: {  	s25 =	sand.u32 $0xFF0, s3;
	v5 =	vshrl.u32 v8, $0xC;
	v7 =	vld [tilespmem:s23+$0x3000]  }
0x3ce: {  	v8 =	vld [tilespmem:s25+$0x1000];
	v5 =	vand.u32 $0xFF0, v5  }
0x3cf: {  	[tilespmem:v4+s11+$0x0] =	vst.idx.add.s32.msk $0xffff, v2;
	v4 =	vor.u32 v1, v5  }
0x3d0: {  	v5 =	vshrl.u32 v6, $0xC;
	v6 =	vld [tilespmem:s24+$0x2000]  }
0x3d1: {  	v5 =	vand.u32 $0xFF0, v5  }
0x3d2: {  	s3 =	simm.s32 $0x50;
	v7 =	vshrl.u32 v7, $0xC;
	v5 =	vor.u32 v1, v5  }
0x3d3: {  	v9 =	vld [tilespmem:s3+$0x0];
	v7 =	vand.u32 $0xFF0, v7  }
0x3d4: {  	v8 =	vshrl.u32 v8, $0xC;
	[tilespmem:v4+s10+$0x0] =	vst.idx.add.s32.msk $0xffff, v2;
	v4 =	vor.u32 v1, v7  }
0x3d5: {  	s26 =	sand.u32 $0xFF0, s26;
	v7 =	vand.u32 $0xFF0, v8;
	v6 =	vshrl.u32 v6, $0xC  }
0x3d6: {  	v8 =	vld [tilespmem:s26+$0x1000];
	v7 =	vor.u32 v1, v7;
	v6 =	vand.u32 $0xFF0, v6  }
0x3d7: {  	[tilespmem:v5+s14+$0x0] =	vst.idx.add.s32.msk $0xffff, v2;
	v5 =	vor.u32 v1, v6  }
0x3d8: {  	v6 =	vld [tilespmem:s29+$0x5000]  }
0x3d9: {  	v9 =	vshrl.u32 v9, $0xC;
	[tilespmem:v4+s13+$0x0] =	vst.idx.add.s32.msk $0xffff, v2  }
0x3da: {  	v4 =	vand.u32 $0xFF0, v9;
	v9 =	vld [tilespmem:s23+$0x4000]  }
0x3db: {  	[tilespmem:v7+s11+$0x0] =	vst.idx.add.s32.msk $0xffff, v2;
	v4 =	vor.u32 v1, v4;
	v7 =	vshrl.u32 v8, $0xC  }
0x3dc: {  	[tilespmem:v5+s12+$0x0] =	vst.idx.add.s32.msk $0xffff, v2;
	v5 =	vand.u32 $0xFF0, v7  }
0x3dd: {  	s6 =	simm.s32 $0x60;
	v6 =	vshrl.u32 v6, $0xC;
	v5 =	vor.u32 v1, v5;
	v7 =	vld [tilespmem:s24+$0x3000]  }
0x3de: {  	v10 =	vld [tilespmem:s6+$0x0];
	v6 =	vand.u32 $0xFF0, v6  }
0x3df: {  	v8 =	vld [tilespmem:s25+$0x2000];
	v6 =	vor.u32 v1, v6  }
0x3e0: {  	s28 =	sand.u32 $0xFF0, s3;
	v9 =	vshrl.u32 v9, $0xC;
	[tilespmem:v4+s10+$0x0] =	vst.idx.add.s32.msk $0xffff, v2  }
0x3e1: {  	v4 =	vand.u32 $0xFF0, v9;
	v9 =	vld [tilespmem:s28+$0x1000]  }
0x3e2: {  	v4 =	vor.u32 v1, v4;
	[tilespmem:v5+s11+$0x0] =	vst.idx.add.s32.msk $0xffff, v2;
	v5 =	vshrl.u32 v7, $0xC  }
0x3e3: {  	v5 =	vand.u32 $0xFF0, v5;
	v7 =	vld [tilespmem:s26+$0x2000]  }
0x3e4: {  	s31 =	simm.s32 $0x70;
	[tilespmem:v6+s15+$0x0] =	vst.idx.add.s32.msk $0xffff, v2;
	v6 =	vshrl.u32 v8, $0xC;
	v5 =	vor.u32 v1, v5  }
0x3e5: {  	v11 =	vld [tilespmem:s31+$0x0];
	v8 =	vshrl.u32 v10, $0xC;
	v6 =	vand.u32 $0xFF0, v6  }
0x3e6: {  	v10 =	vld [tilespmem:s29+$0x6000];
	v8 =	vand.u32 $0xFF0, v8;
	v6 =	vor.u32 v1, v6  }
0x3e7: {  	[tilespmem:v4+s14+$0x0] =	vst.idx.add.s32.msk $0xffff, v2;
	v4 =	vor.u32 v1, v8  }
0x3e8: {  	v9 =	vshrl.u32 v9, $0xC;
	v8 =	vld [tilespmem:s23+$0x5000]  }
0x3e9: {  	v9 =	vand.u32 $0xFF0, v9;
	v7 =	vshrl.u32 v7, $0xC;
	[tilespmem:v5+s13+$0x0] =	vst.idx.add.s32.msk $0xffff, v2  }
0x3ea: {  	v9 =	vor.u32 v1, v9;
	v5 =	vand.u32 $0xFF0, v7;
	v12 =	vld [tilespmem:s24+$0x4000]  }
0x3eb: {  	[tilespmem:v6+s12+$0x0] =	vst.idx.add.s32.msk $0xffff, v2;
	v6 =	vor.u32 v1, v5;
	v5 =	vshrl.u32 v10, $0xC  }
0x3ec: {  	s30 =	sand.u32 $0xFF0, s6;
	[tilespmem:v4+s10+$0x0] =	vst.idx.add.s32.msk $0xffff, v2;
	v4 =	vand.u32 $0xFF0, v5  }
0x3ed: {  	v7 =	vld [tilespmem:s30+$0x1000];
	v10 =	vshrl.u32 v8, $0xC;
	v5 =	vor.u32 v1, v4  }
0x3ee: {  	v8 =	vld [tilespmem:s25+$0x3000];
	v4 =	vand.u32 $0xFF0, v10  }
0x3ef: {  	[tilespmem:v9+s11+$0x0] =	vst.idx.add.s32.msk $0xffff, v2;
	v10 =	vshrl.u32 v11, $0xC;
	v4 =	vor.u32 v1, v4;
	v11 =	vshrl.u32 v12, $0xC  }
0x3f0: {  	s0 =	simm.s32 $0x80;
	s3 =	simm.s32 $0x70;
	v9 =	vand.u32 $0xFF0, v10;
	[tilespmem:v6+s12+$0x0] =	vst.idx.add.s32.msk $0xffff, v2;
	v6 =	vand.u32 $0xFF0, v11  }
.LBB2_53:
0x3f1: {  	p0 =	sne.s32 s0, $0xFF0  }
0x3f2: {  	v9 =	vor.u32 v1, v9;
	s31 =	sadd.s32 $0x10, s31;
	v6 =	vor.u32 v1, v6;
	[tilespmem:v5+s16+$0x0] =	vst.idx.add.s32.msk $0xffff, v2;
	s6 =	smov.u32 s0;
	s0 =	sadd.s32 $0x10, s0  }
0x3f3: {  	v5 =	vshrl.u32 v8, $0xC;
	v8 =	vld [tilespmem:s29+$0x7000];
	s29 =	smov.u32 s23;
	s23 =	smov.u32 s24;
	s24 =	smov.u32 s25  }
0x3f4: {  	s25 =	smov.u32 s26;
	s26 =	smov.u32 s28;
	s28 =	smov.u32 s30;
	v5 =	vand.u32 $0xFF0, v5;
	[tilespmem:v4+s15+$0x0] =	vst.idx.add.s32.msk $0xffff, v2  }
0x3f5: {  	v4 =	vld [tilespmem:s26+$0x2000];
	v5 =	vor.u32 v1, v5  }
0x3f6: {  	v10 =	vld [tilespmem:s29+$0x6000]  }
0x3f7: {  	v7 =	vshrl.u32 v7, $0xC;
	[tilespmem:v6+s14+$0x0] =	vst.idx.add.s32.msk $0xffff, v2  }
0x3f8: {  	v6 =	vand.u32 $0xFF0, v7;
	v11 =	vld [tilespmem:s23+$0x5000];
	v7 =	vshrl.u32 v8, $0xC  }
0x3f9: {  	v6 =	vor.u32 v1, v6;
	v12 =	vld [tilespmem:s31+$0x0];
	v7 =	vand.u32 $0xFF0, v7  }
0x3fa: {  	v4 =	vshrl.u32 v4, $0xC;
	[tilespmem:v5+s13+$0x0] =	vst.idx.add.s32.msk $0xffff, v2;
	v13 =	vor.u32 v1, v7  }
0x3fb: {  	v4 =	vand.u32 $0xFF0, v4;
	v14 =	vld [tilespmem:s24+$0x4000];
	v5 =	vshrl.u32 v10, $0xC  }
0x3fc: {  	s30 =	sand.u32 $0xFF0, s3;
	s3 =	smov.u32 s6;
	[tilespmem:v9+s10+$0x0] =	vst.idx.add.s32.msk $0xffff, v2;
	v10 =	vor.u32 v1, v4;
	v4 =	vand.u32 $0xFF0, v5  }
.Ltmp27:
0x3fd: {  	v7 =	vld [tilespmem:s30+$0x1000];
	v9 =	vshrl.u32 v11, $0xC;
	v5 =	vor.u32 v1, v4;
	(pc) =	sbr.rel @p0 .LBB2_53-.Ltmp27, $4  }
0x3fe: {  	v8 =	vld [tilespmem:s25+$0x3000];
	v4 =	vand.u32 $0xFF0, v9  }
0x3ff: {  	v4 =	vor.u32 v1, v4;
	[tilespmem:v13+s17+$0x0] =	vst.idx.add.s32.msk $0xffff, v2  }
0x400: {  	v9 =	vshrl.u32 v12, $0xC;
	[tilespmem:v6+s11+$0x0] =	vst.idx.add.s32.msk $0xffff, v2;
	v6 =	vshrl.u32 v14, $0xC  }
0x401: {  	v9 =	vand.u32 $0xFF0, v9;
	[tilespmem:v10+s12+$0x0] =	vst.idx.add.s32.msk $0xffff, v2;
	v6 =	vand.u32 $0xFF0, v6  }
0x402: {  	v9 =	vor.u32 v1, v9;
	_ =	sdelay $0x1  }
0x403: {  	v7 =	vshrl.u32 v7, $0xC  }
0x404: {  	v7 =	vand.u32 $0xFF0, v7  }
0x405: {  	v7 =	vor.u32 v1, v7  }
0x406: {  	s31 =	sand.u32 $0xFF0, s3;
	[tilespmem:v9+s10+$0x0] =	vst.idx.add.s32.msk $0xffff, v2  }
0x407: {  	v9 =	vld [tilespmem:s31+$0x1000];
	_ =	sdelay $0x2  }
0x408: {  	[tilespmem:v7+s11+$0x0] =	vst.idx.add.s32.msk $0xffff, v2  }
0x409: {  	v7 =	vld [tilespmem:s30+$0x2000]  }
0x40a: {  	v9 =	vshrl.u32 v9, $0xC  }
0x40b: {  	v9 =	vand.u32 $0xFF0, v9  }
0x40c: {  	v9 =	vor.u32 v1, v9  }
0x40d: {  	v10 =	vld [tilespmem:s28+$0x2000]  }
0x40e: {  	v7 =	vshrl.u32 v7, $0xC  }
0x40f: {  	v7 =	vand.u32 $0xFF0, v7  }
0x410: {  	v7 =	vor.u32 v1, v7  }
0x411: {  	[tilespmem:v9+s11+$0x0] =	vst.idx.add.s32.msk $0xffff, v2  }
0x412: {  	v10 =	vshrl.u32 v10, $0xC;
	v9 =	vld [tilespmem:s31+$0x2000]  }
0x413: {  	v10 =	vand.u32 $0xFF0, v10  }
0x414: {  	v8 =	vshrl.u32 v8, $0xC;
	v10 =	vor.u32 v1, v10  }
0x415: {  	v50 =	vand.u32 $0xFF0, v8;
	[tilespmem:v7+s12+$0x0] =	vst.idx.add.s32.msk $0xffff, v2  }
0x416: {  	v7 =	vor.u32 v1, v50;
	v8 =	vld [tilespmem:s30+$0x3000]  }
0x417: {  	v9 =	vshrl.u32 v9, $0xC  }
0x418: {  	v11 =	vld [tilespmem:s26+$0x3000];
	v9 =	vand.u32 $0xFF0, v9  }
0x419: {  	[tilespmem:v10+s12+$0x0] =	vst.idx.add.s32.msk $0xffff, v2;
	v9 =	vor.u32 v1, v9  }
0x41a: {  	v10 =	vld [tilespmem:s28+$0x3000]  }
0x41b: {  	[tilespmem:v7+s13+$0x0] =	vst.idx.add.s32.msk $0xffff, v2;
	v8 =	vshrl.u32 v8, $0xC  }
0x41c: {  	v51 =	vand.u32 $0xFF0, v8;
	v8 =	vld [tilespmem:s25+$0x4000];
	_ =	sdelay $0x1  }
0x41d: {  	v11 =	vshrl.u32 v11, $0xC;
	v7 =	vor.u32 v1, v51;
	[tilespmem:v9+s12+$0x0] =	vst.idx.add.s32.msk $0xffff, v2  }
0x41e: {  	v9 =	vand.u32 $0xFF0, v11;
	v11 =	vld [tilespmem:s31+$0x3000]  }
0x41f: {  	[tilespmem:v5+s16+$0x0] =	vst.idx.add.s32.msk $0xffff, v2;
	v5 =	vor.u32 v1, v9;
	v9 =	vshrl.u32 v10, $0xC  }
0x420: {  	v8 =	vshrl.u32 v8, $0xC;
	v9 =	vand.u32 $0xFF0, v9  }
0x421: {  	[tilespmem:v4+s15+$0x0] =	vst.idx.add.s32.msk $0xffff, v2;
	v52 =	vand.u32 $0xFF0, v8;
	v4 =	vor.u32 v1, v9  }
0x422: {  	[tilespmem:v7+s13+$0x0] =	vst.idx.add.s32.msk $0xffff, v2;
	v7 =	vor.u32 v1, v52  }
0x423: {  	v8 =	vld [tilespmem:s30+$0x4000];
	v9 =	vshrl.u32 v11, $0xC  }
0x424: {  	[tilespmem:v5+s13+$0x0] =	vst.idx.add.s32.msk $0xffff, v2;
	v5 =	vand.u32 $0xFF0, v9  }
0x425: {  	v9 =	vld [tilespmem:s26+$0x4000];
	v5 =	vor.u32 v1, v5  }
0x426: {  	[tilespmem:v4+s13+$0x0] =	vst.idx.add.s32.msk $0xffff, v2  }
0x427: {  	v6 =	vor.u32 v1, v6;
	[tilespmem:v7+s14+$0x0] =	vst.idx.add.s32.msk $0xffff, v2  }
0x428: {  	v8 =	vshrl.u32 v8, $0xC;
	v4 =	vld [tilespmem:s28+$0x4000]  }
0x429: {  	v53 =	vand.u32 $0xFF0, v8;
	v8 =	vld [tilespmem:s25+$0x5000]  }
0x42a: {  	v7 =	vor.u32 v1, v53;
	v9 =	vshrl.u32 v9, $0xC;
	[tilespmem:v5+s13+$0x0] =	vst.idx.add.s32.msk $0xffff, v2  }
0x42b: {  	v5 =	vand.u32 $0xFF0, v9;
	v9 =	vld [tilespmem:s31+$0x4000]  }
0x42c: {  	[tilespmem:v6+s14+$0x0] =	vst.idx.add.s32.msk $0xffff, v2;
	v5 =	vor.u32 v1, v5  }
0x42d: {  	v11 =	vld [tilespmem:s23+$0x6000];
	v4 =	vshrl.u32 v4, $0xC  }
0x42e: {  	v6 =	vld [tilespmem:s24+$0x5000];
	v8 =	vshrl.u32 v8, $0xC;
	v4 =	vand.u32 $0xFF0, v4  }
0x42f: {  	[tilespmem:v7+s14+$0x0] =	vst.idx.add.s32.msk $0xffff, v2;
	v54 =	vand.u32 $0xFF0, v8;
	v4 =	vor.u32 v1, v4  }
0x430: {  	v8 =	vld [tilespmem:s30+$0x5000];
	v7 =	vor.u32 v1, v54;
	v9 =	vshrl.u32 v9, $0xC  }
0x431: {  	[tilespmem:v5+s14+$0x0] =	vst.idx.add.s32.msk $0xffff, v2;
	v5 =	vand.u32 $0xFF0, v9  }
0x432: {  	v9 =	vshrl.u32 v11, $0xC;
	v11 =	vld [tilespmem:s26+$0x5000];
	v5 =	vor.u32 v1, v5  }
0x433: {  	v9 =	vand.u32 $0xFF0, v9  }
0x434: {  	v6 =	vshrl.u32 v6, $0xC;
	[tilespmem:v4+s14+$0x0] =	vst.idx.add.s32.msk $0xffff, v2;
	v4 =	vor.u32 v1, v9  }
0x435: {  	v6 =	vand.u32 $0xFF0, v6;
	[tilespmem:v7+s15+$0x0] =	vst.idx.add.s32.msk $0xffff, v2  }
0x436: {  	v6 =	vor.u32 v1, v6;
	v8 =	vshrl.u32 v8, $0xC;
	v9 =	vld [tilespmem:s28+$0x5000]  }
0x437: {  	v55 =	vand.u32 $0xFF0, v8;
	v11 =	vshrl.u32 v11, $0xC;
	[tilespmem:v5+s14+$0x0] =	vst.idx.add.s32.msk $0xffff, v2  }
0x438: {  	v7 =	vor.u32 v1, v55;
	v5 =	vand.u32 $0xFF0, v11;
	v11 =	vld [tilespmem:s31+$0x5000]  }
0x439: {  	[tilespmem:v4+s16+$0x0] =	vst.idx.add.s32.msk $0xffff, v2;
	v4 =	vor.u32 v1, v5  }
0x43a: {  	v8 =	vld [tilespmem:s25+$0x6000]  }
0x43b: {  	[tilespmem:v6+s15+$0x0] =	vst.idx.add.s32.msk $0xffff, v2;
	v5 =	vshrl.u32 v9, $0xC  }
0x43c: {  	v6 =	vld [tilespmem:s24+$0x6000];
	v5 =	vand.u32 $0xFF0, v5  }
0x43d: {  	[tilespmem:v7+s15+$0x0] =	vst.idx.add.s32.msk $0xffff, v2;
	v5 =	vor.u32 v1, v5;
	v9 =	vshrl.u32 v11, $0xC  }
0x43e: {  	[tilespmem:v4+s15+$0x0] =	vst.idx.add.s32.msk $0xffff, v2;
	v4 =	vand.u32 $0xFF0, v9  }
0x43f: {  	v8 =	vshrl.u32 v8, $0xC;
	v9 =	vld [tilespmem:s26+$0x6000];
	v4 =	vor.u32 v1, v4  }
0x440: {  	v57 =	vand.u32 $0xFF0, v8;
	v8 =	vld [tilespmem:s30+$0x6000]  }
0x441: {  	v10 =	vld [tilespmem:s29+$0x7000]  }
0x442: {  	v6 =	vshrl.u32 v6, $0xC;
	v7 =	vor.u32 v1, v57;
	[tilespmem:v5+s15+$0x0] =	vst.idx.add.s32.msk $0xffff, v2  }
0x443: {  	v5 =	vand.u32 $0xFF0, v6;
	v56 =	vld [tilespmem:s28+$0x6000]  }
0x444: {  	v5 =	vor.u32 v1, v5;
	v9 =	vshrl.u32 v9, $0xC;
	[tilespmem:v4+s15+$0x0] =	vst.idx.add.s32.msk $0xffff, v2  }
0x445: {  	v8 =	vshrl.u32 v8, $0xC;
	v4 =	vand.u32 $0xFF0, v9;
	v9 =	vld [tilespmem:s31+$0x6000]  }
0x446: {  	v11 =	vld [tilespmem:s23+$0x7000];
	v59 =	vand.u32 $0xFF0, v8;
	v4 =	vor.u32 v1, v4  }
0x447: {  	[tilespmem:v7+s16+$0x0] =	vst.idx.add.s32.msk $0xffff, v2;
	v7 =	vor.u32 v1, v59  }
0x448: {  	v8 =	vld [tilespmem:s25+$0x7000];
	v6 =	vshrl.u32 v56, $0xC  }
0x449: {  	[tilespmem:v5+s16+$0x0] =	vst.idx.add.s32.msk $0xffff, v2;
	v5 =	vand.u32 $0xFF0, v6  }
0x44a: {  	v58 =	vld [tilespmem:s24+$0x7000];
	v5 =	vor.u32 v1, v5;
	v9 =	vshrl.u32 v9, $0xC  }
0x44b: {  	[tilespmem:v4+s16+$0x0] =	vst.idx.add.s32.msk $0xffff, v2;
	v4 =	vand.u32 $0xFF0, v9  }
0x44c: {  	[tilespmem:v7+s16+$0x0] =	vst.idx.add.s32.msk $0xffff, v2;
	v4 =	vor.u32 v1, v4  }
0x44d: {  	v60 =	vshrl.u32 v10, $0xC;
	v10 =	vld [tilespmem:s30+$0x7000]  }
0x44e: {  	v9 =	vld [tilespmem:s26+$0x7000]  }
0x44f: {  	[tilespmem:v5+s16+$0x0] =	vst.idx.add.s32.msk $0xffff, v2  }
0x450: {  	v11 =	vshrl.u32 v11, $0xC;
	v5 =	vld [tilespmem:s28+$0x7000]  }
0x451: {  	v61 =	vand.u32 $0xFF0, v11;
	v8 =	vshrl.u32 v8, $0xC;
	v7 =	vand.u32 $0xFF0, v60;
	[tilespmem:v4+s16+$0x0] =	vst.idx.add.s32.msk $0xffff, v2  }
0x452: {  	v8 =	vand.u32 $0xFF0, v8;
	v6 =	vshrl.u32 v58, $0xC;
	v4 =	vor.u32 v1, v7;
	v11 =	vld [tilespmem:s31+$0x7000]  }
0x453: {  	v8 =	vor.u32 v1, v8;
	v6 =	vand.u32 $0xFF0, v6  }
0x454: {  	v6 =	vor.u32 v1, v6;
	v9 =	vshrl.u32 v9, $0xC  }
0x455: {  	v7 =	vor.u32 v1, v61;
	v9 =	vand.u32 $0xFF0, v9;
	v5 =	vshrl.u32 v5, $0xC  }
0x456: {  	v10 =	vshrl.u32 v10, $0xC;
	v9 =	vor.u32 v1, v9;
	v5 =	vand.u32 $0xFF0, v5  }
0x457: {  	[tilespmem:v4+s17+$0x0] =	vst.idx.add.s32.msk $0xffff, v2;
	v4 =	vor.u32 v1, v5;
	v5 =	vand.u32 $0xFF0, v10;
	v10 =	vshrl.u32 v11, $0xC  }
0x458: {  	[tilespmem:v8+s17+$0x0] =	vst.idx.add.s32.msk $0xffff, v2;
	v5 =	vor.u32 v1, v5;
	v62 =	vand.u32 $0xFF0, v10  }
0x459: {  	[tilespmem:v6+s17+$0x0] =	vst.idx.add.s32.msk $0xffff, v2;
	v63 =	vor.u32 v1, v62  }
0x45a: {  	[tilespmem:v7+s17+$0x0] =	vst.idx.add.s32.msk $0xffff, v2  }
0x45b: {  	p3 =	por $0x1, $0x1;
	[tilespmem:v9+s17+$0x0] =	vst.idx.add.s32.msk $0xffff, v2  }
.Ltmp28:
0x45c: {  	[tilespmem:v4+s17+$0x0] =	vst.idx.add.s32.msk $0xffff, v2;
	(pc) =	sbr.rel @!p3 .LBB2_55-.Ltmp28, $4  }
0x45d: {  	[tilespmem:v5+s17+$0x0] =	vst.idx.add.s32.msk $0xffff, v2  }
0x45e: {  	s24 =	simm.s32 $0x0;
	[tilespmem:v63+s17+$0x0] =	vst.idx.add.s32.msk $0xffff, v2  }
0x45f: {  	p1 =	por $0x0, $0x0;
	v12 =	vld [tilespmem:s24+$0x10000]  }
0x460: {  	p2 =	por $0x0, $0x0;
	p0 =	por $0x0, $0x0;
	s23 =	simm.s32 $0x0;
	v10 =	vld [tilespmem:s24+$0x11000]  }
0x461: {  	v11 =	vld [tilespmem:s24+$0x12000]  }
0x462: {  	v8 =	vld [tilespmem:s24+$0x13000]  }
0x463: {  	v7 =	vld [tilespmem:s24+$0x14000];
	_ =	sdelay $0x1  }
0x464: {  	v6 =	vld [tilespmem:s24+$0x15000];
	p3 =	por $0x1, $0x1;
	v4 =	vadd.s32 v12, v10  }
.Ltmp29:
0x465: {  	s26 =	simm.s32 $0x10;
	v4 =	vadd.s32 v11, v4;
	(pc) =	sbr.rel @!p3 .LBB2_57-.Ltmp29, $4  }
0x466: {  	v5 =	vadd.s32 v8, v4;
	v4 =	vld [tilespmem:s26+$0x10000]  }
0x467: {  	v13 =	vadd.s32 v7, v5;
	v5 =	vld [tilespmem:s26+$0x11000]  }
0x468: {  	v9 =	vld [tilespmem:s24+$0x16000]  }
0x469: {  	v20 =	vld [tilespmem:s24+$0x17000];
	p1 =	por $0x1, $0x1;
	v25 =	vadd.s32 v6, v13  }
0x46a: {  	_ =	sdelay $0x1  }
0x46b: {  	v15 =	vld [tilespmem:s26+$0x12000]  }
0x46c: {  	v14 =	vld [tilespmem:s26+$0x13000];
	v13 =	vadd.s32 v9, v25  }
0x46d: {  	v17 =	vadd.s32 v20, v13;
	v13 =	vld [tilespmem:s26+$0x14000];
	_ =	sdelay $0x1  }
0x46e: {  	v18 =	vadd.s32 v4, v5;
	(xrf0) =	vadd.scan.msk.s32 $0xffff, v17  }
0x46f: {  	v16 =	vld [tilespmem:s26+$0x15000];
	p3 =	por $0x1, $0x1;
	v18 =	vadd.s32 v15, v18  }
.Ltmp30:
0x470: {  	s29 =	simm.s32 $0x20;
	v18 =	vadd.s32 v14, v18;
	(pc) =	sbr.rel @!p3 .LBB2_59-.Ltmp30, $4  }
0x471: {  	v27 =	vld [tilespmem:s29+$0x10000];
	v18 =	vadd.s32 v13, v18  }
0x472: {  	v28 =	vld [tilespmem:s29+$0x11000]  }
0x473: {  	v19 =	vld [tilespmem:s26+$0x16000]  }
0x474: {  	p2 =	por $0x1, $0x1;
	v20 =	vld [tilespmem:s26+$0x17000];
	v25 =	vadd.s32 v16, v18;
	v18, _, _ =	vpop (xrf0)  }
0x475: {  	_ =	sdelay $0x2  }
0x476: {  	v23 =	vsub.s32 v18, v17;
	v21 =	vadd.s32 v19, v25  }
0x477: {  	v33 =	vld [tilespmem:s29+$0x12000];
	v22 =	vadd.s32 v20, v21;
	v20 =	vadd.s32 v12, v23  }
0x478: {  	v30 =	vld [tilespmem:s29+$0x13000];
	[tilespmem:s24+$0x11000] =	vst v20;
	v20 =	vadd.s32 v10, v20  }
0x479: {  	v31 =	vld [tilespmem:s29+$0x14000];
	[tilespmem:s24+$0x12000] =	vst v20;
	v20 =	vadd.s32 v11, v20  }
0x47a: {  	[tilespmem:s24+$0x13000] =	vst v20;
	v20 =	vadd.s32 v8, v20  }
0x47b: {  	[tilespmem:s24+$0x10000] =	vst v23;
	v21 =	vadd.s32 v27, v28;
	(xrf0) =	vadd.scan.msk.s32 $0xffff, v22;
	v24 =	vadd.s32 v7, v20  }
0x47c: {  	v34 =	vld [tilespmem:s29+$0x15000];
	p4 =	por $0x1, $0x1;
	v21 =	vadd.s32 v33, v21;
	[tilespmem:s24+$0x15000] =	vst v24;
	v24 =	vadd.s32 v6, v24  }
.Ltmp31:
0x47d: {  	v23 =	vld [tilespmem:s29+$0x16000];
	v21 =	vadd.s32 v30, v21;
	[tilespmem:s24+$0x16000] =	vst v24;
	v29 =	vadd.s32 v9, v24;
	v24 =	vmov s23;
	(pc) =	sbr.rel @!p4 .LBB2_61-.Ltmp31, $4  }
0x47e: {  	v21 =	vadd.s32 v31, v21;
	[tilespmem:s24+$0x14000] =	vst v20;
	v20 =	vld [tilespmem:s29+$0x17000]  }
0x47f: {  	s25 =	simm.s32 $0x30  }
0x480: {  	v26 =	vbroadcast v18, $0xF;
	v41 =	vld [tilespmem:s25+$0x10000]  }
0x481: {  	s0 =	simm.s32 $0x100;
	p3 =	por $0x1, $0x1;
	s28 =	simm.s32 $0x0;
	v42 =	vld [tilespmem:s25+$0x11000];
	v25 =	vadd.s32 v34, v21;
	v21, _, _ =	vpop (xrf0);
	[tilespmem:s24+$0x17000] =	vst v29  }
.LBB2_62:
0x482: {  	p4 =	sne.s32 s0, $0x3FC0;
	v29 =	vld [tilespmem:s25+$0x12000];
	v25 =	vadd.s32 v23, v25;
	v32 =	vsub.s32 v21, v22;
	[tilespmem:v24+s18+$0x0] =	vst.idx.msk $0x1, v26;
	v35 =	vmov v23;
	s3 =	smov.u32 s25  }
0x483: {  	v26 =	vld [tilespmem:s3+$0x13000];
	v22 =	vadd.s32 v20, v25;
	[tilespmem:s26+$0x10000] =	vst v32;
	v20 =	vadd.s32 v4, v32;
	v4 =	vmov v27  }
0x484: {  	v25 =	vld [tilespmem:s3+$0x14000];
	(xrf0) =	vadd.scan.msk.s32 $0xffff, v22;
	[tilespmem:s26+$0x11000] =	vst v20;
	v20 =	vadd.s32 v5, v20;
	v5 =	vmov v28  }
0x485: {  	s28 =	sadd.s32 $0x1, s28;
	v32 =	vld [tilespmem:s3+$0x15000];
	[tilespmem:s26+$0x12000] =	vst v20;
	v20 =	vadd.s32 v15, v20;
	v15 =	vmov v33;
	v27 =	vmov v41  }
.Ltmp32:
0x486: {  	v24 =	vmov s28;
	v23 =	vld [tilespmem:s3+$0x16000];
	v37 =	vadd.s32 v27, v42;
	[tilespmem:s26+$0x13000] =	vst v20;
	v36 =	vadd.s32 v14, v20;
	v14 =	vmovc v30;
	v28 =	vmovc v42;
	(pc) =	sbr.rel @p4 .LBB2_62-.Ltmp32, $4  }
0x487: {  	v20 =	vld [tilespmem:s3+$0x17000];
	v37 =	vadd.s32 v29, v37;
	[tilespmem:s26+$0x14000] =	vst v36;
	v36 =	vadd.s32 v13, v36;
	v33 =	vmovc v29;
	v13 =	vmov v31  }
0x488: {  	s25 =	sshra.s32 s0, $0x2;
	v29 =	vadd.s32 v26, v37;
	[tilespmem:s26+$0x15000] =	vst v36;
	v36 =	vadd.s32 v16, v36;
	v30 =	vmovc v26;
	v16 =	vmov v34  }
0x489: {  	v26 =	vbroadcast v21, $0xF;
	v41 =	vld [tilespmem:s25+$0x10000];
	v29 =	vadd.s32 v25, v29;
	[tilespmem:s26+$0x16000] =	vst v36;
	v36 =	vadd.s32 v19, v36;
	v31 =	vmovc v25  }
0x48a: {  	s0 =	sadd.s32 $0x40, s0;
	v19 =	vmov v35;
	v42 =	vld [tilespmem:s25+$0x11000];
	v25 =	vadd.s32 v32, v29;
	v21, _, _ =	vpop (xrf0);
	[tilespmem:s26+$0x17000] =	vst v36;
	v34 =	vmov v32;
	s26 =	smov.u32 s29;
	s29 =	smov.u32 s3  }
0x48b: {  	_ =	sdelay $0x1  }
0x48c: {  	v35 =	vmovc v4;
	v36 =	vmov v5;
	v37 =	vmov v15;
	v39 =	vmov v14  }
0x48d: {  	v38 =	vmovc v13;
	v40 =	vmovc v16;
	v29 =	vmov v27;
	v32 =	vmov v28;
	v15 =	vmov v33  }
0x48e: {  	s30 =	smov.u32 s26;
	v14 =	vmovc v30;
	v13 =	vmovc v31;
	v16 =	vmov v34;
	s26 =	smov.u32 s29;
	v4 =	vmov v41;
	v5 =	vmov v42  }
.LBB2_64:
0x48f: {  	_ =	sdelay $0x1  }
0x490: {  	v25 =	vadd.s32 @p1 v23, v25  }
0x491: {  	v27 =	vld [tilespmem:s25+$0x12000];
	v20 =	vadd.s32 @p1 v20, v25  }
0x492: {  	v22 =	vsub.s32 @p2 v21, v22;
	[tilespmem:v24+s18+$0x0] =	vst.idx.msk @p3 $0x1, v26;
	v55 =	vld [tilespmem:s25+$0x13000];
	(xrf0) =	vadd.scan.msk.s32 @p1 $0xffff, v20  }
0x493: {  	v56 =	vld [tilespmem:s25+$0x14000];
	s0 =	sadd.s32 @p3 $0x1, s28;
	s3 =	simm.s32 $0x0;
	[tilespmem:s30+$0x10000] =	vst @p2 v22;
	v22 =	vadd.s32 @p2 v35, v22  }
0x494: {  	v57 =	vld [tilespmem:s25+$0x15000];
	v28 =	vadd.s32 v4, v5;
	v21 =	vbroadcast @p2 v21, $0xF;
	s3 =	smov.u32 @p3 s0;
	[tilespmem:s30+$0x11000] =	vst @p2 v22;
	v22 =	vadd.s32 @p2 v36, v22  }
0x495: {  	v31 =	vld [tilespmem:s25+$0x16000];
	v12 =	vpsel p1, v29, v12;
	v30 =	vmov @p2 s3;
	[tilespmem:s30+$0x12000] =	vst @p2 v22;
	v22 =	vadd.s32 @p2 v37, v22  }
0x496: {  	v33 =	vld [tilespmem:s25+$0x17000];
	v30 =	vpsel p2, v30, v0;
	[tilespmem:s30+$0x13000] =	vst @p2 v22;
	v22 =	vadd.s32 @p2 v39, v22;
	v28 =	vadd.s32 v27, v28  }
0x497: {  	v10 =	vpsel p1, v32, v10;
	[tilespmem:s30+$0x14000] =	vst @p2 v22;
	v22 =	vadd.s32 @p2 v38, v22;
	v28 =	vadd.s32 v55, v28  }
0x498: {  	v17 =	vpsel p1, v20, v17;
	[tilespmem:s30+$0x15000] =	vst @p2 v22;
	v22 =	vadd.s32 @p2 v40, v22;
	v28 =	vadd.s32 v56, v28;
	v34, _, _ =	vpop @p1 (xrf0)  }
0x499: {  	[tilespmem:s30+$0x16000] =	vst @p2 v22;
	v19 =	vadd.s32 @p2 v19, v22;
	v58 =	vadd.s32 v57, v28;
	v18 =	vpsel p1, v34, v18  }
0x49a: {  	s6 =	smov.u32 s24;
	s0 =	smov.u32 @p1 s26;
	[tilespmem:s30+$0x17000] =	vst @p2 v19;
	v19 =	vpsel p2, v21, v0;
	v59 =	vadd.s32 v31, v58;
	v17 =	vsub.s32 @p1 v18, v17  }
0x49b: {  	s6 =	smov.u32 @p1 s0;
	s0 =	sadd.s32 @p2 $0x1, s3;
	s3 =	simm.s32 $0x0;
	[tilespmem:v30+s18+$0x0] =	vst.idx.msk @p2 $0x1, v19;
	v60 =	vadd.s32 v33, v59;
	v12 =	vadd.s32 @p1 v12, v17  }
0x49c: {  	v11 =	vpsel p1, v15, v11;
	s3 =	smov.u32 @p2 s0;
	[tilespmem:s6+$0x10000] =	vst @p1 v17;
	(xrf0) =	vadd.scan.msk.s32 $0xffff, v60;
	v10 =	vadd.s32 @p1 v10, v12  }
0x49d: {  	[tilespmem:s6+$0x12000] =	vst @p1 v10;
	v10 =	vadd.s32 @p1 v11, v10;
	v11 =	vmov @p1 s3  }
0x49e: {  	v8 =	vpsel p1, v14, v8;
	[tilespmem:s6+$0x11000] =	vst @p1 v12;
	v12 =	vmov @p1 v13;
	v13 =	vmov @p1 v16  }
0x49f: {  	[tilespmem:s6+$0x13000] =	vst @p1 v10;
	v8 =	vadd.s32 @p1 v8, v10;
	v10 =	vpsel p1, v11, v0;
	v7 =	vpsel p1, v12, v7  }
0x4a0: {  	v6 =	vpsel p1, v13, v6;
	[tilespmem:s6+$0x14000] =	vst @p1 v8;
	v11 =	vmov @p1 v23;
	v7 =	vadd.s32 @p1 v7, v8  }
0x4a1: {  	v8 =	vpsel p1, v11, v9;
	[tilespmem:s6+$0x15000] =	vst @p1 v7;
	v6 =	vadd.s32 @p1 v6, v7  }
0x4a2: {  	v7 =	vbroadcast @p1 v18, $0xF;
	v61, _, _ =	vpop (xrf0);
	[tilespmem:s6+$0x16000] =	vst @p1 v6;
	v6 =	vadd.s32 @p1 v8, v6  }
0x4a3: {  	v62 =	vsub.s32 v61, v60;
	[tilespmem:s6+$0x17000] =	vst @p1 v6  }
0x4a4: {  	v6 =	vpsel p1, v7, v0;
	[tilespmem:s25+$0x10000] =	vst v62  }
0x4a5: {  	v4 =	vadd.s32 v4, v62;
	[tilespmem:v10+s18+$0x0] =	vst.idx.msk @p1 $0x1, v6  }
0x4a6: {  	s0 =	sadd.s32 @p1 $0x1, s3;
	s3 =	simm.s32 $0x0;
	[tilespmem:s25+$0x11000] =	vst v4;
	v4 =	vadd.s32 v5, v4  }
0x4a7: {  	s3 =	smov.u32 @p1 s0;
	[tilespmem:s25+$0x12000] =	vst v4;
	v4 =	vadd.s32 v27, v4  }
0x4a8: {  	v5 =	vmov s3;
	p1 =	por $0x1, $0x1;
	[tilespmem:s25+$0x13000] =	vst v4;
	v4 =	vadd.s32 v55, v4  }
.Ltmp33:
0x4a9: {  	[tilespmem:s25+$0x14000] =	vst v4;
	v4 =	vadd.s32 v56, v4;
	(pc) =	sbr.rel @!p1 .LBB2_65-.Ltmp33, $4  }
0x4aa: {  	[tilespmem:s25+$0x15000] =	vst v4;
	v4 =	vadd.s32 v57, v4  }
0x4ab: {  	v63 =	vbroadcast v61, $0xF;
	[tilespmem:s25+$0x16000] =	vst v4;
	v4 =	vadd.s32 v31, v4  }
0x4ac: {  	[tilespmem:s25+$0x17000] =	vst v4  }
0x4ad: {  	[tilespmem:v5+s18+$0x0] =	vst.idx.msk $0x1, v63  }
0x4ae: {  	v4 =	vld [tilespmem:s24+$0x18000];
	_ =	sdelay $0x4  }
0x4af: {  	(xrf0) =	vadd.scan.msk.s32 $0xffff, v4;
	_ =	sdelay $0x4  }
0x4b0: {  	p1 =	por $0x1, $0x1  }
.Ltmp34:
0x4b1: {  	v5, _, _ =	vpop (xrf0);
	(pc) =	sbr.rel @!p1 .LBB2_67-.Ltmp34, $4  }
0x4b2: {  	(v2sf) =	vpush v5, $0xF  }
0x4b3: {  	v4 =	vsub.s32 s23, v4  }
0x4b4: {  	s3 =	simm.s32 $0x10;
	v4 =	vadd.s32 v5, v4  }
0x4b5: {  	s25 =	simm.s32 $0x80;
	p0 =	por $0x1, $0x1;
	s0 =	simm.s32 $0x0;
	[tilespmem:s24+$0x18000] =	vst v4  }
.LBB2_68:
0x4b6: {  	p1 =	sne.s32 s25, $0x3C0;
	v4 =	vld [tilespmem:s3+$0x18000];
	_ =	sdelay $0x4  }
0x4b7: {  	(xrf0) =	vadd.scan.msk.s32 $0xffff, v4;
	_ =	sdelay $0x5  }
.Ltmp35:
0x4b8: {  	v5, _, _ =	vpop (xrf0);
	s6 =	spop (v2sf);
	(pc) =	sbr.rel @p1 .LBB2_68-.Ltmp35, $4  }
0x4b9: {  	(v2sf) =	vpush v5, $0xF;
	s0 =	sadd.s32 s0, s6  }
0x4ba: {  	v4 =	vsub.s32 s0, v4  }
0x4bb: {  	v4 =	vadd.s32 v5, v4  }
0x4bc: {  	[tilespmem:s3+$0x18000] =	vst v4;
	s3 =	sshra.s32 s25, $0x2;
	s25 =	sadd.s32 $0x40, s25  }
0x4bd: {  	s24 =	smov.u32 s3  }
.LBB2_70:
0x4be: {  	_ =	sdelay $0x1  }
0x4bf: {  	v4 =	vld [tilespmem:s24+$0x18000];
	_ =	sdelay $0x4  }
0x4c0: {  	(xrf0) =	vadd.scan.msk.s32 $0xffff, v4;
	_ =	sdelay $0x2  }
0x4c1: {  	s6 =	simm.s32 $0x0;
	s3 =	spop @p0 (v2sf)  }
0x4c2: {  	v5 =	vmov s6;
	s0 =	sadd.s32 @p0 s0, s3  }
0x4c3: {  	s23 =	smov.u32 @p0 s0  }
0x4c4: {  	v6, _, _ =	vpop (xrf0);
	v4 =	vsub.s32 s23, v4  }
0x4c5: {  	(v2sf) =	vpush v6, $0xF;
	v4 =	vadd.s32 v6, v4  }
0x4c6: {  	[tilespmem:s24+$0x18000] =	vst v4  }
0x4c7: {  	s0 =	simm.s32 $0x0;
	v10 =	vld.idx.msk [tilespmem:v5+s18+$0x0], $0xffff  }
0x4c8: {  	v4 =	vld [tilespmem:s0+$0x17000]  }
0x4c9: {  	v5 =	vld [tilespmem:s0+$0x10000]  }
0x4ca: {  	s30 =	simm.s32 $0x1;
	v6 =	vld [tilespmem:s0+$0x11000]  }
0x4cb: {  	v9 =	vmov s30;
	v7 =	vld [tilespmem:s0+$0x12000]  }
0x4cc: {  	v8 =	vld [tilespmem:s0+$0x13000]  }
0x4cd: {  	v11 =	vld [tilespmem:s0+$0x14000];
	v4 =	vadd.s32 v10, v4  }
0x4ce: {  	v12 =	vld [tilespmem:s0+$0x15000];
	v5 =	vadd.s32 v10, v5;
	[tilespmem:s0+$0x17000] =	vst v4  }
0x4cf: {  	v13 =	vld [tilespmem:s0+$0x16000];
	[tilespmem:s0+$0x10000] =	vst v5;
	v5 =	vadd.s32 v10, v6  }
0x4d0: {  	s3 =	simm.s32 $0x10;
	v4 =	vld.idx.msk [tilespmem:v9+s18+$0x0], $0xffff;
	[tilespmem:s0+$0x11000] =	vst v5;
	v5 =	vadd.s32 v10, v7  }
0x4d1: {  	v6 =	vld [tilespmem:s3+$0x17000];
	[tilespmem:s0+$0x12000] =	vst v5;
	v5 =	vadd.s32 v10, v8  }
0x4d2: {  	v7 =	vld [tilespmem:s3+$0x10000];
	v8 =	vadd.s32 v10, v11;
	[tilespmem:s0+$0x13000] =	vst v5  }
0x4d3: {  	s24 =	simm.s32 $0x2;
	v11 =	vadd.s32 v10, v12;
	v5 =	vld [tilespmem:s3+$0x11000];
	[tilespmem:s0+$0x14000] =	vst v8  }
0x4d4: {  	s25 =	simm.s32 $0xC0;
	s23 =	simm.s32 $0x80;
	v9 =	vmov s24;
	v10 =	vadd.s32 v10, v13;
	v8 =	vld [tilespmem:s3+$0x12000];
	[tilespmem:s0+$0x15000] =	vst v11;
	s31 =	spop (v2sf)  }
.LBB2_71:
0x4d5: {  	p0 =	sne.s32 s25, $0x3FC0;
	v11 =	vld [tilespmem:s3+$0x13000];
	[tilespmem:s0+$0x16000] =	vst v10;
	s0 =	smov.u32 s3  }
0x4d6: {  	v12 =	vmov v4;
	v10 =	vld [tilespmem:s0+$0x14000];
	v6 =	vadd.s32 v4, v6  }
0x4d7: {  	v4 =	vadd.s32 v12, v7;
	v13 =	vld [tilespmem:s0+$0x15000];
	[tilespmem:s0+$0x17000] =	vst v6  }
0x4d8: {  	[tilespmem:s0+$0x10000] =	vst v4;
	v5 =	vadd.s32 v12, v5;
	v14 =	vld [tilespmem:s0+$0x16000]  }
.Ltmp36:
0x4d9: {  	s3 =	sshra.s32 s23, $0x2;
	s23 =	smov.u32 s25;
	v4 =	vld.idx.msk [tilespmem:v9+s18+$0x0], $0xffff;
	[tilespmem:s0+$0x11000] =	vst v5;
	v5 =	vadd.s32 v12, v8;
	(pc) =	sbr.rel @p0 .LBB2_71-.Ltmp36, $4  }
0x4da: {  	v6 =	vld [tilespmem:s3+$0x17000];
	[tilespmem:s0+$0x12000] =	vst v5;
	v5 =	vadd.s32 v12, v11  }
0x4db: {  	v7 =	vld [tilespmem:s3+$0x10000];
	[tilespmem:s0+$0x13000] =	vst v5;
	v8 =	vadd.s32 v12, v10  }
0x4dc: {  	s24 =	sadd.s32 $0x1, s24;
	v5 =	vld [tilespmem:s3+$0x11000];
	[tilespmem:s0+$0x14000] =	vst v8;
	v10 =	vadd.s32 v12, v13  }
0x4dd: {  	s25 =	sadd.s32 $0x40, s25;
	v9 =	vmov s24;
	v8 =	vld [tilespmem:s3+$0x12000];
	[tilespmem:s0+$0x15000] =	vst v10;
	v10 =	vadd.s32 v12, v14  }
0x4de: {  	v11 =	vld [tilespmem:s3+$0x13000]  }
0x4df: {  	v12 =	vld [tilespmem:s3+$0x14000]  }
0x4e0: {  	v13 =	vld [tilespmem:s3+$0x15000];
	[tilespmem:s0+$0x16000] =	vst v10;
	v6 =	vadd.s32 v4, v6  }
0x4e1: {  	v7 =	vadd.s32 v4, v7;
	[tilespmem:s3+$0x17000] =	vst v6;
	v6 =	vld [tilespmem:s3+$0x16000]  }
0x4e2: {  	s30 =	sshra.s32 s23, $0x2;
	[tilespmem:s3+$0x10000] =	vst v7;
	v5 =	vadd.s32 v4, v5;
	v7 =	vld.idx.msk [tilespmem:v9+s18+$0x0], $0xffff  }
0x4e3: {  	[tilespmem:s3+$0x11000] =	vst v5;
	v5 =	vadd.s32 v4, v8;
	v8 =	vld [tilespmem:s30+$0x17000]  }
0x4e4: {  	v9 =	vld [tilespmem:s30+$0x10000];
	[tilespmem:s3+$0x12000] =	vst v5;
	v5 =	vadd.s32 v4, v11  }
0x4e5: {  	v10 =	vld [tilespmem:s30+$0x11000];
	[tilespmem:s3+$0x13000] =	vst v5;
	v5 =	vadd.s32 v4, v12  }
0x4e6: {  	v11 =	vld [tilespmem:s30+$0x12000];
	[tilespmem:s3+$0x14000] =	vst v5;
	v5 =	vadd.s32 v4, v13  }
0x4e7: {  	v4 =	vadd.s32 v4, v6;
	[tilespmem:s3+$0x15000] =	vst v5;
	v5 =	vld [tilespmem:s30+$0x13000]  }
0x4e8: {  	[tilespmem:s3+$0x16000] =	vst v4;
	v4 =	vld [tilespmem:s30+$0x14000];
	v6 =	vadd.s32 v7, v8  }
0x4e9: {  	v8 =	vadd.s32 v7, v9;
	v9 =	vld [tilespmem:s30+$0x15000];
	[tilespmem:s30+$0x17000] =	vst v6  }
0x4ea: {  	[tilespmem:s30+$0x10000] =	vst v8;
	v6 =	vadd.s32 v7, v10;
	v8 =	vld [tilespmem:s30+$0x16000]  }
0x4eb: {  	[tilespmem:s30+$0x11000] =	vst v6;
	v6 =	vadd.s32 v7, v11  }
0x4ec: {  	[tilespmem:s30+$0x12000] =	vst v6;
	v5 =	vadd.s32 v7, v5  }
0x4ed: {  	v4 =	vadd.s32 v7, v4;
	[tilespmem:s30+$0x13000] =	vst v5  }
0x4ee: {  	[tilespmem:s30+$0x14000] =	vst v4;
	v4 =	vadd.s32 v7, v9  }
0x4ef: {  	[tilespmem:s30+$0x15000] =	vst v4;
	v4 =	vadd.s32 v7, v8  }
0x4f0: {  	[tilespmem:s30+$0x16000] =	vst v4  }
0x4f1: {  	v10 =	vld [tilespmem:$0x0]  }
0x4f2: {  	v9 =	vld [tilespmem:$0x1000]  }
0x4f3: {  	v8 =	vld [tilespmem:$0x2000]  }
0x4f4: {  	v4 =	vld [tilespmem:$0x3000]  }
0x4f5: {  	v5 =	vld [tilespmem:$0x4000]  }
0x4f6: {  	s31 =	simm.s32 $0x1;
	v11 =	vld [tilespmem:$0x5000]  }
0x4f7: {  	s0 =	smin.u32 s31, $0xFF;
	v6 =	vld [tilespmem:$0x6000]  }
0x4f8: {  	s0 =	sshll.u32 s0, $0x4;
	v7 =	vld [tilespmem:$0x7000]  }
0x4f9: {  	v12 =	vld [tilespmem:s0+$0x7000]  }
0x4fa: {  	v14 =	vld [tilespmem:s0+$0x6000];
	v13 =	vshrl.u32 v10, $0xC;
	v15 =	vshrl.u32 v9, $0xC  }
0x4fb: {  	v16 =	vshrl.u32 v8, $0xC;
	v13 =	vand.u32 $0xFF0, v13;
	v17 =	vand.u32 $0xFF0, v15;
	v15 =	vld [tilespmem:s0+$0x0]  }
0x4fc: {  	v19 =	vshrl.u32 v6, $0xC;
	v20 =	vshrl.u32 v5, $0xC;
	v25 =	vor.u32 v1, v13;
	v13 =	vld [tilespmem:s0+$0x5000]  }
0x4fd: {  	v19 =	vand.u32 $0xFF0, v19;
	v27 =	vor.u32 v1, v17;
	v17 =	vand.u32 $0xFF0, v16;
	v16 =	vld [tilespmem:s0+$0x1000]  }
0x4fe: {  	v18 =	vshrl.u32 v4, $0xC;
	v21 =	vand.u32 $0xFF0, v20;
	v20 =	vor.u32 v1, v19;
	v19 =	vld [tilespmem:s0+$0x4000]  }
0x4ff: {  	v33 =	vor.u32 v1, v21;
	v28 =	vor.u32 v1, v17;
	v17 =	vand.u32 $0xFF0, v18;
	v18 =	vld [tilespmem:s0+$0x2000]  }
0x500: {  	v22 =	vshrl.u32 v7, $0xC;
	v29 =	vor.u32 v1, v17;
	v17 =	vld [tilespmem:s0+$0x3000]  }
0x501: {  	v23 =	vshrl.u32 v11, $0xC;
	v21 =	vand.u32 $0xFF0, v22;
	v30 =	vld.idx.msk [tilespmem:v25+s10+$0x0], $0xffff  }
0x502: {  	v23 =	vand.u32 $0xFF0, v23;
	v22 =	vor.u32 v1, v21;
	v31 =	vld.idx.msk [tilespmem:v27+s11+$0x0], $0xffff  }
0x503: {  	v21 =	vor.u32 v1, v23;
	v34 =	vld.idx.msk [tilespmem:v20+s16+$0x0], $0xffff  }
0x504: {  	v36 =	vld.idx.msk [tilespmem:v33+s14+$0x0], $0xffff  }
0x505: {  	v32 =	vld.idx.msk [tilespmem:v28+s12+$0x0], $0xffff  }
0x506: {  	v26 =	vld.idx.msk [tilespmem:v29+s13+$0x0], $0xffff  }
0x507: {  	v23 =	vld.idx.msk [tilespmem:v22+s17+$0x0], $0xffff;
	v24 =	vshll.u32 v30, $0x4  }
0x508: {  	v37 =	vshll.u32 v31, $0x4;
	v35 =	vand.u32 $0x7FF0, v24;
	v24 =	vld.idx.msk [tilespmem:v21+s15+$0x0], $0xffff  }
0x509: {  	v31 =	vshrl.u32 v31, $0xB;
	[tilespmem:v25+s10+$0x0] =	vst.idx.add.s32.msk $0xffff, v2;
	v25 =	vshrl.u32 v30, $0xB;
	v30 =	vand.u32 $0x7FF0, v37  }
0x50a: {  	[tilespmem:v27+s11+$0x0] =	vst.idx.add.s32.msk $0xffff, v2;
	v27 =	vor.u32 v25, v35;
	v25 =	vor.u32 v31, v30;
	v30 =	vshll.u32 v32, $0x4  }
0x50b: {  	v31 =	vshll.u32 v26, $0x4;
	v35 =	vshrl.u32 v32, $0xB;
	v32 =	vshll.u32 v36, $0x4;
	[tilespmem:v28+s12+$0x0] =	vst.idx.add.s32.msk $0xffff, v2  }
0x50c: {  	v30 =	vand.u32 $0x7FF0, v30;
	v28 =	vshrl.u32 v34, $0xB;
	v31 =	vand.u32 $0x7FF0, v31;
	[tilespmem:v29+s13+$0x0] =	vst.idx.add.s32.msk $0xffff, v2  }
0x50d: {  	s23 =	simm.s32 $0x2;
	v34 =	vshll.u32 v34, $0x4;
	v29 =	vshll.u32 v23, $0x4;
	[tilespmem:v33+s14+$0x0] =	vst.idx.add.s32.msk $0xffff, v2;
	v33 =	vshrl.u32 v36, $0xB  }
.LBB2_73:
0x50e: {  	p0 =	sne.s32 s23, $0x100;
	[tilespmem:v21+s15+$0x0] =	vst.idx.add.s32.msk $0xffff, v2;
	v21 =	vor.u32 v35, v30;
	v26 =	vshrl.u32 v26, $0xB;
	v30 =	vshll.u32 v24, $0x4;
	s0 =	smov.u32 s23;
	s23 =	sadd.s32 $0x1, s23  }
0x50f: {  	[tilespmem:v20+s16+$0x0] =	vst.idx.add.s32.msk $0xffff, v2;
	v20 =	vor.u32 v26, v31;
	v26 =	vand.u32 $0x7FF0, v32;
	v31 =	vand.u32 $0x7FF0, v34  }
0x510: {  	v24 =	vshrl.u32 v24, $0xB;
	[tilespmem:v22+s17+$0x0] =	vst.idx.add.s32.msk $0xffff, v2;
	v22 =	vor.u32 v33, v26;
	v26 =	vand.u32 $0x7FF0, v30  }
0x511: {  	v23 =	vshrl.u32 v23, $0xB;
	v30 =	vshrl.u32 v18, $0xC;
	[tilespmem:v27+s19+$0x0] =	vst.idx.msk $0xffff, v10;
	v24 =	vor.u32 v24, v26;
	v10 =	vmovc v15  }
0x512: {  	v26 =	vshrl.u32 v17, $0xC;
	v27 =	vand.u32 $0x7FF0, v29;
	[tilespmem:v25+s19+$0x0] =	vst.idx.msk $0xffff, v9;
	v25 =	vor.u32 v28, v31;
	v9 =	vmovc v16  }
0x513: {  	v15 =	vshrl.u32 v15, $0xC;
	v28 =	vshrl.u32 v19, $0xC;
	v23 =	vor.u32 v23, v27;
	[tilespmem:v21+s19+$0x0] =	vst.idx.msk $0xffff, v8;
	v8 =	vmovc v18  }
0x514: {  	s0 =	smin.u32 s0, $0xFF;
	v16 =	vshrl.u32 v16, $0xC;
	v15 =	vand.u32 $0xFF0, v15;
	v18 =	vshrl.u32 v13, $0xC;
	[tilespmem:v20+s19+$0x0] =	vst.idx.msk $0xffff, v4;
	v4 =	vmovc v17  }
0x515: {  	s0 =	sshll.u32 s0, $0x4;
	v27 =	vor.u32 v1, v15;
	v15 =	vand.u32 $0xFF0, v16;
	v16 =	vand.u32 $0xFF0, v18;
	[tilespmem:v22+s19+$0x0] =	vst.idx.msk $0xffff, v5;
	v5 =	vmovc v19  }
0x516: {  	v29 =	vor.u32 v1, v15;
	v15 =	vand.u32 $0xFF0, v30;
	v21 =	vor.u32 v1, v16;
	[tilespmem:v24+s19+$0x0] =	vst.idx.msk $0xffff, v11  }
0x517: {  	v17 =	vshrl.u32 v14, $0xC;
	v30 =	vor.u32 v1, v15;
	v15 =	vand.u32 $0xFF0, v26;
	[tilespmem:v25+s19+$0x0] =	vst.idx.msk $0xffff, v6;
	v6 =	vmovc v14  }
0x518: {  	v31 =	vor.u32 v1, v15;
	v15 =	vand.u32 $0xFF0, v28;
	v14 =	vand.u32 $0xFF0, v17;
	[tilespmem:v23+s19+$0x0] =	vst.idx.msk $0xffff, v7;
	v7 =	vmovc v12  }
0x519: {  	v11 =	vmov v13;
	v20 =	vor.u32 v1, v14;
	v16 =	vshrl.u32 v7, $0xC;
	v12 =	vld [tilespmem:s0+$0x7000]  }
0x51a: {  	v33 =	vor.u32 v1, v15;
	v14 =	vld [tilespmem:s0+$0x6000];
	v15 =	vand.u32 $0xFF0, v16  }
0x51b: {  	v13 =	vld [tilespmem:s0+$0x5000];
	v22 =	vor.u32 v1, v15  }
0x51c: {  	v15 =	vld [tilespmem:s0+$0x0]  }
0x51d: {  	v16 =	vld [tilespmem:s0+$0x1000]  }
0x51e: {  	v18 =	vld [tilespmem:s0+$0x2000]  }
0x51f: {  	v17 =	vld [tilespmem:s0+$0x3000]  }
0x520: {  	v25 =	vld.idx.msk [tilespmem:v27+s10+$0x0], $0xffff  }
0x521: {  	v19 =	vld [tilespmem:s0+$0x4000]  }
0x522: {  	v28 =	vld.idx.msk [tilespmem:v29+s11+$0x0], $0xffff  }
0x523: {  	v32 =	vld.idx.msk [tilespmem:v30+s12+$0x0], $0xffff  }
0x524: {  	v26 =	vld.idx.msk [tilespmem:v31+s13+$0x0], $0xffff  }
0x525: {  	v34 =	vld.idx.msk [tilespmem:v20+s16+$0x0], $0xffff  }
0x526: {  	v24 =	vshll.u32 v25, $0x4;
	v36 =	vld.idx.msk [tilespmem:v33+s14+$0x0], $0xffff  }
0x527: {  	v35 =	vand.u32 $0x7FF0, v24;
	v23 =	vld.idx.msk [tilespmem:v22+s17+$0x0], $0xffff  }
0x528: {  	v37 =	vshll.u32 v28, $0x4;
	v24 =	vld.idx.msk [tilespmem:v21+s15+$0x0], $0xffff  }
.Ltmp37:
0x529: {  	v25 =	vshrl.u32 v25, $0xB;
	v28 =	vshrl.u32 v28, $0xB;
	v37 =	vand.u32 $0x7FF0, v37;
	[tilespmem:v27+s10+$0x0] =	vst.idx.add.s32.msk $0xffff, v2;
	(pc) =	sbr.rel @p0 .LBB2_73-.Ltmp37, $4  }
0x52a: {  	v27 =	vor.u32 v25, v35;
	v25 =	vor.u32 v28, v37;
	v28 =	vshll.u32 v32, $0x4;
	[tilespmem:v29+s11+$0x0] =	vst.idx.add.s32.msk $0xffff, v2  }
0x52b: {  	v29 =	vshll.u32 v26, $0x4;
	[tilespmem:v30+s12+$0x0] =	vst.idx.add.s32.msk $0xffff, v2;
	v30 =	vand.u32 $0x7FF0, v28;
	v28 =	vshrl.u32 v34, $0xB  }
0x52c: {  	v35 =	vshrl.u32 v32, $0xB;
	v32 =	vshll.u32 v36, $0x4;
	[tilespmem:v31+s13+$0x0] =	vst.idx.add.s32.msk $0xffff, v2;
	v31 =	vand.u32 $0x7FF0, v29  }
0x52d: {  	v34 =	vshll.u32 v34, $0x4;
	v29 =	vshll.u32 v23, $0x4;
	[tilespmem:v33+s14+$0x0] =	vst.idx.add.s32.msk $0xffff, v2;
	v33 =	vshrl.u32 v36, $0xB  }
0x52e: {  	_ =	sdelay $0x3  }
0x52f: {  	[tilespmem:v21+s15+$0x0] =	vst.idx.add.s32.msk $0xffff, v2;
	v12 =	vor.u32 v35, v30;
	v13 =	vshrl.u32 v26, $0xB  }
0x530: {  	v14 =	vshll.u32 v24, $0x4;
	v15 =	vand.u32 $0x7FF0, v32;
	[tilespmem:v20+s16+$0x0] =	vst.idx.add.s32.msk $0xffff, v2;
	v13 =	vor.u32 v13, v31  }
0x531: {  	v16 =	vshrl.u32 v24, $0xB;
	v15 =	vor.u32 v33, v15;
	v14 =	vand.u32 $0x7FF0, v14;
	[tilespmem:v22+s17+$0x0] =	vst.idx.add.s32.msk $0xffff, v2  }
0x532: {  	v17 =	vand.u32 $0x7FF0, v34;
	v59 =	vor.u32 v16, v14;
	[tilespmem:v27+s19+$0x0] =	vst.idx.msk $0xffff, v10  }
0x533: {  	v60 =	vshrl.u32 v23, $0xB;
	v62 =	vand.u32 $0x7FF0, v29;
	v61 =	vor.u32 v28, v17;
	[tilespmem:v25+s19+$0x0] =	vst.idx.msk $0xffff, v9  }
0x534: {  	v63 =	vor.u32 v60, v62;
	[tilespmem:v12+s19+$0x0] =	vst.idx.msk $0xffff, v8  }
0x535: {  	[tilespmem:v13+s19+$0x0] =	vst.idx.msk $0xffff, v4  }
0x536: {  	[tilespmem:v15+s19+$0x0] =	vst.idx.msk $0xffff, v5  }
0x537: {  	[tilespmem:v59+s19+$0x0] =	vst.idx.msk $0xffff, v11  }
0x538: {  	[tilespmem:v61+s19+$0x0] =	vst.idx.msk $0xffff, v6  }
0x539: {  	s0 =	simm.s32 $0x0;
	s3 =	simm.s32 $0x0;
	s23 =	simm.s32 $0x40;
	[tilespmem:v63+s19+$0x0] =	vst.idx.msk $0xffff, v7  }
.LBB2_75:
0x53a: {  	p0 =	sne.s32 s23, $0x3FC0;
	[tilespmem:s3+$0x17000] =	vst v0  }
0x53b: {  	[tilespmem:s3+$0x10000] =	vst v0  }
0x53c: {  	[tilespmem:s3+$0x11000] =	vst v0  }
.Ltmp38:
0x53d: {  	[tilespmem:s3+$0x12000] =	vst v0;
	(pc) =	sbr.rel @p0 .LBB2_75-.Ltmp38, $4  }
0x53e: {  	[tilespmem:s3+$0x13000] =	vst v0  }
0x53f: {  	[tilespmem:s3+$0x14000] =	vst v0  }
0x540: {  	[tilespmem:s3+$0x15000] =	vst v0  }
0x541: {  	[tilespmem:s3+$0x16000] =	vst v0;
	s3 =	sshra.s32 s23, $0x2;
	s23 =	sadd.s32 $0x40, s23  }
0x542: {  	[tilespmem:s3+$0x17000] =	vst v0  }
0x543: {  	[tilespmem:s3+$0x10000] =	vst v0  }
0x544: {  	[tilespmem:s3+$0x11000] =	vst v0  }
0x545: {  	[tilespmem:s3+$0x12000] =	vst v0  }
0x546: {  	[tilespmem:s3+$0x13000] =	vst v0  }
0x547: {  	[tilespmem:s3+$0x14000] =	vst v0  }
0x548: {  	[tilespmem:s3+$0x15000] =	vst v0  }
0x549: {  	[tilespmem:s3+$0x16000] =	vst v0;
	s25 =	simm.s32 $0x8000  }
0x54a: {  	v4 =	vld [tilespmem:s25+$0x0];
	_ =	sdelay $0x4  }
0x54b: {  	v4 =	vshrl.u32 v4, $0x14  }
0x54c: {  	v4 =	vand.u32 $0xFF0, v4  }
0x54d: {  	v4 =	vor.u32 v1, v4;
	_ =	sdelay $0x4  }
0x54e: {  	s29 =	sand.u32 $0xFF0, s0;
	[tilespmem:v4+s10+$0x0] =	vst.idx.add.s32.msk $0xffff, v2  }
0x54f: {  	v4 =	vld [tilespmem:s29+$0x9000]  }
0x550: {  	s26 =	simm.s32 $0x8010  }
0x551: {  	v5 =	vld [tilespmem:s26+$0x0];
	_ =	sdelay $0x2  }
0x552: {  	v4 =	vshrl.u32 v4, $0x14  }
0x553: {  	v4 =	vand.u32 $0xFF0, v4  }
0x554: {  	v5 =	vshrl.u32 v5, $0x14;
	v4 =	vor.u32 v1, v4  }
0x555: {  	v5 =	vand.u32 $0xFF0, v5  }
0x556: {  	v5 =	vor.u32 v1, v5;
	_ =	sdelay $0x2  }
0x557: {  	[tilespmem:v4+s11+$0x0] =	vst.idx.add.s32.msk $0xffff, v2  }
0x558: {  	s3 =	simm.s32 $0x10;
	v4 =	vld [tilespmem:s29+$0xA000]  }
0x559: {  	s23 =	sand.u32 $0xFF0, s3;
	[tilespmem:v5+s10+$0x0] =	vst.idx.add.s32.msk $0xffff, v2  }
0x55a: {  	v5 =	vld [tilespmem:s23+$0x9000];
	_ =	sdelay $0x1  }
0x55b: {  	s6 =	simm.s32 $0x8020  }
0x55c: {  	v6 =	vld [tilespmem:s6+$0x0];
	v4 =	vshrl.u32 v4, $0x14  }
0x55d: {  	v4 =	vand.u32 $0xFF0, v4  }
0x55e: {  	v5 =	vshrl.u32 v5, $0x14;
	v4 =	vor.u32 v1, v4  }
0x55f: {  	v5 =	vand.u32 $0xFF0, v5  }
0x560: {  	v5 =	vor.u32 v1, v5  }
0x561: {  	s24 =	simm.s32 $0x8030;
	v6 =	vshrl.u32 v6, $0x14  }
0x562: {  	v7 =	vld [tilespmem:s24+$0x0];
	v6 =	vand.u32 $0xFF0, v6  }
0x563: {  	[tilespmem:v4+s12+$0x0] =	vst.idx.add.s32.msk $0xffff, v2;
	v4 =	vor.u32 v1, v6  }
0x564: {  	v6 =	vld [tilespmem:s29+$0xB000]  }
0x565: {  	[tilespmem:v5+s11+$0x0] =	vst.idx.add.s32.msk $0xffff, v2  }
0x566: {  	v5 =	vld [tilespmem:s23+$0xA000]  }
0x567: {  	s25 =	simm.s32 $0x20  }
0x568: {  	s24 =	sand.u32 $0xFF0, s25;
	v7 =	vshrl.u32 v7, $0x14;
	[tilespmem:v4+s10+$0x0] =	vst.idx.add.s32.msk $0xffff, v2  }
0x569: {  	v7 =	vand.u32 $0xFF0, v7;
	v4 =	vshrl.u32 v6, $0x14;
	v6 =	vld [tilespmem:s24+$0x9000]  }
0x56a: {  	v7 =	vor.u32 v1, v7;
	v4 =	vand.u32 $0xFF0, v4  }
0x56b: {  	v5 =	vshrl.u32 v5, $0x14;
	v4 =	vor.u32 v1, v4  }
0x56c: {  	v5 =	vand.u32 $0xFF0, v5  }
0x56d: {  	s26 =	simm.s32 $0x8040;
	v5 =	vor.u32 v1, v5  }
0x56e: {  	v8 =	vld [tilespmem:s26+$0x0];
	v6 =	vshrl.u32 v6, $0x14  }
0x56f: {  	[tilespmem:v7+s10+$0x0] =	vst.idx.add.s32.msk $0xffff, v2;
	v6 =	vand.u32 $0xFF0, v6  }
0x570: {  	[tilespmem:v4+s13+$0x0] =	vst.idx.add.s32.msk $0xffff, v2;
	v4 =	vor.u32 v1, v6  }
0x571: {  	v6 =	vld [tilespmem:s29+$0xC000]  }
0x572: {  	s3 =	simm.s32 $0x30;
	[tilespmem:v5+s12+$0x0] =	vst.idx.add.s32.msk $0xffff, v2  }
0x573: {  	s25 =	sand.u32 $0xFF0, s3;
	v5 =	vshrl.u32 v8, $0x14;
	v7 =	vld [tilespmem:s23+$0xB000]  }
0x574: {  	v8 =	vld [tilespmem:s25+$0x9000];
	v5 =	vand.u32 $0xFF0, v5  }
0x575: {  	[tilespmem:v4+s11+$0x0] =	vst.idx.add.s32.msk $0xffff, v2;
	v4 =	vor.u32 v1, v5  }
0x576: {  	v5 =	vshrl.u32 v6, $0x14;
	v6 =	vld [tilespmem:s24+$0xA000]  }
0x577: {  	v5 =	vand.u32 $0xFF0, v5  }
0x578: {  	s6 =	simm.s32 $0x8050;
	v7 =	vshrl.u32 v7, $0x14;
	v5 =	vor.u32 v1, v5  }
0x579: {  	v9 =	vld [tilespmem:s6+$0x0];
	v7 =	vand.u32 $0xFF0, v7  }
0x57a: {  	s26 =	simm.s32 $0x40;
	v8 =	vshrl.u32 v8, $0x14;
	[tilespmem:v4+s10+$0x0] =	vst.idx.add.s32.msk $0xffff, v2;
	v4 =	vor.u32 v1, v7  }
0x57b: {  	s26 =	sand.u32 $0xFF0, s26;
	v7 =	vand.u32 $0xFF0, v8;
	v6 =	vshrl.u32 v6, $0x14  }
0x57c: {  	v8 =	vld [tilespmem:s26+$0x9000];
	v7 =	vor.u32 v1, v7;
	v6 =	vand.u32 $0xFF0, v6  }
0x57d: {  	[tilespmem:v5+s14+$0x0] =	vst.idx.add.s32.msk $0xffff, v2;
	v5 =	vor.u32 v1, v6  }
0x57e: {  	v6 =	vld [tilespmem:s29+$0xD000]  }
0x57f: {  	v9 =	vshrl.u32 v9, $0x14;
	[tilespmem:v4+s13+$0x0] =	vst.idx.add.s32.msk $0xffff, v2  }
0x580: {  	v4 =	vand.u32 $0xFF0, v9;
	v9 =	vld [tilespmem:s23+$0xC000]  }
0x581: {  	[tilespmem:v7+s11+$0x0] =	vst.idx.add.s32.msk $0xffff, v2;
	v4 =	vor.u32 v1, v4;
	v7 =	vshrl.u32 v8, $0x14  }
0x582: {  	[tilespmem:v5+s12+$0x0] =	vst.idx.add.s32.msk $0xffff, v2;
	v5 =	vand.u32 $0xFF0, v7  }
0x583: {  	s3 =	simm.s32 $0x8060;
	v6 =	vshrl.u32 v6, $0x14;
	v5 =	vor.u32 v1, v5;
	v7 =	vld [tilespmem:s24+$0xB000]  }
0x584: {  	v10 =	vld [tilespmem:s3+$0x0];
	v6 =	vand.u32 $0xFF0, v6  }
0x585: {  	s6 =	simm.s32 $0x50;
	v8 =	vld [tilespmem:s25+$0xA000];
	v6 =	vor.u32 v1, v6  }
0x586: {  	s28 =	sand.u32 $0xFF0, s6;
	v9 =	vshrl.u32 v9, $0x14;
	[tilespmem:v4+s10+$0x0] =	vst.idx.add.s32.msk $0xffff, v2  }
0x587: {  	v4 =	vand.u32 $0xFF0, v9;
	v9 =	vld [tilespmem:s28+$0x9000]  }
0x588: {  	v4 =	vor.u32 v1, v4;
	[tilespmem:v5+s11+$0x0] =	vst.idx.add.s32.msk $0xffff, v2;
	v5 =	vshrl.u32 v7, $0x14  }
0x589: {  	v5 =	vand.u32 $0xFF0, v5;
	v7 =	vld [tilespmem:s26+$0xA000]  }
0x58a: {  	s31 =	simm.s32 $0x8070;
	[tilespmem:v6+s15+$0x0] =	vst.idx.add.s32.msk $0xffff, v2;
	v6 =	vshrl.u32 v8, $0x14;
	v5 =	vor.u32 v1, v5  }
0x58b: {  	v11 =	vld [tilespmem:s31+$0x0];
	v8 =	vshrl.u32 v10, $0x14;
	v6 =	vand.u32 $0xFF0, v6  }
0x58c: {  	v10 =	vld [tilespmem:s29+$0xE000];
	v8 =	vand.u32 $0xFF0, v8;
	v6 =	vor.u32 v1, v6  }
0x58d: {  	[tilespmem:v4+s14+$0x0] =	vst.idx.add.s32.msk $0xffff, v2;
	v4 =	vor.u32 v1, v8  }
0x58e: {  	v9 =	vshrl.u32 v9, $0x14;
	v8 =	vld [tilespmem:s23+$0xD000]  }
0x58f: {  	v9 =	vand.u32 $0xFF0, v9;
	v7 =	vshrl.u32 v7, $0x14;
	[tilespmem:v5+s13+$0x0] =	vst.idx.add.s32.msk $0xffff, v2  }
0x590: {  	v9 =	vor.u32 v1, v9;
	v5 =	vand.u32 $0xFF0, v7;
	v12 =	vld [tilespmem:s24+$0xC000]  }
0x591: {  	s6 =	simm.s32 $0x60;
	[tilespmem:v6+s12+$0x0] =	vst.idx.add.s32.msk $0xffff, v2;
	v6 =	vor.u32 v1, v5;
	v5 =	vshrl.u32 v10, $0x14  }
0x592: {  	s30 =	sand.u32 $0xFF0, s6;
	[tilespmem:v4+s10+$0x0] =	vst.idx.add.s32.msk $0xffff, v2;
	v4 =	vand.u32 $0xFF0, v5  }
0x593: {  	v7 =	vld [tilespmem:s30+$0x9000];
	v10 =	vshrl.u32 v8, $0x14;
	v5 =	vor.u32 v1, v4  }
0x594: {  	v8 =	vld [tilespmem:s25+$0xB000];
	v4 =	vand.u32 $0xFF0, v10  }
0x595: {  	[tilespmem:v9+s11+$0x0] =	vst.idx.add.s32.msk $0xffff, v2;
	v10 =	vshrl.u32 v11, $0x14;
	v4 =	vor.u32 v1, v4;
	v11 =	vshrl.u32 v12, $0x14  }
0x596: {  	s0 =	simm.s32 $0x70;
	s3 =	simm.s32 $0x80;
	v9 =	vand.u32 $0xFF0, v10;
	[tilespmem:v6+s12+$0x0] =	vst.idx.add.s32.msk $0xffff, v2;
	v6 =	vand.u32 $0xFF0, v11  }
.LBB2_77:
0x597: {  	p0 =	sne.s32 s3, $0xFF0  }
0x598: {  	v9 =	vor.u32 v1, v9;
	s31 =	sadd.s32 $0x10, s31;
	v6 =	vor.u32 v1, v6;
	[tilespmem:v5+s16+$0x0] =	vst.idx.add.s32.msk $0xffff, v2;
	s6 =	smov.u32 s3;
	s3 =	sadd.s32 $0x10, s3  }
0x599: {  	v5 =	vshrl.u32 v8, $0x14;
	v8 =	vld [tilespmem:s29+$0xF000];
	s29 =	smov.u32 s23;
	s23 =	smov.u32 s24;
	s24 =	smov.u32 s25  }
0x59a: {  	s25 =	smov.u32 s26;
	s26 =	smov.u32 s28;
	s28 =	smov.u32 s30;
	v5 =	vand.u32 $0xFF0, v5;
	[tilespmem:v4+s15+$0x0] =	vst.idx.add.s32.msk $0xffff, v2  }
0x59b: {  	v4 =	vld [tilespmem:s26+$0xA000];
	v5 =	vor.u32 v1, v5  }
0x59c: {  	v10 =	vld [tilespmem:s29+$0xE000]  }
0x59d: {  	v7 =	vshrl.u32 v7, $0x14;
	[tilespmem:v6+s14+$0x0] =	vst.idx.add.s32.msk $0xffff, v2  }
0x59e: {  	v6 =	vand.u32 $0xFF0, v7;
	v11 =	vld [tilespmem:s23+$0xD000];
	v7 =	vshrl.u32 v8, $0x14  }
0x59f: {  	v6 =	vor.u32 v1, v6;
	v12 =	vld [tilespmem:s31+$0x0];
	v7 =	vand.u32 $0xFF0, v7  }
0x5a0: {  	v4 =	vshrl.u32 v4, $0x14;
	[tilespmem:v5+s13+$0x0] =	vst.idx.add.s32.msk $0xffff, v2;
	v13 =	vor.u32 v1, v7  }
0x5a1: {  	v4 =	vand.u32 $0xFF0, v4;
	v14 =	vld [tilespmem:s24+$0xC000];
	v5 =	vshrl.u32 v10, $0x14  }
0x5a2: {  	s30 =	sand.u32 $0xFF0, s0;
	s0 =	smov.u32 s6;
	[tilespmem:v9+s10+$0x0] =	vst.idx.add.s32.msk $0xffff, v2;
	v10 =	vor.u32 v1, v4;
	v4 =	vand.u32 $0xFF0, v5  }
.Ltmp39:
0x5a3: {  	v7 =	vld [tilespmem:s30+$0x9000];
	v9 =	vshrl.u32 v11, $0x14;
	v5 =	vor.u32 v1, v4;
	(pc) =	sbr.rel @p0 .LBB2_77-.Ltmp39, $4  }
0x5a4: {  	v8 =	vld [tilespmem:s25+$0xB000];
	v4 =	vand.u32 $0xFF0, v9  }
0x5a5: {  	v4 =	vor.u32 v1, v4;
	[tilespmem:v13+s17+$0x0] =	vst.idx.add.s32.msk $0xffff, v2  }
0x5a6: {  	v9 =	vshrl.u32 v12, $0x14;
	[tilespmem:v6+s11+$0x0] =	vst.idx.add.s32.msk $0xffff, v2;
	v6 =	vshrl.u32 v14, $0x14  }
0x5a7: {  	v9 =	vand.u32 $0xFF0, v9;
	[tilespmem:v10+s12+$0x0] =	vst.idx.add.s32.msk $0xffff, v2;
	v6 =	vand.u32 $0xFF0, v6  }
0x5a8: {  	v9 =	vor.u32 v1, v9;
	_ =	sdelay $0x1  }
0x5a9: {  	v7 =	vshrl.u32 v7, $0x14  }
0x5aa: {  	v7 =	vand.u32 $0xFF0, v7  }
0x5ab: {  	v7 =	vor.u32 v1, v7  }
0x5ac: {  	s31 =	sand.u32 $0xFF0, s0;
	[tilespmem:v9+s10+$0x0] =	vst.idx.add.s32.msk $0xffff, v2  }
0x5ad: {  	v9 =	vld [tilespmem:s31+$0x9000];
	_ =	sdelay $0x2  }
0x5ae: {  	[tilespmem:v7+s11+$0x0] =	vst.idx.add.s32.msk $0xffff, v2  }
0x5af: {  	v7 =	vld [tilespmem:s30+$0xA000]  }
0x5b0: {  	v9 =	vshrl.u32 v9, $0x14  }
0x5b1: {  	v9 =	vand.u32 $0xFF0, v9  }
0x5b2: {  	v9 =	vor.u32 v1, v9  }
0x5b3: {  	v10 =	vld [tilespmem:s28+$0xA000]  }
0x5b4: {  	v7 =	vshrl.u32 v7, $0x14  }
0x5b5: {  	v7 =	vand.u32 $0xFF0, v7  }
0x5b6: {  	v7 =	vor.u32 v1, v7  }
0x5b7: {  	[tilespmem:v9+s11+$0x0] =	vst.idx.add.s32.msk $0xffff, v2  }
0x5b8: {  	v10 =	vshrl.u32 v10, $0x14;
	v9 =	vld [tilespmem:s31+$0xA000]  }
0x5b9: {  	v10 =	vand.u32 $0xFF0, v10  }
0x5ba: {  	v8 =	vshrl.u32 v8, $0x14;
	v10 =	vor.u32 v1, v10  }
0x5bb: {  	v50 =	vand.u32 $0xFF0, v8;
	[tilespmem:v7+s12+$0x0] =	vst.idx.add.s32.msk $0xffff, v2  }
0x5bc: {  	v7 =	vor.u32 v1, v50;
	v8 =	vld [tilespmem:s30+$0xB000]  }
0x5bd: {  	v9 =	vshrl.u32 v9, $0x14  }
0x5be: {  	v11 =	vld [tilespmem:s26+$0xB000];
	v9 =	vand.u32 $0xFF0, v9  }
0x5bf: {  	[tilespmem:v10+s12+$0x0] =	vst.idx.add.s32.msk $0xffff, v2;
	v9 =	vor.u32 v1, v9  }
0x5c0: {  	v10 =	vld [tilespmem:s28+$0xB000]  }
0x5c1: {  	[tilespmem:v7+s13+$0x0] =	vst.idx.add.s32.msk $0xffff, v2;
	v8 =	vshrl.u32 v8, $0x14  }
0x5c2: {  	v51 =	vand.u32 $0xFF0, v8;
	v8 =	vld [tilespmem:s25+$0xC000];
	_ =	sdelay $0x1  }
0x5c3: {  	v11 =	vshrl.u32 v11, $0x14;
	v7 =	vor.u32 v1, v51;
	[tilespmem:v9+s12+$0x0] =	vst.idx.add.s32.msk $0xffff, v2  }
0x5c4: {  	v9 =	vand.u32 $0xFF0, v11;
	v11 =	vld [tilespmem:s31+$0xB000]  }
0x5c5: {  	[tilespmem:v5+s16+$0x0] =	vst.idx.add.s32.msk $0xffff, v2;
	v5 =	vor.u32 v1, v9;
	v9 =	vshrl.u32 v10, $0x14  }
0x5c6: {  	v8 =	vshrl.u32 v8, $0x14;
	v9 =	vand.u32 $0xFF0, v9  }
0x5c7: {  	[tilespmem:v4+s15+$0x0] =	vst.idx.add.s32.msk $0xffff, v2;
	v52 =	vand.u32 $0xFF0, v8;
	v4 =	vor.u32 v1, v9  }
0x5c8: {  	[tilespmem:v7+s13+$0x0] =	vst.idx.add.s32.msk $0xffff, v2;
	v7 =	vor.u32 v1, v52  }
0x5c9: {  	v8 =	vld [tilespmem:s30+$0xC000];
	v9 =	vshrl.u32 v11, $0x14  }
0x5ca: {  	[tilespmem:v5+s13+$0x0] =	vst.idx.add.s32.msk $0xffff, v2;
	v5 =	vand.u32 $0xFF0, v9  }
0x5cb: {  	v9 =	vld [tilespmem:s26+$0xC000];
	v5 =	vor.u32 v1, v5  }
0x5cc: {  	[tilespmem:v4+s13+$0x0] =	vst.idx.add.s32.msk $0xffff, v2  }
0x5cd: {  	v6 =	vor.u32 v1, v6;
	[tilespmem:v7+s14+$0x0] =	vst.idx.add.s32.msk $0xffff, v2  }
0x5ce: {  	v8 =	vshrl.u32 v8, $0x14;
	v4 =	vld [tilespmem:s28+$0xC000]  }
0x5cf: {  	v53 =	vand.u32 $0xFF0, v8;
	v8 =	vld [tilespmem:s25+$0xD000]  }
0x5d0: {  	v7 =	vor.u32 v1, v53;
	v9 =	vshrl.u32 v9, $0x14;
	[tilespmem:v5+s13+$0x0] =	vst.idx.add.s32.msk $0xffff, v2  }
0x5d1: {  	v5 =	vand.u32 $0xFF0, v9;
	v9 =	vld [tilespmem:s31+$0xC000]  }
0x5d2: {  	[tilespmem:v6+s14+$0x0] =	vst.idx.add.s32.msk $0xffff, v2;
	v5 =	vor.u32 v1, v5  }
0x5d3: {  	v11 =	vld [tilespmem:s23+$0xE000];
	v4 =	vshrl.u32 v4, $0x14  }
0x5d4: {  	v6 =	vld [tilespmem:s24+$0xD000];
	v8 =	vshrl.u32 v8, $0x14;
	v4 =	vand.u32 $0xFF0, v4  }
0x5d5: {  	[tilespmem:v7+s14+$0x0] =	vst.idx.add.s32.msk $0xffff, v2;
	v54 =	vand.u32 $0xFF0, v8;
	v4 =	vor.u32 v1, v4  }
0x5d6: {  	v8 =	vld [tilespmem:s30+$0xD000];
	v7 =	vor.u32 v1, v54;
	v9 =	vshrl.u32 v9, $0x14  }
0x5d7: {  	[tilespmem:v5+s14+$0x0] =	vst.idx.add.s32.msk $0xffff, v2;
	v5 =	vand.u32 $0xFF0, v9  }
0x5d8: {  	v9 =	vshrl.u32 v11, $0x14;
	v11 =	vld [tilespmem:s26+$0xD000];
	v5 =	vor.u32 v1, v5  }
0x5d9: {  	v9 =	vand.u32 $0xFF0, v9  }
0x5da: {  	v6 =	vshrl.u32 v6, $0x14;
	[tilespmem:v4+s14+$0x0] =	vst.idx.add.s32.msk $0xffff, v2;
	v4 =	vor.u32 v1, v9  }
0x5db: {  	v6 =	vand.u32 $0xFF0, v6;
	[tilespmem:v7+s15+$0x0] =	vst.idx.add.s32.msk $0xffff, v2  }
0x5dc: {  	v6 =	vor.u32 v1, v6;
	v8 =	vshrl.u32 v8, $0x14;
	v9 =	vld [tilespmem:s28+$0xD000]  }
0x5dd: {  	v55 =	vand.u32 $0xFF0, v8;
	v11 =	vshrl.u32 v11, $0x14;
	[tilespmem:v5+s14+$0x0] =	vst.idx.add.s32.msk $0xffff, v2  }
0x5de: {  	v7 =	vor.u32 v1, v55;
	v5 =	vand.u32 $0xFF0, v11;
	v11 =	vld [tilespmem:s31+$0xD000]  }
0x5df: {  	[tilespmem:v4+s16+$0x0] =	vst.idx.add.s32.msk $0xffff, v2;
	v4 =	vor.u32 v1, v5  }
0x5e0: {  	v8 =	vld [tilespmem:s25+$0xE000]  }
0x5e1: {  	[tilespmem:v6+s15+$0x0] =	vst.idx.add.s32.msk $0xffff, v2;
	v5 =	vshrl.u32 v9, $0x14  }
0x5e2: {  	v6 =	vld [tilespmem:s24+$0xE000];
	v5 =	vand.u32 $0xFF0, v5  }
0x5e3: {  	[tilespmem:v7+s15+$0x0] =	vst.idx.add.s32.msk $0xffff, v2;
	v5 =	vor.u32 v1, v5;
	v9 =	vshrl.u32 v11, $0x14  }
0x5e4: {  	[tilespmem:v4+s15+$0x0] =	vst.idx.add.s32.msk $0xffff, v2;
	v4 =	vand.u32 $0xFF0, v9  }
0x5e5: {  	v8 =	vshrl.u32 v8, $0x14;
	v9 =	vld [tilespmem:s26+$0xE000];
	v4 =	vor.u32 v1, v4  }
0x5e6: {  	v57 =	vand.u32 $0xFF0, v8;
	v8 =	vld [tilespmem:s30+$0xE000]  }
0x5e7: {  	v10 =	vld [tilespmem:s29+$0xF000]  }
0x5e8: {  	v6 =	vshrl.u32 v6, $0x14;
	v7 =	vor.u32 v1, v57;
	[tilespmem:v5+s15+$0x0] =	vst.idx.add.s32.msk $0xffff, v2  }
0x5e9: {  	v5 =	vand.u32 $0xFF0, v6;
	v56 =	vld [tilespmem:s28+$0xE000]  }
0x5ea: {  	v5 =	vor.u32 v1, v5;
	v9 =	vshrl.u32 v9, $0x14;
	[tilespmem:v4+s15+$0x0] =	vst.idx.add.s32.msk $0xffff, v2  }
0x5eb: {  	v8 =	vshrl.u32 v8, $0x14;
	v4 =	vand.u32 $0xFF0, v9;
	v9 =	vld [tilespmem:s31+$0xE000]  }
0x5ec: {  	v11 =	vld [tilespmem:s23+$0xF000];
	v59 =	vand.u32 $0xFF0, v8;
	v4 =	vor.u32 v1, v4  }
0x5ed: {  	[tilespmem:v7+s16+$0x0] =	vst.idx.add.s32.msk $0xffff, v2;
	v7 =	vor.u32 v1, v59  }
0x5ee: {  	v8 =	vld [tilespmem:s25+$0xF000];
	v6 =	vshrl.u32 v56, $0x14  }
0x5ef: {  	[tilespmem:v5+s16+$0x0] =	vst.idx.add.s32.msk $0xffff, v2;
	v5 =	vand.u32 $0xFF0, v6  }
0x5f0: {  	v58 =	vld [tilespmem:s24+$0xF000];
	v5 =	vor.u32 v1, v5;
	v9 =	vshrl.u32 v9, $0x14  }
0x5f1: {  	[tilespmem:v4+s16+$0x0] =	vst.idx.add.s32.msk $0xffff, v2;
	v4 =	vand.u32 $0xFF0, v9  }
0x5f2: {  	[tilespmem:v7+s16+$0x0] =	vst.idx.add.s32.msk $0xffff, v2;
	v4 =	vor.u32 v1, v4  }
0x5f3: {  	v60 =	vshrl.u32 v10, $0x14;
	v10 =	vld [tilespmem:s30+$0xF000]  }
0x5f4: {  	v9 =	vld [tilespmem:s26+$0xF000]  }
0x5f5: {  	[tilespmem:v5+s16+$0x0] =	vst.idx.add.s32.msk $0xffff, v2  }
0x5f6: {  	v11 =	vshrl.u32 v11, $0x14;
	v5 =	vld [tilespmem:s28+$0xF000]  }
0x5f7: {  	v61 =	vand.u32 $0xFF0, v11;
	v8 =	vshrl.u32 v8, $0x14;
	v7 =	vand.u32 $0xFF0, v60;
	[tilespmem:v4+s16+$0x0] =	vst.idx.add.s32.msk $0xffff, v2  }
0x5f8: {  	v8 =	vand.u32 $0xFF0, v8;
	v6 =	vshrl.u32 v58, $0x14;
	v4 =	vor.u32 v1, v7;
	v11 =	vld [tilespmem:s31+$0xF000]  }
0x5f9: {  	v8 =	vor.u32 v1, v8;
	v6 =	vand.u32 $0xFF0, v6  }
0x5fa: {  	v6 =	vor.u32 v1, v6;
	v9 =	vshrl.u32 v9, $0x14  }
0x5fb: {  	v7 =	vor.u32 v1, v61;
	v9 =	vand.u32 $0xFF0, v9;
	v5 =	vshrl.u32 v5, $0x14  }
0x5fc: {  	v10 =	vshrl.u32 v10, $0x14;
	v9 =	vor.u32 v1, v9;
	v5 =	vand.u32 $0xFF0, v5  }
0x5fd: {  	[tilespmem:v4+s17+$0x0] =	vst.idx.add.s32.msk $0xffff, v2;
	v4 =	vor.u32 v1, v5;
	v5 =	vand.u32 $0xFF0, v10;
	v10 =	vshrl.u32 v11, $0x14  }
0x5fe: {  	[tilespmem:v8+s17+$0x0] =	vst.idx.add.s32.msk $0xffff, v2;
	v5 =	vor.u32 v1, v5;
	v62 =	vand.u32 $0xFF0, v10  }
0x5ff: {  	[tilespmem:v6+s17+$0x0] =	vst.idx.add.s32.msk $0xffff, v2;
	v63 =	vor.u32 v1, v62  }
0x600: {  	[tilespmem:v7+s17+$0x0] =	vst.idx.add.s32.msk $0xffff, v2  }
0x601: {  	p3 =	por $0x1, $0x1;
	[tilespmem:v9+s17+$0x0] =	vst.idx.add.s32.msk $0xffff, v2  }
.Ltmp40:
0x602: {  	[tilespmem:v4+s17+$0x0] =	vst.idx.add.s32.msk $0xffff, v2;
	(pc) =	sbr.rel @!p3 .LBB2_79-.Ltmp40, $4  }
0x603: {  	[tilespmem:v5+s17+$0x0] =	vst.idx.add.s32.msk $0xffff, v2  }
0x604: {  	s24 =	simm.s32 $0x0;
	[tilespmem:v63+s17+$0x0] =	vst.idx.add.s32.msk $0xffff, v2  }
0x605: {  	p1 =	por $0x0, $0x0;
	v12 =	vld [tilespmem:s24+$0x10000]  }
0x606: {  	p2 =	por $0x0, $0x0;
	p0 =	por $0x0, $0x0;
	s23 =	simm.s32 $0x0;
	v10 =	vld [tilespmem:s24+$0x11000]  }
0x607: {  	v11 =	vld [tilespmem:s24+$0x12000]  }
0x608: {  	v8 =	vld [tilespmem:s24+$0x13000]  }
0x609: {  	v7 =	vld [tilespmem:s24+$0x14000];
	_ =	sdelay $0x1  }
0x60a: {  	v6 =	vld [tilespmem:s24+$0x15000];
	p3 =	por $0x1, $0x1;
	v4 =	vadd.s32 v12, v10  }
.Ltmp41:
0x60b: {  	s26 =	simm.s32 $0x10;
	v4 =	vadd.s32 v11, v4;
	(pc) =	sbr.rel @!p3 .LBB2_81-.Ltmp41, $4  }
0x60c: {  	v5 =	vadd.s32 v8, v4;
	v4 =	vld [tilespmem:s26+$0x10000]  }
0x60d: {  	v13 =	vadd.s32 v7, v5;
	v5 =	vld [tilespmem:s26+$0x11000]  }
0x60e: {  	v9 =	vld [tilespmem:s24+$0x16000]  }
0x60f: {  	v20 =	vld [tilespmem:s24+$0x17000];
	p1 =	por $0x1, $0x1;
	v25 =	vadd.s32 v6, v13  }
0x610: {  	_ =	sdelay $0x1  }
0x611: {  	v15 =	vld [tilespmem:s26+$0x12000]  }
0x612: {  	v14 =	vld [tilespmem:s26+$0x13000];
	v13 =	vadd.s32 v9, v25  }
0x613: {  	v17 =	vadd.s32 v20, v13;
	v13 =	vld [tilespmem:s26+$0x14000];
	_ =	sdelay $0x1  }
0x614: {  	v18 =	vadd.s32 v4, v5;
	(xrf0) =	vadd.scan.msk.s32 $0xffff, v17  }
0x615: {  	v16 =	vld [tilespmem:s26+$0x15000];
	p3 =	por $0x1, $0x1;
	v18 =	vadd.s32 v15, v18  }
.Ltmp42:
0x616: {  	s29 =	simm.s32 $0x20;
	v18 =	vadd.s32 v14, v18;
	(pc) =	sbr.rel @!p3 .LBB2_83-.Ltmp42, $4  }
0x617: {  	v27 =	vld [tilespmem:s29+$0x10000];
	v18 =	vadd.s32 v13, v18  }
0x618: {  	v28 =	vld [tilespmem:s29+$0x11000]  }
0x619: {  	v19 =	vld [tilespmem:s26+$0x16000]  }
0x61a: {  	p2 =	por $0x1, $0x1;
	v20 =	vld [tilespmem:s26+$0x17000];
	v25 =	vadd.s32 v16, v18;
	v18, _, _ =	vpop (xrf0)  }
0x61b: {  	_ =	sdelay $0x2  }
0x61c: {  	v23 =	vsub.s32 v18, v17;
	v21 =	vadd.s32 v19, v25  }
0x61d: {  	v33 =	vld [tilespmem:s29+$0x12000];
	v22 =	vadd.s32 v20, v21;
	v20 =	vadd.s32 v12, v23  }
0x61e: {  	v30 =	vld [tilespmem:s29+$0x13000];
	[tilespmem:s24+$0x11000] =	vst v20;
	v20 =	vadd.s32 v10, v20  }
0x61f: {  	v31 =	vld [tilespmem:s29+$0x14000];
	[tilespmem:s24+$0x12000] =	vst v20;
	v20 =	vadd.s32 v11, v20  }
0x620: {  	[tilespmem:s24+$0x13000] =	vst v20;
	v20 =	vadd.s32 v8, v20  }
0x621: {  	[tilespmem:s24+$0x10000] =	vst v23;
	v21 =	vadd.s32 v27, v28;
	(xrf0) =	vadd.scan.msk.s32 $0xffff, v22;
	v24 =	vadd.s32 v7, v20  }
0x622: {  	v34 =	vld [tilespmem:s29+$0x15000];
	p4 =	por $0x1, $0x1;
	v21 =	vadd.s32 v33, v21;
	[tilespmem:s24+$0x15000] =	vst v24;
	v24 =	vadd.s32 v6, v24  }
.Ltmp43:
0x623: {  	v23 =	vld [tilespmem:s29+$0x16000];
	v21 =	vadd.s32 v30, v21;
	[tilespmem:s24+$0x16000] =	vst v24;
	v29 =	vadd.s32 v9, v24;
	v24 =	vmov s23;
	(pc) =	sbr.rel @!p4 .LBB2_85-.Ltmp43, $4  }
0x624: {  	v21 =	vadd.s32 v31, v21;
	[tilespmem:s24+$0x14000] =	vst v20;
	v20 =	vld [tilespmem:s29+$0x17000]  }
0x625: {  	s25 =	simm.s32 $0x30  }
0x626: {  	v26 =	vbroadcast v18, $0xF;
	v41 =	vld [tilespmem:s25+$0x10000]  }
0x627: {  	s0 =	simm.s32 $0x100;
	p3 =	por $0x1, $0x1;
	s28 =	simm.s32 $0x0;
	v42 =	vld [tilespmem:s25+$0x11000];
	v25 =	vadd.s32 v34, v21;
	v21, _, _ =	vpop (xrf0);
	[tilespmem:s24+$0x17000] =	vst v29  }
.LBB2_86:
0x628: {  	p4 =	sne.s32 s0, $0x3FC0;
	v29 =	vld [tilespmem:s25+$0x12000];
	v25 =	vadd.s32 v23, v25;
	v32 =	vsub.s32 v21, v22;
	[tilespmem:v24+s18+$0x0] =	vst.idx.msk $0x1, v26;
	v35 =	vmov v23;
	s3 =	smov.u32 s25  }
0x629: {  	v26 =	vld [tilespmem:s3+$0x13000];
	v22 =	vadd.s32 v20, v25;
	[tilespmem:s26+$0x10000] =	vst v32;
	v20 =	vadd.s32 v4, v32;
	v4 =	vmov v27  }
0x62a: {  	v25 =	vld [tilespmem:s3+$0x14000];
	(xrf0) =	vadd.scan.msk.s32 $0xffff, v22;
	[tilespmem:s26+$0x11000] =	vst v20;
	v20 =	vadd.s32 v5, v20;
	v5 =	vmov v28  }
0x62b: {  	s28 =	sadd.s32 $0x1, s28;
	v32 =	vld [tilespmem:s3+$0x15000];
	[tilespmem:s26+$0x12000] =	vst v20;
	v20 =	vadd.s32 v15, v20;
	v15 =	vmov v33;
	v27 =	vmov v41  }
.Ltmp44:
0x62c: {  	v24 =	vmov s28;
	v23 =	vld [tilespmem:s3+$0x16000];
	v37 =	vadd.s32 v27, v42;
	[tilespmem:s26+$0x13000] =	vst v20;
	v36 =	vadd.s32 v14, v20;
	v14 =	vmovc v30;
	v28 =	vmovc v42;
	(pc) =	sbr.rel @p4 .LBB2_86-.Ltmp44, $4  }
0x62d: {  	v20 =	vld [tilespmem:s3+$0x17000];
	v37 =	vadd.s32 v29, v37;
	[tilespmem:s26+$0x14000] =	vst v36;
	v36 =	vadd.s32 v13, v36;
	v33 =	vmovc v29;
	v13 =	vmov v31  }
0x62e: {  	s25 =	sshra.s32 s0, $0x2;
	v29 =	vadd.s32 v26, v37;
	[tilespmem:s26+$0x15000] =	vst v36;
	v36 =	vadd.s32 v16, v36;
	v30 =	vmovc v26;
	v16 =	vmov v34  }
0x62f: {  	v26 =	vbroadcast v21, $0xF;
	v41 =	vld [tilespmem:s25+$0x10000];
	v29 =	vadd.s32 v25, v29;
	[tilespmem:s26+$0x16000] =	vst v36;
	v36 =	vadd.s32 v19, v36;
	v31 =	vmovc v25  }
0x630: {  	s0 =	sadd.s32 $0x40, s0;
	v19 =	vmov v35;
	v42 =	vld [tilespmem:s25+$0x11000];
	v25 =	vadd.s32 v32, v29;
	v21, _, _ =	vpop (xrf0);
	[tilespmem:s26+$0x17000] =	vst v36;
	v34 =	vmov v32;
	s26 =	smov.u32 s29;
	s29 =	smov.u32 s3  }
0x631: {  	_ =	sdelay $0x1  }
0x632: {  	v35 =	vmovc v4;
	v36 =	vmov v5;
	v37 =	vmov v15;
	v39 =	vmov v14  }
0x633: {  	v38 =	vmovc v13;
	v40 =	vmovc v16;
	v29 =	vmov v27;
	v32 =	vmov v28;
	v15 =	vmov v33  }
0x634: {  	s30 =	smov.u32 s26;
	v14 =	vmovc v30;
	v13 =	vmovc v31;
	v16 =	vmov v34;
	s26 =	smov.u32 s29;
	v4 =	vmov v41;
	v5 =	vmov v42  }
.LBB2_88:
0x635: {  	_ =	sdelay $0x1  }
0x636: {  	v25 =	vadd.s32 @p1 v23, v25  }
0x637: {  	v27 =	vld [tilespmem:s25+$0x12000];
	v20 =	vadd.s32 @p1 v20, v25  }
0x638: {  	v22 =	vsub.s32 @p2 v21, v22;
	[tilespmem:v24+s18+$0x0] =	vst.idx.msk @p3 $0x1, v26;
	v55 =	vld [tilespmem:s25+$0x13000];
	(xrf0) =	vadd.scan.msk.s32 @p1 $0xffff, v20  }
0x639: {  	v56 =	vld [tilespmem:s25+$0x14000];
	s0 =	sadd.s32 @p3 $0x1, s28;
	s3 =	simm.s32 $0x0;
	[tilespmem:s30+$0x10000] =	vst @p2 v22;
	v22 =	vadd.s32 @p2 v35, v22  }
0x63a: {  	v57 =	vld [tilespmem:s25+$0x15000];
	v28 =	vadd.s32 v4, v5;
	v21 =	vbroadcast @p2 v21, $0xF;
	s3 =	smov.u32 @p3 s0;
	[tilespmem:s30+$0x11000] =	vst @p2 v22;
	v22 =	vadd.s32 @p2 v36, v22  }
0x63b: {  	v31 =	vld [tilespmem:s25+$0x16000];
	v12 =	vpsel p1, v29, v12;
	v30 =	vmov @p2 s3;
	[tilespmem:s30+$0x12000] =	vst @p2 v22;
	v22 =	vadd.s32 @p2 v37, v22  }
0x63c: {  	v33 =	vld [tilespmem:s25+$0x17000];
	v30 =	vpsel p2, v30, v0;
	[tilespmem:s30+$0x13000] =	vst @p2 v22;
	v22 =	vadd.s32 @p2 v39, v22;
	v28 =	vadd.s32 v27, v28  }
0x63d: {  	v10 =	vpsel p1, v32, v10;
	[tilespmem:s30+$0x14000] =	vst @p2 v22;
	v22 =	vadd.s32 @p2 v38, v22;
	v28 =	vadd.s32 v55, v28  }
0x63e: {  	v17 =	vpsel p1, v20, v17;
	[tilespmem:s30+$0x15000] =	vst @p2 v22;
	v22 =	vadd.s32 @p2 v40, v22;
	v28 =	vadd.s32 v56, v28;
	v34, _, _ =	vpop @p1 (xrf0)  }
0x63f: {  	[tilespmem:s30+$0x16000] =	vst @p2 v22;
	v19 =	vadd.s32 @p2 v19, v22;
	v58 =	vadd.s32 v57, v28;
	v18 =	vpsel p1, v34, v18  }
0x640: {  	s6 =	smov.u32 s24;
	s0 =	smov.u32 @p1 s26;
	[tilespmem:s30+$0x17000] =	vst @p2 v19;
	v19 =	vpsel p2, v21, v0;
	v59 =	vadd.s32 v31, v58;
	v17 =	vsub.s32 @p1 v18, v17  }
0x641: {  	s6 =	smov.u32 @p1 s0;
	s0 =	sadd.s32 @p2 $0x1, s3;
	s3 =	simm.s32 $0x0;
	[tilespmem:v30+s18+$0x0] =	vst.idx.msk @p2 $0x1, v19;
	v60 =	vadd.s32 v33, v59;
	v12 =	vadd.s32 @p1 v12, v17  }
0x642: {  	v11 =	vpsel p1, v15, v11;
	s3 =	smov.u32 @p2 s0;
	[tilespmem:s6+$0x10000] =	vst @p1 v17;
	(xrf0) =	vadd.scan.msk.s32 $0xffff, v60;
	v10 =	vadd.s32 @p1 v10, v12  }
0x643: {  	[tilespmem:s6+$0x12000] =	vst @p1 v10;
	v10 =	vadd.s32 @p1 v11, v10;
	v11 =	vmov @p1 s3  }
0x644: {  	v8 =	vpsel p1, v14, v8;
	[tilespmem:s6+$0x11000] =	vst @p1 v12;
	v12 =	vmov @p1 v13;
	v13 =	vmov @p1 v16  }
0x645: {  	[tilespmem:s6+$0x13000] =	vst @p1 v10;
	v8 =	vadd.s32 @p1 v8, v10;
	v10 =	vpsel p1, v11, v0;
	v7 =	vpsel p1, v12, v7  }
0x646: {  	v6 =	vpsel p1, v13, v6;
	[tilespmem:s6+$0x14000] =	vst @p1 v8;
	v11 =	vmov @p1 v23;
	v7 =	vadd.s32 @p1 v7, v8  }
0x647: {  	v8 =	vpsel p1, v11, v9;
	[tilespmem:s6+$0x15000] =	vst @p1 v7;
	v6 =	vadd.s32 @p1 v6, v7  }
0x648: {  	v7 =	vbroadcast @p1 v18, $0xF;
	v61, _, _ =	vpop (xrf0);
	[tilespmem:s6+$0x16000] =	vst @p1 v6;
	v6 =	vadd.s32 @p1 v8, v6  }
0x649: {  	v62 =	vsub.s32 v61, v60;
	[tilespmem:s6+$0x17000] =	vst @p1 v6  }
0x64a: {  	v6 =	vpsel p1, v7, v0;
	[tilespmem:s25+$0x10000] =	vst v62  }
0x64b: {  	v4 =	vadd.s32 v4, v62;
	[tilespmem:v10+s18+$0x0] =	vst.idx.msk @p1 $0x1, v6  }
0x64c: {  	s0 =	sadd.s32 @p1 $0x1, s3;
	s3 =	simm.s32 $0x0;
	[tilespmem:s25+$0x11000] =	vst v4;
	v4 =	vadd.s32 v5, v4  }
0x64d: {  	s3 =	smov.u32 @p1 s0;
	[tilespmem:s25+$0x12000] =	vst v4;
	v4 =	vadd.s32 v27, v4  }
0x64e: {  	v5 =	vmov s3;
	p1 =	por $0x1, $0x1;
	[tilespmem:s25+$0x13000] =	vst v4;
	v4 =	vadd.s32 v55, v4  }
.Ltmp45:
0x64f: {  	[tilespmem:s25+$0x14000] =	vst v4;
	v4 =	vadd.s32 v56, v4;
	(pc) =	sbr.rel @!p1 .LBB2_89-.Ltmp45, $4  }
0x650: {  	[tilespmem:s25+$0x15000] =	vst v4;
	v4 =	vadd.s32 v57, v4  }
0x651: {  	v63 =	vbroadcast v61, $0xF;
	[tilespmem:s25+$0x16000] =	vst v4;
	v4 =	vadd.s32 v31, v4  }
0x652: {  	[tilespmem:s25+$0x17000] =	vst v4  }
0x653: {  	[tilespmem:v5+s18+$0x0] =	vst.idx.msk $0x1, v63  }
0x654: {  	v4 =	vld [tilespmem:s24+$0x18000];
	_ =	sdelay $0x4  }
0x655: {  	(xrf0) =	vadd.scan.msk.s32 $0xffff, v4;
	_ =	sdelay $0x4  }
0x656: {  	p1 =	por $0x1, $0x1  }
.Ltmp46:
0x657: {  	v5, _, _ =	vpop (xrf0);
	(pc) =	sbr.rel @!p1 .LBB2_91-.Ltmp46, $4  }
0x658: {  	(v2sf) =	vpush v5, $0xF  }
0x659: {  	v4 =	vsub.s32 s23, v4  }
0x65a: {  	s3 =	simm.s32 $0x10;
	v4 =	vadd.s32 v5, v4  }
0x65b: {  	s25 =	simm.s32 $0x80;
	p0 =	por $0x1, $0x1;
	s0 =	simm.s32 $0x0;
	[tilespmem:s24+$0x18000] =	vst v4  }
.LBB2_92:
0x65c: {  	p1 =	sne.s32 s25, $0x3C0;
	v4 =	vld [tilespmem:s3+$0x18000];
	_ =	sdelay $0x4  }
0x65d: {  	(xrf0) =	vadd.scan.msk.s32 $0xffff, v4;
	_ =	sdelay $0x5  }
.Ltmp47:
0x65e: {  	v5, _, _ =	vpop (xrf0);
	s6 =	spop (v2sf);
	(pc) =	sbr.rel @p1 .LBB2_92-.Ltmp47, $4  }
0x65f: {  	(v2sf) =	vpush v5, $0xF;
	s0 =	sadd.s32 s0, s6  }
0x660: {  	v4 =	vsub.s32 s0, v4  }
0x661: {  	v4 =	vadd.s32 v5, v4  }
0x662: {  	[tilespmem:s3+$0x18000] =	vst v4;
	s3 =	sshra.s32 s25, $0x2;
	s25 =	sadd.s32 $0x40, s25  }
0x663: {  	s24 =	smov.u32 s3  }
.LBB2_94:
0x664: {  	_ =	sdelay $0x1  }
0x665: {  	v4 =	vld [tilespmem:s24+$0x18000];
	_ =	sdelay $0x4  }
0x666: {  	(xrf0) =	vadd.scan.msk.s32 $0xffff, v4;
	_ =	sdelay $0x2  }
0x667: {  	s6 =	simm.s32 $0x0;
	s3 =	spop @p0 (v2sf)  }
0x668: {  	v5 =	vmov s6;
	s0 =	sadd.s32 @p0 s0, s3  }
0x669: {  	s23 =	smov.u32 @p0 s0  }
0x66a: {  	v6, _, _ =	vpop (xrf0);
	v4 =	vsub.s32 s23, v4  }
0x66b: {  	(v2sf) =	vpush v6, $0xF;
	v4 =	vadd.s32 v6, v4  }
0x66c: {  	[tilespmem:s24+$0x18000] =	vst v4  }
0x66d: {  	s0 =	simm.s32 $0x0;
	v10 =	vld.idx.msk [tilespmem:v5+s18+$0x0], $0xffff  }
0x66e: {  	v4 =	vld [tilespmem:s0+$0x17000]  }
0x66f: {  	v5 =	vld [tilespmem:s0+$0x10000]  }
0x670: {  	s30 =	simm.s32 $0x1;
	v6 =	vld [tilespmem:s0+$0x11000]  }
0x671: {  	v9 =	vmov s30;
	v7 =	vld [tilespmem:s0+$0x12000]  }
0x672: {  	v8 =	vld [tilespmem:s0+$0x13000]  }
0x673: {  	v11 =	vld [tilespmem:s0+$0x14000];
	v4 =	vadd.s32 v10, v4  }
0x674: {  	v12 =	vld [tilespmem:s0+$0x15000];
	v5 =	vadd.s32 v10, v5;
	[tilespmem:s0+$0x17000] =	vst v4  }
0x675: {  	v13 =	vld [tilespmem:s0+$0x16000];
	[tilespmem:s0+$0x10000] =	vst v5;
	v5 =	vadd.s32 v10, v6  }
0x676: {  	s3 =	simm.s32 $0x10;
	v4 =	vld.idx.msk [tilespmem:v9+s18+$0x0], $0xffff;
	[tilespmem:s0+$0x11000] =	vst v5;
	v5 =	vadd.s32 v10, v7  }
0x677: {  	v6 =	vld [tilespmem:s3+$0x17000];
	[tilespmem:s0+$0x12000] =	vst v5;
	v5 =	vadd.s32 v10, v8  }
0x678: {  	v7 =	vld [tilespmem:s3+$0x10000];
	v8 =	vadd.s32 v10, v11;
	[tilespmem:s0+$0x13000] =	vst v5  }
0x679: {  	s24 =	simm.s32 $0x2;
	v11 =	vadd.s32 v10, v12;
	v5 =	vld [tilespmem:s3+$0x11000];
	[tilespmem:s0+$0x14000] =	vst v8  }
0x67a: {  	s25 =	simm.s32 $0xC0;
	s23 =	simm.s32 $0x80;
	v9 =	vmov s24;
	v10 =	vadd.s32 v10, v13;
	v8 =	vld [tilespmem:s3+$0x12000];
	[tilespmem:s0+$0x15000] =	vst v11;
	s31 =	spop (v2sf)  }
.LBB2_95:
0x67b: {  	p0 =	sne.s32 s25, $0x3FC0;
	v11 =	vld [tilespmem:s3+$0x13000];
	[tilespmem:s0+$0x16000] =	vst v10;
	s0 =	smov.u32 s3  }
0x67c: {  	v12 =	vmov v4;
	v10 =	vld [tilespmem:s0+$0x14000];
	v6 =	vadd.s32 v4, v6  }
0x67d: {  	v4 =	vadd.s32 v12, v7;
	v13 =	vld [tilespmem:s0+$0x15000];
	[tilespmem:s0+$0x17000] =	vst v6  }
0x67e: {  	[tilespmem:s0+$0x10000] =	vst v4;
	v5 =	vadd.s32 v12, v5;
	v14 =	vld [tilespmem:s0+$0x16000]  }
.Ltmp48:
0x67f: {  	s3 =	sshra.s32 s23, $0x2;
	s23 =	smov.u32 s25;
	v4 =	vld.idx.msk [tilespmem:v9+s18+$0x0], $0xffff;
	[tilespmem:s0+$0x11000] =	vst v5;
	v5 =	vadd.s32 v12, v8;
	(pc) =	sbr.rel @p0 .LBB2_95-.Ltmp48, $4  }
0x680: {  	v6 =	vld [tilespmem:s3+$0x17000];
	[tilespmem:s0+$0x12000] =	vst v5;
	v5 =	vadd.s32 v12, v11  }
0x681: {  	v7 =	vld [tilespmem:s3+$0x10000];
	[tilespmem:s0+$0x13000] =	vst v5;
	v8 =	vadd.s32 v12, v10  }
0x682: {  	s24 =	sadd.s32 $0x1, s24;
	v5 =	vld [tilespmem:s3+$0x11000];
	[tilespmem:s0+$0x14000] =	vst v8;
	v10 =	vadd.s32 v12, v13  }
0x683: {  	s25 =	sadd.s32 $0x40, s25;
	v9 =	vmov s24;
	v8 =	vld [tilespmem:s3+$0x12000];
	[tilespmem:s0+$0x15000] =	vst v10;
	v10 =	vadd.s32 v12, v14  }
0x684: {  	v11 =	vld [tilespmem:s3+$0x13000]  }
0x685: {  	v12 =	vld [tilespmem:s3+$0x14000]  }
0x686: {  	v13 =	vld [tilespmem:s3+$0x15000];
	[tilespmem:s0+$0x16000] =	vst v10;
	v6 =	vadd.s32 v4, v6  }
0x687: {  	v7 =	vadd.s32 v4, v7;
	[tilespmem:s3+$0x17000] =	vst v6;
	v6 =	vld [tilespmem:s3+$0x16000]  }
0x688: {  	s30 =	sshra.s32 s23, $0x2;
	[tilespmem:s3+$0x10000] =	vst v7;
	v5 =	vadd.s32 v4, v5;
	v7 =	vld.idx.msk [tilespmem:v9+s18+$0x0], $0xffff  }
0x689: {  	[tilespmem:s3+$0x11000] =	vst v5;
	v5 =	vadd.s32 v4, v8;
	v8 =	vld [tilespmem:s30+$0x17000]  }
0x68a: {  	v9 =	vld [tilespmem:s30+$0x10000];
	[tilespmem:s3+$0x12000] =	vst v5;
	v5 =	vadd.s32 v4, v11  }
0x68b: {  	v10 =	vld [tilespmem:s30+$0x11000];
	[tilespmem:s3+$0x13000] =	vst v5;
	v5 =	vadd.s32 v4, v12  }
0x68c: {  	v11 =	vld [tilespmem:s30+$0x12000];
	[tilespmem:s3+$0x14000] =	vst v5;
	v5 =	vadd.s32 v4, v13  }
0x68d: {  	v4 =	vadd.s32 v4, v6;
	[tilespmem:s3+$0x15000] =	vst v5;
	v5 =	vld [tilespmem:s30+$0x13000]  }
0x68e: {  	[tilespmem:s3+$0x16000] =	vst v4;
	v4 =	vld [tilespmem:s30+$0x14000];
	v6 =	vadd.s32 v7, v8  }
0x68f: {  	v8 =	vadd.s32 v7, v9;
	v9 =	vld [tilespmem:s30+$0x15000];
	[tilespmem:s30+$0x17000] =	vst v6  }
0x690: {  	[tilespmem:s30+$0x10000] =	vst v8;
	v6 =	vadd.s32 v7, v10;
	v8 =	vld [tilespmem:s30+$0x16000]  }
0x691: {  	[tilespmem:s30+$0x11000] =	vst v6;
	v6 =	vadd.s32 v7, v11  }
0x692: {  	[tilespmem:s30+$0x12000] =	vst v6;
	v5 =	vadd.s32 v7, v5  }
0x693: {  	v4 =	vadd.s32 v7, v4;
	[tilespmem:s30+$0x13000] =	vst v5  }
0x694: {  	[tilespmem:s30+$0x14000] =	vst v4;
	v4 =	vadd.s32 v7, v9  }
0x695: {  	[tilespmem:s30+$0x15000] =	vst v4;
	v4 =	vadd.s32 v7, v8  }
0x696: {  	[tilespmem:s30+$0x16000] =	vst v4  }
0x697: {  	v8 =	vld [tilespmem:$0x8000]  }
0x698: {  	v10 =	vld [tilespmem:$0x9000]  }
0x699: {  	v9 =	vld [tilespmem:$0xA000]  }
0x69a: {  	v11 =	vld [tilespmem:$0xB000]  }
0x69b: {  	v7 =	vld [tilespmem:$0xC000]  }
0x69c: {  	s31 =	simm.s32 $0x1;
	v5 =	vld [tilespmem:$0xD000]  }
0x69d: {  	s0 =	smin.u32 s31, $0xFF;
	v4 =	vld [tilespmem:$0xE000]  }
0x69e: {  	s0 =	sshll.u32 s0, $0x4;
	v6 =	vld [tilespmem:$0xF000]  }
0x69f: {  	v16 =	vld [tilespmem:s0+$0x8000]  }
0x6a0: {  	v14 =	vld [tilespmem:s0+$0xF000];
	v12 =	vshrl.u32 v9, $0x14  }
0x6a1: {  	v24 =	vld [tilespmem:s0+$0x9000];
	v13 =	vshrl.u32 v11, $0x14;
	v15 =	vand.u32 $0xFF0, v12  }
0x6a2: {  	v20 =	vld [tilespmem:s0+$0xA000];
	v17 =	vshrl.u32 v7, $0x14;
	v13 =	vand.u32 $0xFF0, v13;
	v32 =	vor.u32 v1, v15  }
0x6a3: {  	v22 =	vld [tilespmem:s0+$0xB000];
	v18 =	vshrl.u32 v10, $0x14;
	v17 =	vand.u32 $0xFF0, v17;
	v33 =	vor.u32 v1, v13  }
0x6a4: {  	v23 =	vld [tilespmem:s0+$0xC000];
	v18 =	vand.u32 $0xFF0, v18;
	v13 =	vshrl.u32 v6, $0x14;
	v27 =	vor.u32 v1, v17  }
0x6a5: {  	v12 =	vld [tilespmem:s0+$0xE000];
	v17 =	vshrl.u32 v5, $0x14;
	v34 =	vor.u32 v1, v18;
	v13 =	vand.u32 $0xFF0, v13  }
0x6a6: {  	v15 =	vld [tilespmem:s0+$0xD000];
	v18 =	vshrl.u32 v8, $0x14;
	v17 =	vand.u32 $0xFF0, v17;
	v26 =	vor.u32 v1, v13  }
0x6a7: {  	v13 =	vshrl.u32 v4, $0x14;
	v29 =	vor.u32 v1, v17;
	v17 =	vand.u32 $0xFF0, v18;
	v25 =	vld.idx.msk [tilespmem:v32+s12+$0x0], $0xffff  }
0x6a8: {  	v13 =	vand.u32 $0xFF0, v13;
	v35 =	vor.u32 v1, v17;
	v21 =	vld.idx.msk [tilespmem:v33+s13+$0x0], $0xffff  }
0x6a9: {  	v31 =	vor.u32 v1, v13;
	v18 =	vld.idx.msk [tilespmem:v27+s14+$0x0], $0xffff  }
0x6aa: {  	v28 =	vld.idx.msk [tilespmem:v34+s11+$0x0], $0xffff  }
0x6ab: {  	v13 =	vld.idx.msk [tilespmem:v26+s17+$0x0], $0xffff  }
0x6ac: {  	v19 =	vld.idx.msk [tilespmem:v29+s15+$0x0], $0xffff  }
0x6ad: {  	v30 =	vld.idx.msk [tilespmem:v35+s10+$0x0], $0xffff  }
0x6ae: {  	v17 =	vld.idx.msk [tilespmem:v31+s16+$0x0], $0xffff  }
0x6af: {  	[tilespmem:v35+s10+$0x0] =	vst.idx.add.s32.msk $0xffff, v2  }
0x6b0: {  	[tilespmem:v34+s11+$0x0] =	vst.idx.add.s32.msk $0xffff, v2  }
0x6b1: {  	[tilespmem:v32+s12+$0x0] =	vst.idx.add.s32.msk $0xffff, v2  }
0x6b2: {  	s23 =	simm.s32 $0x2;
	vm0 =	vgt.s32 v9, $0xFFFFFFFF;
	[tilespmem:v33+s13+$0x0] =	vst.idx.add.s32.msk $0xffff, v2  }
.LBB2_97:
0x6b3: {  	p0 =	sne.s32 s23, $0x100;
	[tilespmem:v27+s14+$0x0] =	vst.idx.add.s32.msk $0xffff, v2;
	vm1 =	vgt.s32 v8, $0xFFFFFFFF;
	vm2 =	vgt.s32 v10, $0xFFFFFFFF;
	vm3 =	vgt.s32 v6, $0xFFFFFFFF;
	s0 =	smov.u32 s23;
	s23 =	sadd.s32 $0x1, s23  }
0x6b4: {  	v27 =	vshrl.u32 v24, $0x14;
	[tilespmem:v29+s15+$0x0] =	vst.idx.add.s32.msk $0xffff, v2;
	v29 =	vsel vm1, $0xFFFFFFFF, v3;
	v32 =	vsel vm3, $0xFFFFFFFF, v3  }
0x6b5: {  	v33 =	vsel vm2, $0xFFFFFFFF, v3;
	[tilespmem:v31+s16+$0x0] =	vst.idx.add.s32.msk $0xffff, v2;
	v29 =	vxor.u32 v8, v29;
	v31 =	vxor.u32 v6, v32  }
0x6b6: {  	v32 =	vxor.u32 v10, v33;
	v8 =	vmovc v16;
	[tilespmem:v26+s17+$0x0] =	vst.idx.add.s32.msk $0xffff, v2;
	v26 =	vsel vm0, $0xFFFFFFFF, v3;
	vm0 =	vgt.s32 v11, $0xFFFFFFFF  }
0x6b7: {  	v6 =	vmovc v14;
	[tilespmem:v30+s4+$0x0] =	vst.idx.msk $0xffff, v29;
	v26 =	vxor.u32 v9, v26;
	v16 =	vsel vm0, $0xFFFFFFFF, v3;
	vm0 =	vgt.s32 v7, $0xFFFFFFFF  }
0x6b8: {  	v10 =	vmovc v24;
	[tilespmem:v28+s4+$0x0] =	vst.idx.msk $0xffff, v32;
	v11 =	vxor.u32 v11, v16;
	v16 =	vsel vm0, $0xFFFFFFFF, v3;
	vm0 =	vgt.s32 v5, $0xFFFFFFFF  }
0x6b9: {  	v9 =	vmovc v20;
	[tilespmem:v25+s4+$0x0] =	vst.idx.msk $0xffff, v26;
	v25 =	vxor.u32 v7, v16;
	v16 =	vsel vm0, $0xFFFFFFFF, v3;
	vm0 =	vgt.s32 v4, $0xFFFFFFFF  }
0x6ba: {  	v24 =	vshrl.u32 v14, $0x14;
	v14 =	vshrl.u32 v23, $0x14;
	[tilespmem:v21+s4+$0x0] =	vst.idx.msk $0xffff, v11;
	v16 =	vxor.u32 v5, v16;
	v5 =	vmovc v15  }
0x6bb: {  	v20 =	vshrl.u32 v20, $0x14;
	v7 =	vmovc v23;
	v21 =	vshrl.u32 v22, $0x14;
	[tilespmem:v18+s4+$0x0] =	vst.idx.msk $0xffff, v25;
	v18 =	vsel vm0, $0xFFFFFFFF, v3;
	v11 =	vmovc v22  }
0x6bc: {  	v15 =	vshrl.u32 v15, $0x14;
	v22 =	vshrl.u32 v12, $0x14;
	[tilespmem:v19+s4+$0x0] =	vst.idx.msk $0xffff, v16;
	v16 =	vxor.u32 v4, v18;
	v4 =	vmovc v12  }
0x6bd: {  	s0 =	smin.u32 s0, $0xFF;
	v14 =	vand.u32 $0xFF0, v14;
	v12 =	vand.u32 $0xFF0, v20;
	v18 =	vand.u32 $0xFF0, v21;
	[tilespmem:v17+s4+$0x0] =	vst.idx.msk $0xffff, v16  }
0x6be: {  	s0 =	sshll.u32 s0, $0x4;
	v17 =	vand.u32 $0xFF0, v27;
	v32 =	vor.u32 v1, v12;
	v33 =	vor.u32 v1, v18;
	[tilespmem:v13+s4+$0x0] =	vst.idx.msk $0xffff, v31  }
0x6bf: {  	v27 =	vor.u32 v1, v14;
	v12 =	vand.u32 $0xFF0, v15;
	v13 =	vand.u32 $0xFF0, v22;
	v16 =	vld [tilespmem:s0+$0x8000]  }
0x6c0: {  	v15 =	vshrl.u32 v8, $0x14;
	v34 =	vor.u32 v1, v17;
	v29 =	vor.u32 v1, v12;
	v14 =	vld [tilespmem:s0+$0xF000]  }
0x6c1: {  	v18 =	vand.u32 $0xFF0, v24;
	v17 =	vand.u32 $0xFF0, v15;
	v12 =	vld [tilespmem:s0+$0xE000]  }
0x6c2: {  	v26 =	vor.u32 v1, v18;
	v35 =	vor.u32 v1, v17;
	v15 =	vld [tilespmem:s0+$0xD000]  }
0x6c3: {  	v24 =	vld [tilespmem:s0+$0x9000]  }
0x6c4: {  	v20 =	vld [tilespmem:s0+$0xA000]  }
0x6c5: {  	v22 =	vld [tilespmem:s0+$0xB000]  }
0x6c6: {  	v23 =	vld [tilespmem:s0+$0xC000]  }
0x6c7: {  	v25 =	vld.idx.msk [tilespmem:v32+s12+$0x0], $0xffff  }
0x6c8: {  	v21 =	vld.idx.msk [tilespmem:v33+s13+$0x0], $0xffff  }
0x6c9: {  	v31 =	vor.u32 v1, v13;
	v18 =	vld.idx.msk [tilespmem:v27+s14+$0x0], $0xffff  }
0x6ca: {  	v28 =	vld.idx.msk [tilespmem:v34+s11+$0x0], $0xffff  }
0x6cb: {  	v13 =	vld.idx.msk [tilespmem:v26+s17+$0x0], $0xffff  }
0x6cc: {  	v19 =	vld.idx.msk [tilespmem:v29+s15+$0x0], $0xffff  }
0x6cd: {  	v30 =	vld.idx.msk [tilespmem:v35+s10+$0x0], $0xffff  }
.Ltmp49:
0x6ce: {  	v17 =	vld.idx.msk [tilespmem:v31+s16+$0x0], $0xffff;
	(pc) =	sbr.rel @p0 .LBB2_97-.Ltmp49, $4  }
0x6cf: {  	[tilespmem:v35+s10+$0x0] =	vst.idx.add.s32.msk $0xffff, v2  }
0x6d0: {  	[tilespmem:v34+s11+$0x0] =	vst.idx.add.s32.msk $0xffff, v2  }
0x6d1: {  	[tilespmem:v32+s12+$0x0] =	vst.idx.add.s32.msk $0xffff, v2  }
0x6d2: {  	vm0 =	vgt.s32 v9, $0xFFFFFFFF;
	[tilespmem:v33+s13+$0x0] =	vst.idx.add.s32.msk $0xffff, v2  }
0x6d3: {  	_ =	sdelay $0x3  }
0x6d4: {  	[tilespmem:v27+s14+$0x0] =	vst.idx.add.s32.msk $0xffff, v2  }
0x6d5: {  	vm1 =	vgt.s32 v8, $0xFFFFFFFF;
	[tilespmem:v29+s15+$0x0] =	vst.idx.add.s32.msk $0xffff, v2  }
0x6d6: {  	vm2 =	vgt.s32 v10, $0xFFFFFFFF;
	v12 =	vsel vm1, $0xFFFFFFFF, v3;
	[tilespmem:v31+s16+$0x0] =	vst.idx.add.s32.msk $0xffff, v2  }
0x6d7: {  	v54 =	vsel vm2, $0xFFFFFFFF, v3;
	v53 =	vxor.u32 v8, v12;
	[tilespmem:v26+s17+$0x0] =	vst.idx.add.s32.msk $0xffff, v2  }
0x6d8: {  	v56 =	vsel vm0, $0xFFFFFFFF, v3;
	vm11 =	vgt.s32 v11, $0xFFFFFFFF;
	v55 =	vxor.u32 v10, v54;
	[tilespmem:v30+s4+$0x0] =	vst.idx.msk $0xffff, v53  }
0x6d9: {  	vm12 =	vgt.s32 v7, $0xFFFFFFFF;
	v57 =	vxor.u32 v9, v56;
	v58 =	vsel vm11, $0xFFFFFFFF, v3;
	[tilespmem:v28+s4+$0x0] =	vst.idx.msk $0xffff, v55  }
0x6da: {  	vm13 =	vgt.s32 v5, $0xFFFFFFFF;
	v59 =	vsel vm12, $0xFFFFFFFF, v3;
	v9 =	vxor.u32 v11, v58;
	[tilespmem:v25+s4+$0x0] =	vst.idx.msk $0xffff, v57  }
0x6db: {  	vm14 =	vgt.s32 v4, $0xFFFFFFFF;
	v61 =	vsel vm13, $0xFFFFFFFF, v3;
	v60 =	vxor.u32 v7, v59;
	[tilespmem:v21+s4+$0x0] =	vst.idx.msk $0xffff, v9  }
0x6dc: {  	vm15 =	vgt.s32 v6, $0xFFFFFFFF;
	v62 =	vsel vm14, $0xFFFFFFFF, v3;
	v5 =	vxor.u32 v5, v61;
	[tilespmem:v18+s4+$0x0] =	vst.idx.msk $0xffff, v60  }
0x6dd: {  	v63 =	vsel vm15, $0xFFFFFFFF, v3;
	v4 =	vxor.u32 v4, v62;
	[tilespmem:v19+s4+$0x0] =	vst.idx.msk $0xffff, v5  }
0x6de: {  	s21 =	sadd.s32 $0x1, s21;
	v5 =	vxor.u32 v6, v63;
	[tilespmem:v17+s4+$0x0] =	vst.idx.msk $0xffff, v4  }
0x6df: {  	s0 =	sadd.s32 s2, s22;
	p0 =	sne.s32 s21, $0x4;
	[tilespmem:v13+s4+$0x0] =	vst.idx.msk $0xffff, v5  }
0x6e0: {  	[hbm4b:s0+s7] =	stream.strided.scatter [tilespmem:s4], [sflag:$0x1], $0x8000, s8, s7, $0x38;
	[tilespmem:$0x18100] =	vst v63  }
.Ltmp50:
0x6e1: {  	_ = 	snop;
	(pc) =	sbr.rel @p0 .LBB2_2-.Ltmp50, $4  }
.Ltmp51:
0x6e2: {  	_ = 	snop;
	(pc) =	sbr.rel @!p0 .LBB2_99-.Ltmp51, $4  }
0x6e3: {  	_ =	swait.ge [sflag:s9], $0x8000  }
0x6e4: {  	[sflag:s9] =	ssyncset.done $0x0  }
0x6e5: {  	[sflag:s9] =	ssyncadd.s32 $0xFFFF8000  }
0x6e6: {  	_ = 	snop  }
.LBB2_7:
.Ltmp52:
0x6e7: {  	_ = 	snop;
	(pc) =	sbr.rel .LBB2_16-.Ltmp52, $2  }
0x6e8: {  	_ =	sdelay $0x2  }
0x6e9: {  	s25 =	simm.s32 $0x0;
	s28 =	simm.s32 $0x0;
	p3 =	por $0x0, $0x0;
	v4 =	vmov v12;
	v5 =	vmov v10  }
.LBB2_17:
.Ltmp53:
0x6ea: {  	(pc) =	sbr.rel .LBB2_22-.Ltmp53, $2  }
0x6eb: {  	_ =	sdelay $0x2  }
0x6ec: {  	s0 =	simm.s32 $0x0  }
.LBB2_31:
.Ltmp54:
0x6ed: {  	_ = 	snop;
	(pc) =	sbr.rel .LBB2_40-.Ltmp54, $2  }
0x6ee: {  	_ =	sdelay $0x2  }
0x6ef: {  	s25 =	simm.s32 $0x0;
	s28 =	simm.s32 $0x0;
	p3 =	por $0x0, $0x0;
	v4 =	vmov v12;
	v5 =	vmov v10  }
.LBB2_41:
.Ltmp55:
0x6f0: {  	(pc) =	sbr.rel .LBB2_46-.Ltmp55, $2  }
0x6f1: {  	_ =	sdelay $0x2  }
0x6f2: {  	s0 =	simm.s32 $0x0  }
.LBB2_55:
.Ltmp56:
0x6f3: {  	_ = 	snop;
	(pc) =	sbr.rel .LBB2_64-.Ltmp56, $2  }
0x6f4: {  	_ =	sdelay $0x2  }
0x6f5: {  	s25 =	simm.s32 $0x0;
	s28 =	simm.s32 $0x0;
	p3 =	por $0x0, $0x0;
	v4 =	vmov v12;
	v5 =	vmov v10  }
.LBB2_65:
.Ltmp57:
0x6f6: {  	(pc) =	sbr.rel .LBB2_70-.Ltmp57, $2  }
0x6f7: {  	_ =	sdelay $0x2  }
0x6f8: {  	s0 =	simm.s32 $0x0  }
.LBB2_79:
.Ltmp58:
0x6f9: {  	_ = 	snop;
	(pc) =	sbr.rel .LBB2_88-.Ltmp58, $2  }
0x6fa: {  	_ =	sdelay $0x2  }
0x6fb: {  	s25 =	simm.s32 $0x0;
	s28 =	simm.s32 $0x0;
	p3 =	por $0x0, $0x0;
	v4 =	vmov v12;
	v5 =	vmov v10  }
.LBB2_89:
.Ltmp59:
0x6fc: {  	(pc) =	sbr.rel .LBB2_94-.Ltmp59, $2  }
0x6fd: {  	_ =	sdelay $0x2  }
0x6fe: {  	s0 =	simm.s32 $0x0  }
.LBB2_9:
.Ltmp60:
0x6ff: {  	(pc) =	sbr.rel .LBB2_16-.Ltmp60, $3  }
0x700: {  	_ =	sdelay $0x1  }
0x701: {  	s25 =	simm.s32 $0x10;
	v29 =	vmov v12;
	v32 =	vmov v10  }
0x702: {  	v15 =	vmovc v11;
	v14 =	vmovc v8;
	v13 =	vmov v7;
	v16 =	vmov v6;
	s28 =	simm.s32 $0x0;
	s26 =	simm.s32 $0x0;
	p3 =	por $0x0, $0x0;
	v23 =	vmov v9  }
.LBB2_19:
.Ltmp61:
0x703: {  	(pc) =	sbr.rel .LBB2_22-.Ltmp61, $2  }
0x704: {  	_ =	sdelay $0x2  }
0x705: {  	s24 =	simm.s32 $0x10;
	s0 =	simm.s32 $0x0  }
.LBB2_33:
.Ltmp62:
0x706: {  	(pc) =	sbr.rel .LBB2_40-.Ltmp62, $3  }
0x707: {  	_ =	sdelay $0x1  }
0x708: {  	s25 =	simm.s32 $0x10;
	v29 =	vmov v12;
	v32 =	vmov v10  }
0x709: {  	v15 =	vmovc v11;
	v14 =	vmovc v8;
	v13 =	vmov v7;
	v16 =	vmov v6;
	s28 =	simm.s32 $0x0;
	s26 =	simm.s32 $0x0;
	p3 =	por $0x0, $0x0;
	v23 =	vmov v9  }
.LBB2_43:
.Ltmp63:
0x70a: {  	(pc) =	sbr.rel .LBB2_46-.Ltmp63, $2  }
0x70b: {  	_ =	sdelay $0x2  }
0x70c: {  	s24 =	simm.s32 $0x10;
	s0 =	simm.s32 $0x0  }
.LBB2_57:
.Ltmp64:
0x70d: {  	(pc) =	sbr.rel .LBB2_64-.Ltmp64, $3  }
0x70e: {  	_ =	sdelay $0x1  }
0x70f: {  	s25 =	simm.s32 $0x10;
	v29 =	vmov v12;
	v32 =	vmov v10  }
0x710: {  	v15 =	vmovc v11;
	v14 =	vmovc v8;
	v13 =	vmov v7;
	v16 =	vmov v6;
	s28 =	simm.s32 $0x0;
	s26 =	simm.s32 $0x0;
	p3 =	por $0x0, $0x0;
	v23 =	vmov v9  }
.LBB2_67:
.Ltmp65:
0x711: {  	(pc) =	sbr.rel .LBB2_70-.Ltmp65, $2  }
0x712: {  	_ =	sdelay $0x2  }
0x713: {  	s24 =	simm.s32 $0x10;
	s0 =	simm.s32 $0x0  }
.LBB2_81:
.Ltmp66:
0x714: {  	(pc) =	sbr.rel .LBB2_88-.Ltmp66, $3  }
0x715: {  	_ =	sdelay $0x1  }
0x716: {  	s25 =	simm.s32 $0x10;
	v29 =	vmov v12;
	v32 =	vmov v10  }
0x717: {  	v15 =	vmovc v11;
	v14 =	vmovc v8;
	v13 =	vmov v7;
	v16 =	vmov v6;
	s28 =	simm.s32 $0x0;
	s26 =	simm.s32 $0x0;
	p3 =	por $0x0, $0x0;
	v23 =	vmov v9  }
.LBB2_91:
.Ltmp67:
0x718: {  	(pc) =	sbr.rel .LBB2_94-.Ltmp67, $2  }
0x719: {  	_ =	sdelay $0x2  }
0x71a: {  	s24 =	simm.s32 $0x10;
	s0 =	simm.s32 $0x0  }
.LBB2_11:
.Ltmp68:
0x71b: {  	(pc) =	sbr.rel .LBB2_16-.Ltmp68, $4  }
0x71c: {  	_ = 	snop  }
0x71d: {  	v29 =	vmovc v4;
	v32 =	vmov v5;
	v21 =	vmov v18;
	v22 =	vmov v17  }
0x71e: {  	s25 =	simm.s32 $0x20;
	v35 =	vmovc v12;
	v36 =	vmovc v10;
	v37 =	vmov v11;
	v39 =	vmov v8;
	v38 =	vmov v7  }
0x71f: {  	s30 =	simm.s32 $0x0;
	s28 =	simm.s32 $0x0;
	v40 =	vmovc v6;
	p3 =	por $0x0, $0x0;
	v4 =	vmovc v27;
	v5 =	vmov v28;
	v23 =	vmov v19;
	v19 =	vmov v9  }
.LBB2_35:
.Ltmp69:
0x720: {  	(pc) =	sbr.rel .LBB2_40-.Ltmp69, $4  }
0x721: {  	_ = 	snop  }
0x722: {  	v29 =	vmovc v4;
	v32 =	vmov v5;
	v21 =	vmov v18;
	v22 =	vmov v17  }
0x723: {  	s25 =	simm.s32 $0x20;
	v35 =	vmovc v12;
	v36 =	vmovc v10;
	v37 =	vmov v11;
	v39 =	vmov v8;
	v38 =	vmov v7  }
0x724: {  	s30 =	simm.s32 $0x0;
	s28 =	simm.s32 $0x0;
	v40 =	vmovc v6;
	p3 =	por $0x0, $0x0;
	v4 =	vmovc v27;
	v5 =	vmov v28;
	v23 =	vmov v19;
	v19 =	vmov v9  }
.LBB2_59:
.Ltmp70:
0x725: {  	(pc) =	sbr.rel .LBB2_64-.Ltmp70, $4  }
0x726: {  	_ = 	snop  }
0x727: {  	v29 =	vmovc v4;
	v32 =	vmov v5;
	v21 =	vmov v18;
	v22 =	vmov v17  }
0x728: {  	s25 =	simm.s32 $0x20;
	v35 =	vmovc v12;
	v36 =	vmovc v10;
	v37 =	vmov v11;
	v39 =	vmov v8;
	v38 =	vmov v7  }
0x729: {  	s30 =	simm.s32 $0x0;
	s28 =	simm.s32 $0x0;
	v40 =	vmovc v6;
	p3 =	por $0x0, $0x0;
	v4 =	vmovc v27;
	v5 =	vmov v28;
	v23 =	vmov v19;
	v19 =	vmov v9  }
.LBB2_83:
.Ltmp71:
0x72a: {  	(pc) =	sbr.rel .LBB2_88-.Ltmp71, $4  }
0x72b: {  	_ = 	snop  }
0x72c: {  	v29 =	vmovc v4;
	v32 =	vmov v5;
	v21 =	vmov v18;
	v22 =	vmov v17  }
0x72d: {  	s25 =	simm.s32 $0x20;
	v35 =	vmovc v12;
	v36 =	vmovc v10;
	v37 =	vmov v11;
	v39 =	vmov v8;
	v38 =	vmov v7  }
0x72e: {  	s30 =	simm.s32 $0x0;
	s28 =	simm.s32 $0x0;
	v40 =	vmovc v6;
	p3 =	por $0x0, $0x0;
	v4 =	vmovc v27;
	v5 =	vmov v28;
	v23 =	vmov v19;
	v19 =	vmov v9  }
.LBB2_13:
.Ltmp72:
0x72f: {  	_ = 	snop;
	(pc) =	sbr.rel .LBB2_16-.Ltmp72, $4  }
0x730: {  	_ = 	snop  }
0x731: {  	v35 =	vmovc v4;
	v36 =	vmov v5;
	v37 =	vmov v15;
	v39 =	vmov v14  }
0x732: {  	v38 =	vmovc v13;
	v40 =	vmovc v16;
	v29 =	vmov v27;
	v32 =	vmov v28;
	v15 =	vmov v33  }
0x733: {  	s30 =	simm.s32 $0x10;
	s28 =	simm.s32 $0x0;
	v14 =	vmovc v30;
	v13 =	vmovc v31;
	v16 =	vmov v34;
	s26 =	simm.s32 $0x20;
	v4 =	vmov v41;
	v5 =	vmov v42  }
.LBB2_37:
.Ltmp73:
0x734: {  	_ = 	snop;
	(pc) =	sbr.rel .LBB2_40-.Ltmp73, $4  }
0x735: {  	_ = 	snop  }
0x736: {  	v35 =	vmovc v4;
	v36 =	vmov v5;
	v37 =	vmov v15;
	v39 =	vmov v14  }
0x737: {  	v38 =	vmovc v13;
	v40 =	vmovc v16;
	v29 =	vmov v27;
	v32 =	vmov v28;
	v15 =	vmov v33  }
0x738: {  	s30 =	simm.s32 $0x10;
	s28 =	simm.s32 $0x0;
	v14 =	vmovc v30;
	v13 =	vmovc v31;
	v16 =	vmov v34;
	s26 =	simm.s32 $0x20;
	v4 =	vmov v41;
	v5 =	vmov v42  }
.LBB2_61:
.Ltmp74:
0x739: {  	_ = 	snop;
	(pc) =	sbr.rel .LBB2_64-.Ltmp74, $4  }
0x73a: {  	_ = 	snop  }
0x73b: {  	v35 =	vmovc v4;
	v36 =	vmov v5;
	v37 =	vmov v15;
	v39 =	vmov v14  }
0x73c: {  	v38 =	vmovc v13;
	v40 =	vmovc v16;
	v29 =	vmov v27;
	v32 =	vmov v28;
	v15 =	vmov v33  }
0x73d: {  	s30 =	simm.s32 $0x10;
	s28 =	simm.s32 $0x0;
	v14 =	vmovc v30;
	v13 =	vmovc v31;
	v16 =	vmov v34;
	s26 =	simm.s32 $0x20;
	v4 =	vmov v41;
	v5 =	vmov v42  }
.LBB2_85:
.Ltmp75:
0x73e: {  	_ = 	snop;
	(pc) =	sbr.rel .LBB2_88-.Ltmp75, $4  }
0x73f: {  	_ = 	snop  }
0x740: {  	v35 =	vmovc v4;
	v36 =	vmov v5;
	v37 =	vmov v15;
	v39 =	vmov v14  }
0x741: {  	v38 =	vmovc v13;
	v40 =	vmovc v16;
	v29 =	vmov v27;
	v32 =	vmov v28;
	v15 =	vmov v33  }
0x742: {  	s30 =	simm.s32 $0x10;
	s28 =	simm.s32 $0x0;
	v14 =	vmovc v30;
	v13 =	vmovc v31;
	v16 =	vmov v34;
	s26 =	simm.s32 $0x20;
	v4 =	vmov v41;
	v5 =	vmov v42  }
.LBB2_100:
0x743: {  	_ =	sfence.sel $0x180000  }
0x744: {  	[bflag:$0x0] =	sbarrier.arrive $0xFFFF  }
0x745: {  	_ =	strace $0x90000047  }
0x746: {  	s0 =	stileid.u32;
	[bflag:$0x2] =	sbarrier.arrive $0xFFFF  }
0x747: {  	p0 =	sne.s32 s0, $0x0;
	s0 =	rddreg [dreg:$0x2]  }
0x748: {  	s0 =	sadd.s32 @!p0 $0x100000, s0  }
0x749: {  	[sflag:s0] =	ssyncadd.tile.s32 @!p0 $0x1;
	_ =	shalt  }
.Lfunc_end2:
_tile_overlayer_lowered:
.L_overlay_start_2:
0x74a: {  	(tag) =	ssettag $0x2  }
0x74b: {  	s0 =	rddreg [dreg:$0x0];
	s2 =	stileid.u32  }
0x74c: {  	s1 =	rddreg [dreg:$0x1];
	p0 =	sne.s32 s2, $0x0  }
0x74d: {  	s3 =	rddreg [dreg:$0x2];
	[bflag:$0x3] =	sbarrier.arrive $0xFFFF;
	s2 =	simm.s32 @!p0 $0x1C01  }
0x74e: {  	[timem:s3], [sflag:s2] =	dma.local @!p0 [hbm:s0], s1  }
0x74f: {  	s0 =	simm.s32 @!p0 $0x1  }
0x750: {  	_ =	swait.ge @!p0 [sflag:s0], s1  }
0x751: {  	s1 =	ssub.s32 @!p0 $0x0, s1;
	[sflag:s0] =	ssyncset.done @!p0 $0x0  }
0x752: {  	[sflag:s0] =	ssyncadd.s32 @!p0 s1  }
0x753: {  	[bflag:$0x3] =	sbarrier.arrive $0xFFFF  }
0x754: {  	_ =	shalt  }

</sc_bundles>
